<compile_context>
chip_gen: v7x
topology: tpu7x:2x2x1
jax: 0.10.2.dev20260603
libtpu: 0.0.44.dev20260713+nightly
codegen_flags: <defaults>
</compile_context>

<pallas_src>
import functools

import jax
import jax.numpy as jnp
import numpy as np
from jax import lax
from jax.experimental import pallas as pl
from jax.experimental.pallas import tpu as pltpu
from jax.experimental.pallas import tpu_sc as plsc

N = 4096
K_CAP = 48
COORD_DIM = 3
NUM_FREQ = 16
EMB = COORD_DIM * NUM_FREQ * 2
RADIUS2 = 0.1 * 0.1
CH = 64
NE = N * K_CAP

def _gelu(v):
    return v * 0.5 * (1.0 + lax.erf(v * np.float32(1.0 / np.sqrt(2.0))))


def _embed(t):
    fiota = lax.broadcasted_iota(jnp.int32, (1, NUM_FREQ), 1).astype(jnp.float32)
    freqs = jnp.exp(fiota * np.float32(np.log(1.0 / 10000.0) / NUM_FREQ))
    parts = [lax.slice(t, (0, c), (t.shape[0], c + 1)) * freqs
             for c in range(COORD_DIM)]
    prod = jnp.concatenate(parts, axis=1)
    return jnp.concatenate([jnp.sin(prod), jnp.cos(prod)], axis=1)


def _prep_body(y_ref, x_ref, f_ref, w0_ref, b0_ref, g_ref, b_ref):
    w0a = w0_ref[:EMB, :]
    w0b = w0_ref[EMB:, :]
    a = jnp.dot(_embed(y_ref[...]), w0a, preferred_element_type=jnp.float32)
    g_ref[...] = jnp.concatenate([a, f_ref[...]], axis=1)
    b_ref[...] = (jnp.dot(_embed(x_ref[...]), w0b,
                          preferred_element_type=jnp.float32)
                  + b0_ref[...])


def _prep(y, x, f_y, W0, b0):
    return pl.pallas_call(
        _prep_body,
        out_shape=(jax.ShapeDtypeStruct((N, 2 * CH), jnp.float32),
                   jax.ShapeDtypeStruct((N, CH), jnp.float32)),
    )(y, x, f_y, W0, b0.reshape(1, CH))



_NC = 2
_NS = 16
_NW = _NC * _NS
_GCH = 128


_NBUF = 3


def _gather_edges(G, flat_idx):
    per_w = NE // _NW
    nch = per_w // _GCH
    mesh = plsc.VectorSubcoreMesh(core_axis_name="c", subcore_axis_name="s")

    @functools.partial(
        pl.kernel, mesh=mesh,
        out_type=jax.ShapeDtypeStruct((NE, 2 * CH), jnp.float32),
        scratch_types=(
            [pltpu.VMEM((_GCH,), jnp.int32)] * _NBUF
            + [pltpu.VMEM((_GCH, 2 * CH), jnp.float32)] * _NBUF
            + [pltpu.SemaphoreType.DMA] * (2 * _NBUF)
        ),
    )
    def gather_k(g_hbm, idx_hbm, out_hbm, *bufs):
        idxs = bufs[:_NBUF]
        rows = bufs[_NBUF:2 * _NBUF]
        gsem = bufs[2 * _NBUF:3 * _NBUF]
        wsem = bufs[3 * _NBUF:4 * _NBUF]
        wid = lax.axis_index("s") * _NC + lax.axis_index("c")
        base = wid * per_w

        gcp = [None] * nch
        wcp = [None] * nch
        for ci in range(nch):
            b = ci % _NBUF
            if ci >= _NBUF:
                wcp[ci - _NBUF].wait()
            off = base + ci * _GCH
            pltpu.sync_copy(idx_hbm.at[pl.ds(off, _GCH)], idxs[b])
            gcp[ci] = pltpu.async_copy(g_hbm.at[idxs[b]], rows[b], gsem[b])
            if ci >= _NBUF - 1:
                j = ci - (_NBUF - 1)
                bj = j % _NBUF
                gcp[j].wait()
                wcp[j] = pltpu.async_copy(
                    rows[bj], out_hbm.at[pl.ds(base + j * _GCH, _GCH)],
                    wsem[bj])
        for j in range(nch - (_NBUF - 1), nch):
            b = j % _NBUF
            gcp[j].wait()
            wcp[j] = pltpu.async_copy(
                rows[b], out_hbm.at[pl.ds(base + j * _GCH, _GCH)], wsem[b])
        for j in range(nch - _NBUF, nch):
            wcp[j].wait()

    return gather_k(G, flat_idx)



_QW = N // _NW
_NG = _QW // 16
_UNROLL = 1
_GRP = 4
_ROW = 64


def _search(x0, x1, x2, y0, y1, y2):
    mesh = plsc.VectorSubcoreMesh(core_axis_name="c", subcore_axis_name="s")

    @functools.partial(
        pl.kernel, mesh=mesh,
        compiler_params=pltpu.CompilerParams(needs_layout_passes=False),
        out_type=(jax.ShapeDtypeStruct((NE,), jnp.int32),
                  jax.ShapeDtypeStruct((N,), jnp.int32)),
        scratch_types=[
            pltpu.VMEM((N,), jnp.float32),
            pltpu.VMEM((N,), jnp.float32),
            pltpu.VMEM((N,), jnp.float32),
            pltpu.VMEM((_QW,), jnp.float32),
            pltpu.VMEM((_QW,), jnp.float32),
            pltpu.VMEM((_QW,), jnp.float32),
            pltpu.VMEM((_QW * _ROW,), jnp.int32),
            pltpu.VMEM((_QW * K_CAP,), jnp.int32),
            pltpu.VMEM((_QW,), jnp.int32),
        ],
    )
    def search_k(x0h, x1h, x2h, y0h, y1h, y2h, idxh, cnth,
                 y0v, y1v, y2v, x0v, x1v, x2v, oidx, cidx, ocnt):
        wid = lax.axis_index("s") * _NC + lax.axis_index("c")
        qbase = wid * _QW
        pltpu.sync_copy(y0h, y0v)
        pltpu.sync_copy(y1h, y1v)
        pltpu.sync_copy(y2h, y2v)
        pltpu.sync_copy(x0h.at[pl.ds(qbase, _QW)], x0v)
        pltpu.sync_copy(x1h.at[pl.ds(qbase, _QW)], x1v)
        pltpu.sync_copy(x2h.at[pl.ds(qbase, _QW)], x2v)

        lanes = lax.broadcasted_iota(jnp.int32, (16,), 0)
        zeros16 = jnp.zeros((16,), jnp.int32)

        def fill(z, carry):
            oidx[pl.ds(z * 16, 16)] = (lanes + z * 16) & (N - 1)
            return carry
        lax.fori_loop(0, _QW * _ROW // 16, fill, 0)

        def per_group_set(g, carry):
            xs = [[x0v[pl.ds(g * 16 * _GRP + h * 16, 16)],
                   x1v[pl.ds(g * 16 * _GRP + h * 16, 16)],
                   x2v[pl.ds(g * 16 * _GRP + h * 16, 16)]]
                  for h in range(_GRP)]
            rows = [(g * 16 * _GRP + h * 16 + lanes) * _ROW
                    for h in range(_GRP)]

            @plsc.parallel_loop(0, N, step=_UNROLL,
                                carry=(zeros16,) * _GRP)
            def per_cand(jj, cursors):
                cur = list(cursors)
                for u in range(_UNROLL):
                    jsplat = zeros16 + (jj + u)
                    ys = [plsc.load_gather(y0v, [jsplat]),
                          plsc.load_gather(y1v, [jsplat]),
                          plsc.load_gather(y2v, [jsplat])]
                    for h in range(_GRP):
                        d = [ys[c] - xs[h][c] for c in range(3)]
                        dist = d[0] * d[0] + d[1] * d[1] + d[2] * d[2]
                        ok = dist <= RADIUS2
                        plsc.store_scatter(
                            oidx, [rows[h] + jnp.minimum(cur[h], _ROW - 1)],
                            jsplat, mask=ok)
                        cur[h] = cur[h] + ok.astype(jnp.int32)
                return tuple(cur)

            cur = per_cand
            for h in range(_GRP):
                ocnt[pl.ds(g * 16 * _GRP + h * 16, 16)] = (
                    jnp.minimum(cur[h], K_CAP))
            return carry

        lax.fori_loop(0, _NG // _GRP, per_group_set, 0)

        def compact(q, carry):
            for k in range(K_CAP // 16):
                cidx[pl.ds(q * K_CAP + k * 16, 16)] = (
                    oidx[pl.ds(q * _ROW + k * 16, 16)])
            return carry
        lax.fori_loop(0, _QW, compact, 0)

        pltpu.sync_copy(cidx, idxh.at[pl.ds(qbase * K_CAP, _QW * K_CAP)])
        pltpu.sync_copy(ocnt, cnth.at[pl.ds(qbase, _QW)])

    return search_k(x0, x1, x2, y0, y1, y2)



_BQ = 64


def _mlp_body(e_ref, b_ref, cnt_ref, w1_ref, b1_ref, w2_ref, b2_ref, o_ref):
    e = e_ref[...]
    ea = lax.slice(e, (0, 0), (_BQ * K_CAP, CH))
    ef = lax.slice(e, (0, CH), (_BQ * K_CAP, 2 * CH))
    t = ea.reshape(_BQ, K_CAP, CH) + b_ref[...][:, None, :]
    t = _gelu(t).reshape(_BQ * K_CAP, CH)
    t = _gelu(jnp.dot(t, w1_ref[...], preferred_element_type=jnp.float32)
              + b1_ref[...])
    v = jnp.dot(t, w2_ref[...], preferred_element_type=jnp.float32) + b2_ref[...]
    v = v * ef
    slot = lax.broadcasted_iota(jnp.int32, (_BQ, K_CAP), 1)
    mask = (slot < cnt_ref[...]).astype(jnp.float32)
    v = v.reshape(_BQ, K_CAP, CH) * mask[:, :, None]
    o_ref[...] = jnp.sum(v, axis=1)


def _mlp(E, B, cnt, W1, b1, W2, b2):
    grid = N // _BQ
    return pl.pallas_call(
        _mlp_body,
        grid=(grid,),
        in_specs=[
            pl.BlockSpec((_BQ * K_CAP, 2 * CH), lambda i: (i, 0)),
            pl.BlockSpec((_BQ, CH), lambda i: (i, 0)),
            pl.BlockSpec((_BQ, 1), lambda i: (i, 0)),
            pl.BlockSpec((CH, CH), lambda i: (0, 0)),
            pl.BlockSpec((1, CH), lambda i: (0, 0)),
            pl.BlockSpec((CH, CH), lambda i: (0, 0)),
            pl.BlockSpec((1, CH), lambda i: (0, 0)),
        ],
        out_specs=pl.BlockSpec((_BQ, CH), lambda i: (i, 0)),
        out_shape=jax.ShapeDtypeStruct((N, CH), jnp.float32),
    )(E, B, cnt.reshape(N, 1), W1, b1.reshape(1, CH), W2, b2.reshape(1, CH))


def kernel(y, x, f_y, W0, b0, W1, b1, W2, b2):
    idx_flat, cnt = _search(x[:, 0], x[:, 1], x[:, 2],
                            y[:, 0], y[:, 1], y[:, 2])
    G, B = _prep(y, x, f_y, W0, b0)
    E = _gather_edges(G, idx_flat)
    return _mlp(E, B, cnt, W1, b1, W2, b2)

# --- scband reference (transcript-rebuilt; emitter-appended) ---
"""Pipeline reference for scband-gnoblock-56057913147459 (READ-ONLY COPY).

The authoritative reference and input builder live on the scoring server;
editing this copy changes nothing except your own understanding.
"""

import jax, jax.numpy as jnp
import numpy as np

COORD_DIM = 3
NUM_FREQ = 16          # pos_embedding_channels
MAX_POS = 10000.0
RADIUS = 0.1
K_CAP = 48             # max neighbors within radius (expected ~17)
IN_CH = 64
OUT_CH = 64
EMB_CH = COORD_DIM * NUM_FREQ * 2   # 96
KERNEL_IN = 2 * EMB_CH              # 192 = dim(x_embed)+dim(y_embed)
N_PTS = 4096


def sinusoidal_embedding(t):
    # SinusoidalEmbedding, embedding_type='transformer'
    freqs = (1.0 / MAX_POS) ** (jnp.arange(NUM_FREQ, dtype=jnp.float32) / NUM_FREQ)
    prod = t[..., :, None] * freqs                     # (..., coord_dim, num_freq)
    prod = prod.reshape(t.shape[:-1] + (COORD_DIM * NUM_FREQ,))
    return jnp.concatenate([jnp.sin(prod), jnp.cos(prod)], axis=-1)  # (..., 96)


def setup_inputs(seed: int = 0) -> dict:
    key = jax.random.key(seed)
    k1, k2, k3, k4, k5, k6 = jax.random.split(key, 6)
    y = jax.random.uniform(k1, (N_PTS, COORD_DIM), dtype=jnp.float32)
    x = jax.random.uniform(k2, (N_PTS, COORD_DIM), dtype=jnp.float32)
    f_y = jax.random.normal(k3, (N_PTS, IN_CH), dtype=jnp.float32)
    # LinearChannelMLP params: layers [192, 64, 64, 64]
    W0 = jax.random.normal(k4, (KERNEL_IN, 64), dtype=jnp.float32) / np.sqrt(KERNEL_IN)
    b0 = jnp.zeros((64,), dtype=jnp.float32)
    W1 = jax.random.normal(k5, (64, 64), dtype=jnp.float32) / 8.0
    b1 = jnp.zeros((64,), dtype=jnp.float32)
    W2 = jax.random.normal(k6, (64, OUT_CH), dtype=jnp.float32) / 8.0
    b2 = jnp.zeros((OUT_CH,), dtype=jnp.float32)
    return {"y": y, "x": x, "f_y": f_y, "W0": W0, "b0": b0, "W1": W1, "b1": b1, "W2": W2, "b2": b2}


def reference(y, x, f_y, W0, b0, W1, b1, W2, b2):
    # positional embedding of both coordinate sets
    y_embed = sinusoidal_embedding(y)   # (N, 96)
    x_embed = sinusoidal_embedding(x)   # (N, 96)
    # radius neighbor search (native fallback): all-pairs sq-distances,
    # take K_CAP nearest then mask out those beyond the radius.
    d2 = jnp.sum((x[:, None, :] - y[None, :, :]) ** 2, axis=-1)   # (N, N)
    neg_d2, nbr_idx = jax.lax.top_k(-d2, K_CAP)                   # (N, K)
    nbr_d2 = -neg_d2
    mask = (nbr_d2 <= RADIUS * RADIUS).astype(f_y.dtype)          # (N, K)
    # IntegralTransform, transform_type='linear'
    rep_features = jnp.take(y_embed, nbr_idx, axis=0)             # gather (N, K, 96)
    self_features = jnp.broadcast_to(x_embed[:, None, :], (x.shape[0], K_CAP, EMB_CH))
    agg = jnp.concatenate([rep_features, self_features], axis=-1)  # (N, K, 192)
    h = jax.nn.gelu(agg @ W0 + b0, approximate=False)
    h = jax.nn.gelu(h @ W1 + b1, approximate=False)
    k_val = h @ W2 + b2                                           # (N, K, out_ch)
    in_features = jnp.take(f_y, nbr_idx, axis=0)                  # gather (N, K, in_ch)
    k_val = k_val * in_features                                   # (b): k(x,y) * f(y)
    out = jnp.sum(k_val * mask[..., None], axis=1)                # reduction='sum' over neighborhood
    return out

if __name__ == "__main__":
    import jax
    _d = setup_inputs()
    print(jax.jit(kernel)(*tuple(_d.values())))

</pallas_src>

<mosaic_0001>
#map = affine_map<(d0, d1) -> (0)>
module attributes {stable_mosaic.version = 14 : i64} {
  func.func @search_k(%arg0: i32, %arg1: i32, %arg2: memref<4096xf32, #tpu.memory_space<hbm>>, %arg3: memref<4096xf32, #tpu.memory_space<hbm>>, %arg4: memref<4096xf32, #tpu.memory_space<hbm>>, %arg5: memref<4096xf32, #tpu.memory_space<hbm>>, %arg6: memref<4096xf32, #tpu.memory_space<hbm>>, %arg7: memref<4096xf32, #tpu.memory_space<hbm>>, %arg8: memref<196608xi32, #tpu.memory_space<hbm>>, %arg9: memref<4096xi32, #tpu.memory_space<hbm>>, %arg10: memref<4096xf32, #tpu.memory_space<vmem>>, %arg11: memref<4096xf32, #tpu.memory_space<vmem>>, %arg12: memref<4096xf32, #tpu.memory_space<vmem>>, %arg13: memref<128xf32, #tpu.memory_space<vmem>>, %arg14: memref<128xf32, #tpu.memory_space<vmem>>, %arg15: memref<128xf32, #tpu.memory_space<vmem>>, %arg16: memref<8192xi32, #tpu.memory_space<vmem>>, %arg17: memref<6144xi32, #tpu.memory_space<vmem>>, %arg18: memref<128xi32, #tpu.memory_space<vmem>>) attributes {dimension_semantics = [#tpu.dimension_semantics<core_parallel>, #tpu.dimension_semantics<subcore_parallel>], iteration_bounds = array<i64: 2, 16>, scalar_prefetch = 0 : i64, scratch_operands = 9 : i64, tpu.core_type = #tpu.core_type<sc_vector_subcore>, window_params = [{transform_indices = #map}, {transform_indices = #map}, {transform_indices = #map}, {transform_indices = #map}, {transform_indices = #map}, {transform_indices = #map}, {transform_indices = #map}, {transform_indices = #map}]} {
    %mul3A = arith.constant 2 : i32
    %mul3A_0 = arith.muli %arg1, %mul3A : i32
    %add3A = arith.addi %mul3A_0, %arg0 : i32
    %mul3A_1 = arith.constant 128 : i32
    %mul3A_2 = arith.muli %add3A, %mul3A_1 : i32
    "tpu.region"() ({
      %run_scoped3A = tpu.sem_alloc : memref<!tpu.dma_semaphore, #tpu.memory_space<semaphore_mem>>
      tpu.enqueue_dma source(%arg5 : memref<4096xf32, #tpu.memory_space<hbm>>) target(%arg10 : memref<4096xf32, #tpu.memory_space<vmem>>) target_semaphore(%run_scoped3A : memref<!tpu.dma_semaphore, #tpu.memory_space<semaphore_mem>>)
      tpu.wait_dma2 semaphore(%run_scoped3A : memref<!tpu.dma_semaphore, #tpu.memory_space<semaphore_mem>>) src(%arg5 : memref<4096xf32, #tpu.memory_space<hbm>>) dst(%arg10 : memref<4096xf32, #tpu.memory_space<vmem>>)
      tpu.yield
    }) : () -> ()
    "tpu.region"() ({
      %run_scoped3A = tpu.sem_alloc : memref<!tpu.dma_semaphore, #tpu.memory_space<semaphore_mem>>
      tpu.enqueue_dma source(%arg6 : memref<4096xf32, #tpu.memory_space<hbm>>) target(%arg11 : memref<4096xf32, #tpu.memory_space<vmem>>) target_semaphore(%run_scoped3A : memref<!tpu.dma_semaphore, #tpu.memory_space<semaphore_mem>>)
      tpu.wait_dma2 semaphore(%run_scoped3A : memref<!tpu.dma_semaphore, #tpu.memory_space<semaphore_mem>>) src(%arg6 : memref<4096xf32, #tpu.memory_space<hbm>>) dst(%arg11 : memref<4096xf32, #tpu.memory_space<vmem>>)
      tpu.yield
    }) : () -> ()
    "tpu.region"() ({
      %run_scoped3A = tpu.sem_alloc : memref<!tpu.dma_semaphore, #tpu.memory_space<semaphore_mem>>
      tpu.enqueue_dma source(%arg7 : memref<4096xf32, #tpu.memory_space<hbm>>) target(%arg12 : memref<4096xf32, #tpu.memory_space<vmem>>) target_semaphore(%run_scoped3A : memref<!tpu.dma_semaphore, #tpu.memory_space<semaphore_mem>>)
      tpu.wait_dma2 semaphore(%run_scoped3A : memref<!tpu.dma_semaphore, #tpu.memory_space<semaphore_mem>>) src(%arg7 : memref<4096xf32, #tpu.memory_space<hbm>>) dst(%arg12 : memref<4096xf32, #tpu.memory_space<vmem>>)
      tpu.yield
    }) : () -> ()
    "tpu.region"() ({
      %run_scoped3A = tpu.sem_alloc : memref<!tpu.dma_semaphore, #tpu.memory_space<semaphore_mem>>
      %dma_start3A = tpu.memref_slice %arg2[%mul3A_2] : memref<4096xf32, #tpu.memory_space<hbm>> -> memref<128xf32, #tpu.memory_space<hbm>>
      %dma_start3A_23 = tpu.memref_slice %arg2[%mul3A_2] : memref<4096xf32, #tpu.memory_space<hbm>> -> memref<128xf32, #tpu.memory_space<hbm>>
      tpu.enqueue_dma source(%dma_start3A_23 : memref<128xf32, #tpu.memory_space<hbm>>) target(%arg13 : memref<128xf32, #tpu.memory_space<vmem>>) target_semaphore(%run_scoped3A : memref<!tpu.dma_semaphore, #tpu.memory_space<semaphore_mem>>)
      %dma_wait3A = tpu.memref_slice %arg2[%mul3A_2] : memref<4096xf32, #tpu.memory_space<hbm>> -> memref<128xf32, #tpu.memory_space<hbm>>
      %dma_wait3A_24 = tpu.memref_slice %arg2[%mul3A_2] : memref<4096xf32, #tpu.memory_space<hbm>> -> memref<128xf32, #tpu.memory_space<hbm>>
      tpu.wait_dma2 semaphore(%run_scoped3A : memref<!tpu.dma_semaphore, #tpu.memory_space<semaphore_mem>>) src(%dma_wait3A_24 : memref<128xf32, #tpu.memory_space<hbm>>) dst(%arg13 : memref<128xf32, #tpu.memory_space<vmem>>)
      tpu.yield
    }) : () -> ()
    "tpu.region"() ({
      %run_scoped3A = tpu.sem_alloc : memref<!tpu.dma_semaphore, #tpu.memory_space<semaphore_mem>>
      %dma_start3A = tpu.memref_slice %arg3[%mul3A_2] : memref<4096xf32, #tpu.memory_space<hbm>> -> memref<128xf32, #tpu.memory_space<hbm>>
      %dma_start3A_23 = tpu.memref_slice %arg3[%mul3A_2] : memref<4096xf32, #tpu.memory_space<hbm>> -> memref<128xf32, #tpu.memory_space<hbm>>
      tpu.enqueue_dma source(%dma_start3A_23 : memref<128xf32, #tpu.memory_space<hbm>>) target(%arg14 : memref<128xf32, #tpu.memory_space<vmem>>) target_semaphore(%run_scoped3A : memref<!tpu.dma_semaphore, #tpu.memory_space<semaphore_mem>>)
      %dma_wait3A = tpu.memref_slice %arg3[%mul3A_2] : memref<4096xf32, #tpu.memory_space<hbm>> -> memref<128xf32, #tpu.memory_space<hbm>>
      %dma_wait3A_24 = tpu.memref_slice %arg3[%mul3A_2] : memref<4096xf32, #tpu.memory_space<hbm>> -> memref<128xf32, #tpu.memory_space<hbm>>
      tpu.wait_dma2 semaphore(%run_scoped3A : memref<!tpu.dma_semaphore, #tpu.memory_space<semaphore_mem>>) src(%dma_wait3A_24 : memref<128xf32, #tpu.memory_space<hbm>>) dst(%arg14 : memref<128xf32, #tpu.memory_space<vmem>>)
      tpu.yield
    }) : () -> ()
    "tpu.region"() ({
      %run_scoped3A = tpu.sem_alloc : memref<!tpu.dma_semaphore, #tpu.memory_space<semaphore_mem>>
      %dma_start3A = tpu.memref_slice %arg4[%mul3A_2] : memref<4096xf32, #tpu.memory_space<hbm>> -> memref<128xf32, #tpu.memory_space<hbm>>
      %dma_start3A_23 = tpu.memref_slice %arg4[%mul3A_2] : memref<4096xf32, #tpu.memory_space<hbm>> -> memref<128xf32, #tpu.memory_space<hbm>>
      tpu.enqueue_dma source(%dma_start3A_23 : memref<128xf32, #tpu.memory_space<hbm>>) target(%arg15 : memref<128xf32, #tpu.memory_space<vmem>>) target_semaphore(%run_scoped3A : memref<!tpu.dma_semaphore, #tpu.memory_space<semaphore_mem>>)
      %dma_wait3A = tpu.memref_slice %arg4[%mul3A_2] : memref<4096xf32, #tpu.memory_space<hbm>> -> memref<128xf32, #tpu.memory_space<hbm>>
      %dma_wait3A_24 = tpu.memref_slice %arg4[%mul3A_2] : memref<4096xf32, #tpu.memory_space<hbm>> -> memref<128xf32, #tpu.memory_space<hbm>>
      tpu.wait_dma2 semaphore(%run_scoped3A : memref<!tpu.dma_semaphore, #tpu.memory_space<semaphore_mem>>) src(%dma_wait3A_24 : memref<128xf32, #tpu.memory_space<hbm>>) dst(%arg15 : memref<128xf32, #tpu.memory_space<vmem>>)
      tpu.yield
    }) : () -> ()
    %iota3A = tpu.iota {dimensions = array<i32: 0>} : vector<16xi32>
    %broadcast_in_dim3A = arith.constant 0 : i32
    %broadcast_in_dim3A_3 = vector.broadcast %broadcast_in_dim3A : i32 to vector<16xi32>
    %scan3A = arith.constant 0 : i32
    %scan3A_4 = arith.constant 0 : i32
    %scan3A_5 = arith.constant 512 : i32
    %scan3A_6 = arith.addi %scan3A_4, %scan3A_5 : i32
    %scan3A_7 = arith.constant 1 : i32
    scf.for %scan3A_23 = %scan3A_4 to %scan3A_6 step %scan3A_7  : i32 {
      %mul3A_24 = arith.constant 16 : i32
      %mul3A_25 = arith.muli %scan3A_23, %mul3A_24 : i32
      %add3A_26 = vector.broadcast %mul3A_25 : i32 to vector<16xi32>
      %add3A_27 = arith.addi %iota3A, %add3A_26 : vector<16xi32>
      %and3A = arith.constant 4095 : i32
      %and3A_28 = vector.broadcast %and3A : i32 to vector<16xi32>
      %and3A_29 = arith.andi %add3A_27, %and3A_28 : vector<16xi32>
      %mul3A_30 = arith.constant 16 : i32
      %mul3A_31 = arith.muli %scan3A_23, %mul3A_30 : i32
      %swap3A = arith.index_cast %mul3A_31 : i32 to index
      %swap3A_32 = tpu.vector_load %arg16[%swap3A] {strides = array<i32>} : memref<8192xi32, #tpu.memory_space<vmem>>, vector<16xi32>,
      tpu.vector_store %arg16[%swap3A], %and3A_29 {strides = array<i32>} : memref<8192xi32, #tpu.memory_space<vmem>>, vector<16xi32>,
    }
    %scan3A_8 = arith.constant 512 : i32
    %scan3A_9 = arith.constant 0 : i32
    %scan3A_10 = arith.constant 0 : i32
    %scan3A_11 = arith.constant 2 : i32
    %scan3A_12 = arith.addi %scan3A_10, %scan3A_11 : i32
    %scan3A_13 = arith.constant 1 : i32
    scf.for %scan3A_23 = %scan3A_10 to %scan3A_12 step %scan3A_13  : i32 {
      %mul3A_24 = arith.constant 16 : i32
      %mul3A_25 = arith.muli %scan3A_23, %mul3A_24 : i32
      %mul3A_26 = arith.constant 4 : i32
      %mul3A_27 = arith.muli %mul3A_25, %mul3A_26 : i32
      %add3A_28 = arith.constant 0 : i32
      %add3A_29 = arith.addi %mul3A_27, %add3A_28 : i32
      %get3A = arith.index_cast %add3A_29 : i32 to index
      %get3A_30 = tpu.vector_load %arg13[%get3A] {strides = array<i32>} : memref<128xf32, #tpu.memory_space<vmem>>, vector<16xf32>,
      %mul3A_31 = arith.constant 16 : i32
      %mul3A_32 = arith.muli %scan3A_23, %mul3A_31 : i32
      %mul3A_33 = arith.constant 4 : i32
      %mul3A_34 = arith.muli %mul3A_32, %mul3A_33 : i32
      %add3A_35 = arith.constant 0 : i32
      %add3A_36 = arith.addi %mul3A_34, %add3A_35 : i32
      %get3A_37 = arith.index_cast %add3A_36 : i32 to index
      %get3A_38 = tpu.vector_load %arg14[%get3A_37] {strides = array<i32>} : memref<128xf32, #tpu.memory_space<vmem>>, vector<16xf32>,
      %mul3A_39 = arith.constant 16 : i32
      %mul3A_40 = arith.muli %scan3A_23, %mul3A_39 : i32
      %mul3A_41 = arith.constant 4 : i32
      %mul3A_42 = arith.muli %mul3A_40, %mul3A_41 : i32
      %add3A_43 = arith.constant 0 : i32
      %add3A_44 = arith.addi %mul3A_42, %add3A_43 : i32
      %get3A_45 = arith.index_cast %add3A_44 : i32 to index
      %get3A_46 = tpu.vector_load %arg15[%get3A_45] {strides = array<i32>} : memref<128xf32, #tpu.memory_space<vmem>>, vector<16xf32>,
      %mul3A_47 = arith.constant 16 : i32
      %mul3A_48 = arith.muli %scan3A_23, %mul3A_47 : i32
      %mul3A_49 = arith.constant 4 : i32
      %mul3A_50 = arith.muli %mul3A_48, %mul3A_49 : i32
      %add3A_51 = arith.constant 16 : i32
      %add3A_52 = arith.addi %mul3A_50, %add3A_51 : i32
      %get3A_53 = arith.index_cast %add3A_52 : i32 to index
      %get3A_54 = tpu.vector_load %arg13[%get3A_53] {strides = array<i32>} : memref<128xf32, #tpu.memory_space<vmem>>, vector<16xf32>,
      %mul3A_55 = arith.constant 16 : i32
      %mul3A_56 = arith.muli %scan3A_23, %mul3A_55 : i32
      %mul3A_57 = arith.constant 4 : i32
      %mul3A_58 = arith.muli %mul3A_56, %mul3A_57 : i32
      %add3A_59 = arith.constant 16 : i32
      %add3A_60 = arith.addi %mul3A_58, %add3A_59 : i32
      %get3A_61 = arith.index_cast %add3A_60 : i32 to index
      %get3A_62 = tpu.vector_load %arg14[%get3A_61] {strides = array<i32>} : memref<128xf32, #tpu.memory_space<vmem>>, vector<16xf32>,
      %mul3A_63 = arith.constant 16 : i32
      %mul3A_64 = arith.muli %scan3A_23, %mul3A_63 : i32
      %mul3A_65 = arith.constant 4 : i32
      %mul3A_66 = arith.muli %mul3A_64, %mul3A_65 : i32
      %add3A_67 = arith.constant 16 : i32
      %add3A_68 = arith.addi %mul3A_66, %add3A_67 : i32
      %get3A_69 = arith.index_cast %add3A_68 : i32 to index
      %get3A_70 = tpu.vector_load %arg15[%get3A_69] {strides = array<i32>} : memref<128xf32, #tpu.memory_space<vmem>>, vector<16xf32>,
      %mul3A_71 = arith.constant 16 : i32
      %mul3A_72 = arith.muli %scan3A_23, %mul3A_71 : i32
      %mul3A_73 = arith.constant 4 : i32
      %mul3A_74 = arith.muli %mul3A_72, %mul3A_73 : i32
      %add3A_75 = arith.constant 32 : i32
      %add3A_76 = arith.addi %mul3A_74, %add3A_75 : i32
      %get3A_77 = arith.index_cast %add3A_76 : i32 to index
      %get3A_78 = tpu.vector_load %arg13[%get3A_77] {strides = array<i32>} : memref<128xf32, #tpu.memory_space<vmem>>, vector<16xf32>,
      %mul3A_79 = arith.constant 16 : i32
      %mul3A_80 = arith.muli %scan3A_23, %mul3A_79 : i32
      %mul3A_81 = arith.constant 4 : i32
      %mul3A_82 = arith.muli %mul3A_80, %mul3A_81 : i32
      %add3A_83 = arith.constant 32 : i32
      %add3A_84 = arith.addi %mul3A_82, %add3A_83 : i32
      %get3A_85 = arith.index_cast %add3A_84 : i32 to index
      %get3A_86 = tpu.vector_load %arg14[%get3A_85] {strides = array<i32>} : memref<128xf32, #tpu.memory_space<vmem>>, vector<16xf32>,
      %mul3A_87 = arith.constant 16 : i32
      %mul3A_88 = arith.muli %scan3A_23, %mul3A_87 : i32
      %mul3A_89 = arith.constant 4 : i32
      %mul3A_90 = arith.muli %mul3A_88, %mul3A_89 : i32
      %add3A_91 = arith.constant 32 : i32
      %add3A_92 = arith.addi %mul3A_90, %add3A_91 : i32
      %get3A_93 = arith.index_cast %add3A_92 : i32 to index
      %get3A_94 = tpu.vector_load %arg15[%get3A_93] {strides = array<i32>} : memref<128xf32, #tpu.memory_space<vmem>>, vector<16xf32>,
      %mul3A_95 = arith.constant 16 : i32
      %mul3A_96 = arith.muli %scan3A_23, %mul3A_95 : i32
      %mul3A_97 = arith.constant 4 : i32
      %mul3A_98 = arith.muli %mul3A_96, %mul3A_97 : i32
      %add3A_99 = arith.constant 48 : i32
      %add3A_100 = arith.addi %mul3A_98, %add3A_99 : i32
      %get3A_101 = arith.index_cast %add3A_100 : i32 to index
      %get3A_102 = tpu.vector_load %arg13[%get3A_101] {strides = array<i32>} : memref<128xf32, #tpu.memory_space<vmem>>, vector<16xf32>,
      %mul3A_103 = arith.constant 16 : i32
      %mul3A_104 = arith.muli %scan3A_23, %mul3A_103 : i32
      %mul3A_105 = arith.constant 4 : i32
      %mul3A_106 = arith.muli %mul3A_104, %mul3A_105 : i32
      %add3A_107 = arith.constant 48 : i32
      %add3A_108 = arith.addi %mul3A_106, %add3A_107 : i32
      %get3A_109 = arith.index_cast %add3A_108 : i32 to index
      %get3A_110 = tpu.vector_load %arg14[%get3A_109] {strides = array<i32>} : memref<128xf32, #tpu.memory_space<vmem>>, vector<16xf32>,
      %mul3A_111 = arith.constant 16 : i32
      %mul3A_112 = arith.muli %scan3A_23, %mul3A_111 : i32
      %mul3A_113 = arith.constant 4 : i32
      %mul3A_114 = arith.muli %mul3A_112, %mul3A_113 : i32
      %add3A_115 = arith.constant 48 : i32
      %add3A_116 = arith.addi %mul3A_114, %add3A_115 : i32
      %get3A_117 = arith.index_cast %add3A_116 : i32 to index
      %get3A_118 = tpu.vector_load %arg15[%get3A_117] {strides = array<i32>} : memref<128xf32, #tpu.memory_space<vmem>>, vector<16xf32>,
      %mul3A_119 = arith.constant 16 : i32
      %mul3A_120 = arith.muli %scan3A_23, %mul3A_119 : i32
      %mul3A_121 = arith.constant 4 : i32
      %mul3A_122 = arith.muli %mul3A_120, %mul3A_121 : i32
      %add3A_123 = arith.constant 0 : i32
      %add3A_124 = arith.addi %mul3A_122, %add3A_123 : i32
      %add3A_125 = vector.broadcast %add3A_124 : i32 to vector<16xi32>
      %add3A_126 = arith.addi %add3A_125, %iota3A : vector<16xi32>
      %mul3A_127 = arith.constant 64 : i32
      %mul3A_128 = vector.broadcast %mul3A_127 : i32 to vector<16xi32>
      %mul3A_129 = arith.muli %add3A_126, %mul3A_128 : vector<16xi32>
      %mul3A_130 = arith.constant 16 : i32
      %mul3A_131 = arith.muli %scan3A_23, %mul3A_130 : i32
      %mul3A_132 = arith.constant 4 : i32
      %mul3A_133 = arith.muli %mul3A_131, %mul3A_132 : i32
      %add3A_134 = arith.constant 16 : i32
      %add3A_135 = arith.addi %mul3A_133, %add3A_134 : i32
      %add3A_136 = vector.broadcast %add3A_135 : i32 to vector<16xi32>
      %add3A_137 = arith.addi %add3A_136, %iota3A : vector<16xi32>
      %mul3A_138 = arith.constant 64 : i32
      %mul3A_139 = vector.broadcast %mul3A_138 : i32 to vector<16xi32>
      %mul3A_140 = arith.muli %add3A_137, %mul3A_139 : vector<16xi32>
      %mul3A_141 = arith.constant 16 : i32
      %mul3A_142 = arith.muli %scan3A_23, %mul3A_141 : i32
      %mul3A_143 = arith.constant 4 : i32
      %mul3A_144 = arith.muli %mul3A_142, %mul3A_143 : i32
      %add3A_145 = arith.constant 32 : i32
      %add3A_146 = arith.addi %mul3A_144, %add3A_145 : i32
      %add3A_147 = vector.broadcast %add3A_146 : i32 to vector<16xi32>
      %add3A_148 = arith.addi %add3A_147, %iota3A : vector<16xi32>
      %mul3A_149 = arith.constant 64 : i32
      %mul3A_150 = vector.broadcast %mul3A_149 : i32 to vector<16xi32>
      %mul3A_151 = arith.muli %add3A_148, %mul3A_150 : vector<16xi32>
      %mul3A_152 = arith.constant 16 : i32
      %mul3A_153 = arith.muli %scan3A_23, %mul3A_152 : i32
      %mul3A_154 = arith.constant 4 : i32
      %mul3A_155 = arith.muli %mul3A_153, %mul3A_154 : i32
      %add3A_156 = arith.constant 48 : i32
      %add3A_157 = arith.addi %mul3A_155, %add3A_156 : i32
      %add3A_158 = vector.broadcast %add3A_157 : i32 to vector<16xi32>
      %add3A_159 = arith.addi %add3A_158, %iota3A : vector<16xi32>
      %mul3A_160 = arith.constant 64 : i32
      %mul3A_161 = vector.broadcast %mul3A_160 : i32 to vector<16xi32>
      %mul3A_162 = arith.muli %add3A_159, %mul3A_161 : vector<16xi32>
      %parallel_loop3A = arith.constant 0 : i32
      %parallel_loop3A_163 = arith.constant 4096 : i32
      %parallel_loop3A_164 = arith.constant 1 : i32
      %parallel_loop3A_165:4 = scf.for %parallel_loop3A_208 = %parallel_loop3A to %parallel_loop3A_163 step %parallel_loop3A_164 iter_args(%parallel_loop3A_209 = %broadcast_in_dim3A_3, %parallel_loop3A_210 = %broadcast_in_dim3A_3, %parallel_loop3A_211 = %broadcast_in_dim3A_3, %parallel_loop3A_212 = %broadcast_in_dim3A_3) -> (vector<16xi32>, vector<16xi32>, vector<16xi32>, vector<16xi32>)  : i32 {
        %parallel_loop3A_213 = arith.constant 0 : i32
        %parallel_loop3A_214 = arith.addi %parallel_loop3A_208, %parallel_loop3A_213 : i32
        %parallel_loop3A_215 = vector.broadcast %parallel_loop3A_214 : i32 to vector<16xi32>
        %parallel_loop3A_216 = arith.addi %broadcast_in_dim3A_3, %parallel_loop3A_215 : vector<16xi32>
        %parallel_loop3A_217 = tpu.vector_load_idx %arg10[%parallel_loop3A_216] : memref<4096xf32, #tpu.memory_space<vmem>>[vector<16xi32>], vector<16xf32>,
        %parallel_loop3A_218 = tpu.vector_load_idx %arg11[%parallel_loop3A_216] : memref<4096xf32, #tpu.memory_space<vmem>>[vector<16xi32>], vector<16xf32>,
        %parallel_loop3A_219 = tpu.vector_load_idx %arg12[%parallel_loop3A_216] : memref<4096xf32, #tpu.memory_space<vmem>>[vector<16xi32>], vector<16xf32>,
        %parallel_loop3A_220 = arith.subf %parallel_loop3A_217, %get3A_30 : vector<16xf32>
        %parallel_loop3A_221 = arith.subf %parallel_loop3A_218, %get3A_38 : vector<16xf32>
        %parallel_loop3A_222 = arith.subf %parallel_loop3A_219, %get3A_46 : vector<16xf32>
        %parallel_loop3A_223 = arith.mulf %parallel_loop3A_220, %parallel_loop3A_220 : vector<16xf32>
        %parallel_loop3A_224 = arith.mulf %parallel_loop3A_221, %parallel_loop3A_221 : vector<16xf32>
        %parallel_loop3A_225 = arith.addf %parallel_loop3A_223, %parallel_loop3A_224 : vector<16xf32>
        %parallel_loop3A_226 = arith.mulf %parallel_loop3A_222, %parallel_loop3A_222 : vector<16xf32>
        %parallel_loop3A_227 = arith.addf %parallel_loop3A_225, %parallel_loop3A_226 : vector<16xf32>
        %parallel_loop3A_228 = arith.constant 0.00999999977 : f32
        %parallel_loop3A_229 = vector.broadcast %parallel_loop3A_228 : f32 to vector<16xf32>
        %parallel_loop3A_230 = arith.cmpf ole, %parallel_loop3A_227, %parallel_loop3A_229 : vector<16xf32>
        %parallel_loop3A_231 = arith.constant 63 : i32
        %parallel_loop3A_232 = vector.broadcast %parallel_loop3A_231 : i32 to vector<16xi32>
        %parallel_loop3A_233 = arith.minsi %parallel_loop3A_209, %parallel_loop3A_232 : vector<16xi32>
        %parallel_loop3A_234 = arith.addi %mul3A_129, %parallel_loop3A_233 : vector<16xi32>
        tpu.vector_store_idx %arg16[%parallel_loop3A_234], %parallel_loop3A_216 masked %parallel_loop3A_230 : memref<8192xi32, #tpu.memory_space<vmem>>[vector<16xi32>], vector<16xi32>, vector<16xi1>
        %parallel_loop3A_235 = arith.extui %parallel_loop3A_230 : vector<16xi1> to vector<16xi32>
        %parallel_loop3A_236 = arith.addi %parallel_loop3A_209, %parallel_loop3A_235 : vector<16xi32>
        %parallel_loop3A_237 = arith.subf %parallel_loop3A_217, %get3A_54 : vector<16xf32>
        %parallel_loop3A_238 = arith.subf %parallel_loop3A_218, %get3A_62 : vector<16xf32>
        %parallel_loop3A_239 = arith.subf %parallel_loop3A_219, %get3A_70 : vector<16xf32>
        %parallel_loop3A_240 = arith.mulf %parallel_loop3A_237, %parallel_loop3A_237 : vector<16xf32>
        %parallel_loop3A_241 = arith.mulf %parallel_loop3A_238, %parallel_loop3A_238 : vector<16xf32>
        %parallel_loop3A_242 = arith.addf %parallel_loop3A_240, %parallel_loop3A_241 : vector<16xf32>
        %parallel_loop3A_243 = arith.mulf %parallel_loop3A_239, %parallel_loop3A_239 : vector<16xf32>
        %parallel_loop3A_244 = arith.addf %parallel_loop3A_242, %parallel_loop3A_243 : vector<16xf32>
        %parallel_loop3A_245 = arith.constant 0.00999999977 : f32
        %parallel_loop3A_246 = vector.broadcast %parallel_loop3A_245 : f32 to vector<16xf32>
        %parallel_loop3A_247 = arith.cmpf ole, %parallel_loop3A_244, %parallel_loop3A_246 : vector<16xf32>
        %parallel_loop3A_248 = arith.constant 63 : i32
        %parallel_loop3A_249 = vector.broadcast %parallel_loop3A_248 : i32 to vector<16xi32>
        %parallel_loop3A_250 = arith.minsi %parallel_loop3A_210, %parallel_loop3A_249 : vector<16xi32>
        %parallel_loop3A_251 = arith.addi %mul3A_140, %parallel_loop3A_250 : vector<16xi32>
        tpu.vector_store_idx %arg16[%parallel_loop3A_251], %parallel_loop3A_216 masked %parallel_loop3A_247 : memref<8192xi32, #tpu.memory_space<vmem>>[vector<16xi32>], vector<16xi32>, vector<16xi1>
        %parallel_loop3A_252 = arith.extui %parallel_loop3A_247 : vector<16xi1> to vector<16xi32>
        %parallel_loop3A_253 = arith.addi %parallel_loop3A_210, %parallel_loop3A_252 : vector<16xi32>
        %parallel_loop3A_254 = arith.subf %parallel_loop3A_217, %get3A_78 : vector<16xf32>
        %parallel_loop3A_255 = arith.subf %parallel_loop3A_218, %get3A_86 : vector<16xf32>
        %parallel_loop3A_256 = arith.subf %parallel_loop3A_219, %get3A_94 : vector<16xf32>
        %parallel_loop3A_257 = arith.mulf %parallel_loop3A_254, %parallel_loop3A_254 : vector<16xf32>
        %parallel_loop3A_258 = arith.mulf %parallel_loop3A_255, %parallel_loop3A_255 : vector<16xf32>
        %parallel_loop3A_259 = arith.addf %parallel_loop3A_257, %parallel_loop3A_258 : vector<16xf32>
        %parallel_loop3A_260 = arith.mulf %parallel_loop3A_256, %parallel_loop3A_256 : vector<16xf32>
        %parallel_loop3A_261 = arith.addf %parallel_loop3A_259, %parallel_loop3A_260 : vector<16xf32>
        %parallel_loop3A_262 = arith.constant 0.00999999977 : f32
        %parallel_loop3A_263 = vector.broadcast %parallel_loop3A_262 : f32 to vector<16xf32>
        %parallel_loop3A_264 = arith.cmpf ole, %parallel_loop3A_261, %parallel_loop3A_263 : vector<16xf32>
        %parallel_loop3A_265 = arith.constant 63 : i32
        %parallel_loop3A_266 = vector.broadcast %parallel_loop3A_265 : i32 to vector<16xi32>
        %parallel_loop3A_267 = arith.minsi %parallel_loop3A_211, %parallel_loop3A_266 : vector<16xi32>
        %parallel_loop3A_268 = arith.addi %mul3A_151, %parallel_loop3A_267 : vector<16xi32>
        tpu.vector_store_idx %arg16[%parallel_loop3A_268], %parallel_loop3A_216 masked %parallel_loop3A_264 : memref<8192xi32, #tpu.memory_space<vmem>>[vector<16xi32>], vector<16xi32>, vector<16xi1>
        %parallel_loop3A_269 = arith.extui %parallel_loop3A_264 : vector<16xi1> to vector<16xi32>
        %parallel_loop3A_270 = arith.addi %parallel_loop3A_211, %parallel_loop3A_269 : vector<16xi32>
        %parallel_loop3A_271 = arith.subf %parallel_loop3A_217, %get3A_102 : vector<16xf32>
        %parallel_loop3A_272 = arith.subf %parallel_loop3A_218, %get3A_110 : vector<16xf32>
        %parallel_loop3A_273 = arith.subf %parallel_loop3A_219, %get3A_118 : vector<16xf32>
        %parallel_loop3A_274 = arith.mulf %parallel_loop3A_271, %parallel_loop3A_271 : vector<16xf32>
        %parallel_loop3A_275 = arith.mulf %parallel_loop3A_272, %parallel_loop3A_272 : vector<16xf32>
        %parallel_loop3A_276 = arith.addf %parallel_loop3A_274, %parallel_loop3A_275 : vector<16xf32>
        %parallel_loop3A_277 = arith.mulf %parallel_loop3A_273, %parallel_loop3A_273 : vector<16xf32>
        %parallel_loop3A_278 = arith.addf %parallel_loop3A_276, %parallel_loop3A_277 : vector<16xf32>
        %parallel_loop3A_279 = arith.constant 0.00999999977 : f32
        %parallel_loop3A_280 = vector.broadcast %parallel_loop3A_279 : f32 to vector<16xf32>
        %parallel_loop3A_281 = arith.cmpf ole, %parallel_loop3A_278, %parallel_loop3A_280 : vector<16xf32>
        %parallel_loop3A_282 = arith.constant 63 : i32
        %parallel_loop3A_283 = vector.broadcast %parallel_loop3A_282 : i32 to vector<16xi32>
        %parallel_loop3A_284 = arith.minsi %parallel_loop3A_212, %parallel_loop3A_283 : vector<16xi32>
        %parallel_loop3A_285 = arith.addi %mul3A_162, %parallel_loop3A_284 : vector<16xi32>
        tpu.vector_store_idx %arg16[%parallel_loop3A_285], %parallel_loop3A_216 masked %parallel_loop3A_281 : memref<8192xi32, #tpu.memory_space<vmem>>[vector<16xi32>], vector<16xi32>, vector<16xi1>
        %parallel_loop3A_286 = arith.extui %parallel_loop3A_281 : vector<16xi1> to vector<16xi32>
        %parallel_loop3A_287 = arith.addi %parallel_loop3A_212, %parallel_loop3A_286 : vector<16xi32>
        scf.yield %parallel_loop3A_236, %parallel_loop3A_253, %parallel_loop3A_270, %parallel_loop3A_287 : vector<16xi32>, vector<16xi32>, vector<16xi32>, vector<16xi32>
      } {sc.loop_unroll_factor = 1 : i64, sc.parallel_access}
      %min3A = arith.constant 48 : i32
      %min3A_166 = vector.broadcast %min3A : i32 to vector<16xi32>
      %min3A_167 = arith.minsi %parallel_loop3A_165#0, %min3A_166 : vector<16xi32>
      %mul3A_168 = arith.constant 16 : i32
      %mul3A_169 = arith.muli %scan3A_23, %mul3A_168 : i32
      %mul3A_170 = arith.constant 4 : i32
      %mul3A_171 = arith.muli %mul3A_169, %mul3A_170 : i32
      %add3A_172 = arith.constant 0 : i32
      %add3A_173 = arith.addi %mul3A_171, %add3A_172 : i32
      %swap3A = arith.index_cast %add3A_173 : i32 to index
      %swap3A_174 = tpu.vector_load %arg18[%swap3A] {strides = array<i32>} : memref<128xi32, #tpu.memory_space<vmem>>, vector<16xi32>,
      tpu.vector_store %arg18[%swap3A], %min3A_167 {strides = array<i32>} : memref<128xi32, #tpu.memory_space<vmem>>, vector<16xi32>,
      %min3A_175 = arith.constant 48 : i32
      %min3A_176 = vector.broadcast %min3A_175 : i32 to vector<16xi32>
      %min3A_177 = arith.minsi %parallel_loop3A_165#1, %min3A_176 : vector<16xi32>
      %mul3A_178 = arith.constant 16 : i32
      %mul3A_179 = arith.muli %scan3A_23, %mul3A_178 : i32
      %mul3A_180 = arith.constant 4 : i32
      %mul3A_181 = arith.muli %mul3A_179, %mul3A_180 : i32
      %add3A_182 = arith.constant 16 : i32
      %add3A_183 = arith.addi %mul3A_181, %add3A_182 : i32
      %swap3A_184 = arith.index_cast %add3A_183 : i32 to index
      %swap3A_185 = tpu.vector_load %arg18[%swap3A_184] {strides = array<i32>} : memref<128xi32, #tpu.memory_space<vmem>>, vector<16xi32>,
      tpu.vector_store %arg18[%swap3A_184], %min3A_177 {strides = array<i32>} : memref<128xi32, #tpu.memory_space<vmem>>, vector<16xi32>,
      %min3A_186 = arith.constant 48 : i32
      %min3A_187 = vector.broadcast %min3A_186 : i32 to vector<16xi32>
      %min3A_188 = arith.minsi %parallel_loop3A_165#2, %min3A_187 : vector<16xi32>
      %mul3A_189 = arith.constant 16 : i32
      %mul3A_190 = arith.muli %scan3A_23, %mul3A_189 : i32
      %mul3A_191 = arith.constant 4 : i32
      %mul3A_192 = arith.muli %mul3A_190, %mul3A_191 : i32
      %add3A_193 = arith.constant 32 : i32
      %add3A_194 = arith.addi %mul3A_192, %add3A_193 : i32
      %swap3A_195 = arith.index_cast %add3A_194 : i32 to index
      %swap3A_196 = tpu.vector_load %arg18[%swap3A_195] {strides = array<i32>} : memref<128xi32, #tpu.memory_space<vmem>>, vector<16xi32>,
      tpu.vector_store %arg18[%swap3A_195], %min3A_188 {strides = array<i32>} : memref<128xi32, #tpu.memory_space<vmem>>, vector<16xi32>,
      %min3A_197 = arith.constant 48 : i32
      %min3A_198 = vector.broadcast %min3A_197 : i32 to vector<16xi32>
      %min3A_199 = arith.minsi %parallel_loop3A_165#3, %min3A_198 : vector<16xi32>
      %mul3A_200 = arith.constant 16 : i32
      %mul3A_201 = arith.muli %scan3A_23, %mul3A_200 : i32
      %mul3A_202 = arith.constant 4 : i32
      %mul3A_203 = arith.muli %mul3A_201, %mul3A_202 : i32
      %add3A_204 = arith.constant 48 : i32
      %add3A_205 = arith.addi %mul3A_203, %add3A_204 : i32
      %swap3A_206 = arith.index_cast %add3A_205 : i32 to index
      %swap3A_207 = tpu.vector_load %arg18[%swap3A_206] {strides = array<i32>} : memref<128xi32, #tpu.memory_space<vmem>>, vector<16xi32>,
      tpu.vector_store %arg18[%swap3A_206], %min3A_199 {strides = array<i32>} : memref<128xi32, #tpu.memory_space<vmem>>, vector<16xi32>,
    }
    %scan3A_14 = arith.constant 2 : i32
    %scan3A_15 = arith.constant 0 : i32
    %scan3A_16 = arith.constant 0 : i32
    %scan3A_17 = arith.constant 128 : i32
    %scan3A_18 = arith.addi %scan3A_16, %scan3A_17 : i32
    %scan3A_19 = arith.constant 1 : i32
    scf.for %scan3A_23 = %scan3A_16 to %scan3A_18 step %scan3A_19  : i32 {
      %mul3A_24 = arith.constant 64 : i32
      %mul3A_25 = arith.muli %scan3A_23, %mul3A_24 : i32
      %add3A_26 = arith.constant 0 : i32
      %add3A_27 = arith.addi %mul3A_25, %add3A_26 : i32
      %get3A = arith.index_cast %add3A_27 : i32 to index
      %get3A_28 = tpu.vector_load %arg16[%get3A] {strides = array<i32>} : memref<8192xi32, #tpu.memory_space<vmem>>, vector<16xi32>,
      %mul3A_29 = arith.constant 48 : i32
      %mul3A_30 = arith.muli %scan3A_23, %mul3A_29 : i32
      %add3A_31 = arith.constant 0 : i32
      %add3A_32 = arith.addi %mul3A_30, %add3A_31 : i32
      %swap3A = arith.index_cast %add3A_32 : i32 to index
      %swap3A_33 = tpu.vector_load %arg17[%swap3A] {strides = array<i32>} : memref<6144xi32, #tpu.memory_space<vmem>>, vector<16xi32>,
      tpu.vector_store %arg17[%swap3A], %get3A_28 {strides = array<i32>} : memref<6144xi32, #tpu.memory_space<vmem>>, vector<16xi32>,
      %mul3A_34 = arith.constant 64 : i32
      %mul3A_35 = arith.muli %scan3A_23, %mul3A_34 : i32
      %add3A_36 = arith.constant 16 : i32
      %add3A_37 = arith.addi %mul3A_35, %add3A_36 : i32
      %get3A_38 = arith.index_cast %add3A_37 : i32 to index
      %get3A_39 = tpu.vector_load %arg16[%get3A_38] {strides = array<i32>} : memref<8192xi32, #tpu.memory_space<vmem>>, vector<16xi32>,
      %mul3A_40 = arith.constant 48 : i32
      %mul3A_41 = arith.muli %scan3A_23, %mul3A_40 : i32
      %add3A_42 = arith.constant 16 : i32
      %add3A_43 = arith.addi %mul3A_41, %add3A_42 : i32
      %swap3A_44 = arith.index_cast %add3A_43 : i32 to index
      %swap3A_45 = tpu.vector_load %arg17[%swap3A_44] {strides = array<i32>} : memref<6144xi32, #tpu.memory_space<vmem>>, vector<16xi32>,
      tpu.vector_store %arg17[%swap3A_44], %get3A_39 {strides = array<i32>} : memref<6144xi32, #tpu.memory_space<vmem>>, vector<16xi32>,
      %mul3A_46 = arith.constant 64 : i32
      %mul3A_47 = arith.muli %scan3A_23, %mul3A_46 : i32
      %add3A_48 = arith.constant 32 : i32
      %add3A_49 = arith.addi %mul3A_47, %add3A_48 : i32
      %get3A_50 = arith.index_cast %add3A_49 : i32 to index
      %get3A_51 = tpu.vector_load %arg16[%get3A_50] {strides = array<i32>} : memref<8192xi32, #tpu.memory_space<vmem>>, vector<16xi32>,
      %mul3A_52 = arith.constant 48 : i32
      %mul3A_53 = arith.muli %scan3A_23, %mul3A_52 : i32
      %add3A_54 = arith.constant 32 : i32
      %add3A_55 = arith.addi %mul3A_53, %add3A_54 : i32
      %swap3A_56 = arith.index_cast %add3A_55 : i32 to index
      %swap3A_57 = tpu.vector_load %arg17[%swap3A_56] {strides = array<i32>} : memref<6144xi32, #tpu.memory_space<vmem>>, vector<16xi32>,
      tpu.vector_store %arg17[%swap3A_56], %get3A_51 {strides = array<i32>} : memref<6144xi32, #tpu.memory_space<vmem>>, vector<16xi32>,
    }
    %scan3A_20 = arith.constant 128 : i32
    %mul3A_21 = arith.constant 48 : i32
    %mul3A_22 = arith.muli %mul3A_2, %mul3A_21 : i32
    "tpu.region"() ({
      %run_scoped3A = tpu.sem_alloc : memref<!tpu.dma_semaphore, #tpu.memory_space<semaphore_mem>>
      %dma_start3A = tpu.memref_slice %arg8[%mul3A_22] : memref<196608xi32, #tpu.memory_space<hbm>> -> memref<6144xi32, #tpu.memory_space<hbm>>
      %dma_start3A_23 = tpu.memref_slice %arg8[%mul3A_22] : memref<196608xi32, #tpu.memory_space<hbm>> -> memref<6144xi32, #tpu.memory_space<hbm>>
      tpu.enqueue_dma source(%arg17 : memref<6144xi32, #tpu.memory_space<vmem>>) target(%dma_start3A_23 : memref<6144xi32, #tpu.memory_space<hbm>>) target_semaphore(%run_scoped3A : memref<!tpu.dma_semaphore, #tpu.memory_space<semaphore_mem>>)
      %dma_wait3A = tpu.memref_slice %arg8[%mul3A_22] : memref<196608xi32, #tpu.memory_space<hbm>> -> memref<6144xi32, #tpu.memory_space<hbm>>
      %dma_wait3A_24 = tpu.memref_slice %arg8[%mul3A_22] : memref<196608xi32, #tpu.memory_space<hbm>> -> memref<6144xi32, #tpu.memory_space<hbm>>
      tpu.wait_dma2 semaphore(%run_scoped3A : memref<!tpu.dma_semaphore, #tpu.memory_space<semaphore_mem>>) src(%arg17 : memref<6144xi32, #tpu.memory_space<vmem>>) dst(%dma_wait3A_24 : memref<6144xi32, #tpu.memory_space<hbm>>)
      tpu.yield
    }) : () -> ()
    "tpu.region"() ({
      %run_scoped3A = tpu.sem_alloc : memref<!tpu.dma_semaphore, #tpu.memory_space<semaphore_mem>>
      %dma_start3A = tpu.memref_slice %arg9[%mul3A_2] : memref<4096xi32, #tpu.memory_space<hbm>> -> memref<128xi32, #tpu.memory_space<hbm>>
      %dma_start3A_23 = tpu.memref_slice %arg9[%mul3A_2] : memref<4096xi32, #tpu.memory_space<hbm>> -> memref<128xi32, #tpu.memory_space<hbm>>
      tpu.enqueue_dma source(%arg18 : memref<128xi32, #tpu.memory_space<vmem>>) target(%dma_start3A_23 : memref<128xi32, #tpu.memory_space<hbm>>) target_semaphore(%run_scoped3A : memref<!tpu.dma_semaphore, #tpu.memory_space<semaphore_mem>>)
      %dma_wait3A = tpu.memref_slice %arg9[%mul3A_2] : memref<4096xi32, #tpu.memory_space<hbm>> -> memref<128xi32, #tpu.memory_space<hbm>>
      %dma_wait3A_24 = tpu.memref_slice %arg9[%mul3A_2] : memref<4096xi32, #tpu.memory_space<hbm>> -> memref<128xi32, #tpu.memory_space<hbm>>
      tpu.wait_dma2 semaphore(%run_scoped3A : memref<!tpu.dma_semaphore, #tpu.memory_space<semaphore_mem>>) src(%arg18 : memref<128xi32, #tpu.memory_space<vmem>>) dst(%dma_wait3A_24 : memref<128xi32, #tpu.memory_space<hbm>>)
      tpu.yield
    }) : () -> ()
    return
  }
}

#map = affine_map<(d0, d1) -> (0, 0)>
#map1 = affine_map<(d0, d1) -> (0)>
module attributes {stable_mosaic.version = 14 : i64} {
  func.func @gather_k(%arg0: i32, %arg1: i32, %arg2: memref<4096x128xf32, #tpu.memory_space<hbm>>, %arg3: memref<196608xi32, #tpu.memory_space<hbm>>, %arg4: memref<196608x128xf32, #tpu.memory_space<hbm>>, %arg5: memref<128xi32, #tpu.memory_space<vmem>>, %arg6: memref<128xi32, #tpu.memory_space<vmem>>, %arg7: memref<128xi32, #tpu.memory_space<vmem>>, %arg8: memref<128x128xf32, #tpu.memory_space<vmem>>, %arg9: memref<128x128xf32, #tpu.memory_space<vmem>>, %arg10: memref<128x128xf32, #tpu.memory_space<vmem>>, %arg11: memref<!tpu.dma_semaphore, #tpu.memory_space<semaphore_mem>>, %arg12: memref<!tpu.dma_semaphore, #tpu.memory_space<semaphore_mem>>, %arg13: memref<!tpu.dma_semaphore, #tpu.memory_space<semaphore_mem>>, %arg14: memref<!tpu.dma_semaphore, #tpu.memory_space<semaphore_mem>>, %arg15: memref<!tpu.dma_semaphore, #tpu.memory_space<semaphore_mem>>, %arg16: memref<!tpu.dma_semaphore, #tpu.memory_space<semaphore_mem>>) attributes {dimension_semantics = [#tpu.dimension_semantics<core_parallel>, #tpu.dimension_semantics<subcore_parallel>], iteration_bounds = array<i64: 2, 16>, scalar_prefetch = 0 : i64, scratch_operands = 12 : i64, tpu.core_type = #tpu.core_type<sc_vector_subcore>, window_params = [{transform_indices = #map}, {transform_indices = #map1}, {transform_indices = #map}]} {
    %mul3A = arith.constant 2 : i32
    %mul3A_0 = arith.muli %arg1, %mul3A : i32
    %add3A = arith.addi %mul3A_0, %arg0 : i32
    %mul3A_1 = arith.constant 6144 : i32
    %mul3A_2 = arith.muli %add3A, %mul3A_1 : i32
    %add3A_3 = arith.constant 0 : i32
    %add3A_4 = arith.addi %mul3A_2, %add3A_3 : i32
    "tpu.region"() ({
      %run_scoped3A = tpu.sem_alloc : memref<!tpu.dma_semaphore, #tpu.memory_space<semaphore_mem>>
      %dma_start3A_865 = tpu.memref_slice %arg3[%add3A_4] : memref<196608xi32, #tpu.memory_space<hbm>> -> memref<128xi32, #tpu.memory_space<hbm>>
      %dma_start3A_866 = tpu.memref_slice %arg3[%add3A_4] : memref<196608xi32, #tpu.memory_space<hbm>> -> memref<128xi32, #tpu.memory_space<hbm>>
      tpu.enqueue_dma source(%dma_start3A_866 : memref<128xi32, #tpu.memory_space<hbm>>) target(%arg5 : memref<128xi32, #tpu.memory_space<vmem>>) target_semaphore(%run_scoped3A : memref<!tpu.dma_semaphore, #tpu.memory_space<semaphore_mem>>)
      %dma_wait3A_867 = tpu.memref_slice %arg3[%add3A_4] : memref<196608xi32, #tpu.memory_space<hbm>> -> memref<128xi32, #tpu.memory_space<hbm>>
      %dma_wait3A_868 = tpu.memref_slice %arg3[%add3A_4] : memref<196608xi32, #tpu.memory_space<hbm>> -> memref<128xi32, #tpu.memory_space<hbm>>
      tpu.wait_dma2 semaphore(%run_scoped3A : memref<!tpu.dma_semaphore, #tpu.memory_space<semaphore_mem>>) src(%dma_wait3A_868 : memref<128xi32, #tpu.memory_space<hbm>>) dst(%arg5 : memref<128xi32, #tpu.memory_space<vmem>>)
      tpu.yield
    }) : () -> ()
    %dma_start3A = arith.constant 0 : i32
    %dma_start3A_5 = arith.constant 0 : i32
    %dma_start3A_6 = tpu.memref_slice %arg2[%dma_start3A, %dma_start3A_5] : memref<4096x128xf32, #tpu.memory_space<hbm>> -> memref<4096x128xf32, #tpu.memory_space<hbm>>
    tpu.enqueue_indirect_dma source(%dma_start3A_6 : memref<4096x128xf32, #tpu.memory_space<hbm>>) target(%arg8 : memref<128x128xf32, #tpu.memory_space<vmem>>) offsets(%arg5 : memref<128xi32, #tpu.memory_space<vmem>>) semaphore(%arg11 : memref<!tpu.dma_semaphore, #tpu.memory_space<semaphore_mem>>)
    %add3A_7 = arith.constant 128 : i32
    %add3A_8 = arith.addi %mul3A_2, %add3A_7 : i32
    "tpu.region"() ({
      %run_scoped3A = tpu.sem_alloc : memref<!tpu.dma_semaphore, #tpu.memory_space<semaphore_mem>>
      %dma_start3A_865 = tpu.memref_slice %arg3[%add3A_8] : memref<196608xi32, #tpu.memory_space<hbm>> -> memref<128xi32, #tpu.memory_space<hbm>>
      %dma_start3A_866 = tpu.memref_slice %arg3[%add3A_8] : memref<196608xi32, #tpu.memory_space<hbm>> -> memref<128xi32, #tpu.memory_space<hbm>>
      tpu.enqueue_dma source(%dma_start3A_866 : memref<128xi32, #tpu.memory_space<hbm>>) target(%arg6 : memref<128xi32, #tpu.memory_space<vmem>>) target_semaphore(%run_scoped3A : memref<!tpu.dma_semaphore, #tpu.memory_space<semaphore_mem>>)
      %dma_wait3A_867 = tpu.memref_slice %arg3[%add3A_8] : memref<196608xi32, #tpu.memory_space<hbm>> -> memref<128xi32, #tpu.memory_space<hbm>>
      %dma_wait3A_868 = tpu.memref_slice %arg3[%add3A_8] : memref<196608xi32, #tpu.memory_space<hbm>> -> memref<128xi32, #tpu.memory_space<hbm>>
      tpu.wait_dma2 semaphore(%run_scoped3A : memref<!tpu.dma_semaphore, #tpu.memory_space<semaphore_mem>>) src(%dma_wait3A_868 : memref<128xi32, #tpu.memory_space<hbm>>) dst(%arg6 : memref<128xi32, #tpu.memory_space<vmem>>)
      tpu.yield
    }) : () -> ()
    %dma_start3A_9 = arith.constant 0 : i32
    %dma_start3A_10 = arith.constant 0 : i32
    %dma_start3A_11 = tpu.memref_slice %arg2[%dma_start3A_9, %dma_start3A_10] : memref<4096x128xf32, #tpu.memory_space<hbm>> -> memref<4096x128xf32, #tpu.memory_space<hbm>>
    tpu.enqueue_indirect_dma source(%dma_start3A_11 : memref<4096x128xf32, #tpu.memory_space<hbm>>) target(%arg9 : memref<128x128xf32, #tpu.memory_space<vmem>>) offsets(%arg6 : memref<128xi32, #tpu.memory_space<vmem>>) semaphore(%arg12 : memref<!tpu.dma_semaphore, #tpu.memory_space<semaphore_mem>>)
    %add3A_12 = arith.constant 256 : i32
    %add3A_13 = arith.addi %mul3A_2, %add3A_12 : i32
    "tpu.region"() ({
      %run_scoped3A = tpu.sem_alloc : memref<!tpu.dma_semaphore, #tpu.memory_space<semaphore_mem>>
      %dma_start3A_865 = tpu.memref_slice %arg3[%add3A_13] : memref<196608xi32, #tpu.memory_space<hbm>> -> memref<128xi32, #tpu.memory_space<hbm>>
      %dma_start3A_866 = tpu.memref_slice %arg3[%add3A_13] : memref<196608xi32, #tpu.memory_space<hbm>> -> memref<128xi32, #tpu.memory_space<hbm>>
      tpu.enqueue_dma source(%dma_start3A_866 : memref<128xi32, #tpu.memory_space<hbm>>) target(%arg7 : memref<128xi32, #tpu.memory_space<vmem>>) target_semaphore(%run_scoped3A : memref<!tpu.dma_semaphore, #tpu.memory_space<semaphore_mem>>)
      %dma_wait3A_867 = tpu.memref_slice %arg3[%add3A_13] : memref<196608xi32, #tpu.memory_space<hbm>> -> memref<128xi32, #tpu.memory_space<hbm>>
      %dma_wait3A_868 = tpu.memref_slice %arg3[%add3A_13] : memref<196608xi32, #tpu.memory_space<hbm>> -> memref<128xi32, #tpu.memory_space<hbm>>
      tpu.wait_dma2 semaphore(%run_scoped3A : memref<!tpu.dma_semaphore, #tpu.memory_space<semaphore_mem>>) src(%dma_wait3A_868 : memref<128xi32, #tpu.memory_space<hbm>>) dst(%arg7 : memref<128xi32, #tpu.memory_space<vmem>>)
      tpu.yield
    }) : () -> ()
    %dma_start3A_14 = arith.constant 0 : i32
    %dma_start3A_15 = arith.constant 0 : i32
    %dma_start3A_16 = tpu.memref_slice %arg2[%dma_start3A_14, %dma_start3A_15] : memref<4096x128xf32, #tpu.memory_space<hbm>> -> memref<4096x128xf32, #tpu.memory_space<hbm>>
    tpu.enqueue_indirect_dma source(%dma_start3A_16 : memref<4096x128xf32, #tpu.memory_space<hbm>>) target(%arg10 : memref<128x128xf32, #tpu.memory_space<vmem>>) offsets(%arg7 : memref<128xi32, #tpu.memory_space<vmem>>) semaphore(%arg13 : memref<!tpu.dma_semaphore, #tpu.memory_space<semaphore_mem>>)
    %dma_wait3A = arith.constant 0 : i32
    %dma_wait3A_17 = arith.constant 0 : i32
    %dma_wait3A_18 = tpu.memref_slice %arg2[%dma_wait3A, %dma_wait3A_17] : memref<4096x128xf32, #tpu.memory_space<hbm>> -> memref<4096x128xf32, #tpu.memory_space<hbm>>
    tpu.wait_indirect_dma semaphore(%arg11 : memref<!tpu.dma_semaphore, #tpu.memory_space<semaphore_mem>>) src(%dma_wait3A_18 : memref<4096x128xf32, #tpu.memory_space<hbm>>) dst(%arg8 : memref<128x128xf32, #tpu.memory_space<vmem>>)
    %add3A_19 = arith.constant 0 : i32
    %add3A_20 = arith.addi %mul3A_2, %add3A_19 : i32
    %dma_start3A_21 = arith.constant 0 : i32
    %dma_start3A_22 = tpu.memref_slice %arg4[%add3A_20, %dma_start3A_21] : memref<196608x128xf32, #tpu.memory_space<hbm>> -> memref<128x128xf32, #tpu.memory_space<hbm>>
    %dma_start3A_23 = arith.constant 0 : i32
    %dma_start3A_24 = tpu.memref_slice %arg4[%add3A_20, %dma_start3A_23] : memref<196608x128xf32, #tpu.memory_space<hbm>> -> memref<128x128xf32, #tpu.memory_space<hbm>>
    tpu.enqueue_dma source(%arg8 : memref<128x128xf32, #tpu.memory_space<vmem>>) target(%dma_start3A_24 : memref<128x128xf32, #tpu.memory_space<hbm>>) target_semaphore(%arg14 : memref<!tpu.dma_semaphore, #tpu.memory_space<semaphore_mem>>)
    %dma_wait3A_25 = arith.constant 0 : i32
    %dma_wait3A_26 = tpu.memref_slice %arg4[%add3A_20, %dma_wait3A_25] : memref<196608x128xf32, #tpu.memory_space<hbm>> -> memref<128x128xf32, #tpu.memory_space<hbm>>
    %dma_wait3A_27 = arith.constant 0 : i32
    %dma_wait3A_28 = tpu.memref_slice %arg4[%add3A_20, %dma_wait3A_27] : memref<196608x128xf32, #tpu.memory_space<hbm>> -> memref<128x128xf32, #tpu.memory_space<hbm>>
    tpu.wait_dma2 semaphore(%arg14 : memref<!tpu.dma_semaphore, #tpu.memory_space<semaphore_mem>>) src(%arg8 : memref<128x128xf32, #tpu.memory_space<vmem>>) dst(%dma_wait3A_28 : memref<128x128xf32, #tpu.memory_space<hbm>>)
    %add3A_29 = arith.constant 384 : i32
    %add3A_30 = arith.addi %mul3A_2, %add3A_29 : i32
    "tpu.region"() ({
      %run_scoped3A = tpu.sem_alloc : memref<!tpu.dma_semaphore, #tpu.memory_space<semaphore_mem>>
      %dma_start3A_865 = tpu.memref_slice %arg3[%add3A_30] : memref<196608xi32, #tpu.memory_space<hbm>> -> memref<128xi32, #tpu.memory_space<hbm>>
      %dma_start3A_866 = tpu.memref_slice %arg3[%add3A_30] : memref<196608xi32, #tpu.memory_space<hbm>> -> memref<128xi32, #tpu.memory_space<hbm>>
      tpu.enqueue_dma source(%dma_start3A_866 : memref<128xi32, #tpu.memory_space<hbm>>) target(%arg5 : memref<128xi32, #tpu.memory_space<vmem>>) target_semaphore(%run_scoped3A : memref<!tpu.dma_semaphore, #tpu.memory_space<semaphore_mem>>)
      %dma_wait3A_867 = tpu.memref_slice %arg3[%add3A_30] : memref<196608xi32, #tpu.memory_space<hbm>> -> memref<128xi32, #tpu.memory_space<hbm>>
      %dma_wait3A_868 = tpu.memref_slice %arg3[%add3A_30] : memref<196608xi32, #tpu.memory_space<hbm>> -> memref<128xi32, #tpu.memory_space<hbm>>
      tpu.wait_dma2 semaphore(%run_scoped3A : memref<!tpu.dma_semaphore, #tpu.memory_space<semaphore_mem>>) src(%dma_wait3A_868 : memref<128xi32, #tpu.memory_space<hbm>>) dst(%arg5 : memref<128xi32, #tpu.memory_space<vmem>>)
      tpu.yield
    }) : () -> ()
    %dma_start3A_31 = arith.constant 0 : i32
    %dma_start3A_32 = arith.constant 0 : i32
    %dma_start3A_33 = tpu.memref_slice %arg2[%dma_start3A_31, %dma_start3A_32] : memref<4096x128xf32, #tpu.memory_space<hbm>> -> memref<4096x128xf32, #tpu.memory_space<hbm>>
    tpu.enqueue_indirect_dma source(%dma_start3A_33 : memref<4096x128xf32, #tpu.memory_space<hbm>>) target(%arg8 : memref<128x128xf32, #tpu.memory_space<vmem>>) offsets(%arg5 : memref<128xi32, #tpu.memory_space<vmem>>) semaphore(%arg11 : memref<!tpu.dma_semaphore, #tpu.memory_space<semaphore_mem>>)
    %dma_wait3A_34 = arith.constant 0 : i32
    %dma_wait3A_35 = arith.constant 0 : i32
    %dma_wait3A_36 = tpu.memref_slice %arg2[%dma_wait3A_34, %dma_wait3A_35] : memref<4096x128xf32, #tpu.memory_space<hbm>> -> memref<4096x128xf32, #tpu.memory_space<hbm>>
    tpu.wait_indirect_dma semaphore(%arg12 : memref<!tpu.dma_semaphore, #tpu.memory_space<semaphore_mem>>) src(%dma_wait3A_36 : memref<4096x128xf32, #tpu.memory_space<hbm>>) dst(%arg9 : memref<128x128xf32, #tpu.memory_space<vmem>>)
    %add3A_37 = arith.constant 128 : i32
    %add3A_38 = arith.addi %mul3A_2, %add3A_37 : i32
    %dma_start3A_39 = arith.constant 0 : i32
    %dma_start3A_40 = tpu.memref_slice %arg4[%add3A_38, %dma_start3A_39] : memref<196608x128xf32, #tpu.memory_space<hbm>> -> memref<128x128xf32, #tpu.memory_space<hbm>>
    %dma_start3A_41 = arith.constant 0 : i32
    %dma_start3A_42 = tpu.memref_slice %arg4[%add3A_38, %dma_start3A_41] : memref<196608x128xf32, #tpu.memory_space<hbm>> -> memref<128x128xf32, #tpu.memory_space<hbm>>
    tpu.enqueue_dma source(%arg9 : memref<128x128xf32, #tpu.memory_space<vmem>>) target(%dma_start3A_42 : memref<128x128xf32, #tpu.memory_space<hbm>>) target_semaphore(%arg15 : memref<!tpu.dma_semaphore, #tpu.memory_space<semaphore_mem>>)
    %dma_wait3A_43 = arith.constant 0 : i32
    %dma_wait3A_44 = tpu.memref_slice %arg4[%add3A_38, %dma_wait3A_43] : memref<196608x128xf32, #tpu.memory_space<hbm>> -> memref<128x128xf32, #tpu.memory_space<hbm>>
    %dma_wait3A_45 = arith.constant 0 : i32
    %dma_wait3A_46 = tpu.memref_slice %arg4[%add3A_38, %dma_wait3A_45] : memref<196608x128xf32, #tpu.memory_space<hbm>> -> memref<128x128xf32, #tpu.memory_space<hbm>>
    tpu.wait_dma2 semaphore(%arg15 : memref<!tpu.dma_semaphore, #tpu.memory_space<semaphore_mem>>) src(%arg9 : memref<128x128xf32, #tpu.memory_space<vmem>>) dst(%dma_wait3A_46 : memref<128x128xf32, #tpu.memory_space<hbm>>)
    %add3A_47 = arith.constant 512 : i32
    %add3A_48 = arith.addi %mul3A_2, %add3A_47 : i32
    "tpu.region"() ({
      %run_scoped3A = tpu.sem_alloc : memref<!tpu.dma_semaphore, #tpu.memory_space<semaphore_mem>>
      %dma_start3A_865 = tpu.memref_slice %arg3[%add3A_48] : memref<196608xi32, #tpu.memory_space<hbm>> -> memref<128xi32, #tpu.memory_space<hbm>>
      %dma_start3A_866 = tpu.memref_slice %arg3[%add3A_48] : memref<196608xi32, #tpu.memory_space<hbm>> -> memref<128xi32, #tpu.memory_space<hbm>>
      tpu.enqueue_dma source(%dma_start3A_866 : memref<128xi32, #tpu.memory_space<hbm>>) target(%arg6 : memref<128xi32, #tpu.memory_space<vmem>>) target_semaphore(%run_scoped3A : memref<!tpu.dma_semaphore, #tpu.memory_space<semaphore_mem>>)
      %dma_wait3A_867 = tpu.memref_slice %arg3[%add3A_48] : memref<196608xi32, #tpu.memory_space<hbm>> -> memref<128xi32, #tpu.memory_space<hbm>>
      %dma_wait3A_868 = tpu.memref_slice %arg3[%add3A_48] : memref<196608xi32, #tpu.memory_space<hbm>> -> memref<128xi32, #tpu.memory_space<hbm>>
      tpu.wait_dma2 semaphore(%run_scoped3A : memref<!tpu.dma_semaphore, #tpu.memory_space<semaphore_mem>>) src(%dma_wait3A_868 : memref<128xi32, #tpu.memory_space<hbm>>) dst(%arg6 : memref<128xi32, #tpu.memory_space<vmem>>)
      tpu.yield
    }) : () -> ()
    %dma_start3A_49 = arith.constant 0 : i32
    %dma_start3A_50 = arith.constant 0 : i32
    %dma_start3A_51 = tpu.memref_slice %arg2[%dma_start3A_49, %dma_start3A_50] : memref<4096x128xf32, #tpu.memory_space<hbm>> -> memref<4096x128xf32, #tpu.memory_space<hbm>>
    tpu.enqueue_indirect_dma source(%dma_start3A_51 : memref<4096x128xf32, #tpu.memory_space<hbm>>) target(%arg9 : memref<128x128xf32, #tpu.memory_space<vmem>>) offsets(%arg6 : memref<128xi32, #tpu.memory_space<vmem>>) semaphore(%arg12 : memref<!tpu.dma_semaphore, #tpu.memory_space<semaphore_mem>>)
    %dma_wait3A_52 = arith.constant 0 : i32
    %dma_wait3A_53 = arith.constant 0 : i32
    %dma_wait3A_54 = tpu.memref_slice %arg2[%dma_wait3A_52, %dma_wait3A_53] : memref<4096x128xf32, #tpu.memory_space<hbm>> -> memref<4096x128xf32, #tpu.memory_space<hbm>>
    tpu.wait_indirect_dma semaphore(%arg13 : memref<!tpu.dma_semaphore, #tpu.memory_space<semaphore_mem>>) src(%dma_wait3A_54 : memref<4096x128xf32, #tpu.memory_space<hbm>>) dst(%arg10 : memref<128x128xf32, #tpu.memory_space<vmem>>)
    %add3A_55 = arith.constant 256 : i32
    %add3A_56 = arith.addi %mul3A_2, %add3A_55 : i32
    %dma_start3A_57 = arith.constant 0 : i32
    %dma_start3A_58 = tpu.memref_slice %arg4[%add3A_56, %dma_start3A_57] : memref<196608x128xf32, #tpu.memory_space<hbm>> -> memref<128x128xf32, #tpu.memory_space<hbm>>
    %dma_start3A_59 = arith.constant 0 : i32
    %dma_start3A_60 = tpu.memref_slice %arg4[%add3A_56, %dma_start3A_59] : memref<196608x128xf32, #tpu.memory_space<hbm>> -> memref<128x128xf32, #tpu.memory_space<hbm>>
    tpu.enqueue_dma source(%arg10 : memref<128x128xf32, #tpu.memory_space<vmem>>) target(%dma_start3A_60 : memref<128x128xf32, #tpu.memory_space<hbm>>) target_semaphore(%arg16 : memref<!tpu.dma_semaphore, #tpu.memory_space<semaphore_mem>>)
    %dma_wait3A_61 = arith.constant 0 : i32
    %dma_wait3A_62 = tpu.memref_slice %arg4[%add3A_56, %dma_wait3A_61] : memref<196608x128xf32, #tpu.memory_space<hbm>> -> memref<128x128xf32, #tpu.memory_space<hbm>>
    %dma_wait3A_63 = arith.constant 0 : i32
    %dma_wait3A_64 = tpu.memref_slice %arg4[%add3A_56, %dma_wait3A_63] : memref<196608x128xf32, #tpu.memory_space<hbm>> -> memref<128x128xf32, #tpu.memory_space<hbm>>
    tpu.wait_dma2 semaphore(%arg16 : memref<!tpu.dma_semaphore, #tpu.memory_space<semaphore_mem>>) src(%arg10 : memref<128x128xf32, #tpu.memory_space<vmem>>) dst(%dma_wait3A_64 : memref<128x128xf32, #tpu.memory_space<hbm>>)
    %add3A_65 = arith.constant 640 : i32
    %add3A_66 = arith.addi %mul3A_2, %add3A_65 : i32
    "tpu.region"() ({
      %run_scoped3A = tpu.sem_alloc : memref<!tpu.dma_semaphore, #tpu.memory_space<semaphore_mem>>
      %dma_start3A_865 = tpu.memref_slice %arg3[%add3A_66] : memref<196608xi32, #tpu.memory_space<hbm>> -> memref<128xi32, #tpu.memory_space<hbm>>
      %dma_start3A_866 = tpu.memref_slice %arg3[%add3A_66] : memref<196608xi32, #tpu.memory_space<hbm>> -> memref<128xi32, #tpu.memory_space<hbm>>
      tpu.enqueue_dma source(%dma_start3A_866 : memref<128xi32, #tpu.memory_space<hbm>>) target(%arg7 : memref<128xi32, #tpu.memory_space<vmem>>) target_semaphore(%run_scoped3A : memref<!tpu.dma_semaphore, #tpu.memory_space<semaphore_mem>>)
      %dma_wait3A_867 = tpu.memref_slice %arg3[%add3A_66] : memref<196608xi32, #tpu.memory_space<hbm>> -> memref<128xi32, #tpu.memory_space<hbm>>
      %dma_wait3A_868 = tpu.memref_slice %arg3[%add3A_66] : memref<196608xi32, #tpu.memory_space<hbm>> -> memref<128xi32, #tpu.memory_space<hbm>>
      tpu.wait_dma2 semaphore(%run_scoped3A : memref<!tpu.dma_semaphore, #tpu.memory_space<semaphore_mem>>) src(%dma_wait3A_868 : memref<128xi32, #tpu.memory_space<hbm>>) dst(%arg7 : memref<128xi32, #tpu.memory_space<vmem>>)
      tpu.yield
    }) : () -> ()
    %dma_start3A_67 = arith.constant 0 : i32
    %dma_start3A_68 = arith.constant 0 : i32
    %dma_start3A_69 = tpu.memref_slice %arg2[%dma_start3A_67, %dma_start3A_68] : memref<4096x128xf32, #tpu.memory_space<hbm>> -> memref<4096x128xf32, #tpu.memory_space<hbm>>
    tpu.enqueue_indirect_dma source(%dma_start3A_69 : memref<4096x128xf32, #tpu.memory_space<hbm>>) target(%arg10 : memref<128x128xf32, #tpu.memory_space<vmem>>) offsets(%arg7 : memref<128xi32, #tpu.memory_space<vmem>>) semaphore(%arg13 : memref<!tpu.dma_semaphore, #tpu.memory_space<semaphore_mem>>)
    %dma_wait3A_70 = arith.constant 0 : i32
    %dma_wait3A_71 = arith.constant 0 : i32
    %dma_wait3A_72 = tpu.memref_slice %arg2[%dma_wait3A_70, %dma_wait3A_71] : memref<4096x128xf32, #tpu.memory_space<hbm>> -> memref<4096x128xf32, #tpu.memory_space<hbm>>
    tpu.wait_indirect_dma semaphore(%arg11 : memref<!tpu.dma_semaphore, #tpu.memory_space<semaphore_mem>>) src(%dma_wait3A_72 : memref<4096x128xf32, #tpu.memory_space<hbm>>) dst(%arg8 : memref<128x128xf32, #tpu.memory_space<vmem>>)
    %add3A_73 = arith.constant 384 : i32
    %add3A_74 = arith.addi %mul3A_2, %add3A_73 : i32
    %dma_start3A_75 = arith.constant 0 : i32
    %dma_start3A_76 = tpu.memref_slice %arg4[%add3A_74, %dma_start3A_75] : memref<196608x128xf32, #tpu.memory_space<hbm>> -> memref<128x128xf32, #tpu.memory_space<hbm>>
    %dma_start3A_77 = arith.constant 0 : i32
    %dma_start3A_78 = tpu.memref_slice %arg4[%add3A_74, %dma_start3A_77] : memref<196608x128xf32, #tpu.memory_space<hbm>> -> memref<128x128xf32, #tpu.memory_space<hbm>>
    tpu.enqueue_dma source(%arg8 : memref<128x128xf32, #tpu.memory_space<vmem>>) target(%dma_start3A_78 : memref<128x128xf32, #tpu.memory_space<hbm>>) target_semaphore(%arg14 : memref<!tpu.dma_semaphore, #tpu.memory_space<semaphore_mem>>)
    %dma_wait3A_79 = arith.constant 0 : i32
    %dma_wait3A_80 = tpu.memref_slice %arg4[%add3A_74, %dma_wait3A_79] : memref<196608x128xf32, #tpu.memory_space<hbm>> -> memref<128x128xf32, #tpu.memory_space<hbm>>
    %dma_wait3A_81 = arith.constant 0 : i32
    %dma_wait3A_82 = tpu.memref_slice %arg4[%add3A_74, %dma_wait3A_81] : memref<196608x128xf32, #tpu.memory_space<hbm>> -> memref<128x128xf32, #tpu.memory_space<hbm>>
    tpu.wait_dma2 semaphore(%arg14 : memref<!tpu.dma_semaphore, #tpu.memory_space<semaphore_mem>>) src(%arg8 : memref<128x128xf32, #tpu.memory_space<vmem>>) dst(%dma_wait3A_82 : memref<128x128xf32, #tpu.memory_space<hbm>>)
    %add3A_83 = arith.constant 768 : i32
    %add3A_84 = arith.addi %mul3A_2, %add3A_83 : i32
    "tpu.region"() ({
      %run_scoped3A = tpu.sem_alloc : memref<!tpu.dma_semaphore, #tpu.memory_space<semaphore_mem>>
      %dma_start3A_865 = tpu.memref_slice %arg3[%add3A_84] : memref<196608xi32, #tpu.memory_space<hbm>> -> memref<128xi32, #tpu.memory_space<hbm>>
      %dma_start3A_866 = tpu.memref_slice %arg3[%add3A_84] : memref<196608xi32, #tpu.memory_space<hbm>> -> memref<128xi32, #tpu.memory_space<hbm>>
      tpu.enqueue_dma source(%dma_start3A_866 : memref<128xi32, #tpu.memory_space<hbm>>) target(%arg5 : memref<128xi32, #tpu.memory_space<vmem>>) target_semaphore(%run_scoped3A : memref<!tpu.dma_semaphore, #tpu.memory_space<semaphore_mem>>)
      %dma_wait3A_867 = tpu.memref_slice %arg3[%add3A_84] : memref<196608xi32, #tpu.memory_space<hbm>> -> memref<128xi32, #tpu.memory_space<hbm>>
      %dma_wait3A_868 = tpu.memref_slice %arg3[%add3A_84] : memref<196608xi32, #tpu.memory_space<hbm>> -> memref<128xi32, #tpu.memory_space<hbm>>
      tpu.wait_dma2 semaphore(%run_scoped3A : memref<!tpu.dma_semaphore, #tpu.memory_space<semaphore_mem>>) src(%dma_wait3A_868 : memref<128xi32, #tpu.memory_space<hbm>>) dst(%arg5 : memref<128xi32, #tpu.memory_space<vmem>>)
      tpu.yield
    }) : () -> ()
    %dma_start3A_85 = arith.constant 0 : i32
    %dma_start3A_86 = arith.constant 0 : i32
    %dma_start3A_87 = tpu.memref_slice %arg2[%dma_start3A_85, %dma_start3A_86] : memref<4096x128xf32, #tpu.memory_space<hbm>> -> memref<4096x128xf32, #tpu.memory_space<hbm>>
    tpu.enqueue_indirect_dma source(%dma_start3A_87 : memref<4096x128xf32, #tpu.memory_space<hbm>>) target(%arg8 : memref<128x128xf32, #tpu.memory_space<vmem>>) offsets(%arg5 : memref<128xi32, #tpu.memory_space<vmem>>) semaphore(%arg11 : memref<!tpu.dma_semaphore, #tpu.memory_space<semaphore_mem>>)
    %dma_wait3A_88 = arith.constant 0 : i32
    %dma_wait3A_89 = arith.constant 0 : i32
    %dma_wait3A_90 = tpu.memref_slice %arg2[%dma_wait3A_88, %dma_wait3A_89] : memref<4096x128xf32, #tpu.memory_space<hbm>> -> memref<4096x128xf32, #tpu.memory_space<hbm>>
    tpu.wait_indirect_dma semaphore(%arg12 : memref<!tpu.dma_semaphore, #tpu.memory_space<semaphore_mem>>) src(%dma_wait3A_90 : memref<4096x128xf32, #tpu.memory_space<hbm>>) dst(%arg9 : memref<128x128xf32, #tpu.memory_space<vmem>>)
    %add3A_91 = arith.constant 512 : i32
    %add3A_92 = arith.addi %mul3A_2, %add3A_91 : i32
    %dma_start3A_93 = arith.constant 0 : i32
    %dma_start3A_94 = tpu.memref_slice %arg4[%add3A_92, %dma_start3A_93] : memref<196608x128xf32, #tpu.memory_space<hbm>> -> memref<128x128xf32, #tpu.memory_space<hbm>>
    %dma_start3A_95 = arith.constant 0 : i32
    %dma_start3A_96 = tpu.memref_slice %arg4[%add3A_92, %dma_start3A_95] : memref<196608x128xf32, #tpu.memory_space<hbm>> -> memref<128x128xf32, #tpu.memory_space<hbm>>
    tpu.enqueue_dma source(%arg9 : memref<128x128xf32, #tpu.memory_space<vmem>>) target(%dma_start3A_96 : memref<128x128xf32, #tpu.memory_space<hbm>>) target_semaphore(%arg15 : memref<!tpu.dma_semaphore, #tpu.memory_space<semaphore_mem>>)
    %dma_wait3A_97 = arith.constant 0 : i32
    %dma_wait3A_98 = tpu.memref_slice %arg4[%add3A_92, %dma_wait3A_97] : memref<196608x128xf32, #tpu.memory_space<hbm>> -> memref<128x128xf32, #tpu.memory_space<hbm>>
    %dma_wait3A_99 = arith.constant 0 : i32
    %dma_wait3A_100 = tpu.memref_slice %arg4[%add3A_92, %dma_wait3A_99] : memref<196608x128xf32, #tpu.memory_space<hbm>> -> memref<128x128xf32, #tpu.memory_space<hbm>>
    tpu.wait_dma2 semaphore(%arg15 : memref<!tpu.dma_semaphore, #tpu.memory_space<semaphore_mem>>) src(%arg9 : memref<128x128xf32, #tpu.memory_space<vmem>>) dst(%dma_wait3A_100 : memref<128x128xf32, #tpu.memory_space<hbm>>)
    %add3A_101 = arith.constant 896 : i32
    %add3A_102 = arith.addi %mul3A_2, %add3A_101 : i32
    "tpu.region"() ({
      %run_scoped3A = tpu.sem_alloc : memref<!tpu.dma_semaphore, #tpu.memory_space<semaphore_mem>>
      %dma_start3A_865 = tpu.memref_slice %arg3[%add3A_102] : memref<196608xi32, #tpu.memory_space<hbm>> -> memref<128xi32, #tpu.memory_space<hbm>>
      %dma_start3A_866 = tpu.memref_slice %arg3[%add3A_102] : memref<196608xi32, #tpu.memory_space<hbm>> -> memref<128xi32, #tpu.memory_space<hbm>>
      tpu.enqueue_dma source(%dma_start3A_866 : memref<128xi32, #tpu.memory_space<hbm>>) target(%arg6 : memref<128xi32, #tpu.memory_space<vmem>>) target_semaphore(%run_scoped3A : memref<!tpu.dma_semaphore, #tpu.memory_space<semaphore_mem>>)
      %dma_wait3A_867 = tpu.memref_slice %arg3[%add3A_102] : memref<196608xi32, #tpu.memory_space<hbm>> -> memref<128xi32, #tpu.memory_space<hbm>>
      %dma_wait3A_868 = tpu.memref_slice %arg3[%add3A_102] : memref<196608xi32, #tpu.memory_space<hbm>> -> memref<128xi32, #tpu.memory_space<hbm>>
      tpu.wait_dma2 semaphore(%run_scoped3A : memref<!tpu.dma_semaphore, #tpu.memory_space<semaphore_mem>>) src(%dma_wait3A_868 : memref<128xi32, #tpu.memory_space<hbm>>) dst(%arg6 : memref<128xi32, #tpu.memory_space<vmem>>)
      tpu.yield
    }) : () -> ()
    %dma_start3A_103 = arith.constant 0 : i32
    %dma_start3A_104 = arith.constant 0 : i32
    %dma_start3A_105 = tpu.memref_slice %arg2[%dma_start3A_103, %dma_start3A_104] : memref<4096x128xf32, #tpu.memory_space<hbm>> -> memref<4096x128xf32, #tpu.memory_space<hbm>>
    tpu.enqueue_indirect_dma source(%dma_start3A_105 : memref<4096x128xf32, #tpu.memory_space<hbm>>) target(%arg9 : memref<128x128xf32, #tpu.memory_space<vmem>>) offsets(%arg6 : memref<128xi32, #tpu.memory_space<vmem>>) semaphore(%arg12 : memref<!tpu.dma_semaphore, #tpu.memory_space<semaphore_mem>>)
    %dma_wait3A_106 = arith.constant 0 : i32
    %dma_wait3A_107 = arith.constant 0 : i32
    %dma_wait3A_108 = tpu.memref_slice %arg2[%dma_wait3A_106, %dma_wait3A_107] : memref<4096x128xf32, #tpu.memory_space<hbm>> -> memref<4096x128xf32, #tpu.memory_space<hbm>>
    tpu.wait_indirect_dma semaphore(%arg13 : memref<!tpu.dma_semaphore, #tpu.memory_space<semaphore_mem>>) src(%dma_wait3A_108 : memref<4096x128xf32, #tpu.memory_space<hbm>>) dst(%arg10 : memref<128x128xf32, #tpu.memory_space<vmem>>)
    %add3A_109 = arith.constant 640 : i32
    %add3A_110 = arith.addi %mul3A_2, %add3A_109 : i32
    %dma_start3A_111 = arith.constant 0 : i32
    %dma_start3A_112 = tpu.memref_slice %arg4[%add3A_110, %dma_start3A_111] : memref<196608x128xf32, #tpu.memory_space<hbm>> -> memref<128x128xf32, #tpu.memory_space<hbm>>
    %dma_start3A_113 = arith.constant 0 : i32
    %dma_start3A_114 = tpu.memref_slice %arg4[%add3A_110, %dma_start3A_113] : memref<196608x128xf32, #tpu.memory_space<hbm>> -> memref<128x128xf32, #tpu.memory_space<hbm>>
    tpu.enqueue_dma source(%arg10 : memref<128x128xf32, #tpu.memory_space<vmem>>) target(%dma_start3A_114 : memref<128x128xf32, #tpu.memory_space<hbm>>) target_semaphore(%arg16 : memref<!tpu.dma_semaphore, #tpu.memory_space<semaphore_mem>>)
    %dma_wait3A_115 = arith.constant 0 : i32
    %dma_wait3A_116 = tpu.memref_slice %arg4[%add3A_110, %dma_wait3A_115] : memref<196608x128xf32, #tpu.memory_space<hbm>> -> memref<128x128xf32, #tpu.memory_space<hbm>>
    %dma_wait3A_117 = arith.constant 0 : i32
    %dma_wait3A_118 = tpu.memref_slice %arg4[%add3A_110, %dma_wait3A_117] : memref<196608x128xf32, #tpu.memory_space<hbm>> -> memref<128x128xf32, #tpu.memory_space<hbm>>
    tpu.wait_dma2 semaphore(%arg16 : memref<!tpu.dma_semaphore, #tpu.memory_space<semaphore_mem>>) src(%arg10 : memref<128x128xf32, #tpu.memory_space<vmem>>) dst(%dma_wait3A_118 : memref<128x128xf32, #tpu.memory_space<hbm>>)
    %add3A_119 = arith.constant 1024 : i32
    %add3A_120 = arith.addi %mul3A_2, %add3A_119 : i32
    "tpu.region"() ({
      %run_scoped3A = tpu.sem_alloc : memref<!tpu.dma_semaphore, #tpu.memory_space<semaphore_mem>>
      %dma_start3A_865 = tpu.memref_slice %arg3[%add3A_120] : memref<196608xi32, #tpu.memory_space<hbm>> -> memref<128xi32, #tpu.memory_space<hbm>>
      %dma_start3A_866 = tpu.memref_slice %arg3[%add3A_120] : memref<196608xi32, #tpu.memory_space<hbm>> -> memref<128xi32, #tpu.memory_space<hbm>>
      tpu.enqueue_dma source(%dma_start3A_866 : memref<128xi32, #tpu.memory_space<hbm>>) target(%arg7 : memref<128xi32, #tpu.memory_space<vmem>>) target_semaphore(%run_scoped3A : memref<!tpu.dma_semaphore, #tpu.memory_space<semaphore_mem>>)
      %dma_wait3A_867 = tpu.memref_slice %arg3[%add3A_120] : memref<196608xi32, #tpu.memory_space<hbm>> -> memref<128xi32, #tpu.memory_space<hbm>>
      %dma_wait3A_868 = tpu.memref_slice %arg3[%add3A_120] : memref<196608xi32, #tpu.memory_space<hbm>> -> memref<128xi32, #tpu.memory_space<hbm>>
      tpu.wait_dma2 semaphore(%run_scoped3A : memref<!tpu.dma_semaphore, #tpu.memory_space<semaphore_mem>>) src(%dma_wait3A_868 : memref<128xi32, #tpu.memory_space<hbm>>) dst(%arg7 : memref<128xi32, #tpu.memory_space<vmem>>)
      tpu.yield
    }) : () -> ()
    %dma_start3A_121 = arith.constant 0 : i32
    %dma_start3A_122 = arith.constant 0 : i32
    %dma_start3A_123 = tpu.memref_slice %arg2[%dma_start3A_121, %dma_start3A_122] : memref<4096x128xf32, #tpu.memory_space<hbm>> -> memref<4096x128xf32, #tpu.memory_space<hbm>>
    tpu.enqueue_indirect_dma source(%dma_start3A_123 : memref<4096x128xf32, #tpu.memory_space<hbm>>) target(%arg10 : memref<128x128xf32, #tpu.memory_space<vmem>>) offsets(%arg7 : memref<128xi32, #tpu.memory_space<vmem>>) semaphore(%arg13 : memref<!tpu.dma_semaphore, #tpu.memory_space<semaphore_mem>>)
    %dma_wait3A_124 = arith.constant 0 : i32
    %dma_wait3A_125 = arith.constant 0 : i32
    %dma_wait3A_126 = tpu.memref_slice %arg2[%dma_wait3A_124, %dma_wait3A_125] : memref<4096x128xf32, #tpu.memory_space<hbm>> -> memref<4096x128xf32, #tpu.memory_space<hbm>>
    tpu.wait_indirect_dma semaphore(%arg11 : memref<!tpu.dma_semaphore, #tpu.memory_space<semaphore_mem>>) src(%dma_wait3A_126 : memref<4096x128xf32, #tpu.memory_space<hbm>>) dst(%arg8 : memref<128x128xf32, #tpu.memory_space<vmem>>)
    %add3A_127 = arith.constant 768 : i32
    %add3A_128 = arith.addi %mul3A_2, %add3A_127 : i32
    %dma_start3A_129 = arith.constant 0 : i32
    %dma_start3A_130 = tpu.memref_slice %arg4[%add3A_128, %dma_start3A_129] : memref<196608x128xf32, #tpu.memory_space<hbm>> -> memref<128x128xf32, #tpu.memory_space<hbm>>
    %dma_start3A_131 = arith.constant 0 : i32
    %dma_start3A_132 = tpu.memref_slice %arg4[%add3A_128, %dma_start3A_131] : memref<196608x128xf32, #tpu.memory_space<hbm>> -> memref<128x128xf32, #tpu.memory_space<hbm>>
    tpu.enqueue_dma source(%arg8 : memref<128x128xf32, #tpu.memory_space<vmem>>) target(%dma_start3A_132 : memref<128x128xf32, #tpu.memory_space<hbm>>) target_semaphore(%arg14 : memref<!tpu.dma_semaphore, #tpu.memory_space<semaphore_mem>>)
    %dma_wait3A_133 = arith.constant 0 : i32
    %dma_wait3A_134 = tpu.memref_slice %arg4[%add3A_128, %dma_wait3A_133] : memref<196608x128xf32, #tpu.memory_space<hbm>> -> memref<128x128xf32, #tpu.memory_space<hbm>>
    %dma_wait3A_135 = arith.constant 0 : i32
    %dma_wait3A_136 = tpu.memref_slice %arg4[%add3A_128, %dma_wait3A_135] : memref<196608x128xf32, #tpu.memory_space<hbm>> -> memref<128x128xf32, #tpu.memory_space<hbm>>
    tpu.wait_dma2 semaphore(%arg14 : memref<!tpu.dma_semaphore, #tpu.memory_space<semaphore_mem>>) src(%arg8 : memref<128x128xf32, #tpu.memory_space<vmem>>) dst(%dma_wait3A_136 : memref<128x128xf32, #tpu.memory_space<hbm>>)
    %add3A_137 = arith.constant 1152 : i32
    %add3A_138 = arith.addi %mul3A_2, %add3A_137 : i32
    "tpu.region"() ({
      %run_scoped3A = tpu.sem_alloc : memref<!tpu.dma_semaphore, #tpu.memory_space<semaphore_mem>>
      %dma_start3A_865 = tpu.memref_slice %arg3[%add3A_138] : memref<196608xi32, #tpu.memory_space<hbm>> -> memref<128xi32, #tpu.memory_space<hbm>>
      %dma_start3A_866 = tpu.memref_slice %arg3[%add3A_138] : memref<196608xi32, #tpu.memory_space<hbm>> -> memref<128xi32, #tpu.memory_space<hbm>>
      tpu.enqueue_dma source(%dma_start3A_866 : memref<128xi32, #tpu.memory_space<hbm>>) target(%arg5 : memref<128xi32, #tpu.memory_space<vmem>>) target_semaphore(%run_scoped3A : memref<!tpu.dma_semaphore, #tpu.memory_space<semaphore_mem>>)
      %dma_wait3A_867 = tpu.memref_slice %arg3[%add3A_138] : memref<196608xi32, #tpu.memory_space<hbm>> -> memref<128xi32, #tpu.memory_space<hbm>>
      %dma_wait3A_868 = tpu.memref_slice %arg3[%add3A_138] : memref<196608xi32, #tpu.memory_space<hbm>> -> memref<128xi32, #tpu.memory_space<hbm>>
      tpu.wait_dma2 semaphore(%run_scoped3A : memref<!tpu.dma_semaphore, #tpu.memory_space<semaphore_mem>>) src(%dma_wait3A_868 : memref<128xi32, #tpu.memory_space<hbm>>) dst(%arg5 : memref<128xi32, #tpu.memory_space<vmem>>)
      tpu.yield
    }) : () -> ()
    %dma_start3A_139 = arith.constant 0 : i32
    %dma_start3A_140 = arith.constant 0 : i32
    %dma_start3A_141 = tpu.memref_slice %arg2[%dma_start3A_139, %dma_start3A_140] : memref<4096x128xf32, #tpu.memory_space<hbm>> -> memref<4096x128xf32, #tpu.memory_space<hbm>>
    tpu.enqueue_indirect_dma source(%dma_start3A_141 : memref<4096x128xf32, #tpu.memory_space<hbm>>) target(%arg8 : memref<128x128xf32, #tpu.memory_space<vmem>>) offsets(%arg5 : memref<128xi32, #tpu.memory_space<vmem>>) semaphore(%arg11 : memref<!tpu.dma_semaphore, #tpu.memory_space<semaphore_mem>>)
    %dma_wait3A_142 = arith.constant 0 : i32
    %dma_wait3A_143 = arith.constant 0 : i32
    %dma_wait3A_144 = tpu.memref_slice %arg2[%dma_wait3A_142, %dma_wait3A_143] : memref<4096x128xf32, #tpu.memory_space<hbm>> -> memref<4096x128xf32, #tpu.memory_space<hbm>>
    tpu.wait_indirect_dma semaphore(%arg12 : memref<!tpu.dma_semaphore, #tpu.memory_space<semaphore_mem>>) src(%dma_wait3A_144 : memref<4096x128xf32, #tpu.memory_space<hbm>>) dst(%arg9 : memref<128x128xf32, #tpu.memory_space<vmem>>)
    %add3A_145 = arith.constant 896 : i32
    %add3A_146 = arith.addi %mul3A_2, %add3A_145 : i32
    %dma_start3A_147 = arith.constant 0 : i32
    %dma_start3A_148 = tpu.memref_slice %arg4[%add3A_146, %dma_start3A_147] : memref<196608x128xf32, #tpu.memory_space<hbm>> -> memref<128x128xf32, #tpu.memory_space<hbm>>
    %dma_start3A_149 = arith.constant 0 : i32
    %dma_start3A_150 = tpu.memref_slice %arg4[%add3A_146, %dma_start3A_149] : memref<196608x128xf32, #tpu.memory_space<hbm>> -> memref<128x128xf32, #tpu.memory_space<hbm>>
    tpu.enqueue_dma source(%arg9 : memref<128x128xf32, #tpu.memory_space<vmem>>) target(%dma_start3A_150 : memref<128x128xf32, #tpu.memory_space<hbm>>) target_semaphore(%arg15 : memref<!tpu.dma_semaphore, #tpu.memory_space<semaphore_mem>>)
    %dma_wait3A_151 = arith.constant 0 : i32
    %dma_wait3A_152 = tpu.memref_slice %arg4[%add3A_146, %dma_wait3A_151] : memref<196608x128xf32, #tpu.memory_space<hbm>> -> memref<128x128xf32, #tpu.memory_space<hbm>>
    %dma_wait3A_153 = arith.constant 0 : i32
    %dma_wait3A_154 = tpu.memref_slice %arg4[%add3A_146, %dma_wait3A_153] : memref<196608x128xf32, #tpu.memory_space<hbm>> -> memref<128x128xf32, #tpu.memory_space<hbm>>
    tpu.wait_dma2 semaphore(%arg15 : memref<!tpu.dma_semaphore, #tpu.memory_space<semaphore_mem>>) src(%arg9 : memref<128x128xf32, #tpu.memory_space<vmem>>) dst(%dma_wait3A_154 : memref<128x128xf32, #tpu.memory_space<hbm>>)
    %add3A_155 = arith.constant 1280 : i32
    %add3A_156 = arith.addi %mul3A_2, %add3A_155 : i32
    "tpu.region"() ({
      %run_scoped3A = tpu.sem_alloc : memref<!tpu.dma_semaphore, #tpu.memory_space<semaphore_mem>>
      %dma_start3A_865 = tpu.memref_slice %arg3[%add3A_156] : memref<196608xi32, #tpu.memory_space<hbm>> -> memref<128xi32, #tpu.memory_space<hbm>>
      %dma_start3A_866 = tpu.memref_slice %arg3[%add3A_156] : memref<196608xi32, #tpu.memory_space<hbm>> -> memref<128xi32, #tpu.memory_space<hbm>>
      tpu.enqueue_dma source(%dma_start3A_866 : memref<128xi32, #tpu.memory_space<hbm>>) target(%arg6 : memref<128xi32, #tpu.memory_space<vmem>>) target_semaphore(%run_scoped3A : memref<!tpu.dma_semaphore, #tpu.memory_space<semaphore_mem>>)
      %dma_wait3A_867 = tpu.memref_slice %arg3[%add3A_156] : memref<196608xi32, #tpu.memory_space<hbm>> -> memref<128xi32, #tpu.memory_space<hbm>>
      %dma_wait3A_868 = tpu.memref_slice %arg3[%add3A_156] : memref<196608xi32, #tpu.memory_space<hbm>> -> memref<128xi32, #tpu.memory_space<hbm>>
      tpu.wait_dma2 semaphore(%run_scoped3A : memref<!tpu.dma_semaphore, #tpu.memory_space<semaphore_mem>>) src(%dma_wait3A_868 : memref<128xi32, #tpu.memory_space<hbm>>) dst(%arg6 : memref<128xi32, #tpu.memory_space<vmem>>)
      tpu.yield
    }) : () -> ()
    %dma_start3A_157 = arith.constant 0 : i32
    %dma_start3A_158 = arith.constant 0 : i32
    %dma_start3A_159 = tpu.memref_slice %arg2[%dma_start3A_157, %dma_start3A_158] : memref<4096x128xf32, #tpu.memory_space<hbm>> -> memref<4096x128xf32, #tpu.memory_space<hbm>>
    tpu.enqueue_indirect_dma source(%dma_start3A_159 : memref<4096x128xf32, #tpu.memory_space<hbm>>) target(%arg9 : memref<128x128xf32, #tpu.memory_space<vmem>>) offsets(%arg6 : memref<128xi32, #tpu.memory_space<vmem>>) semaphore(%arg12 : memref<!tpu.dma_semaphore, #tpu.memory_space<semaphore_mem>>)
    %dma_wait3A_160 = arith.constant 0 : i32
    %dma_wait3A_161 = arith.constant 0 : i32
    %dma_wait3A_162 = tpu.memref_slice %arg2[%dma_wait3A_160, %dma_wait3A_161] : memref<4096x128xf32, #tpu.memory_space<hbm>> -> memref<4096x128xf32, #tpu.memory_space<hbm>>
    tpu.wait_indirect_dma semaphore(%arg13 : memref<!tpu.dma_semaphore, #tpu.memory_space<semaphore_mem>>) src(%dma_wait3A_162 : memref<4096x128xf32, #tpu.memory_space<hbm>>) dst(%arg10 : memref<128x128xf32, #tpu.memory_space<vmem>>)
    %add3A_163 = arith.constant 1024 : i32
    %add3A_164 = arith.addi %mul3A_2, %add3A_163 : i32
    %dma_start3A_165 = arith.constant 0 : i32
    %dma_start3A_166 = tpu.memref_slice %arg4[%add3A_164, %dma_start3A_165] : memref<196608x128xf32, #tpu.memory_space<hbm>> -> memref<128x128xf32, #tpu.memory_space<hbm>>
    %dma_start3A_167 = arith.constant 0 : i32
    %dma_start3A_168 = tpu.memref_slice %arg4[%add3A_164, %dma_start3A_167] : memref<196608x128xf32, #tpu.memory_space<hbm>> -> memref<128x128xf32, #tpu.memory_space<hbm>>
    tpu.enqueue_dma source(%arg10 : memref<128x128xf32, #tpu.memory_space<vmem>>) target(%dma_start3A_168 : memref<128x128xf32, #tpu.memory_space<hbm>>) target_semaphore(%arg16 : memref<!tpu.dma_semaphore, #tpu.memory_space<semaphore_mem>>)
    %dma_wait3A_169 = arith.constant 0 : i32
    %dma_wait3A_170 = tpu.memref_slice %arg4[%add3A_164, %dma_wait3A_169] : memref<196608x128xf32, #tpu.memory_space<hbm>> -> memref<128x128xf32, #tpu.memory_space<hbm>>
    %dma_wait3A_171 = arith.constant 0 : i32
    %dma_wait3A_172 = tpu.memref_slice %arg4[%add3A_164, %dma_wait3A_171] : memref<196608x128xf32, #tpu.memory_space<hbm>> -> memref<128x128xf32, #tpu.memory_space<hbm>>
    tpu.wait_dma2 semaphore(%arg16 : memref<!tpu.dma_semaphore, #tpu.memory_space<semaphore_mem>>) src(%arg10 : memref<128x128xf32, #tpu.memory_space<vmem>>) dst(%dma_wait3A_172 : memref<128x128xf32, #tpu.memory_space<hbm>>)
    %add3A_173 = arith.constant 1408 : i32
    %add3A_174 = arith.addi %mul3A_2, %add3A_173 : i32
    "tpu.region"() ({
      %run_scoped3A = tpu.sem_alloc : memref<!tpu.dma_semaphore, #tpu.memory_space<semaphore_mem>>
      %dma_start3A_865 = tpu.memref_slice %arg3[%add3A_174] : memref<196608xi32, #tpu.memory_space<hbm>> -> memref<128xi32, #tpu.memory_space<hbm>>
      %dma_start3A_866 = tpu.memref_slice %arg3[%add3A_174] : memref<196608xi32, #tpu.memory_space<hbm>> -> memref<128xi32, #tpu.memory_space<hbm>>
      tpu.enqueue_dma source(%dma_start3A_866 : memref<128xi32, #tpu.memory_space<hbm>>) target(%arg7 : memref<128xi32, #tpu.memory_space<vmem>>) target_semaphore(%run_scoped3A : memref<!tpu.dma_semaphore, #tpu.memory_space<semaphore_mem>>)
      %dma_wait3A_867 = tpu.memref_slice %arg3[%add3A_174] : memref<196608xi32, #tpu.memory_space<hbm>> -> memref<128xi32, #tpu.memory_space<hbm>>
      %dma_wait3A_868 = tpu.memref_slice %arg3[%add3A_174] : memref<196608xi32, #tpu.memory_space<hbm>> -> memref<128xi32, #tpu.memory_space<hbm>>
      tpu.wait_dma2 semaphore(%run_scoped3A : memref<!tpu.dma_semaphore, #tpu.memory_space<semaphore_mem>>) src(%dma_wait3A_868 : memref<128xi32, #tpu.memory_space<hbm>>) dst(%arg7 : memref<128xi32, #tpu.memory_space<vmem>>)
      tpu.yield
    }) : () -> ()
    %dma_start3A_175 = arith.constant 0 : i32
    %dma_start3A_176 = arith.constant 0 : i32
    %dma_start3A_177 = tpu.memref_slice %arg2[%dma_start3A_175, %dma_start3A_176] : memref<4096x128xf32, #tpu.memory_space<hbm>> -> memref<4096x128xf32, #tpu.memory_space<hbm>>
    tpu.enqueue_indirect_dma source(%dma_start3A_177 : memref<4096x128xf32, #tpu.memory_space<hbm>>) target(%arg10 : memref<128x128xf32, #tpu.memory_space<vmem>>) offsets(%arg7 : memref<128xi32, #tpu.memory_space<vmem>>) semaphore(%arg13 : memref<!tpu.dma_semaphore, #tpu.memory_space<semaphore_mem>>)
    %dma_wait3A_178 = arith.constant 0 : i32
    %dma_wait3A_179 = arith.constant 0 : i32
    %dma_wait3A_180 = tpu.memref_slice %arg2[%dma_wait3A_178, %dma_wait3A_179] : memref<4096x128xf32, #tpu.memory_space<hbm>> -> memref<4096x128xf32, #tpu.memory_space<hbm>>
    tpu.wait_indirect_dma semaphore(%arg11 : memref<!tpu.dma_semaphore, #tpu.memory_space<semaphore_mem>>) src(%dma_wait3A_180 : memref<4096x128xf32, #tpu.memory_space<hbm>>) dst(%arg8 : memref<128x128xf32, #tpu.memory_space<vmem>>)
    %add3A_181 = arith.constant 1152 : i32
    %add3A_182 = arith.addi %mul3A_2, %add3A_181 : i32
    %dma_start3A_183 = arith.constant 0 : i32
    %dma_start3A_184 = tpu.memref_slice %arg4[%add3A_182, %dma_start3A_183] : memref<196608x128xf32, #tpu.memory_space<hbm>> -> memref<128x128xf32, #tpu.memory_space<hbm>>
    %dma_start3A_185 = arith.constant 0 : i32
    %dma_start3A_186 = tpu.memref_slice %arg4[%add3A_182, %dma_start3A_185] : memref<196608x128xf32, #tpu.memory_space<hbm>> -> memref<128x128xf32, #tpu.memory_space<hbm>>
    tpu.enqueue_dma source(%arg8 : memref<128x128xf32, #tpu.memory_space<vmem>>) target(%dma_start3A_186 : memref<128x128xf32, #tpu.memory_space<hbm>>) target_semaphore(%arg14 : memref<!tpu.dma_semaphore, #tpu.memory_space<semaphore_mem>>)
    %dma_wait3A_187 = arith.constant 0 : i32
    %dma_wait3A_188 = tpu.memref_slice %arg4[%add3A_182, %dma_wait3A_187] : memref<196608x128xf32, #tpu.memory_space<hbm>> -> memref<128x128xf32, #tpu.memory_space<hbm>>
    %dma_wait3A_189 = arith.constant 0 : i32
    %dma_wait3A_190 = tpu.memref_slice %arg4[%add3A_182, %dma_wait3A_189] : memref<196608x128xf32, #tpu.memory_space<hbm>> -> memref<128x128xf32, #tpu.memory_space<hbm>>
    tpu.wait_dma2 semaphore(%arg14 : memref<!tpu.dma_semaphore, #tpu.memory_space<semaphore_mem>>) src(%arg8 : memref<128x128xf32, #tpu.memory_space<vmem>>) dst(%dma_wait3A_190 : memref<128x128xf32, #tpu.memory_space<hbm>>)
    %add3A_191 = arith.constant 1536 : i32
    %add3A_192 = arith.addi %mul3A_2, %add3A_191 : i32
    "tpu.region"() ({
      %run_scoped3A = tpu.sem_alloc : memref<!tpu.dma_semaphore, #tpu.memory_space<semaphore_mem>>
      %dma_start3A_865 = tpu.memref_slice %arg3[%add3A_192] : memref<196608xi32, #tpu.memory_space<hbm>> -> memref<128xi32, #tpu.memory_space<hbm>>
      %dma_start3A_866 = tpu.memref_slice %arg3[%add3A_192] : memref<196608xi32, #tpu.memory_space<hbm>> -> memref<128xi32, #tpu.memory_space<hbm>>
      tpu.enqueue_dma source(%dma_start3A_866 : memref<128xi32, #tpu.memory_space<hbm>>) target(%arg5 : memref<128xi32, #tpu.memory_space<vmem>>) target_semaphore(%run_scoped3A : memref<!tpu.dma_semaphore, #tpu.memory_space<semaphore_mem>>)
      %dma_wait3A_867 = tpu.memref_slice %arg3[%add3A_192] : memref<196608xi32, #tpu.memory_space<hbm>> -> memref<128xi32, #tpu.memory_space<hbm>>
      %dma_wait3A_868 = tpu.memref_slice %arg3[%add3A_192] : memref<196608xi32, #tpu.memory_space<hbm>> -> memref<128xi32, #tpu.memory_space<hbm>>
      tpu.wait_dma2 semaphore(%run_scoped3A : memref<!tpu.dma_semaphore, #tpu.memory_space<semaphore_mem>>) src(%dma_wait3A_868 : memref<128xi32, #tpu.memory_space<hbm>>) dst(%arg5 : memref<128xi32, #tpu.memory_space<vmem>>)
      tpu.yield
    }) : () -> ()
    %dma_start3A_193 = arith.constant 0 : i32
    %dma_start3A_194 = arith.constant 0 : i32
    %dma_start3A_195 = tpu.memref_slice %arg2[%dma_start3A_193, %dma_start3A_194] : memref<4096x128xf32, #tpu.memory_space<hbm>> -> memref<4096x128xf32, #tpu.memory_space<hbm>>
    tpu.enqueue_indirect_dma source(%dma_start3A_195 : memref<4096x128xf32, #tpu.memory_space<hbm>>) target(%arg8 : memref<128x128xf32, #tpu.memory_space<vmem>>) offsets(%arg5 : memref<128xi32, #tpu.memory_space<vmem>>) semaphore(%arg11 : memref<!tpu.dma_semaphore, #tpu.memory_space<semaphore_mem>>)
    %dma_wait3A_196 = arith.constant 0 : i32
    %dma_wait3A_197 = arith.constant 0 : i32
    %dma_wait3A_198 = tpu.memref_slice %arg2[%dma_wait3A_196, %dma_wait3A_197] : memref<4096x128xf32, #tpu.memory_space<hbm>> -> memref<4096x128xf32, #tpu.memory_space<hbm>>
    tpu.wait_indirect_dma semaphore(%arg12 : memref<!tpu.dma_semaphore, #tpu.memory_space<semaphore_mem>>) src(%dma_wait3A_198 : memref<4096x128xf32, #tpu.memory_space<hbm>>) dst(%arg9 : memref<128x128xf32, #tpu.memory_space<vmem>>)
    %add3A_199 = arith.constant 1280 : i32
    %add3A_200 = arith.addi %mul3A_2, %add3A_199 : i32
    %dma_start3A_201 = arith.constant 0 : i32
    %dma_start3A_202 = tpu.memref_slice %arg4[%add3A_200, %dma_start3A_201] : memref<196608x128xf32, #tpu.memory_space<hbm>> -> memref<128x128xf32, #tpu.memory_space<hbm>>
    %dma_start3A_203 = arith.constant 0 : i32
    %dma_start3A_204 = tpu.memref_slice %arg4[%add3A_200, %dma_start3A_203] : memref<196608x128xf32, #tpu.memory_space<hbm>> -> memref<128x128xf32, #tpu.memory_space<hbm>>
    tpu.enqueue_dma source(%arg9 : memref<128x128xf32, #tpu.memory_space<vmem>>) target(%dma_start3A_204 : memref<128x128xf32, #tpu.memory_space<hbm>>) target_semaphore(%arg15 : memref<!tpu.dma_semaphore, #tpu.memory_space<semaphore_mem>>)
    %dma_wait3A_205 = arith.constant 0 : i32
    %dma_wait3A_206 = tpu.memref_slice %arg4[%add3A_200, %dma_wait3A_205] : memref<196608x128xf32, #tpu.memory_space<hbm>> -> memref<128x128xf32, #tpu.memory_space<hbm>>
    %dma_wait3A_207 = arith.constant 0 : i32
    %dma_wait3A_208 = tpu.memref_slice %arg4[%add3A_200, %dma_wait3A_207] : memref<196608x128xf32, #tpu.memory_space<hbm>> -> memref<128x128xf32, #tpu.memory_space<hbm>>
    tpu.wait_dma2 semaphore(%arg15 : memref<!tpu.dma_semaphore, #tpu.memory_space<semaphore_mem>>) src(%arg9 : memref<128x128xf32, #tpu.memory_space<vmem>>) dst(%dma_wait3A_208 : memref<128x128xf32, #tpu.memory_space<hbm>>)
    %add3A_209 = arith.constant 1664 : i32
    %add3A_210 = arith.addi %mul3A_2, %add3A_209 : i32
    "tpu.region"() ({
      %run_scoped3A = tpu.sem_alloc : memref<!tpu.dma_semaphore, #tpu.memory_space<semaphore_mem>>
      %dma_start3A_865 = tpu.memref_slice %arg3[%add3A_210] : memref<196608xi32, #tpu.memory_space<hbm>> -> memref<128xi32, #tpu.memory_space<hbm>>
      %dma_start3A_866 = tpu.memref_slice %arg3[%add3A_210] : memref<196608xi32, #tpu.memory_space<hbm>> -> memref<128xi32, #tpu.memory_space<hbm>>
      tpu.enqueue_dma source(%dma_start3A_866 : memref<128xi32, #tpu.memory_space<hbm>>) target(%arg6 : memref<128xi32, #tpu.memory_space<vmem>>) target_semaphore(%run_scoped3A : memref<!tpu.dma_semaphore, #tpu.memory_space<semaphore_mem>>)
      %dma_wait3A_867 = tpu.memref_slice %arg3[%add3A_210] : memref<196608xi32, #tpu.memory_space<hbm>> -> memref<128xi32, #tpu.memory_space<hbm>>
      %dma_wait3A_868 = tpu.memref_slice %arg3[%add3A_210] : memref<196608xi32, #tpu.memory_space<hbm>> -> memref<128xi32, #tpu.memory_space<hbm>>
      tpu.wait_dma2 semaphore(%run_scoped3A : memref<!tpu.dma_semaphore, #tpu.memory_space<semaphore_mem>>) src(%dma_wait3A_868 : memref<128xi32, #tpu.memory_space<hbm>>) dst(%arg6 : memref<128xi32, #tpu.memory_space<vmem>>)
      tpu.yield
    }) : () -> ()
    %dma_start3A_211 = arith.constant 0 : i32
    %dma_start3A_212 = arith.constant 0 : i32
    %dma_start3A_213 = tpu.memref_slice %arg2[%dma_start3A_211, %dma_start3A_212] : memref<4096x128xf32, #tpu.memory_space<hbm>> -> memref<4096x128xf32, #tpu.memory_space<hbm>>
    tpu.enqueue_indirect_dma source(%dma_start3A_213 : memref<4096x128xf32, #tpu.memory_space<hbm>>) target(%arg9 : memref<128x128xf32, #tpu.memory_space<vmem>>) offsets(%arg6 : memref<128xi32, #tpu.memory_space<vmem>>) semaphore(%arg12 : memref<!tpu.dma_semaphore, #tpu.memory_space<semaphore_mem>>)
    %dma_wait3A_214 = arith.constant 0 : i32
    %dma_wait3A_215 = arith.constant 0 : i32
    %dma_wait3A_216 = tpu.memref_slice %arg2[%dma_wait3A_214, %dma_wait3A_215] : memref<4096x128xf32, #tpu.memory_space<hbm>> -> memref<4096x128xf32, #tpu.memory_space<hbm>>
    tpu.wait_indirect_dma semaphore(%arg13 : memref<!tpu.dma_semaphore, #tpu.memory_space<semaphore_mem>>) src(%dma_wait3A_216 : memref<4096x128xf32, #tpu.memory_space<hbm>>) dst(%arg10 : memref<128x128xf32, #tpu.memory_space<vmem>>)
    %add3A_217 = arith.constant 1408 : i32
    %add3A_218 = arith.addi %mul3A_2, %add3A_217 : i32
    %dma_start3A_219 = arith.constant 0 : i32
    %dma_start3A_220 = tpu.memref_slice %arg4[%add3A_218, %dma_start3A_219] : memref<196608x128xf32, #tpu.memory_space<hbm>> -> memref<128x128xf32, #tpu.memory_space<hbm>>
    %dma_start3A_221 = arith.constant 0 : i32
    %dma_start3A_222 = tpu.memref_slice %arg4[%add3A_218, %dma_start3A_221] : memref<196608x128xf32, #tpu.memory_space<hbm>> -> memref<128x128xf32, #tpu.memory_space<hbm>>
    tpu.enqueue_dma source(%arg10 : memref<128x128xf32, #tpu.memory_space<vmem>>) target(%dma_start3A_222 : memref<128x128xf32, #tpu.memory_space<hbm>>) target_semaphore(%arg16 : memref<!tpu.dma_semaphore, #tpu.memory_space<semaphore_mem>>)
    %dma_wait3A_223 = arith.constant 0 : i32
    %dma_wait3A_224 = tpu.memref_slice %arg4[%add3A_218, %dma_wait3A_223] : memref<196608x128xf32, #tpu.memory_space<hbm>> -> memref<128x128xf32, #tpu.memory_space<hbm>>
    %dma_wait3A_225 = arith.constant 0 : i32
    %dma_wait3A_226 = tpu.memref_slice %arg4[%add3A_218, %dma_wait3A_225] : memref<196608x128xf32, #tpu.memory_space<hbm>> -> memref<128x128xf32, #tpu.memory_space<hbm>>
    tpu.wait_dma2 semaphore(%arg16 : memref<!tpu.dma_semaphore, #tpu.memory_space<semaphore_mem>>) src(%arg10 : memref<128x128xf32, #tpu.memory_space<vmem>>) dst(%dma_wait3A_226 : memref<128x128xf32, #tpu.memory_space<hbm>>)
    %add3A_227 = arith.constant 1792 : i32
    %add3A_228 = arith.addi %mul3A_2, %add3A_227 : i32
    "tpu.region"() ({
      %run_scoped3A = tpu.sem_alloc : memref<!tpu.dma_semaphore, #tpu.memory_space<semaphore_mem>>
      %dma_start3A_865 = tpu.memref_slice %arg3[%add3A_228] : memref<196608xi32, #tpu.memory_space<hbm>> -> memref<128xi32, #tpu.memory_space<hbm>>
      %dma_start3A_866 = tpu.memref_slice %arg3[%add3A_228] : memref<196608xi32, #tpu.memory_space<hbm>> -> memref<128xi32, #tpu.memory_space<hbm>>
      tpu.enqueue_dma source(%dma_start3A_866 : memref<128xi32, #tpu.memory_space<hbm>>) target(%arg7 : memref<128xi32, #tpu.memory_space<vmem>>) target_semaphore(%run_scoped3A : memref<!tpu.dma_semaphore, #tpu.memory_space<semaphore_mem>>)
      %dma_wait3A_867 = tpu.memref_slice %arg3[%add3A_228] : memref<196608xi32, #tpu.memory_space<hbm>> -> memref<128xi32, #tpu.memory_space<hbm>>
      %dma_wait3A_868 = tpu.memref_slice %arg3[%add3A_228] : memref<196608xi32, #tpu.memory_space<hbm>> -> memref<128xi32, #tpu.memory_space<hbm>>
      tpu.wait_dma2 semaphore(%run_scoped3A : memref<!tpu.dma_semaphore, #tpu.memory_space<semaphore_mem>>) src(%dma_wait3A_868 : memref<128xi32, #tpu.memory_space<hbm>>) dst(%arg7 : memref<128xi32, #tpu.memory_space<vmem>>)
      tpu.yield
    }) : () -> ()
    %dma_start3A_229 = arith.constant 0 : i32
    %dma_start3A_230 = arith.constant 0 : i32
    %dma_start3A_231 = tpu.memref_slice %arg2[%dma_start3A_229, %dma_start3A_230] : memref<4096x128xf32, #tpu.memory_space<hbm>> -> memref<4096x128xf32, #tpu.memory_space<hbm>>
    tpu.enqueue_indirect_dma source(%dma_start3A_231 : memref<4096x128xf32, #tpu.memory_space<hbm>>) target(%arg10 : memref<128x128xf32, #tpu.memory_space<vmem>>) offsets(%arg7 : memref<128xi32, #tpu.memory_space<vmem>>) semaphore(%arg13 : memref<!tpu.dma_semaphore, #tpu.memory_space<semaphore_mem>>)
    %dma_wait3A_232 = arith.constant 0 : i32
    %dma_wait3A_233 = arith.constant 0 : i32
    %dma_wait3A_234 = tpu.memref_slice %arg2[%dma_wait3A_232, %dma_wait3A_233] : memref<4096x128xf32, #tpu.memory_space<hbm>> -> memref<4096x128xf32, #tpu.memory_space<hbm>>
    tpu.wait_indirect_dma semaphore(%arg11 : memref<!tpu.dma_semaphore, #tpu.memory_space<semaphore_mem>>) src(%dma_wait3A_234 : memref<4096x128xf32, #tpu.memory_space<hbm>>) dst(%arg8 : memref<128x128xf32, #tpu.memory_space<vmem>>)
    %add3A_235 = arith.constant 1536 : i32
    %add3A_236 = arith.addi %mul3A_2, %add3A_235 : i32
    %dma_start3A_237 = arith.constant 0 : i32
    %dma_start3A_238 = tpu.memref_slice %arg4[%add3A_236, %dma_start3A_237] : memref<196608x128xf32, #tpu.memory_space<hbm>> -> memref<128x128xf32, #tpu.memory_space<hbm>>
    %dma_start3A_239 = arith.constant 0 : i32
    %dma_start3A_240 = tpu.memref_slice %arg4[%add3A_236, %dma_start3A_239] : memref<196608x128xf32, #tpu.memory_space<hbm>> -> memref<128x128xf32, #tpu.memory_space<hbm>>
    tpu.enqueue_dma source(%arg8 : memref<128x128xf32, #tpu.memory_space<vmem>>) target(%dma_start3A_240 : memref<128x128xf32, #tpu.memory_space<hbm>>) target_semaphore(%arg14 : memref<!tpu.dma_semaphore, #tpu.memory_space<semaphore_mem>>)
    %dma_wait3A_241 = arith.constant 0 : i32
    %dma_wait3A_242 = tpu.memref_slice %arg4[%add3A_236, %dma_wait3A_241] : memref<196608x128xf32, #tpu.memory_space<hbm>> -> memref<128x128xf32, #tpu.memory_space<hbm>>
    %dma_wait3A_243 = arith.constant 0 : i32
    %dma_wait3A_244 = tpu.memref_slice %arg4[%add3A_236, %dma_wait3A_243] : memref<196608x128xf32, #tpu.memory_space<hbm>> -> memref<128x128xf32, #tpu.memory_space<hbm>>
    tpu.wait_dma2 semaphore(%arg14 : memref<!tpu.dma_semaphore, #tpu.memory_space<semaphore_mem>>) src(%arg8 : memref<128x128xf32, #tpu.memory_space<vmem>>) dst(%dma_wait3A_244 : memref<128x128xf32, #tpu.memory_space<hbm>>)
    %add3A_245 = arith.constant 1920 : i32
    %add3A_246 = arith.addi %mul3A_2, %add3A_245 : i32
    "tpu.region"() ({
      %run_scoped3A = tpu.sem_alloc : memref<!tpu.dma_semaphore, #tpu.memory_space<semaphore_mem>>
      %dma_start3A_865 = tpu.memref_slice %arg3[%add3A_246] : memref<196608xi32, #tpu.memory_space<hbm>> -> memref<128xi32, #tpu.memory_space<hbm>>
      %dma_start3A_866 = tpu.memref_slice %arg3[%add3A_246] : memref<196608xi32, #tpu.memory_space<hbm>> -> memref<128xi32, #tpu.memory_space<hbm>>
      tpu.enqueue_dma source(%dma_start3A_866 : memref<128xi32, #tpu.memory_space<hbm>>) target(%arg5 : memref<128xi32, #tpu.memory_space<vmem>>) target_semaphore(%run_scoped3A : memref<!tpu.dma_semaphore, #tpu.memory_space<semaphore_mem>>)
      %dma_wait3A_867 = tpu.memref_slice %arg3[%add3A_246] : memref<196608xi32, #tpu.memory_space<hbm>> -> memref<128xi32, #tpu.memory_space<hbm>>
      %dma_wait3A_868 = tpu.memref_slice %arg3[%add3A_246] : memref<196608xi32, #tpu.memory_space<hbm>> -> memref<128xi32, #tpu.memory_space<hbm>>
      tpu.wait_dma2 semaphore(%run_scoped3A : memref<!tpu.dma_semaphore, #tpu.memory_space<semaphore_mem>>) src(%dma_wait3A_868 : memref<128xi32, #tpu.memory_space<hbm>>) dst(%arg5 : memref<128xi32, #tpu.memory_space<vmem>>)
      tpu.yield
    }) : () -> ()
    %dma_start3A_247 = arith.constant 0 : i32
    %dma_start3A_248 = arith.constant 0 : i32
    %dma_start3A_249 = tpu.memref_slice %arg2[%dma_start3A_247, %dma_start3A_248] : memref<4096x128xf32, #tpu.memory_space<hbm>> -> memref<4096x128xf32, #tpu.memory_space<hbm>>
    tpu.enqueue_indirect_dma source(%dma_start3A_249 : memref<4096x128xf32, #tpu.memory_space<hbm>>) target(%arg8 : memref<128x128xf32, #tpu.memory_space<vmem>>) offsets(%arg5 : memref<128xi32, #tpu.memory_space<vmem>>) semaphore(%arg11 : memref<!tpu.dma_semaphore, #tpu.memory_space<semaphore_mem>>)
    %dma_wait3A_250 = arith.constant 0 : i32
    %dma_wait3A_251 = arith.constant 0 : i32
    %dma_wait3A_252 = tpu.memref_slice %arg2[%dma_wait3A_250, %dma_wait3A_251] : memref<4096x128xf32, #tpu.memory_space<hbm>> -> memref<4096x128xf32, #tpu.memory_space<hbm>>
    tpu.wait_indirect_dma semaphore(%arg12 : memref<!tpu.dma_semaphore, #tpu.memory_space<semaphore_mem>>) src(%dma_wait3A_252 : memref<4096x128xf32, #tpu.memory_space<hbm>>) dst(%arg9 : memref<128x128xf32, #tpu.memory_space<vmem>>)
    %add3A_253 = arith.constant 1664 : i32
    %add3A_254 = arith.addi %mul3A_2, %add3A_253 : i32
    %dma_start3A_255 = arith.constant 0 : i32
    %dma_start3A_256 = tpu.memref_slice %arg4[%add3A_254, %dma_start3A_255] : memref<196608x128xf32, #tpu.memory_space<hbm>> -> memref<128x128xf32, #tpu.memory_space<hbm>>
    %dma_start3A_257 = arith.constant 0 : i32
    %dma_start3A_258 = tpu.memref_slice %arg4[%add3A_254, %dma_start3A_257] : memref<196608x128xf32, #tpu.memory_space<hbm>> -> memref<128x128xf32, #tpu.memory_space<hbm>>
    tpu.enqueue_dma source(%arg9 : memref<128x128xf32, #tpu.memory_space<vmem>>) target(%dma_start3A_258 : memref<128x128xf32, #tpu.memory_space<hbm>>) target_semaphore(%arg15 : memref<!tpu.dma_semaphore, #tpu.memory_space<semaphore_mem>>)
    %dma_wait3A_259 = arith.constant 0 : i32
    %dma_wait3A_260 = tpu.memref_slice %arg4[%add3A_254, %dma_wait3A_259] : memref<196608x128xf32, #tpu.memory_space<hbm>> -> memref<128x128xf32, #tpu.memory_space<hbm>>
    %dma_wait3A_261 = arith.constant 0 : i32
    %dma_wait3A_262 = tpu.memref_slice %arg4[%add3A_254, %dma_wait3A_261] : memref<196608x128xf32, #tpu.memory_space<hbm>> -> memref<128x128xf32, #tpu.memory_space<hbm>>
    tpu.wait_dma2 semaphore(%arg15 : memref<!tpu.dma_semaphore, #tpu.memory_space<semaphore_mem>>) src(%arg9 : memref<128x128xf32, #tpu.memory_space<vmem>>) dst(%dma_wait3A_262 : memref<128x128xf32, #tpu.memory_space<hbm>>)
    %add3A_263 = arith.constant 2048 : i32
    %add3A_264 = arith.addi %mul3A_2, %add3A_263 : i32
    "tpu.region"() ({
      %run_scoped3A = tpu.sem_alloc : memref<!tpu.dma_semaphore, #tpu.memory_space<semaphore_mem>>
      %dma_start3A_865 = tpu.memref_slice %arg3[%add3A_264] : memref<196608xi32, #tpu.memory_space<hbm>> -> memref<128xi32, #tpu.memory_space<hbm>>
      %dma_start3A_866 = tpu.memref_slice %arg3[%add3A_264] : memref<196608xi32, #tpu.memory_space<hbm>> -> memref<128xi32, #tpu.memory_space<hbm>>
      tpu.enqueue_dma source(%dma_start3A_866 : memref<128xi32, #tpu.memory_space<hbm>>) target(%arg6 : memref<128xi32, #tpu.memory_space<vmem>>) target_semaphore(%run_scoped3A : memref<!tpu.dma_semaphore, #tpu.memory_space<semaphore_mem>>)
      %dma_wait3A_867 = tpu.memref_slice %arg3[%add3A_264] : memref<196608xi32, #tpu.memory_space<hbm>> -> memref<128xi32, #tpu.memory_space<hbm>>
      %dma_wait3A_868 = tpu.memref_slice %arg3[%add3A_264] : memref<196608xi32, #tpu.memory_space<hbm>> -> memref<128xi32, #tpu.memory_space<hbm>>
      tpu.wait_dma2 semaphore(%run_scoped3A : memref<!tpu.dma_semaphore, #tpu.memory_space<semaphore_mem>>) src(%dma_wait3A_868 : memref<128xi32, #tpu.memory_space<hbm>>) dst(%arg6 : memref<128xi32, #tpu.memory_space<vmem>>)
      tpu.yield
    }) : () -> ()
    %dma_start3A_265 = arith.constant 0 : i32
    %dma_start3A_266 = arith.constant 0 : i32
    %dma_start3A_267 = tpu.memref_slice %arg2[%dma_start3A_265, %dma_start3A_266] : memref<4096x128xf32, #tpu.memory_space<hbm>> -> memref<4096x128xf32, #tpu.memory_space<hbm>>
    tpu.enqueue_indirect_dma source(%dma_start3A_267 : memref<4096x128xf32, #tpu.memory_space<hbm>>) target(%arg9 : memref<128x128xf32, #tpu.memory_space<vmem>>) offsets(%arg6 : memref<128xi32, #tpu.memory_space<vmem>>) semaphore(%arg12 : memref<!tpu.dma_semaphore, #tpu.memory_space<semaphore_mem>>)
    %dma_wait3A_268 = arith.constant 0 : i32
    %dma_wait3A_269 = arith.constant 0 : i32
    %dma_wait3A_270 = tpu.memref_slice %arg2[%dma_wait3A_268, %dma_wait3A_269] : memref<4096x128xf32, #tpu.memory_space<hbm>> -> memref<4096x128xf32, #tpu.memory_space<hbm>>
    tpu.wait_indirect_dma semaphore(%arg13 : memref<!tpu.dma_semaphore, #tpu.memory_space<semaphore_mem>>) src(%dma_wait3A_270 : memref<4096x128xf32, #tpu.memory_space<hbm>>) dst(%arg10 : memref<128x128xf32, #tpu.memory_space<vmem>>)
    %add3A_271 = arith.constant 1792 : i32
    %add3A_272 = arith.addi %mul3A_2, %add3A_271 : i32
    %dma_start3A_273 = arith.constant 0 : i32
    %dma_start3A_274 = tpu.memref_slice %arg4[%add3A_272, %dma_start3A_273] : memref<196608x128xf32, #tpu.memory_space<hbm>> -> memref<128x128xf32, #tpu.memory_space<hbm>>
    %dma_start3A_275 = arith.constant 0 : i32
    %dma_start3A_276 = tpu.memref_slice %arg4[%add3A_272, %dma_start3A_275] : memref<196608x128xf32, #tpu.memory_space<hbm>> -> memref<128x128xf32, #tpu.memory_space<hbm>>
    tpu.enqueue_dma source(%arg10 : memref<128x128xf32, #tpu.memory_space<vmem>>) target(%dma_start3A_276 : memref<128x128xf32, #tpu.memory_space<hbm>>) target_semaphore(%arg16 : memref<!tpu.dma_semaphore, #tpu.memory_space<semaphore_mem>>)
    %dma_wait3A_277 = arith.constant 0 : i32
    %dma_wait3A_278 = tpu.memref_slice %arg4[%add3A_272, %dma_wait3A_277] : memref<196608x128xf32, #tpu.memory_space<hbm>> -> memref<128x128xf32, #tpu.memory_space<hbm>>
    %dma_wait3A_279 = arith.constant 0 : i32
    %dma_wait3A_280 = tpu.memref_slice %arg4[%add3A_272, %dma_wait3A_279] : memref<196608x128xf32, #tpu.memory_space<hbm>> -> memref<128x128xf32, #tpu.memory_space<hbm>>
    tpu.wait_dma2 semaphore(%arg16 : memref<!tpu.dma_semaphore, #tpu.memory_space<semaphore_mem>>) src(%arg10 : memref<128x128xf32, #tpu.memory_space<vmem>>) dst(%dma_wait3A_280 : memref<128x128xf32, #tpu.memory_space<hbm>>)
    %add3A_281 = arith.constant 2176 : i32
    %add3A_282 = arith.addi %mul3A_2, %add3A_281 : i32
    "tpu.region"() ({
      %run_scoped3A = tpu.sem_alloc : memref<!tpu.dma_semaphore, #tpu.memory_space<semaphore_mem>>
      %dma_start3A_865 = tpu.memref_slice %arg3[%add3A_282] : memref<196608xi32, #tpu.memory_space<hbm>> -> memref<128xi32, #tpu.memory_space<hbm>>
      %dma_start3A_866 = tpu.memref_slice %arg3[%add3A_282] : memref<196608xi32, #tpu.memory_space<hbm>> -> memref<128xi32, #tpu.memory_space<hbm>>
      tpu.enqueue_dma source(%dma_start3A_866 : memref<128xi32, #tpu.memory_space<hbm>>) target(%arg7 : memref<128xi32, #tpu.memory_space<vmem>>) target_semaphore(%run_scoped3A : memref<!tpu.dma_semaphore, #tpu.memory_space<semaphore_mem>>)
      %dma_wait3A_867 = tpu.memref_slice %arg3[%add3A_282] : memref<196608xi32, #tpu.memory_space<hbm>> -> memref<128xi32, #tpu.memory_space<hbm>>
      %dma_wait3A_868 = tpu.memref_slice %arg3[%add3A_282] : memref<196608xi32, #tpu.memory_space<hbm>> -> memref<128xi32, #tpu.memory_space<hbm>>
      tpu.wait_dma2 semaphore(%run_scoped3A : memref<!tpu.dma_semaphore, #tpu.memory_space<semaphore_mem>>) src(%dma_wait3A_868 : memref<128xi32, #tpu.memory_space<hbm>>) dst(%arg7 : memref<128xi32, #tpu.memory_space<vmem>>)
      tpu.yield
    }) : () -> ()
    %dma_start3A_283 = arith.constant 0 : i32
    %dma_start3A_284 = arith.constant 0 : i32
    %dma_start3A_285 = tpu.memref_slice %arg2[%dma_start3A_283, %dma_start3A_284] : memref<4096x128xf32, #tpu.memory_space<hbm>> -> memref<4096x128xf32, #tpu.memory_space<hbm>>
    tpu.enqueue_indirect_dma source(%dma_start3A_285 : memref<4096x128xf32, #tpu.memory_space<hbm>>) target(%arg10 : memref<128x128xf32, #tpu.memory_space<vmem>>) offsets(%arg7 : memref<128xi32, #tpu.memory_space<vmem>>) semaphore(%arg13 : memref<!tpu.dma_semaphore, #tpu.memory_space<semaphore_mem>>)
    %dma_wait3A_286 = arith.constant 0 : i32
    %dma_wait3A_287 = arith.constant 0 : i32
    %dma_wait3A_288 = tpu.memref_slice %arg2[%dma_wait3A_286, %dma_wait3A_287] : memref<4096x128xf32, #tpu.memory_space<hbm>> -> memref<4096x128xf32, #tpu.memory_space<hbm>>
    tpu.wait_indirect_dma semaphore(%arg11 : memref<!tpu.dma_semaphore, #tpu.memory_space<semaphore_mem>>) src(%dma_wait3A_288 : memref<4096x128xf32, #tpu.memory_space<hbm>>) dst(%arg8 : memref<128x128xf32, #tpu.memory_space<vmem>>)
    %add3A_289 = arith.constant 1920 : i32
    %add3A_290 = arith.addi %mul3A_2, %add3A_289 : i32
    %dma_start3A_291 = arith.constant 0 : i32
    %dma_start3A_292 = tpu.memref_slice %arg4[%add3A_290, %dma_start3A_291] : memref<196608x128xf32, #tpu.memory_space<hbm>> -> memref<128x128xf32, #tpu.memory_space<hbm>>
    %dma_start3A_293 = arith.constant 0 : i32
    %dma_start3A_294 = tpu.memref_slice %arg4[%add3A_290, %dma_start3A_293] : memref<196608x128xf32, #tpu.memory_space<hbm>> -> memref<128x128xf32, #tpu.memory_space<hbm>>
    tpu.enqueue_dma source(%arg8 : memref<128x128xf32, #tpu.memory_space<vmem>>) target(%dma_start3A_294 : memref<128x128xf32, #tpu.memory_space<hbm>>) target_semaphore(%arg14 : memref<!tpu.dma_semaphore, #tpu.memory_space<semaphore_mem>>)
    %dma_wait3A_295 = arith.constant 0 : i32
    %dma_wait3A_296 = tpu.memref_slice %arg4[%add3A_290, %dma_wait3A_295] : memref<196608x128xf32, #tpu.memory_space<hbm>> -> memref<128x128xf32, #tpu.memory_space<hbm>>
    %dma_wait3A_297 = arith.constant 0 : i32
    %dma_wait3A_298 = tpu.memref_slice %arg4[%add3A_290, %dma_wait3A_297] : memref<196608x128xf32, #tpu.memory_space<hbm>> -> memref<128x128xf32, #tpu.memory_space<hbm>>
    tpu.wait_dma2 semaphore(%arg14 : memref<!tpu.dma_semaphore, #tpu.memory_space<semaphore_mem>>) src(%arg8 : memref<128x128xf32, #tpu.memory_space<vmem>>) dst(%dma_wait3A_298 : memref<128x128xf32, #tpu.memory_space<hbm>>)
    %add3A_299 = arith.constant 2304 : i32
    %add3A_300 = arith.addi %mul3A_2, %add3A_299 : i32
    "tpu.region"() ({
      %run_scoped3A = tpu.sem_alloc : memref<!tpu.dma_semaphore, #tpu.memory_space<semaphore_mem>>
      %dma_start3A_865 = tpu.memref_slice %arg3[%add3A_300] : memref<196608xi32, #tpu.memory_space<hbm>> -> memref<128xi32, #tpu.memory_space<hbm>>
      %dma_start3A_866 = tpu.memref_slice %arg3[%add3A_300] : memref<196608xi32, #tpu.memory_space<hbm>> -> memref<128xi32, #tpu.memory_space<hbm>>
      tpu.enqueue_dma source(%dma_start3A_866 : memref<128xi32, #tpu.memory_space<hbm>>) target(%arg5 : memref<128xi32, #tpu.memory_space<vmem>>) target_semaphore(%run_scoped3A : memref<!tpu.dma_semaphore, #tpu.memory_space<semaphore_mem>>)
      %dma_wait3A_867 = tpu.memref_slice %arg3[%add3A_300] : memref<196608xi32, #tpu.memory_space<hbm>> -> memref<128xi32, #tpu.memory_space<hbm>>
      %dma_wait3A_868 = tpu.memref_slice %arg3[%add3A_300] : memref<196608xi32, #tpu.memory_space<hbm>> -> memref<128xi32, #tpu.memory_space<hbm>>
      tpu.wait_dma2 semaphore(%run_scoped3A : memref<!tpu.dma_semaphore, #tpu.memory_space<semaphore_mem>>) src(%dma_wait3A_868 : memref<128xi32, #tpu.memory_space<hbm>>) dst(%arg5 : memref<128xi32, #tpu.memory_space<vmem>>)
      tpu.yield
    }) : () -> ()
    %dma_start3A_301 = arith.constant 0 : i32
    %dma_start3A_302 = arith.constant 0 : i32
    %dma_start3A_303 = tpu.memref_slice %arg2[%dma_start3A_301, %dma_start3A_302] : memref<4096x128xf32, #tpu.memory_space<hbm>> -> memref<4096x128xf32, #tpu.memory_space<hbm>>
    tpu.enqueue_indirect_dma source(%dma_start3A_303 : memref<4096x128xf32, #tpu.memory_space<hbm>>) target(%arg8 : memref<128x128xf32, #tpu.memory_space<vmem>>) offsets(%arg5 : memref<128xi32, #tpu.memory_space<vmem>>) semaphore(%arg11 : memref<!tpu.dma_semaphore, #tpu.memory_space<semaphore_mem>>)
    %dma_wait3A_304 = arith.constant 0 : i32
    %dma_wait3A_305 = arith.constant 0 : i32
    %dma_wait3A_306 = tpu.memref_slice %arg2[%dma_wait3A_304, %dma_wait3A_305] : memref<4096x128xf32, #tpu.memory_space<hbm>> -> memref<4096x128xf32, #tpu.memory_space<hbm>>
    tpu.wait_indirect_dma semaphore(%arg12 : memref<!tpu.dma_semaphore, #tpu.memory_space<semaphore_mem>>) src(%dma_wait3A_306 : memref<4096x128xf32, #tpu.memory_space<hbm>>) dst(%arg9 : memref<128x128xf32, #tpu.memory_space<vmem>>)
    %add3A_307 = arith.constant 2048 : i32
    %add3A_308 = arith.addi %mul3A_2, %add3A_307 : i32
    %dma_start3A_309 = arith.constant 0 : i32
    %dma_start3A_310 = tpu.memref_slice %arg4[%add3A_308, %dma_start3A_309] : memref<196608x128xf32, #tpu.memory_space<hbm>> -> memref<128x128xf32, #tpu.memory_space<hbm>>
    %dma_start3A_311 = arith.constant 0 : i32
    %dma_start3A_312 = tpu.memref_slice %arg4[%add3A_308, %dma_start3A_311] : memref<196608x128xf32, #tpu.memory_space<hbm>> -> memref<128x128xf32, #tpu.memory_space<hbm>>
    tpu.enqueue_dma source(%arg9 : memref<128x128xf32, #tpu.memory_space<vmem>>) target(%dma_start3A_312 : memref<128x128xf32, #tpu.memory_space<hbm>>) target_semaphore(%arg15 : memref<!tpu.dma_semaphore, #tpu.memory_space<semaphore_mem>>)
    %dma_wait3A_313 = arith.constant 0 : i32
    %dma_wait3A_314 = tpu.memref_slice %arg4[%add3A_308, %dma_wait3A_313] : memref<196608x128xf32, #tpu.memory_space<hbm>> -> memref<128x128xf32, #tpu.memory_space<hbm>>
    %dma_wait3A_315 = arith.constant 0 : i32
    %dma_wait3A_316 = tpu.memref_slice %arg4[%add3A_308, %dma_wait3A_315] : memref<196608x128xf32, #tpu.memory_space<hbm>> -> memref<128x128xf32, #tpu.memory_space<hbm>>
    tpu.wait_dma2 semaphore(%arg15 : memref<!tpu.dma_semaphore, #tpu.memory_space<semaphore_mem>>) src(%arg9 : memref<128x128xf32, #tpu.memory_space<vmem>>) dst(%dma_wait3A_316 : memref<128x128xf32, #tpu.memory_space<hbm>>)
    %add3A_317 = arith.constant 2432 : i32
    %add3A_318 = arith.addi %mul3A_2, %add3A_317 : i32
    "tpu.region"() ({
      %run_scoped3A = tpu.sem_alloc : memref<!tpu.dma_semaphore, #tpu.memory_space<semaphore_mem>>
      %dma_start3A_865 = tpu.memref_slice %arg3[%add3A_318] : memref<196608xi32, #tpu.memory_space<hbm>> -> memref<128xi32, #tpu.memory_space<hbm>>
      %dma_start3A_866 = tpu.memref_slice %arg3[%add3A_318] : memref<196608xi32, #tpu.memory_space<hbm>> -> memref<128xi32, #tpu.memory_space<hbm>>
      tpu.enqueue_dma source(%dma_start3A_866 : memref<128xi32, #tpu.memory_space<hbm>>) target(%arg6 : memref<128xi32, #tpu.memory_space<vmem>>) target_semaphore(%run_scoped3A : memref<!tpu.dma_semaphore, #tpu.memory_space<semaphore_mem>>)
      %dma_wait3A_867 = tpu.memref_slice %arg3[%add3A_318] : memref<196608xi32, #tpu.memory_space<hbm>> -> memref<128xi32, #tpu.memory_space<hbm>>
      %dma_wait3A_868 = tpu.memref_slice %arg3[%add3A_318] : memref<196608xi32, #tpu.memory_space<hbm>> -> memref<128xi32, #tpu.memory_space<hbm>>
      tpu.wait_dma2 semaphore(%run_scoped3A : memref<!tpu.dma_semaphore, #tpu.memory_space<semaphore_mem>>) src(%dma_wait3A_868 : memref<128xi32, #tpu.memory_space<hbm>>) dst(%arg6 : memref<128xi32, #tpu.memory_space<vmem>>)
      tpu.yield
    }) : () -> ()
    %dma_start3A_319 = arith.constant 0 : i32
    %dma_start3A_320 = arith.constant 0 : i32
    %dma_start3A_321 = tpu.memref_slice %arg2[%dma_start3A_319, %dma_start3A_320] : memref<4096x128xf32, #tpu.memory_space<hbm>> -> memref<4096x128xf32, #tpu.memory_space<hbm>>
    tpu.enqueue_indirect_dma source(%dma_start3A_321 : memref<4096x128xf32, #tpu.memory_space<hbm>>) target(%arg9 : memref<128x128xf32, #tpu.memory_space<vmem>>) offsets(%arg6 : memref<128xi32, #tpu.memory_space<vmem>>) semaphore(%arg12 : memref<!tpu.dma_semaphore, #tpu.memory_space<semaphore_mem>>)
    %dma_wait3A_322 = arith.constant 0 : i32
    %dma_wait3A_323 = arith.constant 0 : i32
    %dma_wait3A_324 = tpu.memref_slice %arg2[%dma_wait3A_322, %dma_wait3A_323] : memref<4096x128xf32, #tpu.memory_space<hbm>> -> memref<4096x128xf32, #tpu.memory_space<hbm>>
    tpu.wait_indirect_dma semaphore(%arg13 : memref<!tpu.dma_semaphore, #tpu.memory_space<semaphore_mem>>) src(%dma_wait3A_324 : memref<4096x128xf32, #tpu.memory_space<hbm>>) dst(%arg10 : memref<128x128xf32, #tpu.memory_space<vmem>>)
    %add3A_325 = arith.constant 2176 : i32
    %add3A_326 = arith.addi %mul3A_2, %add3A_325 : i32
    %dma_start3A_327 = arith.constant 0 : i32
    %dma_start3A_328 = tpu.memref_slice %arg4[%add3A_326, %dma_start3A_327] : memref<196608x128xf32, #tpu.memory_space<hbm>> -> memref<128x128xf32, #tpu.memory_space<hbm>>
    %dma_start3A_329 = arith.constant 0 : i32
    %dma_start3A_330 = tpu.memref_slice %arg4[%add3A_326, %dma_start3A_329] : memref<196608x128xf32, #tpu.memory_space<hbm>> -> memref<128x128xf32, #tpu.memory_space<hbm>>
    tpu.enqueue_dma source(%arg10 : memref<128x128xf32, #tpu.memory_space<vmem>>) target(%dma_start3A_330 : memref<128x128xf32, #tpu.memory_space<hbm>>) target_semaphore(%arg16 : memref<!tpu.dma_semaphore, #tpu.memory_space<semaphore_mem>>)
    %dma_wait3A_331 = arith.constant 0 : i32
    %dma_wait3A_332 = tpu.memref_slice %arg4[%add3A_326, %dma_wait3A_331] : memref<196608x128xf32, #tpu.memory_space<hbm>> -> memref<128x128xf32, #tpu.memory_space<hbm>>
    %dma_wait3A_333 = arith.constant 0 : i32
    %dma_wait3A_334 = tpu.memref_slice %arg4[%add3A_326, %dma_wait3A_333] : memref<196608x128xf32, #tpu.memory_space<hbm>> -> memref<128x128xf32, #tpu.memory_space<hbm>>
    tpu.wait_dma2 semaphore(%arg16 : memref<!tpu.dma_semaphore, #tpu.memory_space<semaphore_mem>>) src(%arg10 : memref<128x128xf32, #tpu.memory_space<vmem>>) dst(%dma_wait3A_334 : memref<128x128xf32, #tpu.memory_space<hbm>>)
    %add3A_335 = arith.constant 2560 : i32
    %add3A_336 = arith.addi %mul3A_2, %add3A_335 : i32
    "tpu.region"() ({
      %run_scoped3A = tpu.sem_alloc : memref<!tpu.dma_semaphore, #tpu.memory_space<semaphore_mem>>
      %dma_start3A_865 = tpu.memref_slice %arg3[%add3A_336] : memref<196608xi32, #tpu.memory_space<hbm>> -> memref<128xi32, #tpu.memory_space<hbm>>
      %dma_start3A_866 = tpu.memref_slice %arg3[%add3A_336] : memref<196608xi32, #tpu.memory_space<hbm>> -> memref<128xi32, #tpu.memory_space<hbm>>
      tpu.enqueue_dma source(%dma_start3A_866 : memref<128xi32, #tpu.memory_space<hbm>>) target(%arg7 : memref<128xi32, #tpu.memory_space<vmem>>) target_semaphore(%run_scoped3A : memref<!tpu.dma_semaphore, #tpu.memory_space<semaphore_mem>>)
      %dma_wait3A_867 = tpu.memref_slice %arg3[%add3A_336] : memref<196608xi32, #tpu.memory_space<hbm>> -> memref<128xi32, #tpu.memory_space<hbm>>
      %dma_wait3A_868 = tpu.memref_slice %arg3[%add3A_336] : memref<196608xi32, #tpu.memory_space<hbm>> -> memref<128xi32, #tpu.memory_space<hbm>>
      tpu.wait_dma2 semaphore(%run_scoped3A : memref<!tpu.dma_semaphore, #tpu.memory_space<semaphore_mem>>) src(%dma_wait3A_868 : memref<128xi32, #tpu.memory_space<hbm>>) dst(%arg7 : memref<128xi32, #tpu.memory_space<vmem>>)
      tpu.yield
    }) : () -> ()
    %dma_start3A_337 = arith.constant 0 : i32
    %dma_start3A_338 = arith.constant 0 : i32
    %dma_start3A_339 = tpu.memref_slice %arg2[%dma_start3A_337, %dma_start3A_338] : memref<4096x128xf32, #tpu.memory_space<hbm>> -> memref<4096x128xf32, #tpu.memory_space<hbm>>
    tpu.enqueue_indirect_dma source(%dma_start3A_339 : memref<4096x128xf32, #tpu.memory_space<hbm>>) target(%arg10 : memref<128x128xf32, #tpu.memory_space<vmem>>) offsets(%arg7 : memref<128xi32, #tpu.memory_space<vmem>>) semaphore(%arg13 : memref<!tpu.dma_semaphore, #tpu.memory_space<semaphore_mem>>)
    %dma_wait3A_340 = arith.constant 0 : i32
    %dma_wait3A_341 = arith.constant 0 : i32
    %dma_wait3A_342 = tpu.memref_slice %arg2[%dma_wait3A_340, %dma_wait3A_341] : memref<4096x128xf32, #tpu.memory_space<hbm>> -> memref<4096x128xf32, #tpu.memory_space<hbm>>
    tpu.wait_indirect_dma semaphore(%arg11 : memref<!tpu.dma_semaphore, #tpu.memory_space<semaphore_mem>>) src(%dma_wait3A_342 : memref<4096x128xf32, #tpu.memory_space<hbm>>) dst(%arg8 : memref<128x128xf32, #tpu.memory_space<vmem>>)
    %add3A_343 = arith.constant 2304 : i32
    %add3A_344 = arith.addi %mul3A_2, %add3A_343 : i32
    %dma_start3A_345 = arith.constant 0 : i32
    %dma_start3A_346 = tpu.memref_slice %arg4[%add3A_344, %dma_start3A_345] : memref<196608x128xf32, #tpu.memory_space<hbm>> -> memref<128x128xf32, #tpu.memory_space<hbm>>
    %dma_start3A_347 = arith.constant 0 : i32
    %dma_start3A_348 = tpu.memref_slice %arg4[%add3A_344, %dma_start3A_347] : memref<196608x128xf32, #tpu.memory_space<hbm>> -> memref<128x128xf32, #tpu.memory_space<hbm>>
    tpu.enqueue_dma source(%arg8 : memref<128x128xf32, #tpu.memory_space<vmem>>) target(%dma_start3A_348 : memref<128x128xf32, #tpu.memory_space<hbm>>) target_semaphore(%arg14 : memref<!tpu.dma_semaphore, #tpu.memory_space<semaphore_mem>>)
    %dma_wait3A_349 = arith.constant 0 : i32
    %dma_wait3A_350 = tpu.memref_slice %arg4[%add3A_344, %dma_wait3A_349] : memref<196608x128xf32, #tpu.memory_space<hbm>> -> memref<128x128xf32, #tpu.memory_space<hbm>>
    %dma_wait3A_351 = arith.constant 0 : i32
    %dma_wait3A_352 = tpu.memref_slice %arg4[%add3A_344, %dma_wait3A_351] : memref<196608x128xf32, #tpu.memory_space<hbm>> -> memref<128x128xf32, #tpu.memory_space<hbm>>
    tpu.wait_dma2 semaphore(%arg14 : memref<!tpu.dma_semaphore, #tpu.memory_space<semaphore_mem>>) src(%arg8 : memref<128x128xf32, #tpu.memory_space<vmem>>) dst(%dma_wait3A_352 : memref<128x128xf32, #tpu.memory_space<hbm>>)
    %add3A_353 = arith.constant 2688 : i32
    %add3A_354 = arith.addi %mul3A_2, %add3A_353 : i32
    "tpu.region"() ({
      %run_scoped3A = tpu.sem_alloc : memref<!tpu.dma_semaphore, #tpu.memory_space<semaphore_mem>>
      %dma_start3A_865 = tpu.memref_slice %arg3[%add3A_354] : memref<196608xi32, #tpu.memory_space<hbm>> -> memref<128xi32, #tpu.memory_space<hbm>>
      %dma_start3A_866 = tpu.memref_slice %arg3[%add3A_354] : memref<196608xi32, #tpu.memory_space<hbm>> -> memref<128xi32, #tpu.memory_space<hbm>>
      tpu.enqueue_dma source(%dma_start3A_866 : memref<128xi32, #tpu.memory_space<hbm>>) target(%arg5 : memref<128xi32, #tpu.memory_space<vmem>>) target_semaphore(%run_scoped3A : memref<!tpu.dma_semaphore, #tpu.memory_space<semaphore_mem>>)
      %dma_wait3A_867 = tpu.memref_slice %arg3[%add3A_354] : memref<196608xi32, #tpu.memory_space<hbm>> -> memref<128xi32, #tpu.memory_space<hbm>>
      %dma_wait3A_868 = tpu.memref_slice %arg3[%add3A_354] : memref<196608xi32, #tpu.memory_space<hbm>> -> memref<128xi32, #tpu.memory_space<hbm>>
      tpu.wait_dma2 semaphore(%run_scoped3A : memref<!tpu.dma_semaphore, #tpu.memory_space<semaphore_mem>>) src(%dma_wait3A_868 : memref<128xi32, #tpu.memory_space<hbm>>) dst(%arg5 : memref<128xi32, #tpu.memory_space<vmem>>)
      tpu.yield
    }) : () -> ()
    %dma_start3A_355 = arith.constant 0 : i32
    %dma_start3A_356 = arith.constant 0 : i32
    %dma_start3A_357 = tpu.memref_slice %arg2[%dma_start3A_355, %dma_start3A_356] : memref<4096x128xf32, #tpu.memory_space<hbm>> -> memref<4096x128xf32, #tpu.memory_space<hbm>>
    tpu.enqueue_indirect_dma source(%dma_start3A_357 : memref<4096x128xf32, #tpu.memory_space<hbm>>) target(%arg8 : memref<128x128xf32, #tpu.memory_space<vmem>>) offsets(%arg5 : memref<128xi32, #tpu.memory_space<vmem>>) semaphore(%arg11 : memref<!tpu.dma_semaphore, #tpu.memory_space<semaphore_mem>>)
    %dma_wait3A_358 = arith.constant 0 : i32
    %dma_wait3A_359 = arith.constant 0 : i32
    %dma_wait3A_360 = tpu.memref_slice %arg2[%dma_wait3A_358, %dma_wait3A_359] : memref<4096x128xf32, #tpu.memory_space<hbm>> -> memref<4096x128xf32, #tpu.memory_space<hbm>>
    tpu.wait_indirect_dma semaphore(%arg12 : memref<!tpu.dma_semaphore, #tpu.memory_space<semaphore_mem>>) src(%dma_wait3A_360 : memref<4096x128xf32, #tpu.memory_space<hbm>>) dst(%arg9 : memref<128x128xf32, #tpu.memory_space<vmem>>)
    %add3A_361 = arith.constant 2432 : i32
    %add3A_362 = arith.addi %mul3A_2, %add3A_361 : i32
    %dma_start3A_363 = arith.constant 0 : i32
    %dma_start3A_364 = tpu.memref_slice %arg4[%add3A_362, %dma_start3A_363] : memref<196608x128xf32, #tpu.memory_space<hbm>> -> memref<128x128xf32, #tpu.memory_space<hbm>>
    %dma_start3A_365 = arith.constant 0 : i32
    %dma_start3A_366 = tpu.memref_slice %arg4[%add3A_362, %dma_start3A_365] : memref<196608x128xf32, #tpu.memory_space<hbm>> -> memref<128x128xf32, #tpu.memory_space<hbm>>
    tpu.enqueue_dma source(%arg9 : memref<128x128xf32, #tpu.memory_space<vmem>>) target(%dma_start3A_366 : memref<128x128xf32, #tpu.memory_space<hbm>>) target_semaphore(%arg15 : memref<!tpu.dma_semaphore, #tpu.memory_space<semaphore_mem>>)
    %dma_wait3A_367 = arith.constant 0 : i32
    %dma_wait3A_368 = tpu.memref_slice %arg4[%add3A_362, %dma_wait3A_367] : memref<196608x128xf32, #tpu.memory_space<hbm>> -> memref<128x128xf32, #tpu.memory_space<hbm>>
    %dma_wait3A_369 = arith.constant 0 : i32
    %dma_wait3A_370 = tpu.memref_slice %arg4[%add3A_362, %dma_wait3A_369] : memref<196608x128xf32, #tpu.memory_space<hbm>> -> memref<128x128xf32, #tpu.memory_space<hbm>>
    tpu.wait_dma2 semaphore(%arg15 : memref<!tpu.dma_semaphore, #tpu.memory_space<semaphore_mem>>) src(%arg9 : memref<128x128xf32, #tpu.memory_space<vmem>>) dst(%dma_wait3A_370 : memref<128x128xf32, #tpu.memory_space<hbm>>)
    %add3A_371 = arith.constant 2816 : i32
    %add3A_372 = arith.addi %mul3A_2, %add3A_371 : i32
    "tpu.region"() ({
      %run_scoped3A = tpu.sem_alloc : memref<!tpu.dma_semaphore, #tpu.memory_space<semaphore_mem>>
      %dma_start3A_865 = tpu.memref_slice %arg3[%add3A_372] : memref<196608xi32, #tpu.memory_space<hbm>> -> memref<128xi32, #tpu.memory_space<hbm>>
      %dma_start3A_866 = tpu.memref_slice %arg3[%add3A_372] : memref<196608xi32, #tpu.memory_space<hbm>> -> memref<128xi32, #tpu.memory_space<hbm>>
      tpu.enqueue_dma source(%dma_start3A_866 : memref<128xi32, #tpu.memory_space<hbm>>) target(%arg6 : memref<128xi32, #tpu.memory_space<vmem>>) target_semaphore(%run_scoped3A : memref<!tpu.dma_semaphore, #tpu.memory_space<semaphore_mem>>)
      %dma_wait3A_867 = tpu.memref_slice %arg3[%add3A_372] : memref<196608xi32, #tpu.memory_space<hbm>> -> memref<128xi32, #tpu.memory_space<hbm>>
      %dma_wait3A_868 = tpu.memref_slice %arg3[%add3A_372] : memref<196608xi32, #tpu.memory_space<hbm>> -> memref<128xi32, #tpu.memory_space<hbm>>
      tpu.wait_dma2 semaphore(%run_scoped3A : memref<!tpu.dma_semaphore, #tpu.memory_space<semaphore_mem>>) src(%dma_wait3A_868 : memref<128xi32, #tpu.memory_space<hbm>>) dst(%arg6 : memref<128xi32, #tpu.memory_space<vmem>>)
      tpu.yield
    }) : () -> ()
    %dma_start3A_373 = arith.constant 0 : i32
    %dma_start3A_374 = arith.constant 0 : i32
    %dma_start3A_375 = tpu.memref_slice %arg2[%dma_start3A_373, %dma_start3A_374] : memref<4096x128xf32, #tpu.memory_space<hbm>> -> memref<4096x128xf32, #tpu.memory_space<hbm>>
    tpu.enqueue_indirect_dma source(%dma_start3A_375 : memref<4096x128xf32, #tpu.memory_space<hbm>>) target(%arg9 : memref<128x128xf32, #tpu.memory_space<vmem>>) offsets(%arg6 : memref<128xi32, #tpu.memory_space<vmem>>) semaphore(%arg12 : memref<!tpu.dma_semaphore, #tpu.memory_space<semaphore_mem>>)
    %dma_wait3A_376 = arith.constant 0 : i32
    %dma_wait3A_377 = arith.constant 0 : i32
    %dma_wait3A_378 = tpu.memref_slice %arg2[%dma_wait3A_376, %dma_wait3A_377] : memref<4096x128xf32, #tpu.memory_space<hbm>> -> memref<4096x128xf32, #tpu.memory_space<hbm>>
    tpu.wait_indirect_dma semaphore(%arg13 : memref<!tpu.dma_semaphore, #tpu.memory_space<semaphore_mem>>) src(%dma_wait3A_378 : memref<4096x128xf32, #tpu.memory_space<hbm>>) dst(%arg10 : memref<128x128xf32, #tpu.memory_space<vmem>>)
    %add3A_379 = arith.constant 2560 : i32
    %add3A_380 = arith.addi %mul3A_2, %add3A_379 : i32
    %dma_start3A_381 = arith.constant 0 : i32
    %dma_start3A_382 = tpu.memref_slice %arg4[%add3A_380, %dma_start3A_381] : memref<196608x128xf32, #tpu.memory_space<hbm>> -> memref<128x128xf32, #tpu.memory_space<hbm>>
    %dma_start3A_383 = arith.constant 0 : i32
    %dma_start3A_384 = tpu.memref_slice %arg4[%add3A_380, %dma_start3A_383] : memref<196608x128xf32, #tpu.memory_space<hbm>> -> memref<128x128xf32, #tpu.memory_space<hbm>>
    tpu.enqueue_dma source(%arg10 : memref<128x128xf32, #tpu.memory_space<vmem>>) target(%dma_start3A_384 : memref<128x128xf32, #tpu.memory_space<hbm>>) target_semaphore(%arg16 : memref<!tpu.dma_semaphore, #tpu.memory_space<semaphore_mem>>)
    %dma_wait3A_385 = arith.constant 0 : i32
    %dma_wait3A_386 = tpu.memref_slice %arg4[%add3A_380, %dma_wait3A_385] : memref<196608x128xf32, #tpu.memory_space<hbm>> -> memref<128x128xf32, #tpu.memory_space<hbm>>
    %dma_wait3A_387 = arith.constant 0 : i32
    %dma_wait3A_388 = tpu.memref_slice %arg4[%add3A_380, %dma_wait3A_387] : memref<196608x128xf32, #tpu.memory_space<hbm>> -> memref<128x128xf32, #tpu.memory_space<hbm>>
    tpu.wait_dma2 semaphore(%arg16 : memref<!tpu.dma_semaphore, #tpu.memory_space<semaphore_mem>>) src(%arg10 : memref<128x128xf32, #tpu.memory_space<vmem>>) dst(%dma_wait3A_388 : memref<128x128xf32, #tpu.memory_space<hbm>>)
    %add3A_389 = arith.constant 2944 : i32
    %add3A_390 = arith.addi %mul3A_2, %add3A_389 : i32
    "tpu.region"() ({
      %run_scoped3A = tpu.sem_alloc : memref<!tpu.dma_semaphore, #tpu.memory_space<semaphore_mem>>
      %dma_start3A_865 = tpu.memref_slice %arg3[%add3A_390] : memref<196608xi32, #tpu.memory_space<hbm>> -> memref<128xi32, #tpu.memory_space<hbm>>
      %dma_start3A_866 = tpu.memref_slice %arg3[%add3A_390] : memref<196608xi32, #tpu.memory_space<hbm>> -> memref<128xi32, #tpu.memory_space<hbm>>
      tpu.enqueue_dma source(%dma_start3A_866 : memref<128xi32, #tpu.memory_space<hbm>>) target(%arg7 : memref<128xi32, #tpu.memory_space<vmem>>) target_semaphore(%run_scoped3A : memref<!tpu.dma_semaphore, #tpu.memory_space<semaphore_mem>>)
      %dma_wait3A_867 = tpu.memref_slice %arg3[%add3A_390] : memref<196608xi32, #tpu.memory_space<hbm>> -> memref<128xi32, #tpu.memory_space<hbm>>
      %dma_wait3A_868 = tpu.memref_slice %arg3[%add3A_390] : memref<196608xi32, #tpu.memory_space<hbm>> -> memref<128xi32, #tpu.memory_space<hbm>>
      tpu.wait_dma2 semaphore(%run_scoped3A : memref<!tpu.dma_semaphore, #tpu.memory_space<semaphore_mem>>) src(%dma_wait3A_868 : memref<128xi32, #tpu.memory_space<hbm>>) dst(%arg7 : memref<128xi32, #tpu.memory_space<vmem>>)
      tpu.yield
    }) : () -> ()
    %dma_start3A_391 = arith.constant 0 : i32
    %dma_start3A_392 = arith.constant 0 : i32
    %dma_start3A_393 = tpu.memref_slice %arg2[%dma_start3A_391, %dma_start3A_392] : memref<4096x128xf32, #tpu.memory_space<hbm>> -> memref<4096x128xf32, #tpu.memory_space<hbm>>
    tpu.enqueue_indirect_dma source(%dma_start3A_393 : memref<4096x128xf32, #tpu.memory_space<hbm>>) target(%arg10 : memref<128x128xf32, #tpu.memory_space<vmem>>) offsets(%arg7 : memref<128xi32, #tpu.memory_space<vmem>>) semaphore(%arg13 : memref<!tpu.dma_semaphore, #tpu.memory_space<semaphore_mem>>)
    %dma_wait3A_394 = arith.constant 0 : i32
    %dma_wait3A_395 = arith.constant 0 : i32
    %dma_wait3A_396 = tpu.memref_slice %arg2[%dma_wait3A_394, %dma_wait3A_395] : memref<4096x128xf32, #tpu.memory_space<hbm>> -> memref<4096x128xf32, #tpu.memory_space<hbm>>
    tpu.wait_indirect_dma semaphore(%arg11 : memref<!tpu.dma_semaphore, #tpu.memory_space<semaphore_mem>>) src(%dma_wait3A_396 : memref<4096x128xf32, #tpu.memory_space<hbm>>) dst(%arg8 : memref<128x128xf32, #tpu.memory_space<vmem>>)
    %add3A_397 = arith.constant 2688 : i32
    %add3A_398 = arith.addi %mul3A_2, %add3A_397 : i32
    %dma_start3A_399 = arith.constant 0 : i32
    %dma_start3A_400 = tpu.memref_slice %arg4[%add3A_398, %dma_start3A_399] : memref<196608x128xf32, #tpu.memory_space<hbm>> -> memref<128x128xf32, #tpu.memory_space<hbm>>
    %dma_start3A_401 = arith.constant 0 : i32
    %dma_start3A_402 = tpu.memref_slice %arg4[%add3A_398, %dma_start3A_401] : memref<196608x128xf32, #tpu.memory_space<hbm>> -> memref<128x128xf32, #tpu.memory_space<hbm>>
    tpu.enqueue_dma source(%arg8 : memref<128x128xf32, #tpu.memory_space<vmem>>) target(%dma_start3A_402 : memref<128x128xf32, #tpu.memory_space<hbm>>) target_semaphore(%arg14 : memref<!tpu.dma_semaphore, #tpu.memory_space<semaphore_mem>>)
    %dma_wait3A_403 = arith.constant 0 : i32
    %dma_wait3A_404 = tpu.memref_slice %arg4[%add3A_398, %dma_wait3A_403] : memref<196608x128xf32, #tpu.memory_space<hbm>> -> memref<128x128xf32, #tpu.memory_space<hbm>>
    %dma_wait3A_405 = arith.constant 0 : i32
    %dma_wait3A_406 = tpu.memref_slice %arg4[%add3A_398, %dma_wait3A_405] : memref<196608x128xf32, #tpu.memory_space<hbm>> -> memref<128x128xf32, #tpu.memory_space<hbm>>
    tpu.wait_dma2 semaphore(%arg14 : memref<!tpu.dma_semaphore, #tpu.memory_space<semaphore_mem>>) src(%arg8 : memref<128x128xf32, #tpu.memory_space<vmem>>) dst(%dma_wait3A_406 : memref<128x128xf32, #tpu.memory_space<hbm>>)
    %add3A_407 = arith.constant 3072 : i32
    %add3A_408 = arith.addi %mul3A_2, %add3A_407 : i32
    "tpu.region"() ({
      %run_scoped3A = tpu.sem_alloc : memref<!tpu.dma_semaphore, #tpu.memory_space<semaphore_mem>>
      %dma_start3A_865 = tpu.memref_slice %arg3[%add3A_408] : memref<196608xi32, #tpu.memory_space<hbm>> -> memref<128xi32, #tpu.memory_space<hbm>>
      %dma_start3A_866 = tpu.memref_slice %arg3[%add3A_408] : memref<196608xi32, #tpu.memory_space<hbm>> -> memref<128xi32, #tpu.memory_space<hbm>>
      tpu.enqueue_dma source(%dma_start3A_866 : memref<128xi32, #tpu.memory_space<hbm>>) target(%arg5 : memref<128xi32, #tpu.memory_space<vmem>>) target_semaphore(%run_scoped3A : memref<!tpu.dma_semaphore, #tpu.memory_space<semaphore_mem>>)
      %dma_wait3A_867 = tpu.memref_slice %arg3[%add3A_408] : memref<196608xi32, #tpu.memory_space<hbm>> -> memref<128xi32, #tpu.memory_space<hbm>>
      %dma_wait3A_868 = tpu.memref_slice %arg3[%add3A_408] : memref<196608xi32, #tpu.memory_space<hbm>> -> memref<128xi32, #tpu.memory_space<hbm>>
      tpu.wait_dma2 semaphore(%run_scoped3A : memref<!tpu.dma_semaphore, #tpu.memory_space<semaphore_mem>>) src(%dma_wait3A_868 : memref<128xi32, #tpu.memory_space<hbm>>) dst(%arg5 : memref<128xi32, #tpu.memory_space<vmem>>)
      tpu.yield
    }) : () -> ()
    %dma_start3A_409 = arith.constant 0 : i32
    %dma_start3A_410 = arith.constant 0 : i32
    %dma_start3A_411 = tpu.memref_slice %arg2[%dma_start3A_409, %dma_start3A_410] : memref<4096x128xf32, #tpu.memory_space<hbm>> -> memref<4096x128xf32, #tpu.memory_space<hbm>>
    tpu.enqueue_indirect_dma source(%dma_start3A_411 : memref<4096x128xf32, #tpu.memory_space<hbm>>) target(%arg8 : memref<128x128xf32, #tpu.memory_space<vmem>>) offsets(%arg5 : memref<128xi32, #tpu.memory_space<vmem>>) semaphore(%arg11 : memref<!tpu.dma_semaphore, #tpu.memory_space<semaphore_mem>>)
    %dma_wait3A_412 = arith.constant 0 : i32
    %dma_wait3A_413 = arith.constant 0 : i32
    %dma_wait3A_414 = tpu.memref_slice %arg2[%dma_wait3A_412, %dma_wait3A_413] : memref<4096x128xf32, #tpu.memory_space<hbm>> -> memref<4096x128xf32, #tpu.memory_space<hbm>>
    tpu.wait_indirect_dma semaphore(%arg12 : memref<!tpu.dma_semaphore, #tpu.memory_space<semaphore_mem>>) src(%dma_wait3A_414 : memref<4096x128xf32, #tpu.memory_space<hbm>>) dst(%arg9 : memref<128x128xf32, #tpu.memory_space<vmem>>)
    %add3A_415 = arith.constant 2816 : i32
    %add3A_416 = arith.addi %mul3A_2, %add3A_415 : i32
    %dma_start3A_417 = arith.constant 0 : i32
    %dma_start3A_418 = tpu.memref_slice %arg4[%add3A_416, %dma_start3A_417] : memref<196608x128xf32, #tpu.memory_space<hbm>> -> memref<128x128xf32, #tpu.memory_space<hbm>>
    %dma_start3A_419 = arith.constant 0 : i32
    %dma_start3A_420 = tpu.memref_slice %arg4[%add3A_416, %dma_start3A_419] : memref<196608x128xf32, #tpu.memory_space<hbm>> -> memref<128x128xf32, #tpu.memory_space<hbm>>
    tpu.enqueue_dma source(%arg9 : memref<128x128xf32, #tpu.memory_space<vmem>>) target(%dma_start3A_420 : memref<128x128xf32, #tpu.memory_space<hbm>>) target_semaphore(%arg15 : memref<!tpu.dma_semaphore, #tpu.memory_space<semaphore_mem>>)
    %dma_wait3A_421 = arith.constant 0 : i32
    %dma_wait3A_422 = tpu.memref_slice %arg4[%add3A_416, %dma_wait3A_421] : memref<196608x128xf32, #tpu.memory_space<hbm>> -> memref<128x128xf32, #tpu.memory_space<hbm>>
    %dma_wait3A_423 = arith.constant 0 : i32
    %dma_wait3A_424 = tpu.memref_slice %arg4[%add3A_416, %dma_wait3A_423] : memref<196608x128xf32, #tpu.memory_space<hbm>> -> memref<128x128xf32, #tpu.memory_space<hbm>>
    tpu.wait_dma2 semaphore(%arg15 : memref<!tpu.dma_semaphore, #tpu.memory_space<semaphore_mem>>) src(%arg9 : memref<128x128xf32, #tpu.memory_space<vmem>>) dst(%dma_wait3A_424 : memref<128x128xf32, #tpu.memory_space<hbm>>)
    %add3A_425 = arith.constant 3200 : i32
    %add3A_426 = arith.addi %mul3A_2, %add3A_425 : i32
    "tpu.region"() ({
      %run_scoped3A = tpu.sem_alloc : memref<!tpu.dma_semaphore, #tpu.memory_space<semaphore_mem>>
      %dma_start3A_865 = tpu.memref_slice %arg3[%add3A_426] : memref<196608xi32, #tpu.memory_space<hbm>> -> memref<128xi32, #tpu.memory_space<hbm>>
      %dma_start3A_866 = tpu.memref_slice %arg3[%add3A_426] : memref<196608xi32, #tpu.memory_space<hbm>> -> memref<128xi32, #tpu.memory_space<hbm>>
      tpu.enqueue_dma source(%dma_start3A_866 : memref<128xi32, #tpu.memory_space<hbm>>) target(%arg6 : memref<128xi32, #tpu.memory_space<vmem>>) target_semaphore(%run_scoped3A : memref<!tpu.dma_semaphore, #tpu.memory_space<semaphore_mem>>)
      %dma_wait3A_867 = tpu.memref_slice %arg3[%add3A_426] : memref<196608xi32, #tpu.memory_space<hbm>> -> memref<128xi32, #tpu.memory_space<hbm>>
      %dma_wait3A_868 = tpu.memref_slice %arg3[%add3A_426] : memref<196608xi32, #tpu.memory_space<hbm>> -> memref<128xi32, #tpu.memory_space<hbm>>
      tpu.wait_dma2 semaphore(%run_scoped3A : memref<!tpu.dma_semaphore, #tpu.memory_space<semaphore_mem>>) src(%dma_wait3A_868 : memref<128xi32, #tpu.memory_space<hbm>>) dst(%arg6 : memref<128xi32, #tpu.memory_space<vmem>>)
      tpu.yield
    }) : () -> ()
    %dma_start3A_427 = arith.constant 0 : i32
    %dma_start3A_428 = arith.constant 0 : i32
    %dma_start3A_429 = tpu.memref_slice %arg2[%dma_start3A_427, %dma_start3A_428] : memref<4096x128xf32, #tpu.memory_space<hbm>> -> memref<4096x128xf32, #tpu.memory_space<hbm>>
    tpu.enqueue_indirect_dma source(%dma_start3A_429 : memref<4096x128xf32, #tpu.memory_space<hbm>>) target(%arg9 : memref<128x128xf32, #tpu.memory_space<vmem>>) offsets(%arg6 : memref<128xi32, #tpu.memory_space<vmem>>) semaphore(%arg12 : memref<!tpu.dma_semaphore, #tpu.memory_space<semaphore_mem>>)
    %dma_wait3A_430 = arith.constant 0 : i32
    %dma_wait3A_431 = arith.constant 0 : i32
    %dma_wait3A_432 = tpu.memref_slice %arg2[%dma_wait3A_430, %dma_wait3A_431] : memref<4096x128xf32, #tpu.memory_space<hbm>> -> memref<4096x128xf32, #tpu.memory_space<hbm>>
    tpu.wait_indirect_dma semaphore(%arg13 : memref<!tpu.dma_semaphore, #tpu.memory_space<semaphore_mem>>) src(%dma_wait3A_432 : memref<4096x128xf32, #tpu.memory_space<hbm>>) dst(%arg10 : memref<128x128xf32, #tpu.memory_space<vmem>>)
    %add3A_433 = arith.constant 2944 : i32
    %add3A_434 = arith.addi %mul3A_2, %add3A_433 : i32
    %dma_start3A_435 = arith.constant 0 : i32
    %dma_start3A_436 = tpu.memref_slice %arg4[%add3A_434, %dma_start3A_435] : memref<196608x128xf32, #tpu.memory_space<hbm>> -> memref<128x128xf32, #tpu.memory_space<hbm>>
    %dma_start3A_437 = arith.constant 0 : i32
    %dma_start3A_438 = tpu.memref_slice %arg4[%add3A_434, %dma_start3A_437] : memref<196608x128xf32, #tpu.memory_space<hbm>> -> memref<128x128xf32, #tpu.memory_space<hbm>>
    tpu.enqueue_dma source(%arg10 : memref<128x128xf32, #tpu.memory_space<vmem>>) target(%dma_start3A_438 : memref<128x128xf32, #tpu.memory_space<hbm>>) target_semaphore(%arg16 : memref<!tpu.dma_semaphore, #tpu.memory_space<semaphore_mem>>)
    %dma_wait3A_439 = arith.constant 0 : i32
    %dma_wait3A_440 = tpu.memref_slice %arg4[%add3A_434, %dma_wait3A_439] : memref<196608x128xf32, #tpu.memory_space<hbm>> -> memref<128x128xf32, #tpu.memory_space<hbm>>
    %dma_wait3A_441 = arith.constant 0 : i32
    %dma_wait3A_442 = tpu.memref_slice %arg4[%add3A_434, %dma_wait3A_441] : memref<196608x128xf32, #tpu.memory_space<hbm>> -> memref<128x128xf32, #tpu.memory_space<hbm>>
    tpu.wait_dma2 semaphore(%arg16 : memref<!tpu.dma_semaphore, #tpu.memory_space<semaphore_mem>>) src(%arg10 : memref<128x128xf32, #tpu.memory_space<vmem>>) dst(%dma_wait3A_442 : memref<128x128xf32, #tpu.memory_space<hbm>>)
    %add3A_443 = arith.constant 3328 : i32
    %add3A_444 = arith.addi %mul3A_2, %add3A_443 : i32
    "tpu.region"() ({
      %run_scoped3A = tpu.sem_alloc : memref<!tpu.dma_semaphore, #tpu.memory_space<semaphore_mem>>
      %dma_start3A_865 = tpu.memref_slice %arg3[%add3A_444] : memref<196608xi32, #tpu.memory_space<hbm>> -> memref<128xi32, #tpu.memory_space<hbm>>
      %dma_start3A_866 = tpu.memref_slice %arg3[%add3A_444] : memref<196608xi32, #tpu.memory_space<hbm>> -> memref<128xi32, #tpu.memory_space<hbm>>
      tpu.enqueue_dma source(%dma_start3A_866 : memref<128xi32, #tpu.memory_space<hbm>>) target(%arg7 : memref<128xi32, #tpu.memory_space<vmem>>) target_semaphore(%run_scoped3A : memref<!tpu.dma_semaphore, #tpu.memory_space<semaphore_mem>>)
      %dma_wait3A_867 = tpu.memref_slice %arg3[%add3A_444] : memref<196608xi32, #tpu.memory_space<hbm>> -> memref<128xi32, #tpu.memory_space<hbm>>
      %dma_wait3A_868 = tpu.memref_slice %arg3[%add3A_444] : memref<196608xi32, #tpu.memory_space<hbm>> -> memref<128xi32, #tpu.memory_space<hbm>>
      tpu.wait_dma2 semaphore(%run_scoped3A : memref<!tpu.dma_semaphore, #tpu.memory_space<semaphore_mem>>) src(%dma_wait3A_868 : memref<128xi32, #tpu.memory_space<hbm>>) dst(%arg7 : memref<128xi32, #tpu.memory_space<vmem>>)
      tpu.yield
    }) : () -> ()
    %dma_start3A_445 = arith.constant 0 : i32
    %dma_start3A_446 = arith.constant 0 : i32
    %dma_start3A_447 = tpu.memref_slice %arg2[%dma_start3A_445, %dma_start3A_446] : memref<4096x128xf32, #tpu.memory_space<hbm>> -> memref<4096x128xf32, #tpu.memory_space<hbm>>
    tpu.enqueue_indirect_dma source(%dma_start3A_447 : memref<4096x128xf32, #tpu.memory_space<hbm>>) target(%arg10 : memref<128x128xf32, #tpu.memory_space<vmem>>) offsets(%arg7 : memref<128xi32, #tpu.memory_space<vmem>>) semaphore(%arg13 : memref<!tpu.dma_semaphore, #tpu.memory_space<semaphore_mem>>)
    %dma_wait3A_448 = arith.constant 0 : i32
    %dma_wait3A_449 = arith.constant 0 : i32
    %dma_wait3A_450 = tpu.memref_slice %arg2[%dma_wait3A_448, %dma_wait3A_449] : memref<4096x128xf32, #tpu.memory_space<hbm>> -> memref<4096x128xf32, #tpu.memory_space<hbm>>
    tpu.wait_indirect_dma semaphore(%arg11 : memref<!tpu.dma_semaphore, #tpu.memory_space<semaphore_mem>>) src(%dma_wait3A_450 : memref<4096x128xf32, #tpu.memory_space<hbm>>) dst(%arg8 : memref<128x128xf32, #tpu.memory_space<vmem>>)
    %add3A_451 = arith.constant 3072 : i32
    %add3A_452 = arith.addi %mul3A_2, %add3A_451 : i32
    %dma_start3A_453 = arith.constant 0 : i32
    %dma_start3A_454 = tpu.memref_slice %arg4[%add3A_452, %dma_start3A_453] : memref<196608x128xf32, #tpu.memory_space<hbm>> -> memref<128x128xf32, #tpu.memory_space<hbm>>
    %dma_start3A_455 = arith.constant 0 : i32
    %dma_start3A_456 = tpu.memref_slice %arg4[%add3A_452, %dma_start3A_455] : memref<196608x128xf32, #tpu.memory_space<hbm>> -> memref<128x128xf32, #tpu.memory_space<hbm>>
    tpu.enqueue_dma source(%arg8 : memref<128x128xf32, #tpu.memory_space<vmem>>) target(%dma_start3A_456 : memref<128x128xf32, #tpu.memory_space<hbm>>) target_semaphore(%arg14 : memref<!tpu.dma_semaphore, #tpu.memory_space<semaphore_mem>>)
    %dma_wait3A_457 = arith.constant 0 : i32
    %dma_wait3A_458 = tpu.memref_slice %arg4[%add3A_452, %dma_wait3A_457] : memref<196608x128xf32, #tpu.memory_space<hbm>> -> memref<128x128xf32, #tpu.memory_space<hbm>>
    %dma_wait3A_459 = arith.constant 0 : i32
    %dma_wait3A_460 = tpu.memref_slice %arg4[%add3A_452, %dma_wait3A_459] : memref<196608x128xf32, #tpu.memory_space<hbm>> -> memref<128x128xf32, #tpu.memory_space<hbm>>
    tpu.wait_dma2 semaphore(%arg14 : memref<!tpu.dma_semaphore, #tpu.memory_space<semaphore_mem>>) src(%arg8 : memref<128x128xf32, #tpu.memory_space<vmem>>) dst(%dma_wait3A_460 : memref<128x128xf32, #tpu.memory_space<hbm>>)
    %add3A_461 = arith.constant 3456 : i32
    %add3A_462 = arith.addi %mul3A_2, %add3A_461 : i32
    "tpu.region"() ({
      %run_scoped3A = tpu.sem_alloc : memref<!tpu.dma_semaphore, #tpu.memory_space<semaphore_mem>>
      %dma_start3A_865 = tpu.memref_slice %arg3[%add3A_462] : memref<196608xi32, #tpu.memory_space<hbm>> -> memref<128xi32, #tpu.memory_space<hbm>>
      %dma_start3A_866 = tpu.memref_slice %arg3[%add3A_462] : memref<196608xi32, #tpu.memory_space<hbm>> -> memref<128xi32, #tpu.memory_space<hbm>>
      tpu.enqueue_dma source(%dma_start3A_866 : memref<128xi32, #tpu.memory_space<hbm>>) target(%arg5 : memref<128xi32, #tpu.memory_space<vmem>>) target_semaphore(%run_scoped3A : memref<!tpu.dma_semaphore, #tpu.memory_space<semaphore_mem>>)
      %dma_wait3A_867 = tpu.memref_slice %arg3[%add3A_462] : memref<196608xi32, #tpu.memory_space<hbm>> -> memref<128xi32, #tpu.memory_space<hbm>>
      %dma_wait3A_868 = tpu.memref_slice %arg3[%add3A_462] : memref<196608xi32, #tpu.memory_space<hbm>> -> memref<128xi32, #tpu.memory_space<hbm>>
      tpu.wait_dma2 semaphore(%run_scoped3A : memref<!tpu.dma_semaphore, #tpu.memory_space<semaphore_mem>>) src(%dma_wait3A_868 : memref<128xi32, #tpu.memory_space<hbm>>) dst(%arg5 : memref<128xi32, #tpu.memory_space<vmem>>)
      tpu.yield
    }) : () -> ()
    %dma_start3A_463 = arith.constant 0 : i32
    %dma_start3A_464 = arith.constant 0 : i32
    %dma_start3A_465 = tpu.memref_slice %arg2[%dma_start3A_463, %dma_start3A_464] : memref<4096x128xf32, #tpu.memory_space<hbm>> -> memref<4096x128xf32, #tpu.memory_space<hbm>>
    tpu.enqueue_indirect_dma source(%dma_start3A_465 : memref<4096x128xf32, #tpu.memory_space<hbm>>) target(%arg8 : memref<128x128xf32, #tpu.memory_space<vmem>>) offsets(%arg5 : memref<128xi32, #tpu.memory_space<vmem>>) semaphore(%arg11 : memref<!tpu.dma_semaphore, #tpu.memory_space<semaphore_mem>>)
    %dma_wait3A_466 = arith.constant 0 : i32
    %dma_wait3A_467 = arith.constant 0 : i32
    %dma_wait3A_468 = tpu.memref_slice %arg2[%dma_wait3A_466, %dma_wait3A_467] : memref<4096x128xf32, #tpu.memory_space<hbm>> -> memref<4096x128xf32, #tpu.memory_space<hbm>>
    tpu.wait_indirect_dma semaphore(%arg12 : memref<!tpu.dma_semaphore, #tpu.memory_space<semaphore_mem>>) src(%dma_wait3A_468 : memref<4096x128xf32, #tpu.memory_space<hbm>>) dst(%arg9 : memref<128x128xf32, #tpu.memory_space<vmem>>)
    %add3A_469 = arith.constant 3200 : i32
    %add3A_470 = arith.addi %mul3A_2, %add3A_469 : i32
    %dma_start3A_471 = arith.constant 0 : i32
    %dma_start3A_472 = tpu.memref_slice %arg4[%add3A_470, %dma_start3A_471] : memref<196608x128xf32, #tpu.memory_space<hbm>> -> memref<128x128xf32, #tpu.memory_space<hbm>>
    %dma_start3A_473 = arith.constant 0 : i32
    %dma_start3A_474 = tpu.memref_slice %arg4[%add3A_470, %dma_start3A_473] : memref<196608x128xf32, #tpu.memory_space<hbm>> -> memref<128x128xf32, #tpu.memory_space<hbm>>
    tpu.enqueue_dma source(%arg9 : memref<128x128xf32, #tpu.memory_space<vmem>>) target(%dma_start3A_474 : memref<128x128xf32, #tpu.memory_space<hbm>>) target_semaphore(%arg15 : memref<!tpu.dma_semaphore, #tpu.memory_space<semaphore_mem>>)
    %dma_wait3A_475 = arith.constant 0 : i32
    %dma_wait3A_476 = tpu.memref_slice %arg4[%add3A_470, %dma_wait3A_475] : memref<196608x128xf32, #tpu.memory_space<hbm>> -> memref<128x128xf32, #tpu.memory_space<hbm>>
    %dma_wait3A_477 = arith.constant 0 : i32
    %dma_wait3A_478 = tpu.memref_slice %arg4[%add3A_470, %dma_wait3A_477] : memref<196608x128xf32, #tpu.memory_space<hbm>> -> memref<128x128xf32, #tpu.memory_space<hbm>>
    tpu.wait_dma2 semaphore(%arg15 : memref<!tpu.dma_semaphore, #tpu.memory_space<semaphore_mem>>) src(%arg9 : memref<128x128xf32, #tpu.memory_space<vmem>>) dst(%dma_wait3A_478 : memref<128x128xf32, #tpu.memory_space<hbm>>)
    %add3A_479 = arith.constant 3584 : i32
    %add3A_480 = arith.addi %mul3A_2, %add3A_479 : i32
    "tpu.region"() ({
      %run_scoped3A = tpu.sem_alloc : memref<!tpu.dma_semaphore, #tpu.memory_space<semaphore_mem>>
      %dma_start3A_865 = tpu.memref_slice %arg3[%add3A_480] : memref<196608xi32, #tpu.memory_space<hbm>> -> memref<128xi32, #tpu.memory_space<hbm>>
      %dma_start3A_866 = tpu.memref_slice %arg3[%add3A_480] : memref<196608xi32, #tpu.memory_space<hbm>> -> memref<128xi32, #tpu.memory_space<hbm>>
      tpu.enqueue_dma source(%dma_start3A_866 : memref<128xi32, #tpu.memory_space<hbm>>) target(%arg6 : memref<128xi32, #tpu.memory_space<vmem>>) target_semaphore(%run_scoped3A : memref<!tpu.dma_semaphore, #tpu.memory_space<semaphore_mem>>)
      %dma_wait3A_867 = tpu.memref_slice %arg3[%add3A_480] : memref<196608xi32, #tpu.memory_space<hbm>> -> memref<128xi32, #tpu.memory_space<hbm>>
      %dma_wait3A_868 = tpu.memref_slice %arg3[%add3A_480] : memref<196608xi32, #tpu.memory_space<hbm>> -> memref<128xi32, #tpu.memory_space<hbm>>
      tpu.wait_dma2 semaphore(%run_scoped3A : memref<!tpu.dma_semaphore, #tpu.memory_space<semaphore_mem>>) src(%dma_wait3A_868 : memref<128xi32, #tpu.memory_space<hbm>>) dst(%arg6 : memref<128xi32, #tpu.memory_space<vmem>>)
      tpu.yield
    }) : () -> ()
    %dma_start3A_481 = arith.constant 0 : i32
    %dma_start3A_482 = arith.constant 0 : i32
    %dma_start3A_483 = tpu.memref_slice %arg2[%dma_start3A_481, %dma_start3A_482] : memref<4096x128xf32, #tpu.memory_space<hbm>> -> memref<4096x128xf32, #tpu.memory_space<hbm>>
    tpu.enqueue_indirect_dma source(%dma_start3A_483 : memref<4096x128xf32, #tpu.memory_space<hbm>>) target(%arg9 : memref<128x128xf32, #tpu.memory_space<vmem>>) offsets(%arg6 : memref<128xi32, #tpu.memory_space<vmem>>) semaphore(%arg12 : memref<!tpu.dma_semaphore, #tpu.memory_space<semaphore_mem>>)
    %dma_wait3A_484 = arith.constant 0 : i32
    %dma_wait3A_485 = arith.constant 0 : i32
    %dma_wait3A_486 = tpu.memref_slice %arg2[%dma_wait3A_484, %dma_wait3A_485] : memref<4096x128xf32, #tpu.memory_space<hbm>> -> memref<4096x128xf32, #tpu.memory_space<hbm>>
    tpu.wait_indirect_dma semaphore(%arg13 : memref<!tpu.dma_semaphore, #tpu.memory_space<semaphore_mem>>) src(%dma_wait3A_486 : memref<4096x128xf32, #tpu.memory_space<hbm>>) dst(%arg10 : memref<128x128xf32, #tpu.memory_space<vmem>>)
    %add3A_487 = arith.constant 3328 : i32
    %add3A_488 = arith.addi %mul3A_2, %add3A_487 : i32
    %dma_start3A_489 = arith.constant 0 : i32
    %dma_start3A_490 = tpu.memref_slice %arg4[%add3A_488, %dma_start3A_489] : memref<196608x128xf32, #tpu.memory_space<hbm>> -> memref<128x128xf32, #tpu.memory_space<hbm>>
    %dma_start3A_491 = arith.constant 0 : i32
    %dma_start3A_492 = tpu.memref_slice %arg4[%add3A_488, %dma_start3A_491] : memref<196608x128xf32, #tpu.memory_space<hbm>> -> memref<128x128xf32, #tpu.memory_space<hbm>>
    tpu.enqueue_dma source(%arg10 : memref<128x128xf32, #tpu.memory_space<vmem>>) target(%dma_start3A_492 : memref<128x128xf32, #tpu.memory_space<hbm>>) target_semaphore(%arg16 : memref<!tpu.dma_semaphore, #tpu.memory_space<semaphore_mem>>)
    %dma_wait3A_493 = arith.constant 0 : i32
    %dma_wait3A_494 = tpu.memref_slice %arg4[%add3A_488, %dma_wait3A_493] : memref<196608x128xf32, #tpu.memory_space<hbm>> -> memref<128x128xf32, #tpu.memory_space<hbm>>
    %dma_wait3A_495 = arith.constant 0 : i32
    %dma_wait3A_496 = tpu.memref_slice %arg4[%add3A_488, %dma_wait3A_495] : memref<196608x128xf32, #tpu.memory_space<hbm>> -> memref<128x128xf32, #tpu.memory_space<hbm>>
    tpu.wait_dma2 semaphore(%arg16 : memref<!tpu.dma_semaphore, #tpu.memory_space<semaphore_mem>>) src(%arg10 : memref<128x128xf32, #tpu.memory_space<vmem>>) dst(%dma_wait3A_496 : memref<128x128xf32, #tpu.memory_space<hbm>>)
    %add3A_497 = arith.constant 3712 : i32
    %add3A_498 = arith.addi %mul3A_2, %add3A_497 : i32
    "tpu.region"() ({
      %run_scoped3A = tpu.sem_alloc : memref<!tpu.dma_semaphore, #tpu.memory_space<semaphore_mem>>
      %dma_start3A_865 = tpu.memref_slice %arg3[%add3A_498] : memref<196608xi32, #tpu.memory_space<hbm>> -> memref<128xi32, #tpu.memory_space<hbm>>
      %dma_start3A_866 = tpu.memref_slice %arg3[%add3A_498] : memref<196608xi32, #tpu.memory_space<hbm>> -> memref<128xi32, #tpu.memory_space<hbm>>
      tpu.enqueue_dma source(%dma_start3A_866 : memref<128xi32, #tpu.memory_space<hbm>>) target(%arg7 : memref<128xi32, #tpu.memory_space<vmem>>) target_semaphore(%run_scoped3A : memref<!tpu.dma_semaphore, #tpu.memory_space<semaphore_mem>>)
      %dma_wait3A_867 = tpu.memref_slice %arg3[%add3A_498] : memref<196608xi32, #tpu.memory_space<hbm>> -> memref<128xi32, #tpu.memory_space<hbm>>
      %dma_wait3A_868 = tpu.memref_slice %arg3[%add3A_498] : memref<196608xi32, #tpu.memory_space<hbm>> -> memref<128xi32, #tpu.memory_space<hbm>>
      tpu.wait_dma2 semaphore(%run_scoped3A : memref<!tpu.dma_semaphore, #tpu.memory_space<semaphore_mem>>) src(%dma_wait3A_868 : memref<128xi32, #tpu.memory_space<hbm>>) dst(%arg7 : memref<128xi32, #tpu.memory_space<vmem>>)
      tpu.yield
    }) : () -> ()
    %dma_start3A_499 = arith.constant 0 : i32
    %dma_start3A_500 = arith.constant 0 : i32
    %dma_start3A_501 = tpu.memref_slice %arg2[%dma_start3A_499, %dma_start3A_500] : memref<4096x128xf32, #tpu.memory_space<hbm>> -> memref<4096x128xf32, #tpu.memory_space<hbm>>
    tpu.enqueue_indirect_dma source(%dma_start3A_501 : memref<4096x128xf32, #tpu.memory_space<hbm>>) target(%arg10 : memref<128x128xf32, #tpu.memory_space<vmem>>) offsets(%arg7 : memref<128xi32, #tpu.memory_space<vmem>>) semaphore(%arg13 : memref<!tpu.dma_semaphore, #tpu.memory_space<semaphore_mem>>)
    %dma_wait3A_502 = arith.constant 0 : i32
    %dma_wait3A_503 = arith.constant 0 : i32
    %dma_wait3A_504 = tpu.memref_slice %arg2[%dma_wait3A_502, %dma_wait3A_503] : memref<4096x128xf32, #tpu.memory_space<hbm>> -> memref<4096x128xf32, #tpu.memory_space<hbm>>
    tpu.wait_indirect_dma semaphore(%arg11 : memref<!tpu.dma_semaphore, #tpu.memory_space<semaphore_mem>>) src(%dma_wait3A_504 : memref<4096x128xf32, #tpu.memory_space<hbm>>) dst(%arg8 : memref<128x128xf32, #tpu.memory_space<vmem>>)
    %add3A_505 = arith.constant 3456 : i32
    %add3A_506 = arith.addi %mul3A_2, %add3A_505 : i32
    %dma_start3A_507 = arith.constant 0 : i32
    %dma_start3A_508 = tpu.memref_slice %arg4[%add3A_506, %dma_start3A_507] : memref<196608x128xf32, #tpu.memory_space<hbm>> -> memref<128x128xf32, #tpu.memory_space<hbm>>
    %dma_start3A_509 = arith.constant 0 : i32
    %dma_start3A_510 = tpu.memref_slice %arg4[%add3A_506, %dma_start3A_509] : memref<196608x128xf32, #tpu.memory_space<hbm>> -> memref<128x128xf32, #tpu.memory_space<hbm>>
    tpu.enqueue_dma source(%arg8 : memref<128x128xf32, #tpu.memory_space<vmem>>) target(%dma_start3A_510 : memref<128x128xf32, #tpu.memory_space<hbm>>) target_semaphore(%arg14 : memref<!tpu.dma_semaphore, #tpu.memory_space<semaphore_mem>>)
    %dma_wait3A_511 = arith.constant 0 : i32
    %dma_wait3A_512 = tpu.memref_slice %arg4[%add3A_506, %dma_wait3A_511] : memref<196608x128xf32, #tpu.memory_space<hbm>> -> memref<128x128xf32, #tpu.memory_space<hbm>>
    %dma_wait3A_513 = arith.constant 0 : i32
    %dma_wait3A_514 = tpu.memref_slice %arg4[%add3A_506, %dma_wait3A_513] : memref<196608x128xf32, #tpu.memory_space<hbm>> -> memref<128x128xf32, #tpu.memory_space<hbm>>
    tpu.wait_dma2 semaphore(%arg14 : memref<!tpu.dma_semaphore, #tpu.memory_space<semaphore_mem>>) src(%arg8 : memref<128x128xf32, #tpu.memory_space<vmem>>) dst(%dma_wait3A_514 : memref<128x128xf32, #tpu.memory_space<hbm>>)
    %add3A_515 = arith.constant 3840 : i32
    %add3A_516 = arith.addi %mul3A_2, %add3A_515 : i32
    "tpu.region"() ({
      %run_scoped3A = tpu.sem_alloc : memref<!tpu.dma_semaphore, #tpu.memory_space<semaphore_mem>>
      %dma_start3A_865 = tpu.memref_slice %arg3[%add3A_516] : memref<196608xi32, #tpu.memory_space<hbm>> -> memref<128xi32, #tpu.memory_space<hbm>>
      %dma_start3A_866 = tpu.memref_slice %arg3[%add3A_516] : memref<196608xi32, #tpu.memory_space<hbm>> -> memref<128xi32, #tpu.memory_space<hbm>>
      tpu.enqueue_dma source(%dma_start3A_866 : memref<128xi32, #tpu.memory_space<hbm>>) target(%arg5 : memref<128xi32, #tpu.memory_space<vmem>>) target_semaphore(%run_scoped3A : memref<!tpu.dma_semaphore, #tpu.memory_space<semaphore_mem>>)
      %dma_wait3A_867 = tpu.memref_slice %arg3[%add3A_516] : memref<196608xi32, #tpu.memory_space<hbm>> -> memref<128xi32, #tpu.memory_space<hbm>>
      %dma_wait3A_868 = tpu.memref_slice %arg3[%add3A_516] : memref<196608xi32, #tpu.memory_space<hbm>> -> memref<128xi32, #tpu.memory_space<hbm>>
      tpu.wait_dma2 semaphore(%run_scoped3A : memref<!tpu.dma_semaphore, #tpu.memory_space<semaphore_mem>>) src(%dma_wait3A_868 : memref<128xi32, #tpu.memory_space<hbm>>) dst(%arg5 : memref<128xi32, #tpu.memory_space<vmem>>)
      tpu.yield
    }) : () -> ()
    %dma_start3A_517 = arith.constant 0 : i32
    %dma_start3A_518 = arith.constant 0 : i32
    %dma_start3A_519 = tpu.memref_slice %arg2[%dma_start3A_517, %dma_start3A_518] : memref<4096x128xf32, #tpu.memory_space<hbm>> -> memref<4096x128xf32, #tpu.memory_space<hbm>>
    tpu.enqueue_indirect_dma source(%dma_start3A_519 : memref<4096x128xf32, #tpu.memory_space<hbm>>) target(%arg8 : memref<128x128xf32, #tpu.memory_space<vmem>>) offsets(%arg5 : memref<128xi32, #tpu.memory_space<vmem>>) semaphore(%arg11 : memref<!tpu.dma_semaphore, #tpu.memory_space<semaphore_mem>>)
    %dma_wait3A_520 = arith.constant 0 : i32
    %dma_wait3A_521 = arith.constant 0 : i32
    %dma_wait3A_522 = tpu.memref_slice %arg2[%dma_wait3A_520, %dma_wait3A_521] : memref<4096x128xf32, #tpu.memory_space<hbm>> -> memref<4096x128xf32, #tpu.memory_space<hbm>>
    tpu.wait_indirect_dma semaphore(%arg12 : memref<!tpu.dma_semaphore, #tpu.memory_space<semaphore_mem>>) src(%dma_wait3A_522 : memref<4096x128xf32, #tpu.memory_space<hbm>>) dst(%arg9 : memref<128x128xf32, #tpu.memory_space<vmem>>)
    %add3A_523 = arith.constant 3584 : i32
    %add3A_524 = arith.addi %mul3A_2, %add3A_523 : i32
    %dma_start3A_525 = arith.constant 0 : i32
    %dma_start3A_526 = tpu.memref_slice %arg4[%add3A_524, %dma_start3A_525] : memref<196608x128xf32, #tpu.memory_space<hbm>> -> memref<128x128xf32, #tpu.memory_space<hbm>>
    %dma_start3A_527 = arith.constant 0 : i32
    %dma_start3A_528 = tpu.memref_slice %arg4[%add3A_524, %dma_start3A_527] : memref<196608x128xf32, #tpu.memory_space<hbm>> -> memref<128x128xf32, #tpu.memory_space<hbm>>
    tpu.enqueue_dma source(%arg9 : memref<128x128xf32, #tpu.memory_space<vmem>>) target(%dma_start3A_528 : memref<128x128xf32, #tpu.memory_space<hbm>>) target_semaphore(%arg15 : memref<!tpu.dma_semaphore, #tpu.memory_space<semaphore_mem>>)
    %dma_wait3A_529 = arith.constant 0 : i32
    %dma_wait3A_530 = tpu.memref_slice %arg4[%add3A_524, %dma_wait3A_529] : memref<196608x128xf32, #tpu.memory_space<hbm>> -> memref<128x128xf32, #tpu.memory_space<hbm>>
    %dma_wait3A_531 = arith.constant 0 : i32
    %dma_wait3A_532 = tpu.memref_slice %arg4[%add3A_524, %dma_wait3A_531] : memref<196608x128xf32, #tpu.memory_space<hbm>> -> memref<128x128xf32, #tpu.memory_space<hbm>>
    tpu.wait_dma2 semaphore(%arg15 : memref<!tpu.dma_semaphore, #tpu.memory_space<semaphore_mem>>) src(%arg9 : memref<128x128xf32, #tpu.memory_space<vmem>>) dst(%dma_wait3A_532 : memref<128x128xf32, #tpu.memory_space<hbm>>)
    %add3A_533 = arith.constant 3968 : i32
    %add3A_534 = arith.addi %mul3A_2, %add3A_533 : i32
    "tpu.region"() ({
      %run_scoped3A = tpu.sem_alloc : memref<!tpu.dma_semaphore, #tpu.memory_space<semaphore_mem>>
      %dma_start3A_865 = tpu.memref_slice %arg3[%add3A_534] : memref<196608xi32, #tpu.memory_space<hbm>> -> memref<128xi32, #tpu.memory_space<hbm>>
      %dma_start3A_866 = tpu.memref_slice %arg3[%add3A_534] : memref<196608xi32, #tpu.memory_space<hbm>> -> memref<128xi32, #tpu.memory_space<hbm>>
      tpu.enqueue_dma source(%dma_start3A_866 : memref<128xi32, #tpu.memory_space<hbm>>) target(%arg6 : memref<128xi32, #tpu.memory_space<vmem>>) target_semaphore(%run_scoped3A : memref<!tpu.dma_semaphore, #tpu.memory_space<semaphore_mem>>)
      %dma_wait3A_867 = tpu.memref_slice %arg3[%add3A_534] : memref<196608xi32, #tpu.memory_space<hbm>> -> memref<128xi32, #tpu.memory_space<hbm>>
      %dma_wait3A_868 = tpu.memref_slice %arg3[%add3A_534] : memref<196608xi32, #tpu.memory_space<hbm>> -> memref<128xi32, #tpu.memory_space<hbm>>
      tpu.wait_dma2 semaphore(%run_scoped3A : memref<!tpu.dma_semaphore, #tpu.memory_space<semaphore_mem>>) src(%dma_wait3A_868 : memref<128xi32, #tpu.memory_space<hbm>>) dst(%arg6 : memref<128xi32, #tpu.memory_space<vmem>>)
      tpu.yield
    }) : () -> ()
    %dma_start3A_535 = arith.constant 0 : i32
    %dma_start3A_536 = arith.constant 0 : i32
    %dma_start3A_537 = tpu.memref_slice %arg2[%dma_start3A_535, %dma_start3A_536] : memref<4096x128xf32, #tpu.memory_space<hbm>> -> memref<4096x128xf32, #tpu.memory_space<hbm>>
    tpu.enqueue_indirect_dma source(%dma_start3A_537 : memref<4096x128xf32, #tpu.memory_space<hbm>>) target(%arg9 : memref<128x128xf32, #tpu.memory_space<vmem>>) offsets(%arg6 : memref<128xi32, #tpu.memory_space<vmem>>) semaphore(%arg12 : memref<!tpu.dma_semaphore, #tpu.memory_space<semaphore_mem>>)
    %dma_wait3A_538 = arith.constant 0 : i32
    %dma_wait3A_539 = arith.constant 0 : i32
    %dma_wait3A_540 = tpu.memref_slice %arg2[%dma_wait3A_538, %dma_wait3A_539] : memref<4096x128xf32, #tpu.memory_space<hbm>> -> memref<4096x128xf32, #tpu.memory_space<hbm>>
    tpu.wait_indirect_dma semaphore(%arg13 : memref<!tpu.dma_semaphore, #tpu.memory_space<semaphore_mem>>) src(%dma_wait3A_540 : memref<4096x128xf32, #tpu.memory_space<hbm>>) dst(%arg10 : memref<128x128xf32, #tpu.memory_space<vmem>>)
    %add3A_541 = arith.constant 3712 : i32
    %add3A_542 = arith.addi %mul3A_2, %add3A_541 : i32
    %dma_start3A_543 = arith.constant 0 : i32
    %dma_start3A_544 = tpu.memref_slice %arg4[%add3A_542, %dma_start3A_543] : memref<196608x128xf32, #tpu.memory_space<hbm>> -> memref<128x128xf32, #tpu.memory_space<hbm>>
    %dma_start3A_545 = arith.constant 0 : i32
    %dma_start3A_546 = tpu.memref_slice %arg4[%add3A_542, %dma_start3A_545] : memref<196608x128xf32, #tpu.memory_space<hbm>> -> memref<128x128xf32, #tpu.memory_space<hbm>>
    tpu.enqueue_dma source(%arg10 : memref<128x128xf32, #tpu.memory_space<vmem>>) target(%dma_start3A_546 : memref<128x128xf32, #tpu.memory_space<hbm>>) target_semaphore(%arg16 : memref<!tpu.dma_semaphore, #tpu.memory_space<semaphore_mem>>)
    %dma_wait3A_547 = arith.constant 0 : i32
    %dma_wait3A_548 = tpu.memref_slice %arg4[%add3A_542, %dma_wait3A_547] : memref<196608x128xf32, #tpu.memory_space<hbm>> -> memref<128x128xf32, #tpu.memory_space<hbm>>
    %dma_wait3A_549 = arith.constant 0 : i32
    %dma_wait3A_550 = tpu.memref_slice %arg4[%add3A_542, %dma_wait3A_549] : memref<196608x128xf32, #tpu.memory_space<hbm>> -> memref<128x128xf32, #tpu.memory_space<hbm>>
    tpu.wait_dma2 semaphore(%arg16 : memref<!tpu.dma_semaphore, #tpu.memory_space<semaphore_mem>>) src(%arg10 : memref<128x128xf32, #tpu.memory_space<vmem>>) dst(%dma_wait3A_550 : memref<128x128xf32, #tpu.memory_space<hbm>>)
    %add3A_551 = arith.constant 4096 : i32
    %add3A_552 = arith.addi %mul3A_2, %add3A_551 : i32
    "tpu.region"() ({
      %run_scoped3A = tpu.sem_alloc : memref<!tpu.dma_semaphore, #tpu.memory_space<semaphore_mem>>
      %dma_start3A_865 = tpu.memref_slice %arg3[%add3A_552] : memref<196608xi32, #tpu.memory_space<hbm>> -> memref<128xi32, #tpu.memory_space<hbm>>
      %dma_start3A_866 = tpu.memref_slice %arg3[%add3A_552] : memref<196608xi32, #tpu.memory_space<hbm>> -> memref<128xi32, #tpu.memory_space<hbm>>
      tpu.enqueue_dma source(%dma_start3A_866 : memref<128xi32, #tpu.memory_space<hbm>>) target(%arg7 : memref<128xi32, #tpu.memory_space<vmem>>) target_semaphore(%run_scoped3A : memref<!tpu.dma_semaphore, #tpu.memory_space<semaphore_mem>>)
      %dma_wait3A_867 = tpu.memref_slice %arg3[%add3A_552] : memref<196608xi32, #tpu.memory_space<hbm>> -> memref<128xi32, #tpu.memory_space<hbm>>
      %dma_wait3A_868 = tpu.memref_slice %arg3[%add3A_552] : memref<196608xi32, #tpu.memory_space<hbm>> -> memref<128xi32, #tpu.memory_space<hbm>>
      tpu.wait_dma2 semaphore(%run_scoped3A : memref<!tpu.dma_semaphore, #tpu.memory_space<semaphore_mem>>) src(%dma_wait3A_868 : memref<128xi32, #tpu.memory_space<hbm>>) dst(%arg7 : memref<128xi32, #tpu.memory_space<vmem>>)
      tpu.yield
    }) : () -> ()
    %dma_start3A_553 = arith.constant 0 : i32
    %dma_start3A_554 = arith.constant 0 : i32
    %dma_start3A_555 = tpu.memref_slice %arg2[%dma_start3A_553, %dma_start3A_554] : memref<4096x128xf32, #tpu.memory_space<hbm>> -> memref<4096x128xf32, #tpu.memory_space<hbm>>
    tpu.enqueue_indirect_dma source(%dma_start3A_555 : memref<4096x128xf32, #tpu.memory_space<hbm>>) target(%arg10 : memref<128x128xf32, #tpu.memory_space<vmem>>) offsets(%arg7 : memref<128xi32, #tpu.memory_space<vmem>>) semaphore(%arg13 : memref<!tpu.dma_semaphore, #tpu.memory_space<semaphore_mem>>)
    %dma_wait3A_556 = arith.constant 0 : i32
    %dma_wait3A_557 = arith.constant 0 : i32
    %dma_wait3A_558 = tpu.memref_slice %arg2[%dma_wait3A_556, %dma_wait3A_557] : memref<4096x128xf32, #tpu.memory_space<hbm>> -> memref<4096x128xf32, #tpu.memory_space<hbm>>
    tpu.wait_indirect_dma semaphore(%arg11 : memref<!tpu.dma_semaphore, #tpu.memory_space<semaphore_mem>>) src(%dma_wait3A_558 : memref<4096x128xf32, #tpu.memory_space<hbm>>) dst(%arg8 : memref<128x128xf32, #tpu.memory_space<vmem>>)
    %add3A_559 = arith.constant 3840 : i32
    %add3A_560 = arith.addi %mul3A_2, %add3A_559 : i32
    %dma_start3A_561 = arith.constant 0 : i32
    %dma_start3A_562 = tpu.memref_slice %arg4[%add3A_560, %dma_start3A_561] : memref<196608x128xf32, #tpu.memory_space<hbm>> -> memref<128x128xf32, #tpu.memory_space<hbm>>
    %dma_start3A_563 = arith.constant 0 : i32
    %dma_start3A_564 = tpu.memref_slice %arg4[%add3A_560, %dma_start3A_563] : memref<196608x128xf32, #tpu.memory_space<hbm>> -> memref<128x128xf32, #tpu.memory_space<hbm>>
    tpu.enqueue_dma source(%arg8 : memref<128x128xf32, #tpu.memory_space<vmem>>) target(%dma_start3A_564 : memref<128x128xf32, #tpu.memory_space<hbm>>) target_semaphore(%arg14 : memref<!tpu.dma_semaphore, #tpu.memory_space<semaphore_mem>>)
    %dma_wait3A_565 = arith.constant 0 : i32
    %dma_wait3A_566 = tpu.memref_slice %arg4[%add3A_560, %dma_wait3A_565] : memref<196608x128xf32, #tpu.memory_space<hbm>> -> memref<128x128xf32, #tpu.memory_space<hbm>>
    %dma_wait3A_567 = arith.constant 0 : i32
    %dma_wait3A_568 = tpu.memref_slice %arg4[%add3A_560, %dma_wait3A_567] : memref<196608x128xf32, #tpu.memory_space<hbm>> -> memref<128x128xf32, #tpu.memory_space<hbm>>
    tpu.wait_dma2 semaphore(%arg14 : memref<!tpu.dma_semaphore, #tpu.memory_space<semaphore_mem>>) src(%arg8 : memref<128x128xf32, #tpu.memory_space<vmem>>) dst(%dma_wait3A_568 : memref<128x128xf32, #tpu.memory_space<hbm>>)
    %add3A_569 = arith.constant 4224 : i32
    %add3A_570 = arith.addi %mul3A_2, %add3A_569 : i32
    "tpu.region"() ({
      %run_scoped3A = tpu.sem_alloc : memref<!tpu.dma_semaphore, #tpu.memory_space<semaphore_mem>>
      %dma_start3A_865 = tpu.memref_slice %arg3[%add3A_570] : memref<196608xi32, #tpu.memory_space<hbm>> -> memref<128xi32, #tpu.memory_space<hbm>>
      %dma_start3A_866 = tpu.memref_slice %arg3[%add3A_570] : memref<196608xi32, #tpu.memory_space<hbm>> -> memref<128xi32, #tpu.memory_space<hbm>>
      tpu.enqueue_dma source(%dma_start3A_866 : memref<128xi32, #tpu.memory_space<hbm>>) target(%arg5 : memref<128xi32, #tpu.memory_space<vmem>>) target_semaphore(%run_scoped3A : memref<!tpu.dma_semaphore, #tpu.memory_space<semaphore_mem>>)
      %dma_wait3A_867 = tpu.memref_slice %arg3[%add3A_570] : memref<196608xi32, #tpu.memory_space<hbm>> -> memref<128xi32, #tpu.memory_space<hbm>>
      %dma_wait3A_868 = tpu.memref_slice %arg3[%add3A_570] : memref<196608xi32, #tpu.memory_space<hbm>> -> memref<128xi32, #tpu.memory_space<hbm>>
      tpu.wait_dma2 semaphore(%run_scoped3A : memref<!tpu.dma_semaphore, #tpu.memory_space<semaphore_mem>>) src(%dma_wait3A_868 : memref<128xi32, #tpu.memory_space<hbm>>) dst(%arg5 : memref<128xi32, #tpu.memory_space<vmem>>)
      tpu.yield
    }) : () -> ()
    %dma_start3A_571 = arith.constant 0 : i32
    %dma_start3A_572 = arith.constant 0 : i32
    %dma_start3A_573 = tpu.memref_slice %arg2[%dma_start3A_571, %dma_start3A_572] : memref<4096x128xf32, #tpu.memory_space<hbm>> -> memref<4096x128xf32, #tpu.memory_space<hbm>>
    tpu.enqueue_indirect_dma source(%dma_start3A_573 : memref<4096x128xf32, #tpu.memory_space<hbm>>) target(%arg8 : memref<128x128xf32, #tpu.memory_space<vmem>>) offsets(%arg5 : memref<128xi32, #tpu.memory_space<vmem>>) semaphore(%arg11 : memref<!tpu.dma_semaphore, #tpu.memory_space<semaphore_mem>>)
    %dma_wait3A_574 = arith.constant 0 : i32
    %dma_wait3A_575 = arith.constant 0 : i32
    %dma_wait3A_576 = tpu.memref_slice %arg2[%dma_wait3A_574, %dma_wait3A_575] : memref<4096x128xf32, #tpu.memory_space<hbm>> -> memref<4096x128xf32, #tpu.memory_space<hbm>>
    tpu.wait_indirect_dma semaphore(%arg12 : memref<!tpu.dma_semaphore, #tpu.memory_space<semaphore_mem>>) src(%dma_wait3A_576 : memref<4096x128xf32, #tpu.memory_space<hbm>>) dst(%arg9 : memref<128x128xf32, #tpu.memory_space<vmem>>)
    %add3A_577 = arith.constant 3968 : i32
    %add3A_578 = arith.addi %mul3A_2, %add3A_577 : i32
    %dma_start3A_579 = arith.constant 0 : i32
    %dma_start3A_580 = tpu.memref_slice %arg4[%add3A_578, %dma_start3A_579] : memref<196608x128xf32, #tpu.memory_space<hbm>> -> memref<128x128xf32, #tpu.memory_space<hbm>>
    %dma_start3A_581 = arith.constant 0 : i32
    %dma_start3A_582 = tpu.memref_slice %arg4[%add3A_578, %dma_start3A_581] : memref<196608x128xf32, #tpu.memory_space<hbm>> -> memref<128x128xf32, #tpu.memory_space<hbm>>
    tpu.enqueue_dma source(%arg9 : memref<128x128xf32, #tpu.memory_space<vmem>>) target(%dma_start3A_582 : memref<128x128xf32, #tpu.memory_space<hbm>>) target_semaphore(%arg15 : memref<!tpu.dma_semaphore, #tpu.memory_space<semaphore_mem>>)
    %dma_wait3A_583 = arith.constant 0 : i32
    %dma_wait3A_584 = tpu.memref_slice %arg4[%add3A_578, %dma_wait3A_583] : memref<196608x128xf32, #tpu.memory_space<hbm>> -> memref<128x128xf32, #tpu.memory_space<hbm>>
    %dma_wait3A_585 = arith.constant 0 : i32
    %dma_wait3A_586 = tpu.memref_slice %arg4[%add3A_578, %dma_wait3A_585] : memref<196608x128xf32, #tpu.memory_space<hbm>> -> memref<128x128xf32, #tpu.memory_space<hbm>>
    tpu.wait_dma2 semaphore(%arg15 : memref<!tpu.dma_semaphore, #tpu.memory_space<semaphore_mem>>) src(%arg9 : memref<128x128xf32, #tpu.memory_space<vmem>>) dst(%dma_wait3A_586 : memref<128x128xf32, #tpu.memory_space<hbm>>)
    %add3A_587 = arith.constant 4352 : i32
    %add3A_588 = arith.addi %mul3A_2, %add3A_587 : i32
    "tpu.region"() ({
      %run_scoped3A = tpu.sem_alloc : memref<!tpu.dma_semaphore, #tpu.memory_space<semaphore_mem>>
      %dma_start3A_865 = tpu.memref_slice %arg3[%add3A_588] : memref<196608xi32, #tpu.memory_space<hbm>> -> memref<128xi32, #tpu.memory_space<hbm>>
      %dma_start3A_866 = tpu.memref_slice %arg3[%add3A_588] : memref<196608xi32, #tpu.memory_space<hbm>> -> memref<128xi32, #tpu.memory_space<hbm>>
      tpu.enqueue_dma source(%dma_start3A_866 : memref<128xi32, #tpu.memory_space<hbm>>) target(%arg6 : memref<128xi32, #tpu.memory_space<vmem>>) target_semaphore(%run_scoped3A : memref<!tpu.dma_semaphore, #tpu.memory_space<semaphore_mem>>)
      %dma_wait3A_867 = tpu.memref_slice %arg3[%add3A_588] : memref<196608xi32, #tpu.memory_space<hbm>> -> memref<128xi32, #tpu.memory_space<hbm>>
      %dma_wait3A_868 = tpu.memref_slice %arg3[%add3A_588] : memref<196608xi32, #tpu.memory_space<hbm>> -> memref<128xi32, #tpu.memory_space<hbm>>
      tpu.wait_dma2 semaphore(%run_scoped3A : memref<!tpu.dma_semaphore, #tpu.memory_space<semaphore_mem>>) src(%dma_wait3A_868 : memref<128xi32, #tpu.memory_space<hbm>>) dst(%arg6 : memref<128xi32, #tpu.memory_space<vmem>>)
      tpu.yield
    }) : () -> ()
    %dma_start3A_589 = arith.constant 0 : i32
    %dma_start3A_590 = arith.constant 0 : i32
    %dma_start3A_591 = tpu.memref_slice %arg2[%dma_start3A_589, %dma_start3A_590] : memref<4096x128xf32, #tpu.memory_space<hbm>> -> memref<4096x128xf32, #tpu.memory_space<hbm>>
    tpu.enqueue_indirect_dma source(%dma_start3A_591 : memref<4096x128xf32, #tpu.memory_space<hbm>>) target(%arg9 : memref<128x128xf32, #tpu.memory_space<vmem>>) offsets(%arg6 : memref<128xi32, #tpu.memory_space<vmem>>) semaphore(%arg12 : memref<!tpu.dma_semaphore, #tpu.memory_space<semaphore_mem>>)
    %dma_wait3A_592 = arith.constant 0 : i32
    %dma_wait3A_593 = arith.constant 0 : i32
    %dma_wait3A_594 = tpu.memref_slice %arg2[%dma_wait3A_592, %dma_wait3A_593] : memref<4096x128xf32, #tpu.memory_space<hbm>> -> memref<4096x128xf32, #tpu.memory_space<hbm>>
    tpu.wait_indirect_dma semaphore(%arg13 : memref<!tpu.dma_semaphore, #tpu.memory_space<semaphore_mem>>) src(%dma_wait3A_594 : memref<4096x128xf32, #tpu.memory_space<hbm>>) dst(%arg10 : memref<128x128xf32, #tpu.memory_space<vmem>>)
    %add3A_595 = arith.constant 4096 : i32
    %add3A_596 = arith.addi %mul3A_2, %add3A_595 : i32
    %dma_start3A_597 = arith.constant 0 : i32
    %dma_start3A_598 = tpu.memref_slice %arg4[%add3A_596, %dma_start3A_597] : memref<196608x128xf32, #tpu.memory_space<hbm>> -> memref<128x128xf32, #tpu.memory_space<hbm>>
    %dma_start3A_599 = arith.constant 0 : i32
    %dma_start3A_600 = tpu.memref_slice %arg4[%add3A_596, %dma_start3A_599] : memref<196608x128xf32, #tpu.memory_space<hbm>> -> memref<128x128xf32, #tpu.memory_space<hbm>>
    tpu.enqueue_dma source(%arg10 : memref<128x128xf32, #tpu.memory_space<vmem>>) target(%dma_start3A_600 : memref<128x128xf32, #tpu.memory_space<hbm>>) target_semaphore(%arg16 : memref<!tpu.dma_semaphore, #tpu.memory_space<semaphore_mem>>)
    %dma_wait3A_601 = arith.constant 0 : i32
    %dma_wait3A_602 = tpu.memref_slice %arg4[%add3A_596, %dma_wait3A_601] : memref<196608x128xf32, #tpu.memory_space<hbm>> -> memref<128x128xf32, #tpu.memory_space<hbm>>
    %dma_wait3A_603 = arith.constant 0 : i32
    %dma_wait3A_604 = tpu.memref_slice %arg4[%add3A_596, %dma_wait3A_603] : memref<196608x128xf32, #tpu.memory_space<hbm>> -> memref<128x128xf32, #tpu.memory_space<hbm>>
    tpu.wait_dma2 semaphore(%arg16 : memref<!tpu.dma_semaphore, #tpu.memory_space<semaphore_mem>>) src(%arg10 : memref<128x128xf32, #tpu.memory_space<vmem>>) dst(%dma_wait3A_604 : memref<128x128xf32, #tpu.memory_space<hbm>>)
    %add3A_605 = arith.constant 4480 : i32
    %add3A_606 = arith.addi %mul3A_2, %add3A_605 : i32
    "tpu.region"() ({
      %run_scoped3A = tpu.sem_alloc : memref<!tpu.dma_semaphore, #tpu.memory_space<semaphore_mem>>
      %dma_start3A_865 = tpu.memref_slice %arg3[%add3A_606] : memref<196608xi32, #tpu.memory_space<hbm>> -> memref<128xi32, #tpu.memory_space<hbm>>
      %dma_start3A_866 = tpu.memref_slice %arg3[%add3A_606] : memref<196608xi32, #tpu.memory_space<hbm>> -> memref<128xi32, #tpu.memory_space<hbm>>
      tpu.enqueue_dma source(%dma_start3A_866 : memref<128xi32, #tpu.memory_space<hbm>>) target(%arg7 : memref<128xi32, #tpu.memory_space<vmem>>) target_semaphore(%run_scoped3A : memref<!tpu.dma_semaphore, #tpu.memory_space<semaphore_mem>>)
      %dma_wait3A_867 = tpu.memref_slice %arg3[%add3A_606] : memref<196608xi32, #tpu.memory_space<hbm>> -> memref<128xi32, #tpu.memory_space<hbm>>
      %dma_wait3A_868 = tpu.memref_slice %arg3[%add3A_606] : memref<196608xi32, #tpu.memory_space<hbm>> -> memref<128xi32, #tpu.memory_space<hbm>>
      tpu.wait_dma2 semaphore(%run_scoped3A : memref<!tpu.dma_semaphore, #tpu.memory_space<semaphore_mem>>) src(%dma_wait3A_868 : memref<128xi32, #tpu.memory_space<hbm>>) dst(%arg7 : memref<128xi32, #tpu.memory_space<vmem>>)
      tpu.yield
    }) : () -> ()
    %dma_start3A_607 = arith.constant 0 : i32
    %dma_start3A_608 = arith.constant 0 : i32
    %dma_start3A_609 = tpu.memref_slice %arg2[%dma_start3A_607, %dma_start3A_608] : memref<4096x128xf32, #tpu.memory_space<hbm>> -> memref<4096x128xf32, #tpu.memory_space<hbm>>
    tpu.enqueue_indirect_dma source(%dma_start3A_609 : memref<4096x128xf32, #tpu.memory_space<hbm>>) target(%arg10 : memref<128x128xf32, #tpu.memory_space<vmem>>) offsets(%arg7 : memref<128xi32, #tpu.memory_space<vmem>>) semaphore(%arg13 : memref<!tpu.dma_semaphore, #tpu.memory_space<semaphore_mem>>)
    %dma_wait3A_610 = arith.constant 0 : i32
    %dma_wait3A_611 = arith.constant 0 : i32
    %dma_wait3A_612 = tpu.memref_slice %arg2[%dma_wait3A_610, %dma_wait3A_611] : memref<4096x128xf32, #tpu.memory_space<hbm>> -> memref<4096x128xf32, #tpu.memory_space<hbm>>
    tpu.wait_indirect_dma semaphore(%arg11 : memref<!tpu.dma_semaphore, #tpu.memory_space<semaphore_mem>>) src(%dma_wait3A_612 : memref<4096x128xf32, #tpu.memory_space<hbm>>) dst(%arg8 : memref<128x128xf32, #tpu.memory_space<vmem>>)
    %add3A_613 = arith.constant 4224 : i32
    %add3A_614 = arith.addi %mul3A_2, %add3A_613 : i32
    %dma_start3A_615 = arith.constant 0 : i32
    %dma_start3A_616 = tpu.memref_slice %arg4[%add3A_614, %dma_start3A_615] : memref<196608x128xf32, #tpu.memory_space<hbm>> -> memref<128x128xf32, #tpu.memory_space<hbm>>
    %dma_start3A_617 = arith.constant 0 : i32
    %dma_start3A_618 = tpu.memref_slice %arg4[%add3A_614, %dma_start3A_617] : memref<196608x128xf32, #tpu.memory_space<hbm>> -> memref<128x128xf32, #tpu.memory_space<hbm>>
    tpu.enqueue_dma source(%arg8 : memref<128x128xf32, #tpu.memory_space<vmem>>) target(%dma_start3A_618 : memref<128x128xf32, #tpu.memory_space<hbm>>) target_semaphore(%arg14 : memref<!tpu.dma_semaphore, #tpu.memory_space<semaphore_mem>>)
    %dma_wait3A_619 = arith.constant 0 : i32
    %dma_wait3A_620 = tpu.memref_slice %arg4[%add3A_614, %dma_wait3A_619] : memref<196608x128xf32, #tpu.memory_space<hbm>> -> memref<128x128xf32, #tpu.memory_space<hbm>>
    %dma_wait3A_621 = arith.constant 0 : i32
    %dma_wait3A_622 = tpu.memref_slice %arg4[%add3A_614, %dma_wait3A_621] : memref<196608x128xf32, #tpu.memory_space<hbm>> -> memref<128x128xf32, #tpu.memory_space<hbm>>
    tpu.wait_dma2 semaphore(%arg14 : memref<!tpu.dma_semaphore, #tpu.memory_space<semaphore_mem>>) src(%arg8 : memref<128x128xf32, #tpu.memory_space<vmem>>) dst(%dma_wait3A_622 : memref<128x128xf32, #tpu.memory_space<hbm>>)
    %add3A_623 = arith.constant 4608 : i32
    %add3A_624 = arith.addi %mul3A_2, %add3A_623 : i32
    "tpu.region"() ({
      %run_scoped3A = tpu.sem_alloc : memref<!tpu.dma_semaphore, #tpu.memory_space<semaphore_mem>>
      %dma_start3A_865 = tpu.memref_slice %arg3[%add3A_624] : memref<196608xi32, #tpu.memory_space<hbm>> -> memref<128xi32, #tpu.memory_space<hbm>>
      %dma_start3A_866 = tpu.memref_slice %arg3[%add3A_624] : memref<196608xi32, #tpu.memory_space<hbm>> -> memref<128xi32, #tpu.memory_space<hbm>>
      tpu.enqueue_dma source(%dma_start3A_866 : memref<128xi32, #tpu.memory_space<hbm>>) target(%arg5 : memref<128xi32, #tpu.memory_space<vmem>>) target_semaphore(%run_scoped3A : memref<!tpu.dma_semaphore, #tpu.memory_space<semaphore_mem>>)
      %dma_wait3A_867 = tpu.memref_slice %arg3[%add3A_624] : memref<196608xi32, #tpu.memory_space<hbm>> -> memref<128xi32, #tpu.memory_space<hbm>>
      %dma_wait3A_868 = tpu.memref_slice %arg3[%add3A_624] : memref<196608xi32, #tpu.memory_space<hbm>> -> memref<128xi32, #tpu.memory_space<hbm>>
      tpu.wait_dma2 semaphore(%run_scoped3A : memref<!tpu.dma_semaphore, #tpu.memory_space<semaphore_mem>>) src(%dma_wait3A_868 : memref<128xi32, #tpu.memory_space<hbm>>) dst(%arg5 : memref<128xi32, #tpu.memory_space<vmem>>)
      tpu.yield
    }) : () -> ()
    %dma_start3A_625 = arith.constant 0 : i32
    %dma_start3A_626 = arith.constant 0 : i32
    %dma_start3A_627 = tpu.memref_slice %arg2[%dma_start3A_625, %dma_start3A_626] : memref<4096x128xf32, #tpu.memory_space<hbm>> -> memref<4096x128xf32, #tpu.memory_space<hbm>>
    tpu.enqueue_indirect_dma source(%dma_start3A_627 : memref<4096x128xf32, #tpu.memory_space<hbm>>) target(%arg8 : memref<128x128xf32, #tpu.memory_space<vmem>>) offsets(%arg5 : memref<128xi32, #tpu.memory_space<vmem>>) semaphore(%arg11 : memref<!tpu.dma_semaphore, #tpu.memory_space<semaphore_mem>>)
    %dma_wait3A_628 = arith.constant 0 : i32
    %dma_wait3A_629 = arith.constant 0 : i32
    %dma_wait3A_630 = tpu.memref_slice %arg2[%dma_wait3A_628, %dma_wait3A_629] : memref<4096x128xf32, #tpu.memory_space<hbm>> -> memref<4096x128xf32, #tpu.memory_space<hbm>>
    tpu.wait_indirect_dma semaphore(%arg12 : memref<!tpu.dma_semaphore, #tpu.memory_space<semaphore_mem>>) src(%dma_wait3A_630 : memref<4096x128xf32, #tpu.memory_space<hbm>>) dst(%arg9 : memref<128x128xf32, #tpu.memory_space<vmem>>)
    %add3A_631 = arith.constant 4352 : i32
    %add3A_632 = arith.addi %mul3A_2, %add3A_631 : i32
    %dma_start3A_633 = arith.constant 0 : i32
    %dma_start3A_634 = tpu.memref_slice %arg4[%add3A_632, %dma_start3A_633] : memref<196608x128xf32, #tpu.memory_space<hbm>> -> memref<128x128xf32, #tpu.memory_space<hbm>>
    %dma_start3A_635 = arith.constant 0 : i32
    %dma_start3A_636 = tpu.memref_slice %arg4[%add3A_632, %dma_start3A_635] : memref<196608x128xf32, #tpu.memory_space<hbm>> -> memref<128x128xf32, #tpu.memory_space<hbm>>
    tpu.enqueue_dma source(%arg9 : memref<128x128xf32, #tpu.memory_space<vmem>>) target(%dma_start3A_636 : memref<128x128xf32, #tpu.memory_space<hbm>>) target_semaphore(%arg15 : memref<!tpu.dma_semaphore, #tpu.memory_space<semaphore_mem>>)
    %dma_wait3A_637 = arith.constant 0 : i32
    %dma_wait3A_638 = tpu.memref_slice %arg4[%add3A_632, %dma_wait3A_637] : memref<196608x128xf32, #tpu.memory_space<hbm>> -> memref<128x128xf32, #tpu.memory_space<hbm>>
    %dma_wait3A_639 = arith.constant 0 : i32
    %dma_wait3A_640 = tpu.memref_slice %arg4[%add3A_632, %dma_wait3A_639] : memref<196608x128xf32, #tpu.memory_space<hbm>> -> memref<128x128xf32, #tpu.memory_space<hbm>>
    tpu.wait_dma2 semaphore(%arg15 : memref<!tpu.dma_semaphore, #tpu.memory_space<semaphore_mem>>) src(%arg9 : memref<128x128xf32, #tpu.memory_space<vmem>>) dst(%dma_wait3A_640 : memref<128x128xf32, #tpu.memory_space<hbm>>)
    %add3A_641 = arith.constant 4736 : i32
    %add3A_642 = arith.addi %mul3A_2, %add3A_641 : i32
    "tpu.region"() ({
      %run_scoped3A = tpu.sem_alloc : memref<!tpu.dma_semaphore, #tpu.memory_space<semaphore_mem>>
      %dma_start3A_865 = tpu.memref_slice %arg3[%add3A_642] : memref<196608xi32, #tpu.memory_space<hbm>> -> memref<128xi32, #tpu.memory_space<hbm>>
      %dma_start3A_866 = tpu.memref_slice %arg3[%add3A_642] : memref<196608xi32, #tpu.memory_space<hbm>> -> memref<128xi32, #tpu.memory_space<hbm>>
      tpu.enqueue_dma source(%dma_start3A_866 : memref<128xi32, #tpu.memory_space<hbm>>) target(%arg6 : memref<128xi32, #tpu.memory_space<vmem>>) target_semaphore(%run_scoped3A : memref<!tpu.dma_semaphore, #tpu.memory_space<semaphore_mem>>)
      %dma_wait3A_867 = tpu.memref_slice %arg3[%add3A_642] : memref<196608xi32, #tpu.memory_space<hbm>> -> memref<128xi32, #tpu.memory_space<hbm>>
      %dma_wait3A_868 = tpu.memref_slice %arg3[%add3A_642] : memref<196608xi32, #tpu.memory_space<hbm>> -> memref<128xi32, #tpu.memory_space<hbm>>
      tpu.wait_dma2 semaphore(%run_scoped3A : memref<!tpu.dma_semaphore, #tpu.memory_space<semaphore_mem>>) src(%dma_wait3A_868 : memref<128xi32, #tpu.memory_space<hbm>>) dst(%arg6 : memref<128xi32, #tpu.memory_space<vmem>>)
      tpu.yield
    }) : () -> ()
    %dma_start3A_643 = arith.constant 0 : i32
    %dma_start3A_644 = arith.constant 0 : i32
    %dma_start3A_645 = tpu.memref_slice %arg2[%dma_start3A_643, %dma_start3A_644] : memref<4096x128xf32, #tpu.memory_space<hbm>> -> memref<4096x128xf32, #tpu.memory_space<hbm>>
    tpu.enqueue_indirect_dma source(%dma_start3A_645 : memref<4096x128xf32, #tpu.memory_space<hbm>>) target(%arg9 : memref<128x128xf32, #tpu.memory_space<vmem>>) offsets(%arg6 : memref<128xi32, #tpu.memory_space<vmem>>) semaphore(%arg12 : memref<!tpu.dma_semaphore, #tpu.memory_space<semaphore_mem>>)
    %dma_wait3A_646 = arith.constant 0 : i32
    %dma_wait3A_647 = arith.constant 0 : i32
    %dma_wait3A_648 = tpu.memref_slice %arg2[%dma_wait3A_646, %dma_wait3A_647] : memref<4096x128xf32, #tpu.memory_space<hbm>> -> memref<4096x128xf32, #tpu.memory_space<hbm>>
    tpu.wait_indirect_dma semaphore(%arg13 : memref<!tpu.dma_semaphore, #tpu.memory_space<semaphore_mem>>) src(%dma_wait3A_648 : memref<4096x128xf32, #tpu.memory_space<hbm>>) dst(%arg10 : memref<128x128xf32, #tpu.memory_space<vmem>>)
    %add3A_649 = arith.constant 4480 : i32
    %add3A_650 = arith.addi %mul3A_2, %add3A_649 : i32
    %dma_start3A_651 = arith.constant 0 : i32
    %dma_start3A_652 = tpu.memref_slice %arg4[%add3A_650, %dma_start3A_651] : memref<196608x128xf32, #tpu.memory_space<hbm>> -> memref<128x128xf32, #tpu.memory_space<hbm>>
    %dma_start3A_653 = arith.constant 0 : i32
    %dma_start3A_654 = tpu.memref_slice %arg4[%add3A_650, %dma_start3A_653] : memref<196608x128xf32, #tpu.memory_space<hbm>> -> memref<128x128xf32, #tpu.memory_space<hbm>>
    tpu.enqueue_dma source(%arg10 : memref<128x128xf32, #tpu.memory_space<vmem>>) target(%dma_start3A_654 : memref<128x128xf32, #tpu.memory_space<hbm>>) target_semaphore(%arg16 : memref<!tpu.dma_semaphore, #tpu.memory_space<semaphore_mem>>)
    %dma_wait3A_655 = arith.constant 0 : i32
    %dma_wait3A_656 = tpu.memref_slice %arg4[%add3A_650, %dma_wait3A_655] : memref<196608x128xf32, #tpu.memory_space<hbm>> -> memref<128x128xf32, #tpu.memory_space<hbm>>
    %dma_wait3A_657 = arith.constant 0 : i32
    %dma_wait3A_658 = tpu.memref_slice %arg4[%add3A_650, %dma_wait3A_657] : memref<196608x128xf32, #tpu.memory_space<hbm>> -> memref<128x128xf32, #tpu.memory_space<hbm>>
    tpu.wait_dma2 semaphore(%arg16 : memref<!tpu.dma_semaphore, #tpu.memory_space<semaphore_mem>>) src(%arg10 : memref<128x128xf32, #tpu.memory_space<vmem>>) dst(%dma_wait3A_658 : memref<128x128xf32, #tpu.memory_space<hbm>>)
    %add3A_659 = arith.constant 4864 : i32
    %add3A_660 = arith.addi %mul3A_2, %add3A_659 : i32
    "tpu.region"() ({
      %run_scoped3A = tpu.sem_alloc : memref<!tpu.dma_semaphore, #tpu.memory_space<semaphore_mem>>
      %dma_start3A_865 = tpu.memref_slice %arg3[%add3A_660] : memref<196608xi32, #tpu.memory_space<hbm>> -> memref<128xi32, #tpu.memory_space<hbm>>
      %dma_start3A_866 = tpu.memref_slice %arg3[%add3A_660] : memref<196608xi32, #tpu.memory_space<hbm>> -> memref<128xi32, #tpu.memory_space<hbm>>
      tpu.enqueue_dma source(%dma_start3A_866 : memref<128xi32, #tpu.memory_space<hbm>>) target(%arg7 : memref<128xi32, #tpu.memory_space<vmem>>) target_semaphore(%run_scoped3A : memref<!tpu.dma_semaphore, #tpu.memory_space<semaphore_mem>>)
      %dma_wait3A_867 = tpu.memref_slice %arg3[%add3A_660] : memref<196608xi32, #tpu.memory_space<hbm>> -> memref<128xi32, #tpu.memory_space<hbm>>
      %dma_wait3A_868 = tpu.memref_slice %arg3[%add3A_660] : memref<196608xi32, #tpu.memory_space<hbm>> -> memref<128xi32, #tpu.memory_space<hbm>>
      tpu.wait_dma2 semaphore(%run_scoped3A : memref<!tpu.dma_semaphore, #tpu.memory_space<semaphore_mem>>) src(%dma_wait3A_868 : memref<128xi32, #tpu.memory_space<hbm>>) dst(%arg7 : memref<128xi32, #tpu.memory_space<vmem>>)
      tpu.yield
    }) : () -> ()
    %dma_start3A_661 = arith.constant 0 : i32
    %dma_start3A_662 = arith.constant 0 : i32
    %dma_start3A_663 = tpu.memref_slice %arg2[%dma_start3A_661, %dma_start3A_662] : memref<4096x128xf32, #tpu.memory_space<hbm>> -> memref<4096x128xf32, #tpu.memory_space<hbm>>
    tpu.enqueue_indirect_dma source(%dma_start3A_663 : memref<4096x128xf32, #tpu.memory_space<hbm>>) target(%arg10 : memref<128x128xf32, #tpu.memory_space<vmem>>) offsets(%arg7 : memref<128xi32, #tpu.memory_space<vmem>>) semaphore(%arg13 : memref<!tpu.dma_semaphore, #tpu.memory_space<semaphore_mem>>)
    %dma_wait3A_664 = arith.constant 0 : i32
    %dma_wait3A_665 = arith.constant 0 : i32
    %dma_wait3A_666 = tpu.memref_slice %arg2[%dma_wait3A_664, %dma_wait3A_665] : memref<4096x128xf32, #tpu.memory_space<hbm>> -> memref<4096x128xf32, #tpu.memory_space<hbm>>
    tpu.wait_indirect_dma semaphore(%arg11 : memref<!tpu.dma_semaphore, #tpu.memory_space<semaphore_mem>>) src(%dma_wait3A_666 : memref<4096x128xf32, #tpu.memory_space<hbm>>) dst(%arg8 : memref<128x128xf32, #tpu.memory_space<vmem>>)
    %add3A_667 = arith.constant 4608 : i32
    %add3A_668 = arith.addi %mul3A_2, %add3A_667 : i32
    %dma_start3A_669 = arith.constant 0 : i32
    %dma_start3A_670 = tpu.memref_slice %arg4[%add3A_668, %dma_start3A_669] : memref<196608x128xf32, #tpu.memory_space<hbm>> -> memref<128x128xf32, #tpu.memory_space<hbm>>
    %dma_start3A_671 = arith.constant 0 : i32
    %dma_start3A_672 = tpu.memref_slice %arg4[%add3A_668, %dma_start3A_671] : memref<196608x128xf32, #tpu.memory_space<hbm>> -> memref<128x128xf32, #tpu.memory_space<hbm>>
    tpu.enqueue_dma source(%arg8 : memref<128x128xf32, #tpu.memory_space<vmem>>) target(%dma_start3A_672 : memref<128x128xf32, #tpu.memory_space<hbm>>) target_semaphore(%arg14 : memref<!tpu.dma_semaphore, #tpu.memory_space<semaphore_mem>>)
    %dma_wait3A_673 = arith.constant 0 : i32
    %dma_wait3A_674 = tpu.memref_slice %arg4[%add3A_668, %dma_wait3A_673] : memref<196608x128xf32, #tpu.memory_space<hbm>> -> memref<128x128xf32, #tpu.memory_space<hbm>>
    %dma_wait3A_675 = arith.constant 0 : i32
    %dma_wait3A_676 = tpu.memref_slice %arg4[%add3A_668, %dma_wait3A_675] : memref<196608x128xf32, #tpu.memory_space<hbm>> -> memref<128x128xf32, #tpu.memory_space<hbm>>
    tpu.wait_dma2 semaphore(%arg14 : memref<!tpu.dma_semaphore, #tpu.memory_space<semaphore_mem>>) src(%arg8 : memref<128x128xf32, #tpu.memory_space<vmem>>) dst(%dma_wait3A_676 : memref<128x128xf32, #tpu.memory_space<hbm>>)
    %add3A_677 = arith.constant 4992 : i32
    %add3A_678 = arith.addi %mul3A_2, %add3A_677 : i32
    "tpu.region"() ({
      %run_scoped3A = tpu.sem_alloc : memref<!tpu.dma_semaphore, #tpu.memory_space<semaphore_mem>>
      %dma_start3A_865 = tpu.memref_slice %arg3[%add3A_678] : memref<196608xi32, #tpu.memory_space<hbm>> -> memref<128xi32, #tpu.memory_space<hbm>>
      %dma_start3A_866 = tpu.memref_slice %arg3[%add3A_678] : memref<196608xi32, #tpu.memory_space<hbm>> -> memref<128xi32, #tpu.memory_space<hbm>>
      tpu.enqueue_dma source(%dma_start3A_866 : memref<128xi32, #tpu.memory_space<hbm>>) target(%arg5 : memref<128xi32, #tpu.memory_space<vmem>>) target_semaphore(%run_scoped3A : memref<!tpu.dma_semaphore, #tpu.memory_space<semaphore_mem>>)
      %dma_wait3A_867 = tpu.memref_slice %arg3[%add3A_678] : memref<196608xi32, #tpu.memory_space<hbm>> -> memref<128xi32, #tpu.memory_space<hbm>>
      %dma_wait3A_868 = tpu.memref_slice %arg3[%add3A_678] : memref<196608xi32, #tpu.memory_space<hbm>> -> memref<128xi32, #tpu.memory_space<hbm>>
      tpu.wait_dma2 semaphore(%run_scoped3A : memref<!tpu.dma_semaphore, #tpu.memory_space<semaphore_mem>>) src(%dma_wait3A_868 : memref<128xi32, #tpu.memory_space<hbm>>) dst(%arg5 : memref<128xi32, #tpu.memory_space<vmem>>)
      tpu.yield
    }) : () -> ()
    %dma_start3A_679 = arith.constant 0 : i32
    %dma_start3A_680 = arith.constant 0 : i32
    %dma_start3A_681 = tpu.memref_slice %arg2[%dma_start3A_679, %dma_start3A_680] : memref<4096x128xf32, #tpu.memory_space<hbm>> -> memref<4096x128xf32, #tpu.memory_space<hbm>>
    tpu.enqueue_indirect_dma source(%dma_start3A_681 : memref<4096x128xf32, #tpu.memory_space<hbm>>) target(%arg8 : memref<128x128xf32, #tpu.memory_space<vmem>>) offsets(%arg5 : memref<128xi32, #tpu.memory_space<vmem>>) semaphore(%arg11 : memref<!tpu.dma_semaphore, #tpu.memory_space<semaphore_mem>>)
    %dma_wait3A_682 = arith.constant 0 : i32
    %dma_wait3A_683 = arith.constant 0 : i32
    %dma_wait3A_684 = tpu.memref_slice %arg2[%dma_wait3A_682, %dma_wait3A_683] : memref<4096x128xf32, #tpu.memory_space<hbm>> -> memref<4096x128xf32, #tpu.memory_space<hbm>>
    tpu.wait_indirect_dma semaphore(%arg12 : memref<!tpu.dma_semaphore, #tpu.memory_space<semaphore_mem>>) src(%dma_wait3A_684 : memref<4096x128xf32, #tpu.memory_space<hbm>>) dst(%arg9 : memref<128x128xf32, #tpu.memory_space<vmem>>)
    %add3A_685 = arith.constant 4736 : i32
    %add3A_686 = arith.addi %mul3A_2, %add3A_685 : i32
    %dma_start3A_687 = arith.constant 0 : i32
    %dma_start3A_688 = tpu.memref_slice %arg4[%add3A_686, %dma_start3A_687] : memref<196608x128xf32, #tpu.memory_space<hbm>> -> memref<128x128xf32, #tpu.memory_space<hbm>>
    %dma_start3A_689 = arith.constant 0 : i32
    %dma_start3A_690 = tpu.memref_slice %arg4[%add3A_686, %dma_start3A_689] : memref<196608x128xf32, #tpu.memory_space<hbm>> -> memref<128x128xf32, #tpu.memory_space<hbm>>
    tpu.enqueue_dma source(%arg9 : memref<128x128xf32, #tpu.memory_space<vmem>>) target(%dma_start3A_690 : memref<128x128xf32, #tpu.memory_space<hbm>>) target_semaphore(%arg15 : memref<!tpu.dma_semaphore, #tpu.memory_space<semaphore_mem>>)
    %dma_wait3A_691 = arith.constant 0 : i32
    %dma_wait3A_692 = tpu.memref_slice %arg4[%add3A_686, %dma_wait3A_691] : memref<196608x128xf32, #tpu.memory_space<hbm>> -> memref<128x128xf32, #tpu.memory_space<hbm>>
    %dma_wait3A_693 = arith.constant 0 : i32
    %dma_wait3A_694 = tpu.memref_slice %arg4[%add3A_686, %dma_wait3A_693] : memref<196608x128xf32, #tpu.memory_space<hbm>> -> memref<128x128xf32, #tpu.memory_space<hbm>>
    tpu.wait_dma2 semaphore(%arg15 : memref<!tpu.dma_semaphore, #tpu.memory_space<semaphore_mem>>) src(%arg9 : memref<128x128xf32, #tpu.memory_space<vmem>>) dst(%dma_wait3A_694 : memref<128x128xf32, #tpu.memory_space<hbm>>)
    %add3A_695 = arith.constant 5120 : i32
    %add3A_696 = arith.addi %mul3A_2, %add3A_695 : i32
    "tpu.region"() ({
      %run_scoped3A = tpu.sem_alloc : memref<!tpu.dma_semaphore, #tpu.memory_space<semaphore_mem>>
      %dma_start3A_865 = tpu.memref_slice %arg3[%add3A_696] : memref<196608xi32, #tpu.memory_space<hbm>> -> memref<128xi32, #tpu.memory_space<hbm>>
      %dma_start3A_866 = tpu.memref_slice %arg3[%add3A_696] : memref<196608xi32, #tpu.memory_space<hbm>> -> memref<128xi32, #tpu.memory_space<hbm>>
      tpu.enqueue_dma source(%dma_start3A_866 : memref<128xi32, #tpu.memory_space<hbm>>) target(%arg6 : memref<128xi32, #tpu.memory_space<vmem>>) target_semaphore(%run_scoped3A : memref<!tpu.dma_semaphore, #tpu.memory_space<semaphore_mem>>)
      %dma_wait3A_867 = tpu.memref_slice %arg3[%add3A_696] : memref<196608xi32, #tpu.memory_space<hbm>> -> memref<128xi32, #tpu.memory_space<hbm>>
      %dma_wait3A_868 = tpu.memref_slice %arg3[%add3A_696] : memref<196608xi32, #tpu.memory_space<hbm>> -> memref<128xi32, #tpu.memory_space<hbm>>
      tpu.wait_dma2 semaphore(%run_scoped3A : memref<!tpu.dma_semaphore, #tpu.memory_space<semaphore_mem>>) src(%dma_wait3A_868 : memref<128xi32, #tpu.memory_space<hbm>>) dst(%arg6 : memref<128xi32, #tpu.memory_space<vmem>>)
      tpu.yield
    }) : () -> ()
    %dma_start3A_697 = arith.constant 0 : i32
    %dma_start3A_698 = arith.constant 0 : i32
    %dma_start3A_699 = tpu.memref_slice %arg2[%dma_start3A_697, %dma_start3A_698] : memref<4096x128xf32, #tpu.memory_space<hbm>> -> memref<4096x128xf32, #tpu.memory_space<hbm>>
    tpu.enqueue_indirect_dma source(%dma_start3A_699 : memref<4096x128xf32, #tpu.memory_space<hbm>>) target(%arg9 : memref<128x128xf32, #tpu.memory_space<vmem>>) offsets(%arg6 : memref<128xi32, #tpu.memory_space<vmem>>) semaphore(%arg12 : memref<!tpu.dma_semaphore, #tpu.memory_space<semaphore_mem>>)
    %dma_wait3A_700 = arith.constant 0 : i32
    %dma_wait3A_701 = arith.constant 0 : i32
    %dma_wait3A_702 = tpu.memref_slice %arg2[%dma_wait3A_700, %dma_wait3A_701] : memref<4096x128xf32, #tpu.memory_space<hbm>> -> memref<4096x128xf32, #tpu.memory_space<hbm>>
    tpu.wait_indirect_dma semaphore(%arg13 : memref<!tpu.dma_semaphore, #tpu.memory_space<semaphore_mem>>) src(%dma_wait3A_702 : memref<4096x128xf32, #tpu.memory_space<hbm>>) dst(%arg10 : memref<128x128xf32, #tpu.memory_space<vmem>>)
    %add3A_703 = arith.constant 4864 : i32
    %add3A_704 = arith.addi %mul3A_2, %add3A_703 : i32
    %dma_start3A_705 = arith.constant 0 : i32
    %dma_start3A_706 = tpu.memref_slice %arg4[%add3A_704, %dma_start3A_705] : memref<196608x128xf32, #tpu.memory_space<hbm>> -> memref<128x128xf32, #tpu.memory_space<hbm>>
    %dma_start3A_707 = arith.constant 0 : i32
    %dma_start3A_708 = tpu.memref_slice %arg4[%add3A_704, %dma_start3A_707] : memref<196608x128xf32, #tpu.memory_space<hbm>> -> memref<128x128xf32, #tpu.memory_space<hbm>>
    tpu.enqueue_dma source(%arg10 : memref<128x128xf32, #tpu.memory_space<vmem>>) target(%dma_start3A_708 : memref<128x128xf32, #tpu.memory_space<hbm>>) target_semaphore(%arg16 : memref<!tpu.dma_semaphore, #tpu.memory_space<semaphore_mem>>)
    %dma_wait3A_709 = arith.constant 0 : i32
    %dma_wait3A_710 = tpu.memref_slice %arg4[%add3A_704, %dma_wait3A_709] : memref<196608x128xf32, #tpu.memory_space<hbm>> -> memref<128x128xf32, #tpu.memory_space<hbm>>
    %dma_wait3A_711 = arith.constant 0 : i32
    %dma_wait3A_712 = tpu.memref_slice %arg4[%add3A_704, %dma_wait3A_711] : memref<196608x128xf32, #tpu.memory_space<hbm>> -> memref<128x128xf32, #tpu.memory_space<hbm>>
    tpu.wait_dma2 semaphore(%arg16 : memref<!tpu.dma_semaphore, #tpu.memory_space<semaphore_mem>>) src(%arg10 : memref<128x128xf32, #tpu.memory_space<vmem>>) dst(%dma_wait3A_712 : memref<128x128xf32, #tpu.memory_space<hbm>>)
    %add3A_713 = arith.constant 5248 : i32
    %add3A_714 = arith.addi %mul3A_2, %add3A_713 : i32
    "tpu.region"() ({
      %run_scoped3A = tpu.sem_alloc : memref<!tpu.dma_semaphore, #tpu.memory_space<semaphore_mem>>
      %dma_start3A_865 = tpu.memref_slice %arg3[%add3A_714] : memref<196608xi32, #tpu.memory_space<hbm>> -> memref<128xi32, #tpu.memory_space<hbm>>
      %dma_start3A_866 = tpu.memref_slice %arg3[%add3A_714] : memref<196608xi32, #tpu.memory_space<hbm>> -> memref<128xi32, #tpu.memory_space<hbm>>
      tpu.enqueue_dma source(%dma_start3A_866 : memref<128xi32, #tpu.memory_space<hbm>>) target(%arg7 : memref<128xi32, #tpu.memory_space<vmem>>) target_semaphore(%run_scoped3A : memref<!tpu.dma_semaphore, #tpu.memory_space<semaphore_mem>>)
      %dma_wait3A_867 = tpu.memref_slice %arg3[%add3A_714] : memref<196608xi32, #tpu.memory_space<hbm>> -> memref<128xi32, #tpu.memory_space<hbm>>
      %dma_wait3A_868 = tpu.memref_slice %arg3[%add3A_714] : memref<196608xi32, #tpu.memory_space<hbm>> -> memref<128xi32, #tpu.memory_space<hbm>>
      tpu.wait_dma2 semaphore(%run_scoped3A : memref<!tpu.dma_semaphore, #tpu.memory_space<semaphore_mem>>) src(%dma_wait3A_868 : memref<128xi32, #tpu.memory_space<hbm>>) dst(%arg7 : memref<128xi32, #tpu.memory_space<vmem>>)
      tpu.yield
    }) : () -> ()
    %dma_start3A_715 = arith.constant 0 : i32
    %dma_start3A_716 = arith.constant 0 : i32
    %dma_start3A_717 = tpu.memref_slice %arg2[%dma_start3A_715, %dma_start3A_716] : memref<4096x128xf32, #tpu.memory_space<hbm>> -> memref<4096x128xf32, #tpu.memory_space<hbm>>
    tpu.enqueue_indirect_dma source(%dma_start3A_717 : memref<4096x128xf32, #tpu.memory_space<hbm>>) target(%arg10 : memref<128x128xf32, #tpu.memory_space<vmem>>) offsets(%arg7 : memref<128xi32, #tpu.memory_space<vmem>>) semaphore(%arg13 : memref<!tpu.dma_semaphore, #tpu.memory_space<semaphore_mem>>)
    %dma_wait3A_718 = arith.constant 0 : i32
    %dma_wait3A_719 = arith.constant 0 : i32
    %dma_wait3A_720 = tpu.memref_slice %arg2[%dma_wait3A_718, %dma_wait3A_719] : memref<4096x128xf32, #tpu.memory_space<hbm>> -> memref<4096x128xf32, #tpu.memory_space<hbm>>
    tpu.wait_indirect_dma semaphore(%arg11 : memref<!tpu.dma_semaphore, #tpu.memory_space<semaphore_mem>>) src(%dma_wait3A_720 : memref<4096x128xf32, #tpu.memory_space<hbm>>) dst(%arg8 : memref<128x128xf32, #tpu.memory_space<vmem>>)
    %add3A_721 = arith.constant 4992 : i32
    %add3A_722 = arith.addi %mul3A_2, %add3A_721 : i32
    %dma_start3A_723 = arith.constant 0 : i32
    %dma_start3A_724 = tpu.memref_slice %arg4[%add3A_722, %dma_start3A_723] : memref<196608x128xf32, #tpu.memory_space<hbm>> -> memref<128x128xf32, #tpu.memory_space<hbm>>
    %dma_start3A_725 = arith.constant 0 : i32
    %dma_start3A_726 = tpu.memref_slice %arg4[%add3A_722, %dma_start3A_725] : memref<196608x128xf32, #tpu.memory_space<hbm>> -> memref<128x128xf32, #tpu.memory_space<hbm>>
    tpu.enqueue_dma source(%arg8 : memref<128x128xf32, #tpu.memory_space<vmem>>) target(%dma_start3A_726 : memref<128x128xf32, #tpu.memory_space<hbm>>) target_semaphore(%arg14 : memref<!tpu.dma_semaphore, #tpu.memory_space<semaphore_mem>>)
    %dma_wait3A_727 = arith.constant 0 : i32
    %dma_wait3A_728 = tpu.memref_slice %arg4[%add3A_722, %dma_wait3A_727] : memref<196608x128xf32, #tpu.memory_space<hbm>> -> memref<128x128xf32, #tpu.memory_space<hbm>>
    %dma_wait3A_729 = arith.constant 0 : i32
    %dma_wait3A_730 = tpu.memref_slice %arg4[%add3A_722, %dma_wait3A_729] : memref<196608x128xf32, #tpu.memory_space<hbm>> -> memref<128x128xf32, #tpu.memory_space<hbm>>
    tpu.wait_dma2 semaphore(%arg14 : memref<!tpu.dma_semaphore, #tpu.memory_space<semaphore_mem>>) src(%arg8 : memref<128x128xf32, #tpu.memory_space<vmem>>) dst(%dma_wait3A_730 : memref<128x128xf32, #tpu.memory_space<hbm>>)
    %add3A_731 = arith.constant 5376 : i32
    %add3A_732 = arith.addi %mul3A_2, %add3A_731 : i32
    "tpu.region"() ({
      %run_scoped3A = tpu.sem_alloc : memref<!tpu.dma_semaphore, #tpu.memory_space<semaphore_mem>>
      %dma_start3A_865 = tpu.memref_slice %arg3[%add3A_732] : memref<196608xi32, #tpu.memory_space<hbm>> -> memref<128xi32, #tpu.memory_space<hbm>>
      %dma_start3A_866 = tpu.memref_slice %arg3[%add3A_732] : memref<196608xi32, #tpu.memory_space<hbm>> -> memref<128xi32, #tpu.memory_space<hbm>>
      tpu.enqueue_dma source(%dma_start3A_866 : memref<128xi32, #tpu.memory_space<hbm>>) target(%arg5 : memref<128xi32, #tpu.memory_space<vmem>>) target_semaphore(%run_scoped3A : memref<!tpu.dma_semaphore, #tpu.memory_space<semaphore_mem>>)
      %dma_wait3A_867 = tpu.memref_slice %arg3[%add3A_732] : memref<196608xi32, #tpu.memory_space<hbm>> -> memref<128xi32, #tpu.memory_space<hbm>>
      %dma_wait3A_868 = tpu.memref_slice %arg3[%add3A_732] : memref<196608xi32, #tpu.memory_space<hbm>> -> memref<128xi32, #tpu.memory_space<hbm>>
      tpu.wait_dma2 semaphore(%run_scoped3A : memref<!tpu.dma_semaphore, #tpu.memory_space<semaphore_mem>>) src(%dma_wait3A_868 : memref<128xi32, #tpu.memory_space<hbm>>) dst(%arg5 : memref<128xi32, #tpu.memory_space<vmem>>)
      tpu.yield
    }) : () -> ()
    %dma_start3A_733 = arith.constant 0 : i32
    %dma_start3A_734 = arith.constant 0 : i32
    %dma_start3A_735 = tpu.memref_slice %arg2[%dma_start3A_733, %dma_start3A_734] : memref<4096x128xf32, #tpu.memory_space<hbm>> -> memref<4096x128xf32, #tpu.memory_space<hbm>>
    tpu.enqueue_indirect_dma source(%dma_start3A_735 : memref<4096x128xf32, #tpu.memory_space<hbm>>) target(%arg8 : memref<128x128xf32, #tpu.memory_space<vmem>>) offsets(%arg5 : memref<128xi32, #tpu.memory_space<vmem>>) semaphore(%arg11 : memref<!tpu.dma_semaphore, #tpu.memory_space<semaphore_mem>>)
    %dma_wait3A_736 = arith.constant 0 : i32
    %dma_wait3A_737 = arith.constant 0 : i32
    %dma_wait3A_738 = tpu.memref_slice %arg2[%dma_wait3A_736, %dma_wait3A_737] : memref<4096x128xf32, #tpu.memory_space<hbm>> -> memref<4096x128xf32, #tpu.memory_space<hbm>>
    tpu.wait_indirect_dma semaphore(%arg12 : memref<!tpu.dma_semaphore, #tpu.memory_space<semaphore_mem>>) src(%dma_wait3A_738 : memref<4096x128xf32, #tpu.memory_space<hbm>>) dst(%arg9 : memref<128x128xf32, #tpu.memory_space<vmem>>)
    %add3A_739 = arith.constant 5120 : i32
    %add3A_740 = arith.addi %mul3A_2, %add3A_739 : i32
    %dma_start3A_741 = arith.constant 0 : i32
    %dma_start3A_742 = tpu.memref_slice %arg4[%add3A_740, %dma_start3A_741] : memref<196608x128xf32, #tpu.memory_space<hbm>> -> memref<128x128xf32, #tpu.memory_space<hbm>>
    %dma_start3A_743 = arith.constant 0 : i32
    %dma_start3A_744 = tpu.memref_slice %arg4[%add3A_740, %dma_start3A_743] : memref<196608x128xf32, #tpu.memory_space<hbm>> -> memref<128x128xf32, #tpu.memory_space<hbm>>
    tpu.enqueue_dma source(%arg9 : memref<128x128xf32, #tpu.memory_space<vmem>>) target(%dma_start3A_744 : memref<128x128xf32, #tpu.memory_space<hbm>>) target_semaphore(%arg15 : memref<!tpu.dma_semaphore, #tpu.memory_space<semaphore_mem>>)
    %dma_wait3A_745 = arith.constant 0 : i32
    %dma_wait3A_746 = tpu.memref_slice %arg4[%add3A_740, %dma_wait3A_745] : memref<196608x128xf32, #tpu.memory_space<hbm>> -> memref<128x128xf32, #tpu.memory_space<hbm>>
    %dma_wait3A_747 = arith.constant 0 : i32
    %dma_wait3A_748 = tpu.memref_slice %arg4[%add3A_740, %dma_wait3A_747] : memref<196608x128xf32, #tpu.memory_space<hbm>> -> memref<128x128xf32, #tpu.memory_space<hbm>>
    tpu.wait_dma2 semaphore(%arg15 : memref<!tpu.dma_semaphore, #tpu.memory_space<semaphore_mem>>) src(%arg9 : memref<128x128xf32, #tpu.memory_space<vmem>>) dst(%dma_wait3A_748 : memref<128x128xf32, #tpu.memory_space<hbm>>)
    %add3A_749 = arith.constant 5504 : i32
    %add3A_750 = arith.addi %mul3A_2, %add3A_749 : i32
    "tpu.region"() ({
      %run_scoped3A = tpu.sem_alloc : memref<!tpu.dma_semaphore, #tpu.memory_space<semaphore_mem>>
      %dma_start3A_865 = tpu.memref_slice %arg3[%add3A_750] : memref<196608xi32, #tpu.memory_space<hbm>> -> memref<128xi32, #tpu.memory_space<hbm>>
      %dma_start3A_866 = tpu.memref_slice %arg3[%add3A_750] : memref<196608xi32, #tpu.memory_space<hbm>> -> memref<128xi32, #tpu.memory_space<hbm>>
      tpu.enqueue_dma source(%dma_start3A_866 : memref<128xi32, #tpu.memory_space<hbm>>) target(%arg6 : memref<128xi32, #tpu.memory_space<vmem>>) target_semaphore(%run_scoped3A : memref<!tpu.dma_semaphore, #tpu.memory_space<semaphore_mem>>)
      %dma_wait3A_867 = tpu.memref_slice %arg3[%add3A_750] : memref<196608xi32, #tpu.memory_space<hbm>> -> memref<128xi32, #tpu.memory_space<hbm>>
      %dma_wait3A_868 = tpu.memref_slice %arg3[%add3A_750] : memref<196608xi32, #tpu.memory_space<hbm>> -> memref<128xi32, #tpu.memory_space<hbm>>
      tpu.wait_dma2 semaphore(%run_scoped3A : memref<!tpu.dma_semaphore, #tpu.memory_space<semaphore_mem>>) src(%dma_wait3A_868 : memref<128xi32, #tpu.memory_space<hbm>>) dst(%arg6 : memref<128xi32, #tpu.memory_space<vmem>>)
      tpu.yield
    }) : () -> ()
    %dma_start3A_751 = arith.constant 0 : i32
    %dma_start3A_752 = arith.constant 0 : i32
    %dma_start3A_753 = tpu.memref_slice %arg2[%dma_start3A_751, %dma_start3A_752] : memref<4096x128xf32, #tpu.memory_space<hbm>> -> memref<4096x128xf32, #tpu.memory_space<hbm>>
    tpu.enqueue_indirect_dma source(%dma_start3A_753 : memref<4096x128xf32, #tpu.memory_space<hbm>>) target(%arg9 : memref<128x128xf32, #tpu.memory_space<vmem>>) offsets(%arg6 : memref<128xi32, #tpu.memory_space<vmem>>) semaphore(%arg12 : memref<!tpu.dma_semaphore, #tpu.memory_space<semaphore_mem>>)
    %dma_wait3A_754 = arith.constant 0 : i32
    %dma_wait3A_755 = arith.constant 0 : i32
    %dma_wait3A_756 = tpu.memref_slice %arg2[%dma_wait3A_754, %dma_wait3A_755] : memref<4096x128xf32, #tpu.memory_space<hbm>> -> memref<4096x128xf32, #tpu.memory_space<hbm>>
    tpu.wait_indirect_dma semaphore(%arg13 : memref<!tpu.dma_semaphore, #tpu.memory_space<semaphore_mem>>) src(%dma_wait3A_756 : memref<4096x128xf32, #tpu.memory_space<hbm>>) dst(%arg10 : memref<128x128xf32, #tpu.memory_space<vmem>>)
    %add3A_757 = arith.constant 5248 : i32
    %add3A_758 = arith.addi %mul3A_2, %add3A_757 : i32
    %dma_start3A_759 = arith.constant 0 : i32
    %dma_start3A_760 = tpu.memref_slice %arg4[%add3A_758, %dma_start3A_759] : memref<196608x128xf32, #tpu.memory_space<hbm>> -> memref<128x128xf32, #tpu.memory_space<hbm>>
    %dma_start3A_761 = arith.constant 0 : i32
    %dma_start3A_762 = tpu.memref_slice %arg4[%add3A_758, %dma_start3A_761] : memref<196608x128xf32, #tpu.memory_space<hbm>> -> memref<128x128xf32, #tpu.memory_space<hbm>>
    tpu.enqueue_dma source(%arg10 : memref<128x128xf32, #tpu.memory_space<vmem>>) target(%dma_start3A_762 : memref<128x128xf32, #tpu.memory_space<hbm>>) target_semaphore(%arg16 : memref<!tpu.dma_semaphore, #tpu.memory_space<semaphore_mem>>)
    %dma_wait3A_763 = arith.constant 0 : i32
    %dma_wait3A_764 = tpu.memref_slice %arg4[%add3A_758, %dma_wait3A_763] : memref<196608x128xf32, #tpu.memory_space<hbm>> -> memref<128x128xf32, #tpu.memory_space<hbm>>
    %dma_wait3A_765 = arith.constant 0 : i32
    %dma_wait3A_766 = tpu.memref_slice %arg4[%add3A_758, %dma_wait3A_765] : memref<196608x128xf32, #tpu.memory_space<hbm>> -> memref<128x128xf32, #tpu.memory_space<hbm>>
    tpu.wait_dma2 semaphore(%arg16 : memref<!tpu.dma_semaphore, #tpu.memory_space<semaphore_mem>>) src(%arg10 : memref<128x128xf32, #tpu.memory_space<vmem>>) dst(%dma_wait3A_766 : memref<128x128xf32, #tpu.memory_space<hbm>>)
    %add3A_767 = arith.constant 5632 : i32
    %add3A_768 = arith.addi %mul3A_2, %add3A_767 : i32
    "tpu.region"() ({
      %run_scoped3A = tpu.sem_alloc : memref<!tpu.dma_semaphore, #tpu.memory_space<semaphore_mem>>
      %dma_start3A_865 = tpu.memref_slice %arg3[%add3A_768] : memref<196608xi32, #tpu.memory_space<hbm>> -> memref<128xi32, #tpu.memory_space<hbm>>
      %dma_start3A_866 = tpu.memref_slice %arg3[%add3A_768] : memref<196608xi32, #tpu.memory_space<hbm>> -> memref<128xi32, #tpu.memory_space<hbm>>
      tpu.enqueue_dma source(%dma_start3A_866 : memref<128xi32, #tpu.memory_space<hbm>>) target(%arg7 : memref<128xi32, #tpu.memory_space<vmem>>) target_semaphore(%run_scoped3A : memref<!tpu.dma_semaphore, #tpu.memory_space<semaphore_mem>>)
      %dma_wait3A_867 = tpu.memref_slice %arg3[%add3A_768] : memref<196608xi32, #tpu.memory_space<hbm>> -> memref<128xi32, #tpu.memory_space<hbm>>
      %dma_wait3A_868 = tpu.memref_slice %arg3[%add3A_768] : memref<196608xi32, #tpu.memory_space<hbm>> -> memref<128xi32, #tpu.memory_space<hbm>>
      tpu.wait_dma2 semaphore(%run_scoped3A : memref<!tpu.dma_semaphore, #tpu.memory_space<semaphore_mem>>) src(%dma_wait3A_868 : memref<128xi32, #tpu.memory_space<hbm>>) dst(%arg7 : memref<128xi32, #tpu.memory_space<vmem>>)
      tpu.yield
    }) : () -> ()
    %dma_start3A_769 = arith.constant 0 : i32
    %dma_start3A_770 = arith.constant 0 : i32
    %dma_start3A_771 = tpu.memref_slice %arg2[%dma_start3A_769, %dma_start3A_770] : memref<4096x128xf32, #tpu.memory_space<hbm>> -> memref<4096x128xf32, #tpu.memory_space<hbm>>
    tpu.enqueue_indirect_dma source(%dma_start3A_771 : memref<4096x128xf32, #tpu.memory_space<hbm>>) target(%arg10 : memref<128x128xf32, #tpu.memory_space<vmem>>) offsets(%arg7 : memref<128xi32, #tpu.memory_space<vmem>>) semaphore(%arg13 : memref<!tpu.dma_semaphore, #tpu.memory_space<semaphore_mem>>)
    %dma_wait3A_772 = arith.constant 0 : i32
    %dma_wait3A_773 = arith.constant 0 : i32
    %dma_wait3A_774 = tpu.memref_slice %arg2[%dma_wait3A_772, %dma_wait3A_773] : memref<4096x128xf32, #tpu.memory_space<hbm>> -> memref<4096x128xf32, #tpu.memory_space<hbm>>
    tpu.wait_indirect_dma semaphore(%arg11 : memref<!tpu.dma_semaphore, #tpu.memory_space<semaphore_mem>>) src(%dma_wait3A_774 : memref<4096x128xf32, #tpu.memory_space<hbm>>) dst(%arg8 : memref<128x128xf32, #tpu.memory_space<vmem>>)
    %add3A_775 = arith.constant 5376 : i32
    %add3A_776 = arith.addi %mul3A_2, %add3A_775 : i32
    %dma_start3A_777 = arith.constant 0 : i32
    %dma_start3A_778 = tpu.memref_slice %arg4[%add3A_776, %dma_start3A_777] : memref<196608x128xf32, #tpu.memory_space<hbm>> -> memref<128x128xf32, #tpu.memory_space<hbm>>
    %dma_start3A_779 = arith.constant 0 : i32
    %dma_start3A_780 = tpu.memref_slice %arg4[%add3A_776, %dma_start3A_779] : memref<196608x128xf32, #tpu.memory_space<hbm>> -> memref<128x128xf32, #tpu.memory_space<hbm>>
    tpu.enqueue_dma source(%arg8 : memref<128x128xf32, #tpu.memory_space<vmem>>) target(%dma_start3A_780 : memref<128x128xf32, #tpu.memory_space<hbm>>) target_semaphore(%arg14 : memref<!tpu.dma_semaphore, #tpu.memory_space<semaphore_mem>>)
    %dma_wait3A_781 = arith.constant 0 : i32
    %dma_wait3A_782 = tpu.memref_slice %arg4[%add3A_776, %dma_wait3A_781] : memref<196608x128xf32, #tpu.memory_space<hbm>> -> memref<128x128xf32, #tpu.memory_space<hbm>>
    %dma_wait3A_783 = arith.constant 0 : i32
    %dma_wait3A_784 = tpu.memref_slice %arg4[%add3A_776, %dma_wait3A_783] : memref<196608x128xf32, #tpu.memory_space<hbm>> -> memref<128x128xf32, #tpu.memory_space<hbm>>
    tpu.wait_dma2 semaphore(%arg14 : memref<!tpu.dma_semaphore, #tpu.memory_space<semaphore_mem>>) src(%arg8 : memref<128x128xf32, #tpu.memory_space<vmem>>) dst(%dma_wait3A_784 : memref<128x128xf32, #tpu.memory_space<hbm>>)
    %add3A_785 = arith.constant 5760 : i32
    %add3A_786 = arith.addi %mul3A_2, %add3A_785 : i32
    "tpu.region"() ({
      %run_scoped3A = tpu.sem_alloc : memref<!tpu.dma_semaphore, #tpu.memory_space<semaphore_mem>>
      %dma_start3A_865 = tpu.memref_slice %arg3[%add3A_786] : memref<196608xi32, #tpu.memory_space<hbm>> -> memref<128xi32, #tpu.memory_space<hbm>>
      %dma_start3A_866 = tpu.memref_slice %arg3[%add3A_786] : memref<196608xi32, #tpu.memory_space<hbm>> -> memref<128xi32, #tpu.memory_space<hbm>>
      tpu.enqueue_dma source(%dma_start3A_866 : memref<128xi32, #tpu.memory_space<hbm>>) target(%arg5 : memref<128xi32, #tpu.memory_space<vmem>>) target_semaphore(%run_scoped3A : memref<!tpu.dma_semaphore, #tpu.memory_space<semaphore_mem>>)
      %dma_wait3A_867 = tpu.memref_slice %arg3[%add3A_786] : memref<196608xi32, #tpu.memory_space<hbm>> -> memref<128xi32, #tpu.memory_space<hbm>>
      %dma_wait3A_868 = tpu.memref_slice %arg3[%add3A_786] : memref<196608xi32, #tpu.memory_space<hbm>> -> memref<128xi32, #tpu.memory_space<hbm>>
      tpu.wait_dma2 semaphore(%run_scoped3A : memref<!tpu.dma_semaphore, #tpu.memory_space<semaphore_mem>>) src(%dma_wait3A_868 : memref<128xi32, #tpu.memory_space<hbm>>) dst(%arg5 : memref<128xi32, #tpu.memory_space<vmem>>)
      tpu.yield
    }) : () -> ()
    %dma_start3A_787 = arith.constant 0 : i32
    %dma_start3A_788 = arith.constant 0 : i32
    %dma_start3A_789 = tpu.memref_slice %arg2[%dma_start3A_787, %dma_start3A_788] : memref<4096x128xf32, #tpu.memory_space<hbm>> -> memref<4096x128xf32, #tpu.memory_space<hbm>>
    tpu.enqueue_indirect_dma source(%dma_start3A_789 : memref<4096x128xf32, #tpu.memory_space<hbm>>) target(%arg8 : memref<128x128xf32, #tpu.memory_space<vmem>>) offsets(%arg5 : memref<128xi32, #tpu.memory_space<vmem>>) semaphore(%arg11 : memref<!tpu.dma_semaphore, #tpu.memory_space<semaphore_mem>>)
    %dma_wait3A_790 = arith.constant 0 : i32
    %dma_wait3A_791 = arith.constant 0 : i32
    %dma_wait3A_792 = tpu.memref_slice %arg2[%dma_wait3A_790, %dma_wait3A_791] : memref<4096x128xf32, #tpu.memory_space<hbm>> -> memref<4096x128xf32, #tpu.memory_space<hbm>>
    tpu.wait_indirect_dma semaphore(%arg12 : memref<!tpu.dma_semaphore, #tpu.memory_space<semaphore_mem>>) src(%dma_wait3A_792 : memref<4096x128xf32, #tpu.memory_space<hbm>>) dst(%arg9 : memref<128x128xf32, #tpu.memory_space<vmem>>)
    %add3A_793 = arith.constant 5504 : i32
    %add3A_794 = arith.addi %mul3A_2, %add3A_793 : i32
    %dma_start3A_795 = arith.constant 0 : i32
    %dma_start3A_796 = tpu.memref_slice %arg4[%add3A_794, %dma_start3A_795] : memref<196608x128xf32, #tpu.memory_space<hbm>> -> memref<128x128xf32, #tpu.memory_space<hbm>>
    %dma_start3A_797 = arith.constant 0 : i32
    %dma_start3A_798 = tpu.memref_slice %arg4[%add3A_794, %dma_start3A_797] : memref<196608x128xf32, #tpu.memory_space<hbm>> -> memref<128x128xf32, #tpu.memory_space<hbm>>
    tpu.enqueue_dma source(%arg9 : memref<128x128xf32, #tpu.memory_space<vmem>>) target(%dma_start3A_798 : memref<128x128xf32, #tpu.memory_space<hbm>>) target_semaphore(%arg15 : memref<!tpu.dma_semaphore, #tpu.memory_space<semaphore_mem>>)
    %dma_wait3A_799 = arith.constant 0 : i32
    %dma_wait3A_800 = tpu.memref_slice %arg4[%add3A_794, %dma_wait3A_799] : memref<196608x128xf32, #tpu.memory_space<hbm>> -> memref<128x128xf32, #tpu.memory_space<hbm>>
    %dma_wait3A_801 = arith.constant 0 : i32
    %dma_wait3A_802 = tpu.memref_slice %arg4[%add3A_794, %dma_wait3A_801] : memref<196608x128xf32, #tpu.memory_space<hbm>> -> memref<128x128xf32, #tpu.memory_space<hbm>>
    tpu.wait_dma2 semaphore(%arg15 : memref<!tpu.dma_semaphore, #tpu.memory_space<semaphore_mem>>) src(%arg9 : memref<128x128xf32, #tpu.memory_space<vmem>>) dst(%dma_wait3A_802 : memref<128x128xf32, #tpu.memory_space<hbm>>)
    %add3A_803 = arith.constant 5888 : i32
    %add3A_804 = arith.addi %mul3A_2, %add3A_803 : i32
    "tpu.region"() ({
      %run_scoped3A = tpu.sem_alloc : memref<!tpu.dma_semaphore, #tpu.memory_space<semaphore_mem>>
      %dma_start3A_865 = tpu.memref_slice %arg3[%add3A_804] : memref<196608xi32, #tpu.memory_space<hbm>> -> memref<128xi32, #tpu.memory_space<hbm>>
      %dma_start3A_866 = tpu.memref_slice %arg3[%add3A_804] : memref<196608xi32, #tpu.memory_space<hbm>> -> memref<128xi32, #tpu.memory_space<hbm>>
      tpu.enqueue_dma source(%dma_start3A_866 : memref<128xi32, #tpu.memory_space<hbm>>) target(%arg6 : memref<128xi32, #tpu.memory_space<vmem>>) target_semaphore(%run_scoped3A : memref<!tpu.dma_semaphore, #tpu.memory_space<semaphore_mem>>)
      %dma_wait3A_867 = tpu.memref_slice %arg3[%add3A_804] : memref<196608xi32, #tpu.memory_space<hbm>> -> memref<128xi32, #tpu.memory_space<hbm>>
      %dma_wait3A_868 = tpu.memref_slice %arg3[%add3A_804] : memref<196608xi32, #tpu.memory_space<hbm>> -> memref<128xi32, #tpu.memory_space<hbm>>
      tpu.wait_dma2 semaphore(%run_scoped3A : memref<!tpu.dma_semaphore, #tpu.memory_space<semaphore_mem>>) src(%dma_wait3A_868 : memref<128xi32, #tpu.memory_space<hbm>>) dst(%arg6 : memref<128xi32, #tpu.memory_space<vmem>>)
      tpu.yield
    }) : () -> ()
    %dma_start3A_805 = arith.constant 0 : i32
    %dma_start3A_806 = arith.constant 0 : i32
    %dma_start3A_807 = tpu.memref_slice %arg2[%dma_start3A_805, %dma_start3A_806] : memref<4096x128xf32, #tpu.memory_space<hbm>> -> memref<4096x128xf32, #tpu.memory_space<hbm>>
    tpu.enqueue_indirect_dma source(%dma_start3A_807 : memref<4096x128xf32, #tpu.memory_space<hbm>>) target(%arg9 : memref<128x128xf32, #tpu.memory_space<vmem>>) offsets(%arg6 : memref<128xi32, #tpu.memory_space<vmem>>) semaphore(%arg12 : memref<!tpu.dma_semaphore, #tpu.memory_space<semaphore_mem>>)
    %dma_wait3A_808 = arith.constant 0 : i32
    %dma_wait3A_809 = arith.constant 0 : i32
    %dma_wait3A_810 = tpu.memref_slice %arg2[%dma_wait3A_808, %dma_wait3A_809] : memref<4096x128xf32, #tpu.memory_space<hbm>> -> memref<4096x128xf32, #tpu.memory_space<hbm>>
    tpu.wait_indirect_dma semaphore(%arg13 : memref<!tpu.dma_semaphore, #tpu.memory_space<semaphore_mem>>) src(%dma_wait3A_810 : memref<4096x128xf32, #tpu.memory_space<hbm>>) dst(%arg10 : memref<128x128xf32, #tpu.memory_space<vmem>>)
    %add3A_811 = arith.constant 5632 : i32
    %add3A_812 = arith.addi %mul3A_2, %add3A_811 : i32
    %dma_start3A_813 = arith.constant 0 : i32
    %dma_start3A_814 = tpu.memref_slice %arg4[%add3A_812, %dma_start3A_813] : memref<196608x128xf32, #tpu.memory_space<hbm>> -> memref<128x128xf32, #tpu.memory_space<hbm>>
    %dma_start3A_815 = arith.constant 0 : i32
    %dma_start3A_816 = tpu.memref_slice %arg4[%add3A_812, %dma_start3A_815] : memref<196608x128xf32, #tpu.memory_space<hbm>> -> memref<128x128xf32, #tpu.memory_space<hbm>>
    tpu.enqueue_dma source(%arg10 : memref<128x128xf32, #tpu.memory_space<vmem>>) target(%dma_start3A_816 : memref<128x128xf32, #tpu.memory_space<hbm>>) target_semaphore(%arg16 : memref<!tpu.dma_semaphore, #tpu.memory_space<semaphore_mem>>)
    %dma_wait3A_817 = arith.constant 0 : i32
    %dma_wait3A_818 = tpu.memref_slice %arg4[%add3A_812, %dma_wait3A_817] : memref<196608x128xf32, #tpu.memory_space<hbm>> -> memref<128x128xf32, #tpu.memory_space<hbm>>
    %dma_wait3A_819 = arith.constant 0 : i32
    %dma_wait3A_820 = tpu.memref_slice %arg4[%add3A_812, %dma_wait3A_819] : memref<196608x128xf32, #tpu.memory_space<hbm>> -> memref<128x128xf32, #tpu.memory_space<hbm>>
    tpu.wait_dma2 semaphore(%arg16 : memref<!tpu.dma_semaphore, #tpu.memory_space<semaphore_mem>>) src(%arg10 : memref<128x128xf32, #tpu.memory_space<vmem>>) dst(%dma_wait3A_820 : memref<128x128xf32, #tpu.memory_space<hbm>>)
    %add3A_821 = arith.constant 6016 : i32
    %add3A_822 = arith.addi %mul3A_2, %add3A_821 : i32
    "tpu.region"() ({
      %run_scoped3A = tpu.sem_alloc : memref<!tpu.dma_semaphore, #tpu.memory_space<semaphore_mem>>
      %dma_start3A_865 = tpu.memref_slice %arg3[%add3A_822] : memref<196608xi32, #tpu.memory_space<hbm>> -> memref<128xi32, #tpu.memory_space<hbm>>
      %dma_start3A_866 = tpu.memref_slice %arg3[%add3A_822] : memref<196608xi32, #tpu.memory_space<hbm>> -> memref<128xi32, #tpu.memory_space<hbm>>
      tpu.enqueue_dma source(%dma_start3A_866 : memref<128xi32, #tpu.memory_space<hbm>>) target(%arg7 : memref<128xi32, #tpu.memory_space<vmem>>) target_semaphore(%run_scoped3A : memref<!tpu.dma_semaphore, #tpu.memory_space<semaphore_mem>>)
      %dma_wait3A_867 = tpu.memref_slice %arg3[%add3A_822] : memref<196608xi32, #tpu.memory_space<hbm>> -> memref<128xi32, #tpu.memory_space<hbm>>
      %dma_wait3A_868 = tpu.memref_slice %arg3[%add3A_822] : memref<196608xi32, #tpu.memory_space<hbm>> -> memref<128xi32, #tpu.memory_space<hbm>>
      tpu.wait_dma2 semaphore(%run_scoped3A : memref<!tpu.dma_semaphore, #tpu.memory_space<semaphore_mem>>) src(%dma_wait3A_868 : memref<128xi32, #tpu.memory_space<hbm>>) dst(%arg7 : memref<128xi32, #tpu.memory_space<vmem>>)
      tpu.yield
    }) : () -> ()
    %dma_start3A_823 = arith.constant 0 : i32
    %dma_start3A_824 = arith.constant 0 : i32
    %dma_start3A_825 = tpu.memref_slice %arg2[%dma_start3A_823, %dma_start3A_824] : memref<4096x128xf32, #tpu.memory_space<hbm>> -> memref<4096x128xf32, #tpu.memory_space<hbm>>
    tpu.enqueue_indirect_dma source(%dma_start3A_825 : memref<4096x128xf32, #tpu.memory_space<hbm>>) target(%arg10 : memref<128x128xf32, #tpu.memory_space<vmem>>) offsets(%arg7 : memref<128xi32, #tpu.memory_space<vmem>>) semaphore(%arg13 : memref<!tpu.dma_semaphore, #tpu.memory_space<semaphore_mem>>)
    %dma_wait3A_826 = arith.constant 0 : i32
    %dma_wait3A_827 = arith.constant 0 : i32
    %dma_wait3A_828 = tpu.memref_slice %arg2[%dma_wait3A_826, %dma_wait3A_827] : memref<4096x128xf32, #tpu.memory_space<hbm>> -> memref<4096x128xf32, #tpu.memory_space<hbm>>
    tpu.wait_indirect_dma semaphore(%arg11 : memref<!tpu.dma_semaphore, #tpu.memory_space<semaphore_mem>>) src(%dma_wait3A_828 : memref<4096x128xf32, #tpu.memory_space<hbm>>) dst(%arg8 : memref<128x128xf32, #tpu.memory_space<vmem>>)
    %add3A_829 = arith.constant 5760 : i32
    %add3A_830 = arith.addi %mul3A_2, %add3A_829 : i32
    %dma_start3A_831 = arith.constant 0 : i32
    %dma_start3A_832 = tpu.memref_slice %arg4[%add3A_830, %dma_start3A_831] : memref<196608x128xf32, #tpu.memory_space<hbm>> -> memref<128x128xf32, #tpu.memory_space<hbm>>
    %dma_start3A_833 = arith.constant 0 : i32
    %dma_start3A_834 = tpu.memref_slice %arg4[%add3A_830, %dma_start3A_833] : memref<196608x128xf32, #tpu.memory_space<hbm>> -> memref<128x128xf32, #tpu.memory_space<hbm>>
    tpu.enqueue_dma source(%arg8 : memref<128x128xf32, #tpu.memory_space<vmem>>) target(%dma_start3A_834 : memref<128x128xf32, #tpu.memory_space<hbm>>) target_semaphore(%arg14 : memref<!tpu.dma_semaphore, #tpu.memory_space<semaphore_mem>>)
    %dma_wait3A_835 = arith.constant 0 : i32
    %dma_wait3A_836 = arith.constant 0 : i32
    %dma_wait3A_837 = tpu.memref_slice %arg2[%dma_wait3A_835, %dma_wait3A_836] : memref<4096x128xf32, #tpu.memory_space<hbm>> -> memref<4096x128xf32, #tpu.memory_space<hbm>>
    tpu.wait_indirect_dma semaphore(%arg12 : memref<!tpu.dma_semaphore, #tpu.memory_space<semaphore_mem>>) src(%dma_wait3A_837 : memref<4096x128xf32, #tpu.memory_space<hbm>>) dst(%arg9 : memref<128x128xf32, #tpu.memory_space<vmem>>)
    %add3A_838 = arith.constant 5888 : i32
    %add3A_839 = arith.addi %mul3A_2, %add3A_838 : i32
    %dma_start3A_840 = arith.constant 0 : i32
    %dma_start3A_841 = tpu.memref_slice %arg4[%add3A_839, %dma_start3A_840] : memref<196608x128xf32, #tpu.memory_space<hbm>> -> memref<128x128xf32, #tpu.memory_space<hbm>>
    %dma_start3A_842 = arith.constant 0 : i32
    %dma_start3A_843 = tpu.memref_slice %arg4[%add3A_839, %dma_start3A_842] : memref<196608x128xf32, #tpu.memory_space<hbm>> -> memref<128x128xf32, #tpu.memory_space<hbm>>
    tpu.enqueue_dma source(%arg9 : memref<128x128xf32, #tpu.memory_space<vmem>>) target(%dma_start3A_843 : memref<128x128xf32, #tpu.memory_space<hbm>>) target_semaphore(%arg15 : memref<!tpu.dma_semaphore, #tpu.memory_space<semaphore_mem>>)
    %dma_wait3A_844 = arith.constant 0 : i32
    %dma_wait3A_845 = arith.constant 0 : i32
    %dma_wait3A_846 = tpu.memref_slice %arg2[%dma_wait3A_844, %dma_wait3A_845] : memref<4096x128xf32, #tpu.memory_space<hbm>> -> memref<4096x128xf32, #tpu.memory_space<hbm>>
    tpu.wait_indirect_dma semaphore(%arg13 : memref<!tpu.dma_semaphore, #tpu.memory_space<semaphore_mem>>) src(%dma_wait3A_846 : memref<4096x128xf32, #tpu.memory_space<hbm>>) dst(%arg10 : memref<128x128xf32, #tpu.memory_space<vmem>>)
    %add3A_847 = arith.constant 6016 : i32
    %add3A_848 = arith.addi %mul3A_2, %add3A_847 : i32
    %dma_start3A_849 = arith.constant 0 : i32
    %dma_start3A_850 = tpu.memref_slice %arg4[%add3A_848, %dma_start3A_849] : memref<196608x128xf32, #tpu.memory_space<hbm>> -> memref<128x128xf32, #tpu.memory_space<hbm>>
    %dma_start3A_851 = arith.constant 0 : i32
    %dma_start3A_852 = tpu.memref_slice %arg4[%add3A_848, %dma_start3A_851] : memref<196608x128xf32, #tpu.memory_space<hbm>> -> memref<128x128xf32, #tpu.memory_space<hbm>>
    tpu.enqueue_dma source(%arg10 : memref<128x128xf32, #tpu.memory_space<vmem>>) target(%dma_start3A_852 : memref<128x128xf32, #tpu.memory_space<hbm>>) target_semaphore(%arg16 : memref<!tpu.dma_semaphore, #tpu.memory_space<semaphore_mem>>)
    %dma_wait3A_853 = arith.constant 0 : i32
    %dma_wait3A_854 = tpu.memref_slice %arg4[%add3A_830, %dma_wait3A_853] : memref<196608x128xf32, #tpu.memory_space<hbm>> -> memref<128x128xf32, #tpu.memory_space<hbm>>
    %dma_wait3A_855 = arith.constant 0 : i32
    %dma_wait3A_856 = tpu.memref_slice %arg4[%add3A_830, %dma_wait3A_855] : memref<196608x128xf32, #tpu.memory_space<hbm>> -> memref<128x128xf32, #tpu.memory_space<hbm>>
    tpu.wait_dma2 semaphore(%arg14 : memref<!tpu.dma_semaphore, #tpu.memory_space<semaphore_mem>>) src(%arg8 : memref<128x128xf32, #tpu.memory_space<vmem>>) dst(%dma_wait3A_856 : memref<128x128xf32, #tpu.memory_space<hbm>>)
    %dma_wait3A_857 = arith.constant 0 : i32
    %dma_wait3A_858 = tpu.memref_slice %arg4[%add3A_839, %dma_wait3A_857] : memref<196608x128xf32, #tpu.memory_space<hbm>> -> memref<128x128xf32, #tpu.memory_space<hbm>>
    %dma_wait3A_859 = arith.constant 0 : i32
    %dma_wait3A_860 = tpu.memref_slice %arg4[%add3A_839, %dma_wait3A_859] : memref<196608x128xf32, #tpu.memory_space<hbm>> -> memref<128x128xf32, #tpu.memory_space<hbm>>
    tpu.wait_dma2 semaphore(%arg15 : memref<!tpu.dma_semaphore, #tpu.memory_space<semaphore_mem>>) src(%arg9 : memref<128x128xf32, #tpu.memory_space<vmem>>) dst(%dma_wait3A_860 : memref<128x128xf32, #tpu.memory_space<hbm>>)
    %dma_wait3A_861 = arith.constant 0 : i32
    %dma_wait3A_862 = tpu.memref_slice %arg4[%add3A_848, %dma_wait3A_861] : memref<196608x128xf32, #tpu.memory_space<hbm>> -> memref<128x128xf32, #tpu.memory_space<hbm>>
    %dma_wait3A_863 = arith.constant 0 : i32
    %dma_wait3A_864 = tpu.memref_slice %arg4[%add3A_848, %dma_wait3A_863] : memref<196608x128xf32, #tpu.memory_space<hbm>> -> memref<128x128xf32, #tpu.memory_space<hbm>>
    tpu.wait_dma2 semaphore(%arg16 : memref<!tpu.dma_semaphore, #tpu.memory_space<semaphore_mem>>) src(%arg10 : memref<128x128xf32, #tpu.memory_space<vmem>>) dst(%dma_wait3A_864 : memref<128x128xf32, #tpu.memory_space<hbm>>)
    return
  }
}

module attributes {stable_mosaic.version = 14 : i64} {
  func.func @_prep_body(%arg0: memref<4096x3xf32, #tpu.memory_space<vmem>>, %arg1: memref<4096x3xf32, #tpu.memory_space<vmem>>, %arg2: memref<4096x64xf32, #tpu.memory_space<vmem>>, %arg3: memref<192x64xf32, #tpu.memory_space<vmem>>, %arg4: memref<1x64xf32, #tpu.memory_space<vmem>>, %arg5: memref<4096x128xf32, #tpu.memory_space<vmem>>, %arg6: memref<4096x64xf32, #tpu.memory_space<vmem>>) attributes {dimension_semantics = [], scalar_prefetch = 0 : i64, scratch_operands = 0 : i64, tpu.core_type = #tpu.core_type<tc>} {
    %get3A = arith.constant 0 : index
    %get3A_0 = arith.constant 0 : index
    %get3A_1 = vector.load %arg3[%get3A, %get3A_0] : memref<192x64xf32, #tpu.memory_space<vmem>>, vector<96x64xf32>
    %get3A_2 = arith.constant 96 : index
    %get3A_3 = arith.constant 0 : index
    %get3A_4 = vector.load %arg3[%get3A_2, %get3A_3] : memref<192x64xf32, #tpu.memory_space<vmem>>, vector<96x64xf32>
    %get3A_5 = arith.constant 0 : index
    %get3A_6 = arith.constant 0 : index
    %get3A_7 = vector.load %arg0[%get3A_5, %get3A_6] : memref<4096x3xf32, #tpu.memory_space<vmem>>, vector<4096x3xf32>
    %iota3A = tpu.iota {dimensions = array<i32: 1>} : vector<1x16xi32>
    %convert_element_type3A = arith.sitofp %iota3A : vector<1x16xi32> to vector<1x16xf32>
    %mul3A = arith.constant -0.575646281 : f32
    %mul3A_8 = vector.broadcast %mul3A : f32 to vector<1x16xf32>
    %mul3A_9 = arith.mulf %convert_element_type3A, %mul3A_8 : vector<1x16xf32>
    %exp3A = math.exp %mul3A_9 : vector<1x16xf32>
    %slice3A = vector.extract_strided_slice %get3A_7 {offsets = [0, 0], sizes = [4096, 1], strides = [1, 1]} : vector<4096x3xf32> to vector<4096x1xf32>
    %mul3A_10 = vector.broadcast %slice3A : vector<4096x1xf32> to vector<4096x16xf32>
    %mul3A_11 = vector.broadcast %exp3A : vector<1x16xf32> to vector<4096x16xf32>
    %mul3A_12 = arith.mulf %mul3A_10, %mul3A_11 : vector<4096x16xf32>
    %slice3A_13 = vector.extract_strided_slice %get3A_7 {offsets = [0, 1], sizes = [4096, 1], strides = [1, 1]} : vector<4096x3xf32> to vector<4096x1xf32>
    %mul3A_14 = vector.broadcast %slice3A_13 : vector<4096x1xf32> to vector<4096x16xf32>
    %mul3A_15 = vector.broadcast %exp3A : vector<1x16xf32> to vector<4096x16xf32>
    %mul3A_16 = arith.mulf %mul3A_14, %mul3A_15 : vector<4096x16xf32>
    %slice3A_17 = vector.extract_strided_slice %get3A_7 {offsets = [0, 2], sizes = [4096, 1], strides = [1, 1]} : vector<4096x3xf32> to vector<4096x1xf32>
    %mul3A_18 = vector.broadcast %slice3A_17 : vector<4096x1xf32> to vector<4096x16xf32>
    %mul3A_19 = vector.broadcast %exp3A : vector<1x16xf32> to vector<4096x16xf32>
    %mul3A_20 = arith.mulf %mul3A_18, %mul3A_19 : vector<4096x16xf32>
    %concatenate3A = tpu.concatenate %mul3A_12, %mul3A_16, %mul3A_20 in 1 : vector<4096x16xf32>, vector<4096x16xf32>, vector<4096x16xf32> -> vector<4096x48xf32>
    %sin3A = math.sin %concatenate3A : vector<4096x48xf32>
    %cos3A = math.cos %concatenate3A : vector<4096x48xf32>
    %concatenate3A_21 = tpu.concatenate %sin3A, %cos3A in 1 : vector<4096x48xf32>, vector<4096x48xf32> -> vector<4096x96xf32>
    %dot_general3A = arith.constant dense<0.000000e+00> : vector<4096x64xf32>
    %dot_general3A_22 = tpu.matmul %concatenate3A_21, %get3A_1, %dot_general3A {dimension_numbers = #tpu.dot_dimension_numbers<[1], [0], [0], [1], [0, 0, 1, 1], [], []>, transpose_lhs_hint = false} : vector<4096x96xf32>, vector<96x64xf32>, vector<4096x64xf32> -> vector<4096x64xf32>
    %get3A_23 = arith.constant 0 : index
    %get3A_24 = arith.constant 0 : index
    %get3A_25 = vector.load %arg2[%get3A_23, %get3A_24] : memref<4096x64xf32, #tpu.memory_space<vmem>>, vector<4096x64xf32>
    %concatenate3A_26 = tpu.concatenate %dot_general3A_22, %get3A_25 in 1 : vector<4096x64xf32>, vector<4096x64xf32> -> vector<4096x128xf32>
    %swap3A = arith.constant 0 : index
    %swap3A_27 = arith.constant 0 : index
    %swap3A_28 = vector.load %arg5[%swap3A, %swap3A_27] : memref<4096x128xf32, #tpu.memory_space<vmem>>, vector<4096x128xf32>
    tpu.vector_store %arg5[%swap3A, %swap3A_27], %concatenate3A_26 {strides = array<i32>} : memref<4096x128xf32, #tpu.memory_space<vmem>>, vector<4096x128xf32>,
    %get3A_29 = arith.constant 0 : index
    %get3A_30 = arith.constant 0 : index
    %get3A_31 = vector.load %arg1[%get3A_29, %get3A_30] : memref<4096x3xf32, #tpu.memory_space<vmem>>, vector<4096x3xf32>
    %iota3A_32 = tpu.iota {dimensions = array<i32: 1>} : vector<1x16xi32>
    %convert_element_type3A_33 = arith.sitofp %iota3A_32 : vector<1x16xi32> to vector<1x16xf32>
    %mul3A_34 = arith.constant -0.575646281 : f32
    %mul3A_35 = vector.broadcast %mul3A_34 : f32 to vector<1x16xf32>
    %mul3A_36 = arith.mulf %convert_element_type3A_33, %mul3A_35 : vector<1x16xf32>
    %exp3A_37 = math.exp %mul3A_36 : vector<1x16xf32>
    %slice3A_38 = vector.extract_strided_slice %get3A_31 {offsets = [0, 0], sizes = [4096, 1], strides = [1, 1]} : vector<4096x3xf32> to vector<4096x1xf32>
    %mul3A_39 = vector.broadcast %slice3A_38 : vector<4096x1xf32> to vector<4096x16xf32>
    %mul3A_40 = vector.broadcast %exp3A_37 : vector<1x16xf32> to vector<4096x16xf32>
    %mul3A_41 = arith.mulf %mul3A_39, %mul3A_40 : vector<4096x16xf32>
    %slice3A_42 = vector.extract_strided_slice %get3A_31 {offsets = [0, 1], sizes = [4096, 1], strides = [1, 1]} : vector<4096x3xf32> to vector<4096x1xf32>
    %mul3A_43 = vector.broadcast %slice3A_42 : vector<4096x1xf32> to vector<4096x16xf32>
    %mul3A_44 = vector.broadcast %exp3A_37 : vector<1x16xf32> to vector<4096x16xf32>
    %mul3A_45 = arith.mulf %mul3A_43, %mul3A_44 : vector<4096x16xf32>
    %slice3A_46 = vector.extract_strided_slice %get3A_31 {offsets = [0, 2], sizes = [4096, 1], strides = [1, 1]} : vector<4096x3xf32> to vector<4096x1xf32>
    %mul3A_47 = vector.broadcast %slice3A_46 : vector<4096x1xf32> to vector<4096x16xf32>
    %mul3A_48 = vector.broadcast %exp3A_37 : vector<1x16xf32> to vector<4096x16xf32>
    %mul3A_49 = arith.mulf %mul3A_47, %mul3A_48 : vector<4096x16xf32>
    %concatenate3A_50 = tpu.concatenate %mul3A_41, %mul3A_45, %mul3A_49 in 1 : vector<4096x16xf32>, vector<4096x16xf32>, vector<4096x16xf32> -> vector<4096x48xf32>
    %sin3A_51 = math.sin %concatenate3A_50 : vector<4096x48xf32>
    %cos3A_52 = math.cos %concatenate3A_50 : vector<4096x48xf32>
    %concatenate3A_53 = tpu.concatenate %sin3A_51, %cos3A_52 in 1 : vector<4096x48xf32>, vector<4096x48xf32> -> vector<4096x96xf32>
    %dot_general3A_54 = arith.constant dense<0.000000e+00> : vector<4096x64xf32>
    %dot_general3A_55 = tpu.matmul %concatenate3A_53, %get3A_4, %dot_general3A_54 {dimension_numbers = #tpu.dot_dimension_numbers<[1], [0], [0], [1], [0, 0, 1, 1], [], []>, transpose_lhs_hint = false} : vector<4096x96xf32>, vector<96x64xf32>, vector<4096x64xf32> -> vector<4096x64xf32>
    %get3A_56 = arith.constant 0 : index
    %get3A_57 = arith.constant 0 : index
    %get3A_58 = vector.load %arg4[%get3A_56, %get3A_57] : memref<1x64xf32, #tpu.memory_space<vmem>>, vector<1x64xf32>
    %add3A = vector.broadcast %get3A_58 : vector<1x64xf32> to vector<4096x64xf32>
    %add3A_59 = arith.addf %dot_general3A_55, %add3A : vector<4096x64xf32>
    %swap3A_60 = arith.constant 0 : index
    %swap3A_61 = arith.constant 0 : index
    %swap3A_62 = vector.load %arg6[%swap3A_60, %swap3A_61] : memref<4096x64xf32, #tpu.memory_space<vmem>>, vector<4096x64xf32>
    tpu.vector_store %arg6[%swap3A_60, %swap3A_61], %add3A_59 {strides = array<i32>} : memref<4096x64xf32, #tpu.memory_space<vmem>>, vector<4096x64xf32>,
    return
  }
}

module attributes {stable_mosaic.version = 14 : i64} {
  func.func @_mlp_body(%arg0: i32, %arg1: memref<3072x128xf32, #tpu.memory_space<vmem>>, %arg2: memref<64x64xf32, #tpu.memory_space<vmem>>, %arg3: memref<64x1xi32, #tpu.memory_space<vmem>>, %arg4: memref<64x64xf32, #tpu.memory_space<vmem>>, %arg5: memref<1x64xf32, #tpu.memory_space<vmem>>, %arg6: memref<64x64xf32, #tpu.memory_space<vmem>>, %arg7: memref<1x64xf32, #tpu.memory_space<vmem>>, %arg8: memref<64x64xf32, #tpu.memory_space<vmem>>) attributes {dimension_semantics = [#tpu.dimension_semantics<arbitrary>], iteration_bounds = array<i64: 64>, scalar_prefetch = 0 : i64, scratch_operands = 0 : i64, tpu.core_type = #tpu.core_type<tc>, window_params = [{transform_indices = @transform_0, window_bounds = array<i64: 3072, 128>}, {transform_indices = @transform_1, window_bounds = array<i64: 64, 64>}, {transform_indices = @transform_2, window_bounds = array<i64: 64, 1>}, {pipeline_mode = #tpu.pipeline_mode<synchronous>, transform_indices = @transform_3, window_bounds = array<i64: 64, 64>}, {pipeline_mode = #tpu.pipeline_mode<synchronous>, transform_indices = @transform_4, window_bounds = array<i64: 1, 64>}, {pipeline_mode = #tpu.pipeline_mode<synchronous>, transform_indices = @transform_5, window_bounds = array<i64: 64, 64>}, {pipeline_mode = #tpu.pipeline_mode<synchronous>, transform_indices = @transform_6, window_bounds = array<i64: 1, 64>}, {transform_indices = @transform_7, window_bounds = array<i64: 64, 64>}]} {
    %get3A = arith.constant 0 : index
    %get3A_0 = arith.constant 0 : index
    %get3A_1 = vector.load %arg1[%get3A, %get3A_0] : memref<3072x128xf32, #tpu.memory_space<vmem>>, vector<3072x128xf32>
    %slice3A = vector.extract_strided_slice %get3A_1 {offsets = [0, 0], sizes = [3072, 64], strides = [1, 1]} : vector<3072x128xf32> to vector<3072x64xf32>
    %slice3A_2 = vector.extract_strided_slice %get3A_1 {offsets = [0, 64], sizes = [3072, 64], strides = [1, 1]} : vector<3072x128xf32> to vector<3072x64xf32>
    %reshape3A = vector.shape_cast %slice3A : vector<3072x64xf32> to vector<64x48x64xf32>
    %get3A_3 = arith.constant 0 : index
    %get3A_4 = arith.constant 0 : index
    %get3A_5 = vector.load %arg2[%get3A_3, %get3A_4] : memref<64x64xf32, #tpu.memory_space<vmem>>, vector<64x64xf32>
    %broadcast_in_dim3A = vector.shape_cast %get3A_5 : vector<64x64xf32> to vector<64x1x64xf32>
    %add3A = vector.broadcast %broadcast_in_dim3A : vector<64x1x64xf32> to vector<64x48x64xf32>
    %add3A_6 = arith.addf %reshape3A, %add3A : vector<64x48x64xf32>
    %mul3A = arith.constant 5.000000e-01 : f32
    %mul3A_7 = vector.broadcast %mul3A : f32 to vector<64x48x64xf32>
    %mul3A_8 = arith.mulf %add3A_6, %mul3A_7 : vector<64x48x64xf32>
    %mul3A_9 = arith.constant 0.707106769 : f32
    %mul3A_10 = vector.broadcast %mul3A_9 : f32 to vector<64x48x64xf32>
    %mul3A_11 = arith.mulf %add3A_6, %mul3A_10 : vector<64x48x64xf32>
    %erf3A = math.erf %mul3A_11 : vector<64x48x64xf32>
    %add3A_12 = arith.constant 1.000000e+00 : f32
    %add3A_13 = vector.broadcast %add3A_12 : f32 to vector<64x48x64xf32>
    %add3A_14 = arith.addf %add3A_13, %erf3A : vector<64x48x64xf32>
    %mul3A_15 = arith.mulf %mul3A_8, %add3A_14 : vector<64x48x64xf32>
    %reshape3A_16 = vector.shape_cast %mul3A_15 : vector<64x48x64xf32> to vector<3072x64xf32>
    %get3A_17 = arith.constant 0 : index
    %get3A_18 = arith.constant 0 : index
    %get3A_19 = vector.load %arg4[%get3A_17, %get3A_18] : memref<64x64xf32, #tpu.memory_space<vmem>>, vector<64x64xf32>
    %dot_general3A = arith.constant dense<0.000000e+00> : vector<3072x64xf32>
    %dot_general3A_20 = tpu.matmul %reshape3A_16, %get3A_19, %dot_general3A {dimension_numbers = #tpu.dot_dimension_numbers<[1], [0], [0], [1], [0, 0, 1, 1], [], []>, transpose_lhs_hint = false} : vector<3072x64xf32>, vector<64x64xf32>, vector<3072x64xf32> -> vector<3072x64xf32>
    %get3A_21 = arith.constant 0 : index
    %get3A_22 = arith.constant 0 : index
    %get3A_23 = vector.load %arg5[%get3A_21, %get3A_22] : memref<1x64xf32, #tpu.memory_space<vmem>>, vector<1x64xf32>
    %add3A_24 = vector.broadcast %get3A_23 : vector<1x64xf32> to vector<3072x64xf32>
    %add3A_25 = arith.addf %dot_general3A_20, %add3A_24 : vector<3072x64xf32>
    %mul3A_26 = arith.constant 5.000000e-01 : f32
    %mul3A_27 = vector.broadcast %mul3A_26 : f32 to vector<3072x64xf32>
    %mul3A_28 = arith.mulf %add3A_25, %mul3A_27 : vector<3072x64xf32>
    %mul3A_29 = arith.constant 0.707106769 : f32
    %mul3A_30 = vector.broadcast %mul3A_29 : f32 to vector<3072x64xf32>
    %mul3A_31 = arith.mulf %add3A_25, %mul3A_30 : vector<3072x64xf32>
    %erf3A_32 = math.erf %mul3A_31 : vector<3072x64xf32>
    %add3A_33 = arith.constant 1.000000e+00 : f32
    %add3A_34 = vector.broadcast %add3A_33 : f32 to vector<3072x64xf32>
    %add3A_35 = arith.addf %add3A_34, %erf3A_32 : vector<3072x64xf32>
    %mul3A_36 = arith.mulf %mul3A_28, %add3A_35 : vector<3072x64xf32>
    %get3A_37 = arith.constant 0 : index
    %get3A_38 = arith.constant 0 : index
    %get3A_39 = vector.load %arg6[%get3A_37, %get3A_38] : memref<64x64xf32, #tpu.memory_space<vmem>>, vector<64x64xf32>
    %dot_general3A_40 = arith.constant dense<0.000000e+00> : vector<3072x64xf32>
    %dot_general3A_41 = tpu.matmul %mul3A_36, %get3A_39, %dot_general3A_40 {dimension_numbers = #tpu.dot_dimension_numbers<[1], [0], [0], [1], [0, 0, 1, 1], [], []>, transpose_lhs_hint = false} : vector<3072x64xf32>, vector<64x64xf32>, vector<3072x64xf32> -> vector<3072x64xf32>
    %get3A_42 = arith.constant 0 : index
    %get3A_43 = arith.constant 0 : index
    %get3A_44 = vector.load %arg7[%get3A_42, %get3A_43] : memref<1x64xf32, #tpu.memory_space<vmem>>, vector<1x64xf32>
    %add3A_45 = vector.broadcast %get3A_44 : vector<1x64xf32> to vector<3072x64xf32>
    %add3A_46 = arith.addf %dot_general3A_41, %add3A_45 : vector<3072x64xf32>
    %mul3A_47 = arith.mulf %add3A_46, %slice3A_2 : vector<3072x64xf32>
    %iota3A = tpu.iota {dimensions = array<i32: 1>} : vector<64x48xi32>
    %get3A_48 = arith.constant 0 : index
    %get3A_49 = arith.constant 0 : index
    %get3A_50 = vector.load %arg3[%get3A_48, %get3A_49] : memref<64x1xi32, #tpu.memory_space<vmem>>, vector<64x1xi32>
    %lt3A = vector.broadcast %get3A_50 : vector<64x1xi32> to vector<64x48xi32>
    %lt3A_51 = arith.cmpi slt, %iota3A, %lt3A : vector<64x48xi32>
    %convert_element_type3A = arith.extui %lt3A_51 : vector<64x48xi1> to vector<64x48xi32>
    %convert_element_type3A_52 = arith.sitofp %convert_element_type3A : vector<64x48xi32> to vector<64x48xf32>
    %reshape3A_53 = vector.shape_cast %mul3A_47 : vector<3072x64xf32> to vector<64x48x64xf32>
    %broadcast_in_dim3A_54 = vector.shape_cast %convert_element_type3A_52 : vector<64x48xf32> to vector<64x48x1xf32>
    %mul3A_55 = vector.broadcast %broadcast_in_dim3A_54 : vector<64x48x1xf32> to vector<64x48x64xf32>
    %mul3A_56 = arith.mulf %reshape3A_53, %mul3A_55 : vector<64x48x64xf32>
    %reduce_sum3A = arith.constant dense<0.000000e+00> : vector<64x64xf32>
    %reduce_sum3A_57 = vector.multi_reduction <add>, %mul3A_56, %reduce_sum3A [1] : vector<64x48x64xf32> to vector<64x64xf32>
    %swap3A = arith.constant 0 : index
    %swap3A_58 = arith.constant 0 : index
    %swap3A_59 = vector.load %arg8[%swap3A, %swap3A_58] : memref<64x64xf32, #tpu.memory_space<vmem>>, vector<64x64xf32>
    tpu.vector_store %arg8[%swap3A, %swap3A_58], %reduce_sum3A_57 {strides = array<i32>} : memref<64x64xf32, #tpu.memory_space<vmem>>, vector<64x64xf32>,
    return
  }
  func.func @transform_0(%arg0: i32) -> (i32, i32) {
    %c0_i32 = arith.constant 0 : i32
    %c0_i32_0 = arith.constant 0 : i32
    return %arg0, %c0_i32 : i32, i32
  }
  func.func @transform_1(%arg0: i32) -> (i32, i32) {
    %c0_i32 = arith.constant 0 : i32
    %c0_i32_0 = arith.constant 0 : i32
    return %arg0, %c0_i32 : i32, i32
  }
  func.func @transform_2(%arg0: i32) -> (i32, i32) {
    %c0_i32 = arith.constant 0 : i32
    %c0_i32_0 = arith.constant 0 : i32
    return %arg0, %c0_i32 : i32, i32
  }
  func.func @transform_3(%arg0: i32) -> (i32, i32) {
    %c0_i32 = arith.constant 0 : i32
    %c0_i32_0 = arith.constant 0 : i32
    %c0_i32_1 = arith.constant 0 : i32
    return %c0_i32, %c0_i32_0 : i32, i32
  }
  func.func @transform_4(%arg0: i32) -> (i32, i32) {
    %c0_i32 = arith.constant 0 : i32
    %c0_i32_0 = arith.constant 0 : i32
    %c0_i32_1 = arith.constant 0 : i32
    return %c0_i32, %c0_i32_0 : i32, i32
  }
  func.func @transform_5(%arg0: i32) -> (i32, i32) {
    %c0_i32 = arith.constant 0 : i32
    %c0_i32_0 = arith.constant 0 : i32
    %c0_i32_1 = arith.constant 0 : i32
    return %c0_i32, %c0_i32_0 : i32, i32
  }
  func.func @transform_6(%arg0: i32) -> (i32, i32) {
    %c0_i32 = arith.constant 0 : i32
    %c0_i32_0 = arith.constant 0 : i32
    %c0_i32_1 = arith.constant 0 : i32
    return %c0_i32, %c0_i32_0 : i32, i32
  }
  func.func @transform_7(%arg0: i32) -> (i32, i32) {
    %c0_i32 = arith.constant 0 : i32
    %c0_i32_0 = arith.constant 0 : i32
    return %arg0, %c0_i32 : i32, i32
  }
}

</mosaic_0001>

<sc_bundles>
// kernel: kernel.6.cloned.1.call-start
scs
__scs_entry_jumppad:
0x0: {  	(pc) =	sbr.rel $0x88, $3  }
0x1: {  	(tag) =	ssettag $0x0;
	lr =	simm.s32 $0x1  }
0x2: {  	[smem:$0x3F98] =	sst lr;
	_ =	strace $0xD0000000  }
0x3: {  	_ = 	snop  }
0x4: {  	_ = 	snop  }
0x5: {  	_ = 	snop  }
0x6: {  	_ = 	snop  }
0x7: {  	_ = 	snop  }
__scs_overlays_trampoline_lowered:
0x8: {  	[smem:$0x3FA7] =	sst s0  }
0x9: {  	[smem:$0x3FA8] =	sst s1  }
0xa: {  	[smem:$0x3FA9] =	sst s2  }
0xb: {  	[smem:$0x3FAA] =	sst s3  }
0xc: {  	[smem:$0x3FAB] =	sst s4  }
0xd: {  	[smem:$0x3FAC] =	sst s5  }
0xe: {  	[smem:$0x3FAD] =	sst s6  }
0xf: {  	[smem:$0x3FAE] =	sst s7  }
0x10: {  	[smem:$0x3FAF] =	sst s8  }
0x11: {  	[smem:$0x3FB0] =	sst s9;
	s0 =	simm.s32 @!p0 $0x0  }
0x12: {  	s1 =	sld [smem:$0x3F96];
	s0 =	simm.s32 @p0 $0x1  }
0x13: {  	[smem:$0x3FB1] =	sst s0;
	s0 =	simm.s32 @!p1 $0x0  }
0x14: {  	s2 =	sld [smem:$0x3F95];
	s0 =	simm.s32 @p1 $0x1  }
0x15: {  	[smem:$0x3FB2] =	sst s0;
	s0 =	simm.s32 @!p2 $0x0  }
0x16: {  	s3 =	sld [smem:$0x3FDB];
	s0 =	simm.s32 @p2 $0x1  }
0x17: {  	s4 =	simm.s32 $0x1BF5;
	[smem:$0x3FB4] =	sst s0  }
0x18: {  	s0 =	sld [smem:$0x3F97];
	_ =	swait.ge [sflag:s4], $0x0  }
0x19: {  	s7 =	sld [smem:$0x3F98]  }
0x1a: {  	s8 =	sadd.s32 $0xFFFFE003, lr  }
0x1b: {  	s9 =	sadd.s32 $0xFFFFFEF7, lr;
	s5 =	simm.s32 $0xFFFFFFFF;
	p2 =	slt.u32 s8, $0xFFFFF086  }
0x1c: {  	p1 =	slt.u32 s9, $0xF7A;
	s5 =	simm.s32 @!p2 $0x0  }
0x1d: {  	s5 =	simm.s32 @p1 $0x1;
	p0 =	seq.s32 s7, s2  }
0x1e: {  	s7 =	smul.u32 @!p0 $0xF7A, s2;
	p2 =	seq.s32 @!p0 s5, $0x0  }
0x1f: {  	s9 =	smul.u32 $0xF7A, s1;
	s8 =	simm.s32 @!p0 $0x1BF5;
	p2 =	por !p2, p0  }
0x20: {  	[sflag:s8] =	ssyncset.s32 @!p0 $0xFFFFF086;
	s6 =	sadd.s32 @!p0 s3, s7;
	s7 =	simm.s32 @!p0 $0x108  }
0x21: {  	s3 =	sadd.s32 s3, s9;
	s6 =	sadd.s32 @!p0 $0x88, s6;
	s7 =	simm.s32 @p2 $0x1082  }
0x22: {  	[simem:s7], [sflag:s8] =	dma.local @!p0 [hbm:s6], $0xF7A  }
0x23: {  	s9 =	sor.u32 $0xD0000000, s2;
	s6 =	simm.s32 $0x108;
	_ =	swait.ge @!p0 [sflag:s8], $0x0  }
0x24: {  	s3 =	sadd.s32 $0x88, s3;
	s6 =	simm.s32 @!p1 $0x1082;
	[sflag:s4] =	ssyncset.s32 $0xFFFFF086  }
0x25: {  	[simem:s6], [sflag:s4] =	dma.local [hbm:s3], $0xF7A  }
0x26: {  	[smem:$0x3F98] =	sst s1;
	(tag) =	ssettag s2;
	_ =	strace s9  }
0x27: {  	s1 =	sld [smem:$0x3FA8]  }
0x28: {  	s2 =	sld [smem:$0x3FA9]  }
0x29: {  	s4 =	sld [smem:$0x3FAB]  }
0x2a: {  	p0 =	seq.s32 s5, $0x0;
	s5 =	sld [smem:$0x3FAC]  }
0x2b: {  	s6 =	sld [smem:$0x3FAD]  }
0x2c: {  	s7 =	sld [smem:$0x3FAE]  }
0x2d: {  	s3 =	simm.s32 $0x108;
	s8 =	sld [smem:$0x3FAF]  }
0x2e: {  	s3 =	simm.s32 @!p0 $0x1082;
	s9 =	sld [smem:$0x3FB0]  }
0x2f: {  	lr =	sadd.s32 s0, s3;
	s0 =	sld [smem:$0x3FA7]  }
0x30: {  	s3 =	sld [smem:$0x3FAA]  }
0x31: {  	[smem:$0x3FB3] =	sst s10  }
0x32: {  	s10 =	sld [smem:$0x3FB1];
	_ =	sdelay $0x3  }
0x33: {  	p0 =	seq.s32 s10, $0x1;
	s10 =	sld [smem:$0x3FB3];
	_ =	sdelay $0x3  }
0x34: {  	[smem:$0x3FB3] =	sst s10  }
0x35: {  	s10 =	sld [smem:$0x3FB2];
	_ =	sdelay $0x3  }
0x36: {  	p1 =	seq.s32 s10, $0x1;
	s10 =	sld [smem:$0x3FB3];
	_ =	sdelay $0x3  }
0x37: {  	[smem:$0x3FB3] =	sst s10  }
0x38: {  	s10 =	sld [smem:$0x3FB4]  }
0x39: {  	_ = 	snop;
	(pc) =	sbr.ind lr, $3  }
0x3a: {  	_ = 	snop  }
0x3b: {  	_ = 	snop  }
0x3c: {  	p2 =	seq.s32 s10, $0x1;
	s10 =	sld [smem:$0x3FB3]  }
0x3d: {  	_ =	shalt  }
0x3e: {  	_ =	shalt  }
0x3f: {  	_ =	shalt  }
0x40: {  	_ =	shalt  }
0x41: {  	_ =	shalt  }
0x42: {  	_ =	shalt  }
0x43: {  	_ =	shalt  }
0x44: {  	_ =	shalt  }
0x45: {  	_ =	shalt  }
0x46: {  	_ =	shalt  }
0x47: {  	_ =	shalt  }
0x48: {  	_ =	shalt  }
0x49: {  	_ =	shalt  }
0x4a: {  	_ =	shalt  }
0x4b: {  	_ =	shalt  }
0x4c: {  	_ =	shalt  }
0x4d: {  	_ =	shalt  }
0x4e: {  	_ =	shalt  }
0x4f: {  	_ =	shalt  }
0x50: {  	_ =	shalt  }
0x51: {  	_ =	shalt  }
0x52: {  	_ =	shalt  }
0x53: {  	_ =	shalt  }
0x54: {  	_ =	shalt  }
0x55: {  	_ =	shalt  }
0x56: {  	_ =	shalt  }
0x57: {  	_ =	shalt  }
0x58: {  	_ =	shalt  }
0x59: {  	_ =	shalt  }
0x5a: {  	_ =	shalt  }
0x5b: {  	_ =	shalt  }
0x5c: {  	_ =	shalt  }
0x5d: {  	_ =	shalt  }
0x5e: {  	_ =	shalt  }
0x5f: {  	_ =	shalt  }
0x60: {  	_ =	shalt  }
0x61: {  	_ =	shalt  }
0x62: {  	_ =	shalt  }
0x63: {  	_ =	shalt  }
0x64: {  	_ =	shalt  }
0x65: {  	_ =	shalt  }
0x66: {  	_ =	shalt  }
0x67: {  	_ =	shalt  }
0x68: {  	_ =	shalt  }
0x69: {  	_ =	shalt  }
0x6a: {  	_ =	shalt  }
0x6b: {  	_ =	shalt  }
0x6c: {  	_ =	shalt  }
0x6d: {  	_ =	shalt  }
0x6e: {  	_ =	shalt  }
0x6f: {  	_ =	shalt  }
0x70: {  	_ =	shalt  }
0x71: {  	_ =	shalt  }
0x72: {  	_ =	shalt  }
0x73: {  	_ =	shalt  }
0x74: {  	_ =	shalt  }
0x75: {  	_ =	shalt  }
0x76: {  	_ =	shalt  }
0x77: {  	_ =	shalt  }
0x78: {  	_ =	shalt  }
0x79: {  	_ =	shalt  }
0x7a: {  	_ =	shalt  }
0x7b: {  	_ =	shalt  }
0x7c: {  	_ =	shalt  }
0x7d: {  	_ =	shalt  }
0x7e: {  	_ =	shalt  }
0x7f: {  	_ =	shalt  }
0x80: {  	_ =	shalt  }
0x81: {  	_ =	shalt  }
0x82: {  	_ =	shalt  }
0x83: {  	_ =	shalt  }
0x84: {  	_ =	shalt  }
0x85: {  	_ =	shalt  }
0x86: {  	_ =	shalt  }
0x87: {  	_ =	shalt  }
.Lfunc_end0:
.L_simem_size_0:
called_computation_lowered:
.L_overlay_start_0:
0x88: {  	s2 =	sld [smem:$0x3FD9]  }
0x89: {  	s3 =	sld [smem:$0x3FFE];
	_ =	sdelay $0x1  }
0x8a: {  	s1 =	srdreg.scid  }
0x8b: {  	s0 =	sand.u32 $0x1, s1  }
0x8c: {  	s17 =	sshll.u32 s0, $0xA;
	s2 =	sadd.s32 s3, s2  }
0x8d: {  	s2 =	sadd.s32 s2, s17  }
0x8e: {  	[smem:$0x3FBF] =	sst s2  }
0x8f: {  	_ = 	snop  }
0x90: {  	s2 =	sld [smem:$0x3FD0];
	(tm) =	ssettm $0x1  }
0x91: {  	s18 =	sld [smem:$0x3FFB];
	_ =	sdelay $0x3  }
0x92: {  	_ =	strace s18  }
0x93: {  	s3 =	sld [smem:$0x3FFC];
	_ =	sdelay $0x3  }
0x94: {  	_ =	strace s3  }
0x95: {  	s3 =	sld [smem:$0x3FFD];
	_ =	sdelay $0x3  }
0x96: {  	_ =	strace s3  }
0x97: {  	_ =	strace $0x8FFFFFFF  }
0x98: {  	s19 =	sld [smem:$0x3FDB];
	_ =	sdelay $0x1  }
0x99: {  	s4 =	simm.s32 $_scs_section_size  }
0x9a: {  	s5 =	simm.s32 $_size__tile_overlayer_lowered;
	s6 =	simm.s32 $_tile_overlayer_lowered  }
0x9b: {  	s22 =	simm.s32 $0x1BFF;
	s21 =	sshll.u32 s6, $0x1;
	s3 =	sadd.s32 s4, s19  }
0x9c: {  	s7 =	simm.s32 $0x0;
	s20 =	sshll.u32 s5, $0x1;
	s5 =	sadd.s32 s21, s3  }
0x9d: {  	[timem:s7], [sflag:s22] =	dma.local [hbm:s5], s20  }
0x9e: {  	_ =	swait.ge [sflag:s22], s20  }
0x9f: {  	s4 =	ssub.s32 $0x0, s20;
	[sflag:s22] =	ssyncset.done $0x0  }
0xa0: {  	[sflag:s22] =	ssyncadd.s32 s4;
	_ =	sdelay $0x1  }
0xa1: {  	s23 =	simm.s32 $0x1B8B  }
0xa2: {  	_ =	swait.ge [sflag:s23], $0x1  }
0xa3: {  	[sflag:s23] =	ssyncset.done $0x0  }
0xa4: {  	s25 =	simm.s32 $0x1B8E;
	s24 =	sld [smem:$0x3FFE];
	[sflag:s23] =	ssyncadd.s32 $0xFFFFFFFF  }
0xa5: {  	s26 =	simm.s32 $execute0_lowered;
	[smem:$0x3FD2] =	sst s25  }
0xa6: {  	s5 =	sshll.u32 s26, $0x1;
	_ =	strace $0x80000046;
	[dreg:$0x1] =	wrdreg $0xFFFFFFFF  }
0xa7: {  	s28 =	simm.s32 $_size_execute0_lowered;
	s3 =	sadd.s32 s3, s5;
	[dreg:$0x0] =	wrdreg $0x0  }
0xa8: {  	s5 =	sshll.u32 s28, $0x1;
	[dreg:$0x2] =	wrdreg s3  }
0xa9: {  	[dreg:$0x3] =	wrdreg s5  }
0xaa: {  	[dreg:$0x4] =	wrdreg $0xC0  }
0xab: {  	_ =	task [dreg:s7], $0x5FFFF  }
0xac: {  	[dreg:$0x1] =	wrdreg $0xFFFFFFFF  }
0xad: {  	[dreg:$0x0] =	wrdreg $0x60  }
0xae: {  	[dreg:$0x2] =	wrdreg s24  }
0xaf: {  	[dreg:$0x3] =	wrdreg s2  }
0xb0: {  	[dreg:$0x4] =	wrdreg $0x9  }
0xb1: {  	_ =	task.clear_ibuf [dreg:s7], $0x5FFFF;
	_ =	strace $0x90000046  }
0xb2: {  	s29 =	simm.s32 $0x9;
	_ =	strace $0x80000048  }
0xb3: {  	_ =	swait.ge [sflag:s29], $0x1  }
0xb4: {  	[sflag:s29] =	ssyncadd.s32 $0xFFFFFFFF  }
0xb5: {  	_ =	strace $0x90000048  }
0xb6: {  	_ =	sfence  }
0xb7: {  	s30 =	sld [smem:$0x0];
	_ =	sdelay $0x2  }
0xb8: {  	s31 =	sshll.u32 s1, $0xD;
	s1 =	sshrl.u32 s1, $0x2  }
0xb9: {  	s3 =	sand.u32 $0x4000, s31;
	s1 =	sadd.s32 s1, s30  }
0xba: {  	s0 =	sor.u32 s3, s0;
	s1 =	sshll.u32 s1, $0x11  }
0xbb: {  	s0 =	sor.u32 s1, s0  }
0xbc: {  	s0 =	sadd.s32 $0x8F2B, s0  }
0xbd: {  	[sflag:s0] =	ssyncadd.remote.s32 $0x1  }
0xbe: {  	_ =	sfence.sel $0xFFFF  }
0xbf: {  	[dreg:$0x0] =	wrdreg $0xFFFFFFFF;
	(pc) =	sbr.abs _section_cstart, $3  }
0xc0: {  	[dreg:$0x1] =	wrdreg $0xFFFFFFFF  }
0xc1: {  	_ =	task.clear_ibuf [dreg:s7], $0x2FFFF;
	_ =	strace $0x9FFFFFFF  }
0xc2: {  	(tm) =	ssettm $0x7FFFFFFF  }
0xc3: {  	_ =	shalt  }
tec
execute0_lowered:
.L_overlay_start_1:
0x0: {  	(tag) =	ssettag $0x1  }
0x1: {  	s5 =	rddreg [dreg:$0x0]  }
0x2: {  	s9 =	rddreg [dreg:$0x1]  }
0x3: {  	s0 =	rddreg [dreg:$0x2]  }
0x4: {  	s2 =	simm.s32 $0x0;
	s3 =	srdreg.scid;
	s1 =	stileid.u32  }
0x5: {  	s13 =	simm.s32 $0x1000;
	s14 =	simm.s32 $0x2000;
	s15 =	simm.s32 $0x3000  }
0x6: {  	s16 =	simm.s32 $0x3080;
	s17 =	simm.s32 $0x3100;
	s18 =	simm.s32 $0x3180  }
0x7: {  	s19 =	simm.s32 $0x5180;
	s20 =	simm.s32 $0x6980;
	s21 =	simm.s32 $0x0  }
0x8: {  	[smem:$0x7FF] =	sst s2;
	s6 =	sand.u32 $0x1, s3;
	s4 =	sshll.u32 s1, $0x1  }
0x9: {  	s3 =	sadd.s32 $0x3000, s5;
	_ =	strace $0x80000047;
	s7 =	sor.u32 s6, s4  }
0xa: {  	s4 =	sadd.s32 $0x2E00, s5;
	s6 =	ssub.s32 $0x2, s6;
	s8 =	sshll.u32 s7, $0x4  }
0xb: {  	s31 =	sshrl.u32 s6, $0x1;
	s11 =	smul.u32 $0x300, s7;
	s10 =	sadd.s32 s8, s5  }
0xc: {  	s5 =	sadd.s32 $0x2C00, s5;
	s12 =	ssub.s32 s6, s31;
	s6 =	sadd.s32 $0x2A00, s10  }
0xd: {  	v0 =	vlaneseq.u32;
	s7 =	sadd.s32 $0x2800, s10;
	s8 =	sadd.s32 $0x2600, s10;
	s9 =	sadd.s32 s9, s11  }
0xe: {  	v2 =	vimm.s32 $0x0;
	v1 =	vmul.u32 $0x40, v0;
	s10 =	sadd.s32 $0x3200, s10;
	s11 =	smax.u32 s12, $0x1;
	s12 =	simm.s32 $0x1  }
.LBB2_1:
0xf: {  	[tilespmem:s2], [sflag:$0x1] =	stream.linear.gather [hbm4b:s3+s2], $0x1000, $0x38;
	[tilespmem:$0x6A00] =	vst v63  }
0x10: {  	_ =	swait.ge [sflag:s12], $0x1000  }
0x11: {  	[sflag:s12] =	ssyncset.done $0x0  }
0x12: {  	[sflag:s12] =	ssyncadd.s32 $0xFFFFF000  }
0x13: {  	[tilespmem:s13], [sflag:$0x1] =	stream.linear.gather [hbm4b:s4+s2], $0x1000, $0x38;
	[tilespmem:$0x6A00] =	vst v63  }
0x14: {  	_ =	swait.ge [sflag:s12], $0x1000  }
0x15: {  	[sflag:s12] =	ssyncset.done $0x0  }
0x16: {  	[sflag:s12] =	ssyncadd.s32 $0xFFFFF000  }
0x17: {  	[tilespmem:s14], [sflag:$0x1] =	stream.linear.gather [hbm4b:s5+s2], $0x1000, $0x38;
	[tilespmem:$0x6A00] =	vst v63  }
0x18: {  	_ =	swait.ge [sflag:s12], $0x1000  }
0x19: {  	[sflag:s12] =	ssyncset.done $0x0  }
0x1a: {  	[sflag:s12] =	ssyncadd.s32 $0xFFFFF000  }
0x1b: {  	[tilespmem:s15], [sflag:$0x1] =	stream.linear.gather [hbm4b:s6+s2], $0x80, $0x38;
	[tilespmem:$0x6A00] =	vst v63  }
0x1c: {  	_ =	swait.ge [sflag:s12], $0x80  }
0x1d: {  	[sflag:s12] =	ssyncset.done $0x0  }
0x1e: {  	[sflag:s12] =	ssyncadd.s32 $0xFFFFFF80  }
0x1f: {  	[tilespmem:s16], [sflag:$0x1] =	stream.linear.gather [hbm4b:s7+s2], $0x80, $0x38;
	[tilespmem:$0x6A00] =	vst v63  }
0x20: {  	_ =	swait.ge [sflag:s12], $0x80  }
0x21: {  	[sflag:s12] =	ssyncset.done $0x0  }
0x22: {  	[sflag:s12] =	ssyncadd.s32 $0xFFFFFF80  }
0x23: {  	[tilespmem:s17], [sflag:$0x1] =	stream.linear.gather [hbm4b:s8+s2], $0x80, $0x38;
	[tilespmem:$0x6A00] =	vst v63  }
0x24: {  	_ =	swait.ge [sflag:s12], $0x80  }
0x25: {  	[sflag:s12] =	ssyncset.done $0x0  }
0x26: {  	s22 =	simm.s32 $0x3180;
	s23 =	simm.s32 $0x0;
	[sflag:s12] =	ssyncadd.s32 $0xFFFFFF80  }
.LBB2_2:
0x27: {  	p0 =	sne.s32 s23, $0x1FF0  }
.Ltmp0:
0x28: {  	_ = 	snop;
	(pc) =	sbr.rel @p0 .LBB2_2-.Ltmp0, $4  }
0x29: {  	_ = 	snop  }
0x2a: {  	v3 =	vor.u32 s23, v0  }
0x2b: {  	v3 =	vand.u32 $0xFFF, v3  }
0x2c: {  	s23 =	sadd.s32 $0x10, s23;
	[tilespmem:s22+$0x0] =	vst v3;
	s22 =	sadd.s32 $0x10, s22  }
0x2d: {  	s22 =	simm.s32 $0x0;
	p1 =	por $0x1, $0x1;
	s23 =	simm.s32 $0x0  }
.LBB2_4:
0x2e: {  	v13 =	vld [tilespmem:s23+$0x3000]  }
0x2f: {  	v8 =	vld [tilespmem:s23+$0x3080]  }
0x30: {  	v12 =	vld [tilespmem:s23+$0x3100]  }
0x31: {  	v9 =	vld [tilespmem:s23+$0x3010];
	v3 =	vmov s22  }
0x32: {  	v10 =	vld [tilespmem:s23+$0x3090]  }
0x33: {  	v16 =	vld [tilespmem:s23+$0x3110]  }
0x34: {  	v17 =	vld [tilespmem:s23+$0x3120]  }
0x35: {  	v14 =	vld [tilespmem:s23+$0x3130]  }
0x36: {  	v11 =	vld.idx.msk [tilespmem:v3+s14+$0x0], $0xffff  }
0x37: {  	v4 =	vmov s23;
	s26 =	sor.u32 $0x10, s23;
	s24 =	sor.u32 $0x20, s23;
	v23 =	vimm.s32 $0x0;
	v21 =	vld.idx.msk [tilespmem:v3+s2+$0x0], $0xffff  }
0x38: {  	s25 =	sor.u32 $0x30, s23;
	v18 =	vld [tilespmem:s23+$0x3030];
	v4 =	vshll.u32 v4, $0x6;
	v5 =	vmov s26;
	v6 =	vmov s24  }
0x39: {  	v19 =	vmov s25;
	vm0 =	vlt.s32 v23, $0x3F;
	v5 =	vshll.u32 v5, $0x6;
	v22 =	vld.idx.msk [tilespmem:v3+s13+$0x0], $0xffff  }
0x3a: {  	v15 =	vld [tilespmem:s23+$0x3020];
	v4 =	vor.u32 v1, v4;
	v6 =	vshll.u32 v6, $0x6;
	v7 =	vor.u32 v1, v5  }
0x3b: {  	v20 =	vld [tilespmem:s23+$0x30B0];
	v5 =	vor.u32 v1, v6;
	v25 =	vsub.f32 v11, v16;
	v26 =	vsub.f32 v11, v17  }
0x3c: {  	v6 =	vshll.u32 v19, $0x6;
	v19 =	vld [tilespmem:s23+$0x30A0];
	v27 =	vsub.f32 v21, v13;
	v28 =	vsub.f32 v11, v14  }
0x3d: {  	v24 =	vnsel vm0, $0x3F, v23;
	v11 =	vsub.f32 v11, v12;
	v29 =	vsub.f32 v21, v18  }
0x3e: {  	v6 =	vor.u32 v1, v6;
	v30 =	vsub.f32 v21, v9;
	v31 =	vsub.f32 v22, v10  }
0x3f: {  	v32 =	vsub.f32 v22, v8;
	v27 =	vmul.f32 v27, v27;
	v33 =	vmul.f32 v11, v11  }
0x40: {  	v21 =	vsub.f32 v21, v15;
	v11 =	vmul.f32 v30, v30;
	v30 =	vmul.f32 v31, v31  }
0x41: {  	v31 =	vsub.f32 v22, v19;
	v25 =	vmul.f32 v25, v25;
	v22 =	vsub.f32 v22, v20  }
0x42: {  	s28 =	simm.s32 $0x1;
	v29 =	vmul.f32 v29, v29;
	v32 =	vmul.f32 v32, v32;
	v30 =	vadd.f32 v30, v11  }
0x43: {  	v21 =	vmul.f32 v21, v21;
	v63 =	vmul.f32 v26, v26;
	v11 =	vmov s28  }
0x44: {  	v27 =	vadd.f32 v32, v27;
	v25 =	vadd.f32 v25, v30;
	v30 =	vmul.f32 v31, v31  }
0x45: {  	v28 =	vmul.f32 v28, v28;
	v22 =	vmul.f32 v22, v22;
	v31 =	vnsel vm0, $0x3F, v23  }
0x46: {  	vm0 =	vle.f32 v25, $9.999999770e-03;
	v25 =	vadd.f32 v33, v27;
	v27 =	vadd.f32 v30, v21  }
0x47: {  	v22 =	vadd.f32 v22, v29;
	v26 =	vadd.s32 v4, v31;
	v21 =	vsel vm0, $0x1, v2  }
0x48: {  	v29 =	vld.idx.msk [tilespmem:v11+s14+$0x0], $0xffff;
	v21 =	vadd.s32 v21, v23;
	vm2 =	vle.f32 v25, $9.999999770e-03;
	v25 =	vadd.f32 v63, v27  }
0x49: {  	v30 =	vadd.f32 v28, v22;
	v27 =	vld.idx.msk [tilespmem:v11+s2+$0x0], $0xffff;
	vm3 =	vlt.s32 v21, $0x3F;
	v22 =	vsel vm2, $0x1, v2  }
0x4a: {  	p0 =	por p1, p1;
	s28 =	simm.s32 $0x2;
	v32 =	vmovc v31;
	v28 =	vld.idx.msk [tilespmem:v11+s13+$0x0], $0xffff;
	v22 =	vadd.s32 v22, v23;
	vm1 =	vle.f32 v25, $9.999999770e-03;
	v25 =	vimm.s32 $0x0  }
.LBB2_5:
0x4b: {  	p1 =	sne.s32 s28, $0xFFF;
	v33 =	vadd.s32 v7, v24;
	v24 =	vnsel vm3, $0x3F, v21;
	v31 =	vadd.s32 v5, v31;
	s29 =	smov.u32 s28;
	s28 =	sadd.s32 $0x1, s28  }
0x4c: {  	v34 =	vsel vm1, $0x1, v2;
	vm3 =	vle.f32 v30, $9.999999770e-03;
	v30 =	vadd.s32 v6, v32  }
0x4d: {  	v32 =	vsub.f32 v29, v16;
	v35 =	vsub.f32 v29, v17;
	v23 =	vadd.s32 v34, v23  }
0x4e: {  	v36 =	vsub.f32 v29, v14;
	v34 =	vsub.f32 v27, v13;
	[tilespmem:v26+s18+$0x0] =	vst.idx.msk vm2, v3;
	v26 =	vsel vm3, $0x1, v2  }
0x4f: {  	v29 =	vsub.f32 v29, v12;
	v37 =	vsub.f32 v27, v18;
	v25 =	vadd.s32 v26, v25  }
0x50: {  	v38 =	vsub.f32 v28, v10;
	v26 =	vmul.f32 v34, v34;
	v34 =	vsub.f32 v27, v9  }
0x51: {  	v39 =	vsub.f32 v28, v8;
	v29 =	vmul.f32 v29, v29;
	v32 =	vmul.f32 v32, v32  }
0x52: {  	v40 =	vsub.f32 v28, v19;
	v38 =	vmul.f32 v38, v38;
	v34 =	vmul.f32 v34, v34  }
0x53: {  	vm2 =	vlt.s32 v22, $0x3F;
	v28 =	vsub.f32 v28, v20;
	v27 =	vsub.f32 v27, v15;
	[tilespmem:v33+s18+$0x0] =	vst.idx.msk vm0, v3  }
0x54: {  	v37 =	vmul.f32 v37, v37;
	v33 =	vnsel vm2, $0x3F, v22;
	v34 =	vadd.f32 v38, v34  }
0x55: {  	v39 =	vmul.f32 v39, v39;
	v27 =	vmul.f32 v27, v27;
	v38 =	vmov s29;
	[tilespmem:v31+s18+$0x0] =	vst.idx.msk vm1, v3  }
0x56: {  	v28 =	vmul.f32 v28, v28;
	v31 =	vadd.f32 v32, v34;
	vm1 =	vlt.s32 v25, $0x3F;
	[tilespmem:v30+s18+$0x0] =	vst.idx.msk vm3, v3  }
0x57: {  	v26 =	vadd.f32 v39, v26;
	v32 =	vmul.f32 v35, v35;
	v30 =	vmul.f32 v40, v40;
	v3 =	vmovc v11  }
0x58: {  	v28 =	vadd.f32 v28, v37;
	v11 =	vmovc v38;
	vm0 =	vle.f32 v31, $9.999999770e-03;
	v31 =	vmul.f32 v36, v36  }
.Ltmp1:
0x59: {  	v34 =	vadd.f32 v29, v26;
	v35 =	vsel vm0, $0x1, v2;
	v36 =	vadd.f32 v30, v27;
	(pc) =	sbr.rel @p1 .LBB2_5-.Ltmp1, $4  }
0x5a: {  	v26 =	vadd.s32 v4, v33;
	v21 =	vadd.s32 v35, v21;
	v30 =	vadd.f32 v31, v28;
	v29 =	vld.idx.msk [tilespmem:v38+s14+$0x0], $0xffff  }
0x5b: {  	vm2 =	vle.f32 v34, $9.999999770e-03;
	v31 =	vadd.f32 v32, v36;
	v32 =	vnsel vm1, $0x3F, v25;
	v27 =	vld.idx.msk [tilespmem:v38+s2+$0x0], $0xffff  }
0x5c: {  	vm4 =	vlt.s32 v23, $0x3F;
	v33 =	vsel vm2, $0x1, v2;
	vm3 =	vlt.s32 v21, $0x3F;
	v28 =	vld.idx.msk [tilespmem:v38+s13+$0x0], $0xffff  }
0x5d: {  	v22 =	vadd.s32 v33, v22;
	vm1 =	vle.f32 v31, $9.999999770e-03;
	v31 =	vnsel vm4, $0x3F, v23  }
0x5e: {  	v33 =	vnsel vm3, $0x3F, v21;
	v24 =	vadd.s32 v7, v24;
	v31 =	vadd.s32 v5, v31  }
0x5f: {  	v34 =	vsel vm1, $0x1, v2;
	vm15 =	vle.f32 v30, $9.999999770e-03;
	v44 =	vadd.s32 v6, v32  }
0x60: {  	vm4 =	vlt.s32 v22, $0x3F;
	v16 =	vsub.f32 v29, v16;
	v17 =	vsub.f32 v29, v17  }
0x61: {  	v23 =	vadd.s32 v34, v23;
	v14 =	vsub.f32 v29, v14;
	v45 =	vsel vm15, $0x1, v2  }
0x62: {  	v12 =	vsub.f32 v29, v12;
	v46 =	vnsel vm4, $0x3F, v22;
	v13 =	vsub.f32 v27, v13  }
0x63: {  	v56 =	vadd.s32 v7, v33;
	v18 =	vsub.f32 v27, v18;
	v9 =	vsub.f32 v27, v9  }
0x64: {  	v25 =	vadd.s32 v45, v25;
	v15 =	vsub.f32 v27, v15;
	v8 =	vsub.f32 v28, v8  }
0x65: {  	v10 =	vsub.f32 v28, v10;
	v12 =	vmul.f32 v12, v12;
	v16 =	vmul.f32 v16, v16  }
0x66: {  	v19 =	vsub.f32 v28, v19;
	v13 =	vmul.f32 v13, v13;
	v8 =	vmul.f32 v8, v8  }
0x67: {  	v20 =	vsub.f32 v28, v20;
	v9 =	vmul.f32 v9, v9;
	v10 =	vmul.f32 v10, v10  }
0x68: {  	v47 =	vmul.f32 v15, v15;
	v48 =	vmul.f32 v19, v19;
	v8 =	vadd.f32 v8, v13  }
0x69: {  	v49 =	vmul.f32 v18, v18;
	v50 =	vmul.f32 v20, v20;
	v9 =	vadd.f32 v10, v9  }
0x6a: {  	v17 =	vmul.f32 v17, v17;
	v10 =	vadd.f32 v48, v47;
	v8 =	vadd.f32 v12, v8  }
0x6b: {  	v52 =	vmul.f32 v14, v14;
	v51 =	vadd.f32 v50, v49;
	v9 =	vadd.f32 v16, v9  }
0x6c: {  	v4 =	vadd.s32 v4, v46;
	v53 =	vadd.f32 v17, v10;
	vm6 =	vle.f32 v8, $9.999999770e-03  }
0x6d: {  	vm7 =	vlt.s32 v23, $0x3F;
	v54 =	vadd.f32 v52, v51;
	vm5 =	vle.f32 v9, $9.999999770e-03  }
0x6e: {  	[tilespmem:v26+s18+$0x0] =	vst.idx.msk vm2, v3;
	vm9 =	vlt.s32 v25, $0x3F;
	v55 =	vnsel vm7, $0x3F, v23;
	vm10 =	vle.f32 v53, $9.999999770e-03  }
0x6f: {  	v57 =	vnsel vm9, $0x3F, v25;
	v58 =	vadd.s32 v5, v55;
	[tilespmem:v24+s18+$0x0] =	vst.idx.msk vm0, v3;
	vm11 =	vle.f32 v54, $9.999999770e-03  }
0x70: {  	v59 =	vadd.s32 v6, v57;
	[tilespmem:v31+s18+$0x0] =	vst.idx.msk vm1, v3  }
0x71: {  	[tilespmem:v44+s18+$0x0] =	vst.idx.msk vm15, v3  }
0x72: {  	v3 =	vsel vm6, $0x1, v2;
	[tilespmem:v4+s18+$0x0] =	vst.idx.msk vm6, v11  }
0x73: {  	v60 =	vsel vm5, $0x1, v2;
	v61 =	vsel vm10, $0x1, v2;
	v3 =	vadd.s32 v3, v22;
	[tilespmem:v56+s18+$0x0] =	vst.idx.msk vm5, v11  }
0x74: {  	v63 =	vsel vm11, $0x1, v2;
	vm12 =	vlt.s32 v3, $0x30;
	v4 =	vadd.s32 v60, v21;
	[tilespmem:v58+s18+$0x0] =	vst.idx.msk vm10, v11  }
.Ltmp2:
0x75: {  	v62 =	vadd.s32 v61, v23;
	v3 =	vnsel vm12, $0x30, v3;
	vm13 =	vlt.s32 v4, $0x30;
	[tilespmem:v59+s18+$0x0] =	vst.idx.msk vm11, v11;
	(pc) =	sbr.rel @p0 .LBB2_4-.Ltmp2, $4  }
0x76: {  	v5 =	vadd.s32 v63, v25;
	vm14 =	vlt.s32 v62, $0x30;
	[tilespmem:s23+$0x6980] =	vst v3;
	v3 =	vnsel vm13, $0x30, v4  }
0x77: {  	vm15 =	vlt.s32 v5, $0x30;
	[tilespmem:s26+$0x6980] =	vst v3;
	v3 =	vnsel vm14, $0x30, v62  }
0x78: {  	p1 =	por $0x0, $0x0;
	[tilespmem:s24+$0x6980] =	vst v3;
	v3 =	vnsel vm15, $0x30, v5  }
0x79: {  	s23 =	simm.s32 $0x40;
	s26 =	simm.s32 $0x0;
	s24 =	simm.s32 $0x51A0;
	[tilespmem:s25+$0x6980] =	vst v3  }
0x7a: {  	s22 =	sshra.s32 s26, $0x2  }
0x7b: {  	v3 =	vld [tilespmem:s22+$0x3180];
	_ =	sdelay $0x4  }
0x7c: {  	[tilespmem:s24+$0xFFFFFFE0] =	vst v3  }
0x7d: {  	v3 =	vld [tilespmem:s22+$0x3190];
	_ =	sdelay $0x4  }
0x7e: {  	[tilespmem:s24+$0xFFFFFFF0] =	vst v3  }
0x7f: {  	v3 =	vld [tilespmem:s22+$0x31A0];
	_ =	sdelay $0x3  }
0x80: {  	s23 =	sadd.s32 $0x100, s26  }
0x81: {  	s22 =	sshra.s32 s23, $0x2;
	s23 =	sadd.s32 $0x100, s23;
	[tilespmem:s24+$0x0] =	vst v3  }
.LBB2_8:
0x82: {  	p0 =	sne.s32 s23, $0x7F00;
	v3 =	vld [tilespmem:s22+$0x3180];
	_ =	sdelay $0x3  }
0x83: {  	s24 =	sadd.s32 $0x30, s24  }
0x84: {  	[tilespmem:s24+$0xFFFFFFE0] =	vst v3  }
0x85: {  	v3 =	vld [tilespmem:s22+$0x3190];
	_ =	sdelay $0x4  }
0x86: {  	[tilespmem:s24+$0xFFFFFFF0] =	vst v3  }
0x87: {  	v3 =	vld [tilespmem:s22+$0x31A0]  }
.Ltmp3:
0x88: {  	(pc) =	sbr.rel @p0 .LBB2_8-.Ltmp3, $2  }
0x89: {  	_ =	sdelay $0x2  }
0x8a: {  	s22 =	sshra.s32 s23, $0x2;
	s23 =	sadd.s32 $0x100, s23;
	[tilespmem:s24+$0x0] =	vst v3  }
0x8b: {  	v3 =	vld [tilespmem:s22+$0x3180];
	_ =	sdelay $0x3  }
0x8c: {  	s23 =	sadd.s32 $0x30, s24  }
0x8d: {  	[tilespmem:s23+$0xFFFFFFE0] =	vst v3  }
0x8e: {  	v3 =	vld [tilespmem:s22+$0x3190];
	_ =	sdelay $0x4  }
0x8f: {  	[tilespmem:s23+$0xFFFFFFF0] =	vst v3  }
0x90: {  	v3 =	vld [tilespmem:s22+$0x31A0];
	_ =	sdelay $0x4  }
0x91: {  	[tilespmem:s23+$0x0] =	vst v3  }
0x92: {  	[hbm4b:s9+s2] =	stream.linear.scatter [tilespmem:s19], [sflag:$0x1], $0x1800, $0x38;
	[tilespmem:$0x6A00] =	vst v63  }
0x93: {  	s21 =	sadd.s32 $0x1, s21;
	_ =	swait.ge [sflag:s12], $0x1800  }
0x94: {  	p0 =	sne.s32 s21, s11;
	[sflag:s12] =	ssyncset.done $0x0  }
.Ltmp4:
0x95: {  	[sflag:s12] =	ssyncadd.s32 $0xFFFFE800;
	(pc) =	sbr.rel @p0 .LBB2_1-.Ltmp4, $4  }
0x96: {  	[hbm4b:s10+s2] =	stream.linear.scatter [tilespmem:s20], [sflag:$0x1], $0x80, $0x38;
	[tilespmem:$0x6A00] =	vst v63  }
0x97: {  	_ =	swait.ge [sflag:s12], $0x80  }
0x98: {  	[sflag:s12] =	ssyncset.done $0x0  }
0x99: {  	[sflag:s12] =	ssyncadd.s32 $0xFFFFFF80  }
0x9a: {  	_ =	sfence.sel $0x180000  }
0x9b: {  	[bflag:$0x0] =	sbarrier.arrive $0xFFFF  }
0x9c: {  	p0 =	sne.s32 s1, $0x0;
	_ =	strace $0x90000047  }
0x9d: {  	s0 =	sadd.s32 @!p0 $0x100000, s0;
	[bflag:$0x2] =	sbarrier.arrive $0xFFFF  }
0x9e: {  	[sflag:s0] =	ssyncadd.tile.s32 @!p0 $0x1;
	_ =	shalt  }
.Lfunc_end2:
_tile_overlayer_lowered:
.L_overlay_start_2:
0x9f: {  	(tag) =	ssettag $0x2  }
0xa0: {  	s0 =	rddreg [dreg:$0x0];
	s2 =	stileid.u32  }
0xa1: {  	s1 =	rddreg [dreg:$0x1];
	p0 =	sne.s32 s2, $0x0  }
0xa2: {  	s3 =	rddreg [dreg:$0x2];
	[bflag:$0x3] =	sbarrier.arrive $0xFFFF;
	s2 =	simm.s32 @!p0 $0x1C01  }
0xa3: {  	[timem:s3], [sflag:s2] =	dma.local @!p0 [hbm:s0], s1  }
0xa4: {  	s0 =	simm.s32 @!p0 $0x1  }
0xa5: {  	_ =	swait.ge @!p0 [sflag:s0], s1  }
0xa6: {  	s1 =	ssub.s32 @!p0 $0x0, s1;
	[sflag:s0] =	ssyncset.done @!p0 $0x0  }
0xa7: {  	[sflag:s0] =	ssyncadd.s32 @!p0 s1  }
0xa8: {  	[bflag:$0x3] =	sbarrier.arrive $0xFFFF  }
0xa9: {  	_ =	shalt  }

// kernel: kernel.9.cloned.1.call-start
scs
__scs_entry_jumppad:
0x0: {  	(pc) =	sbr.rel $0x88, $3  }
0x1: {  	(tag) =	ssettag $0x0;
	lr =	simm.s32 $0x1  }
0x2: {  	[smem:$0x3F98] =	sst lr;
	_ =	strace $0xD0000000  }
0x3: {  	_ = 	snop  }
0x4: {  	_ = 	snop  }
0x5: {  	_ = 	snop  }
0x6: {  	_ = 	snop  }
0x7: {  	_ = 	snop  }
__scs_overlays_trampoline_lowered:
0x8: {  	[smem:$0x3FA7] =	sst s0  }
0x9: {  	[smem:$0x3FA8] =	sst s1  }
0xa: {  	[smem:$0x3FA9] =	sst s2  }
0xb: {  	[smem:$0x3FAA] =	sst s3  }
0xc: {  	[smem:$0x3FAB] =	sst s4  }
0xd: {  	[smem:$0x3FAC] =	sst s5  }
0xe: {  	[smem:$0x3FAD] =	sst s6  }
0xf: {  	[smem:$0x3FAE] =	sst s7  }
0x10: {  	[smem:$0x3FAF] =	sst s8  }
0x11: {  	[smem:$0x3FB0] =	sst s9;
	s0 =	simm.s32 @!p0 $0x0  }
0x12: {  	s1 =	sld [smem:$0x3F96];
	s0 =	simm.s32 @p0 $0x1  }
0x13: {  	[smem:$0x3FB1] =	sst s0;
	s0 =	simm.s32 @!p1 $0x0  }
0x14: {  	s2 =	sld [smem:$0x3F95];
	s0 =	simm.s32 @p1 $0x1  }
0x15: {  	[smem:$0x3FB2] =	sst s0;
	s0 =	simm.s32 @!p2 $0x0  }
0x16: {  	s3 =	sld [smem:$0x3FDB];
	s0 =	simm.s32 @p2 $0x1  }
0x17: {  	s4 =	simm.s32 $0x1BF5;
	[smem:$0x3FB4] =	sst s0  }
0x18: {  	s0 =	sld [smem:$0x3F97];
	_ =	swait.ge [sflag:s4], $0x0  }
0x19: {  	s7 =	sld [smem:$0x3F98]  }
0x1a: {  	s8 =	sadd.s32 $0xFFFFE003, lr  }
0x1b: {  	s9 =	sadd.s32 $0xFFFFFEF7, lr;
	s5 =	simm.s32 $0xFFFFFFFF;
	p2 =	slt.u32 s8, $0xFFFFF086  }
0x1c: {  	p1 =	slt.u32 s9, $0xF7A;
	s5 =	simm.s32 @!p2 $0x0  }
0x1d: {  	s5 =	simm.s32 @p1 $0x1;
	p0 =	seq.s32 s7, s2  }
0x1e: {  	s7 =	smul.u32 @!p0 $0xF7A, s2;
	p2 =	seq.s32 @!p0 s5, $0x0  }
0x1f: {  	s9 =	smul.u32 $0xF7A, s1;
	s8 =	simm.s32 @!p0 $0x1BF5;
	p2 =	por !p2, p0  }
0x20: {  	[sflag:s8] =	ssyncset.s32 @!p0 $0xFFFFF086;
	s6 =	sadd.s32 @!p0 s3, s7;
	s7 =	simm.s32 @!p0 $0x108  }
0x21: {  	s3 =	sadd.s32 s3, s9;
	s6 =	sadd.s32 @!p0 $0x88, s6;
	s7 =	simm.s32 @p2 $0x1082  }
0x22: {  	[simem:s7], [sflag:s8] =	dma.local @!p0 [hbm:s6], $0xF7A  }
0x23: {  	s9 =	sor.u32 $0xD0000000, s2;
	s6 =	simm.s32 $0x108;
	_ =	swait.ge @!p0 [sflag:s8], $0x0  }
0x24: {  	s3 =	sadd.s32 $0x88, s3;
	s6 =	simm.s32 @!p1 $0x1082;
	[sflag:s4] =	ssyncset.s32 $0xFFFFF086  }
0x25: {  	[simem:s6], [sflag:s4] =	dma.local [hbm:s3], $0xF7A  }
0x26: {  	[smem:$0x3F98] =	sst s1;
	(tag) =	ssettag s2;
	_ =	strace s9  }
0x27: {  	s1 =	sld [smem:$0x3FA8]  }
0x28: {  	s2 =	sld [smem:$0x3FA9]  }
0x29: {  	s4 =	sld [smem:$0x3FAB]  }
0x2a: {  	p0 =	seq.s32 s5, $0x0;
	s5 =	sld [smem:$0x3FAC]  }
0x2b: {  	s6 =	sld [smem:$0x3FAD]  }
0x2c: {  	s7 =	sld [smem:$0x3FAE]  }
0x2d: {  	s3 =	simm.s32 $0x108;
	s8 =	sld [smem:$0x3FAF]  }
0x2e: {  	s3 =	simm.s32 @!p0 $0x1082;
	s9 =	sld [smem:$0x3FB0]  }
0x2f: {  	lr =	sadd.s32 s0, s3;
	s0 =	sld [smem:$0x3FA7]  }
0x30: {  	s3 =	sld [smem:$0x3FAA]  }
0x31: {  	[smem:$0x3FB3] =	sst s10  }
0x32: {  	s10 =	sld [smem:$0x3FB1];
	_ =	sdelay $0x3  }
0x33: {  	p0 =	seq.s32 s10, $0x1;
	s10 =	sld [smem:$0x3FB3];
	_ =	sdelay $0x3  }
0x34: {  	[smem:$0x3FB3] =	sst s10  }
0x35: {  	s10 =	sld [smem:$0x3FB2];
	_ =	sdelay $0x3  }
0x36: {  	p1 =	seq.s32 s10, $0x1;
	s10 =	sld [smem:$0x3FB3];
	_ =	sdelay $0x3  }
0x37: {  	[smem:$0x3FB3] =	sst s10  }
0x38: {  	s10 =	sld [smem:$0x3FB4]  }
0x39: {  	_ = 	snop;
	(pc) =	sbr.ind lr, $3  }
0x3a: {  	_ = 	snop  }
0x3b: {  	_ = 	snop  }
0x3c: {  	p2 =	seq.s32 s10, $0x1;
	s10 =	sld [smem:$0x3FB3]  }
0x3d: {  	_ =	shalt  }
0x3e: {  	_ =	shalt  }
0x3f: {  	_ =	shalt  }
0x40: {  	_ =	shalt  }
0x41: {  	_ =	shalt  }
0x42: {  	_ =	shalt  }
0x43: {  	_ =	shalt  }
0x44: {  	_ =	shalt  }
0x45: {  	_ =	shalt  }
0x46: {  	_ =	shalt  }
0x47: {  	_ =	shalt  }
0x48: {  	_ =	shalt  }
0x49: {  	_ =	shalt  }
0x4a: {  	_ =	shalt  }
0x4b: {  	_ =	shalt  }
0x4c: {  	_ =	shalt  }
0x4d: {  	_ =	shalt  }
0x4e: {  	_ =	shalt  }
0x4f: {  	_ =	shalt  }
0x50: {  	_ =	shalt  }
0x51: {  	_ =	shalt  }
0x52: {  	_ =	shalt  }
0x53: {  	_ =	shalt  }
0x54: {  	_ =	shalt  }
0x55: {  	_ =	shalt  }
0x56: {  	_ =	shalt  }
0x57: {  	_ =	shalt  }
0x58: {  	_ =	shalt  }
0x59: {  	_ =	shalt  }
0x5a: {  	_ =	shalt  }
0x5b: {  	_ =	shalt  }
0x5c: {  	_ =	shalt  }
0x5d: {  	_ =	shalt  }
0x5e: {  	_ =	shalt  }
0x5f: {  	_ =	shalt  }
0x60: {  	_ =	shalt  }
0x61: {  	_ =	shalt  }
0x62: {  	_ =	shalt  }
0x63: {  	_ =	shalt  }
0x64: {  	_ =	shalt  }
0x65: {  	_ =	shalt  }
0x66: {  	_ =	shalt  }
0x67: {  	_ =	shalt  }
0x68: {  	_ =	shalt  }
0x69: {  	_ =	shalt  }
0x6a: {  	_ =	shalt  }
0x6b: {  	_ =	shalt  }
0x6c: {  	_ =	shalt  }
0x6d: {  	_ =	shalt  }
0x6e: {  	_ =	shalt  }
0x6f: {  	_ =	shalt  }
0x70: {  	_ =	shalt  }
0x71: {  	_ =	shalt  }
0x72: {  	_ =	shalt  }
0x73: {  	_ =	shalt  }
0x74: {  	_ =	shalt  }
0x75: {  	_ =	shalt  }
0x76: {  	_ =	shalt  }
0x77: {  	_ =	shalt  }
0x78: {  	_ =	shalt  }
0x79: {  	_ =	shalt  }
0x7a: {  	_ =	shalt  }
0x7b: {  	_ =	shalt  }
0x7c: {  	_ =	shalt  }
0x7d: {  	_ =	shalt  }
0x7e: {  	_ =	shalt  }
0x7f: {  	_ =	shalt  }
0x80: {  	_ =	shalt  }
0x81: {  	_ =	shalt  }
0x82: {  	_ =	shalt  }
0x83: {  	_ =	shalt  }
0x84: {  	_ =	shalt  }
0x85: {  	_ =	shalt  }
0x86: {  	_ =	shalt  }
0x87: {  	_ =	shalt  }
.Lfunc_end0:
.L_simem_size_0:
called_computation.1_lowered:
.L_overlay_start_0:
0x88: {  	s2 =	sld [smem:$0x3FD9]  }
0x89: {  	s3 =	sld [smem:$0x3FFE];
	_ =	sdelay $0x1  }
0x8a: {  	s1 =	srdreg.scid  }
0x8b: {  	s0 =	sand.u32 $0x1, s1  }
0x8c: {  	s17 =	sshll.u32 s0, $0xA;
	s2 =	sadd.s32 s3, s2  }
0x8d: {  	s2 =	sadd.s32 s2, s17  }
0x8e: {  	[smem:$0x3FBF] =	sst s2  }
0x8f: {  	_ = 	snop  }
0x90: {  	s2 =	sld [smem:$0x3FD0];
	(tm) =	ssettm $0x1  }
0x91: {  	s18 =	sld [smem:$0x3FFB];
	_ =	sdelay $0x3  }
0x92: {  	_ =	strace s18  }
0x93: {  	s3 =	sld [smem:$0x3FFC];
	_ =	sdelay $0x3  }
0x94: {  	_ =	strace s3  }
0x95: {  	s3 =	sld [smem:$0x3FFD];
	_ =	sdelay $0x3  }
0x96: {  	_ =	strace s3  }
0x97: {  	_ =	strace $0x8FFFFFFF  }
0x98: {  	s19 =	sld [smem:$0x3FDB];
	_ =	sdelay $0x1  }
0x99: {  	s4 =	simm.s32 $_scs_section_size  }
0x9a: {  	s5 =	simm.s32 $_size__tile_overlayer_lowered;
	s6 =	simm.s32 $_tile_overlayer_lowered  }
0x9b: {  	s22 =	simm.s32 $0x1BFF;
	s21 =	sshll.u32 s6, $0x1;
	s3 =	sadd.s32 s4, s19  }
0x9c: {  	s7 =	simm.s32 $0x0;
	s20 =	sshll.u32 s5, $0x1;
	s5 =	sadd.s32 s21, s3  }
0x9d: {  	[timem:s7], [sflag:s22] =	dma.local [hbm:s5], s20  }
0x9e: {  	_ =	swait.ge [sflag:s22], s20  }
0x9f: {  	s4 =	ssub.s32 $0x0, s20;
	[sflag:s22] =	ssyncset.done $0x0  }
0xa0: {  	[sflag:s22] =	ssyncadd.s32 s4;
	_ =	sdelay $0x1  }
0xa1: {  	s23 =	simm.s32 $0x1B8B  }
0xa2: {  	_ =	swait.ge [sflag:s23], $0x1  }
0xa3: {  	[sflag:s23] =	ssyncset.done $0x0  }
0xa4: {  	s25 =	simm.s32 $0x1B8E;
	s24 =	sld [smem:$0x3FFE];
	[sflag:s23] =	ssyncadd.s32 $0xFFFFFFFF  }
0xa5: {  	s26 =	simm.s32 $execute0_lowered;
	[smem:$0x3FD2] =	sst s25  }
0xa6: {  	s5 =	sshll.u32 s26, $0x1;
	_ =	strace $0x80000049;
	[dreg:$0x1] =	wrdreg $0xFFFFFFFF  }
0xa7: {  	s28 =	simm.s32 $_size_execute0_lowered;
	s3 =	sadd.s32 s3, s5;
	[dreg:$0x0] =	wrdreg $0x0  }
0xa8: {  	s5 =	sshll.u32 s28, $0x1;
	[dreg:$0x2] =	wrdreg s3  }
0xa9: {  	[dreg:$0x3] =	wrdreg s5  }
0xaa: {  	[dreg:$0x4] =	wrdreg $0xC0  }
0xab: {  	_ =	task [dreg:s7], $0x5FFFF  }
0xac: {  	[dreg:$0x1] =	wrdreg $0xFFFFFFFF  }
0xad: {  	[dreg:$0x0] =	wrdreg $0x60  }
0xae: {  	[dreg:$0x2] =	wrdreg s24  }
0xaf: {  	[dreg:$0x3] =	wrdreg s2  }
0xb0: {  	[dreg:$0x4] =	wrdreg $0x9  }
0xb1: {  	_ =	task.clear_ibuf [dreg:s7], $0x5FFFF;
	_ =	strace $0x90000049  }
0xb2: {  	s29 =	simm.s32 $0x9;
	_ =	strace $0x8000004B  }
0xb3: {  	_ =	swait.ge [sflag:s29], $0x1  }
0xb4: {  	[sflag:s29] =	ssyncadd.s32 $0xFFFFFFFF  }
0xb5: {  	_ =	strace $0x9000004B  }
0xb6: {  	_ =	sfence  }
0xb7: {  	s30 =	sld [smem:$0x0];
	_ =	sdelay $0x2  }
0xb8: {  	s31 =	sshll.u32 s1, $0xD;
	s1 =	sshrl.u32 s1, $0x2  }
0xb9: {  	s3 =	sand.u32 $0x4000, s31;
	s1 =	sadd.s32 s1, s30  }
0xba: {  	s0 =	sor.u32 s3, s0;
	s1 =	sshll.u32 s1, $0x11  }
0xbb: {  	s0 =	sor.u32 s1, s0  }
0xbc: {  	s0 =	sadd.s32 $0x8F2B, s0  }
0xbd: {  	[sflag:s0] =	ssyncadd.remote.s32 $0x1  }
0xbe: {  	_ =	sfence.sel $0xFFFF  }
0xbf: {  	[dreg:$0x0] =	wrdreg $0xFFFFFFFF;
	(pc) =	sbr.abs _section_cstart, $3  }
0xc0: {  	[dreg:$0x1] =	wrdreg $0xFFFFFFFF  }
0xc1: {  	_ =	task.clear_ibuf [dreg:s7], $0x2FFFF;
	_ =	strace $0x9FFFFFFF  }
0xc2: {  	(tm) =	ssettm $0x7FFFFFFF  }
0xc3: {  	_ =	shalt  }
tec
execute0_lowered:
.L_overlay_start_1:
0x0: {  	(tag) =	ssettag $0x1  }
0x1: {  	s0 =	srdreg.scid  }
0x2: {  	s1 =	stileid.u32;
	s3 =	rddreg [dreg:$0x0]  }
0x3: {  	s2 =	simm.s32 $0x0;
	s6 =	sand.u32 $0x1, s0;
	s22 =	sshll.u32 s1, $0x1  }
0x4: {  	p0 =	por $0x0, $0x0;
	s1 =	rddreg [dreg:$0x1];
	s0 =	sor.u32 s6, s22  }
0x5: {  	[smem:$0x7FF] =	sst s2;
	s4 =	sadd.s32 $0x13400, s3;
	s5 =	smul.u32 $0x1800, s0  }
0x6: {  	s3 =	sadd.s32 $0x3400, s3;
	_ =	strace $0x8000004A;
	s0 =	smul.u32 $0x18000, s0  }
0x7: {  	s6 =	ssub.s32 $0x2, s6;
	s7 =	sshrl.u32 s5, $0x3;
	s8 =	sor.u32 $0x80, s5  }
0x8: {  	s9 =	sor.u32 $0x100, s5;
	s25 =	sor.u32 $0x180, s5;
	s0 =	sadd.s32 s4, s0  }
0x9: {  	s13 =	sor.u32 $0x200, s5;
	s16 =	sor.u32 $0x280, s5;
	s22 =	sor.u32 $0x300, s5  }
0xa: {  	s7 =	sadd.s32 s1, s7;
	s23 =	sshrl.u32 s8, $0x3;
	s10 =	sshrl.u32 s9, $0x3  }
0xb: {  	s26 =	sshrl.u32 s25, $0x3;
	[dreg:$0x6] =	wrdreg s0;
	s11 =	sshll.u32 s8, $0x4  }
0xc: {  	s14 =	sshrl.u32 s13, $0x3;
	s15 =	sshll.u32 s9, $0x4;
	s18 =	sshrl.u32 s16, $0x3  }
0xd: {  	s20 =	sshll.u32 s25, $0x4;
	[dreg:$0x3] =	wrdreg s7;
	s7 =	sadd.s32 s1, s23  }
0xe: {  	s8 =	sshll.u32 s22, $0x4;
	s24 =	sadd.s32 s1, s10;
	[dreg:$0x4] =	wrdreg s7  }
0xf: {  	s12 =	sadd.s32 s4, s11;
	s0 =	sadd.s32 s1, s14;
	[dreg:$0x5] =	wrdreg s24  }
0x10: {  	s17 =	sadd.s32 s4, s15;
	s19 =	sadd.s32 s1, s18;
	[dreg:$0x8] =	wrdreg s12  }
0x11: {  	s21 =	sadd.s32 s4, s20;
	s23 =	sshrl.u32 s22, $0x3;
	[dreg:$0x9] =	wrdreg s0  }
0x12: {  	s14 =	sor.u32 $0x400, s5;
	s22 =	sor.u32 $0x500, s5;
	[dreg:$0xa] =	wrdreg s17  }
0x13: {  	s10 =	simm.s32 $0x4180;
	s7 =	sadd.s32 s1, s26;
	[dreg:$0xb] =	wrdreg s19  }
0x14: {  	[dreg:$0xc] =	wrdreg s21;
	s0 =	sadd.s32 s1, s23;
	s24 =	sor.u32 $0x380, s5  }
0x15: {  	s12 =	sshll.u32 s16, $0x4;
	s15 =	sshrl.u32 s14, $0x3;
	s16 =	sor.u32 $0x480, s5  }
0x16: {  	s17 =	sadd.s32 s4, s8;
	s23 =	sshrl.u32 s22, $0x3;
	s8 =	sshll.u32 s22, $0x4  }
0x17: {  	s22 =	sor.u32 $0x700, s5;
	[dreg:$0x7] =	wrdreg s7;
	s7 =	sshll.u32 s13, $0x4  }
0x18: {  	[dreg:$0xd] =	wrdreg s0;
	s26 =	sshrl.u32 s24, $0x3;
	s13 =	sadd.s32 s4, s12  }
0x19: {  	s0 =	sadd.s32 s1, s15;
	s18 =	sshrl.u32 s16, $0x3;
	[dreg:$0x12] =	wrdreg s17  }
0x1a: {  	s20 =	sshll.u32 s24, $0x4;
	s24 =	sor.u32 $0x580, s5;
	s12 =	sshll.u32 s16, $0x4  }
0x1b: {  	s16 =	sor.u32 $0x680, s5;
	s17 =	sadd.s32 s4, s8;
	s8 =	sshll.u32 s22, $0x4  }
0x1c: {  	s25 =	sadd.s32 s4, s7;
	s11 =	sadd.s32 s1, s26;
	[dreg:$0x10] =	wrdreg s13  }
0x1d: {  	[dreg:$0x11] =	wrdreg s0;
	s19 =	sadd.s32 s1, s18;
	s21 =	sadd.s32 s4, s20  }
0x1e: {  	s0 =	sadd.s32 s1, s23;
	s7 =	sshll.u32 s14, $0x4;
	s26 =	sshrl.u32 s24, $0x3  }
0x1f: {  	s13 =	sadd.s32 s4, s12;
	s14 =	sor.u32 $0x600, s5;
	[dreg:$0x1a] =	wrdreg s17  }
0x20: {  	s18 =	sshrl.u32 s16, $0x3;
	s20 =	sshll.u32 s24, $0x4;
	[dreg:$0xe] =	wrdreg s25  }
0x21: {  	s23 =	sshrl.u32 s22, $0x3;
	s24 =	sor.u32 $0x780, s5;
	[dreg:$0xf] =	wrdreg s11  }
0x22: {  	s12 =	sshll.u32 s16, $0x4;
	s16 =	sadd.s32 $0x880, s5;
	[dreg:$0x13] =	wrdreg s19  }
0x23: {  	s17 =	sadd.s32 s4, s8;
	s22 =	sadd.s32 $0x900, s5;
	[dreg:$0x14] =	wrdreg s21  }
0x24: {  	[dreg:$0x15] =	wrdreg s0;
	s25 =	sadd.s32 s4, s7;
	s11 =	sadd.s32 s1, s26  }
0x25: {  	[dreg:$0x18] =	wrdreg s13;
	s15 =	sshrl.u32 s14, $0x3;
	s19 =	sadd.s32 s1, s18  }
0x26: {  	s21 =	sadd.s32 s4, s20;
	s7 =	sshll.u32 s14, $0x4;
	s26 =	sshrl.u32 s24, $0x3  }
0x27: {  	s13 =	sadd.s32 s4, s12;
	s14 =	sadd.s32 $0x800, s5;
	[smem:$0x7CC] =	sst s17  }
0x28: {  	s18 =	sshrl.u32 s16, $0x3;
	s20 =	sshll.u32 s24, $0x4;
	[dreg:$0x16] =	wrdreg s25  }
0x29: {  	s24 =	sadd.s32 $0x980, s5;
	s12 =	sshll.u32 s16, $0x4;
	[dreg:$0x17] =	wrdreg s11  }
0x2a: {  	s8 =	sshll.u32 s22, $0x4;
	s16 =	sadd.s32 $0xA80, s5;
	[dreg:$0x1b] =	wrdreg s19  }
0x2b: {  	s0 =	sadd.s32 s1, s15;
	[dreg:$0x1c] =	wrdreg s21;
	s25 =	sadd.s32 s4, s7  }
0x2c: {  	s11 =	sadd.s32 s1, s26;
	[smem:$0x7CA] =	sst s13;
	s15 =	sshrl.u32 s14, $0x3  }
0x2d: {  	s19 =	sadd.s32 s1, s18;
	s21 =	sadd.s32 s4, s20;
	s7 =	sshll.u32 s14, $0x4  }
0x2e: {  	s26 =	sshrl.u32 s24, $0x3;
	s13 =	sadd.s32 s4, s12;
	[dreg:$0x19] =	wrdreg s0  }
0x2f: {  	s14 =	sadd.s32 $0xA00, s5;
	s17 =	sadd.s32 s4, s8;
	[dreg:$0x1e] =	wrdreg s25  }
0x30: {  	s18 =	sshrl.u32 s16, $0x3;
	s20 =	sshll.u32 s24, $0x4;
	[dreg:$0x1f] =	wrdreg s11  }
0x31: {  	s24 =	sadd.s32 $0xB80, s5;
	s12 =	sshll.u32 s16, $0x4;
	[smem:$0x7CD] =	sst s19  }
0x32: {  	s16 =	sadd.s32 $0xC80, s5;
	s0 =	sadd.s32 s1, s23;
	[smem:$0x7CE] =	sst s21  }
0x33: {  	s23 =	sshrl.u32 s22, $0x3;
	s25 =	sadd.s32 s4, s7;
	[smem:$0x7D2] =	sst s13  }
0x34: {  	s11 =	sadd.s32 s1, s26;
	[smem:$0x7D4] =	sst s17;
	s19 =	sadd.s32 s1, s18  }
0x35: {  	s21 =	sadd.s32 s4, s20;
	s22 =	sadd.s32 $0xB00, s5;
	s7 =	sshll.u32 s14, $0x4  }
0x36: {  	s26 =	sshrl.u32 s24, $0x3;
	s13 =	sadd.s32 s4, s12;
	[dreg:$0x1d] =	wrdreg s0  }
0x37: {  	s18 =	sshrl.u32 s16, $0x3;
	s20 =	sshll.u32 s24, $0x4;
	[smem:$0x7D0] =	sst s25  }
0x38: {  	s24 =	sadd.s32 $0xD80, s5;
	s9 =	sshll.u32 s16, $0x4;
	[smem:$0x7D1] =	sst s11  }
0x39: {  	s12 =	sadd.s32 $0xE00, s5;
	s0 =	sadd.s32 s1, s15;
	[smem:$0x7D5] =	sst s19  }
0x3a: {  	s15 =	sshrl.u32 s14, $0x3;
	[smem:$0x7D6] =	sst s21;
	s25 =	sadd.s32 s4, s7  }
0x3b: {  	s11 =	sadd.s32 s1, s26;
	s14 =	sadd.s32 $0xC00, s5;
	[smem:$0x7DA] =	sst s13  }
0x3c: {  	s8 =	sshll.u32 s22, $0x4;
	s19 =	sadd.s32 s1, s18;
	s21 =	sadd.s32 s4, s20  }
0x3d: {  	s26 =	sshrl.u32 s24, $0x3;
	s13 =	sshrl.u32 s12, $0x3;
	[smem:$0x7CB] =	sst s0  }
0x3e: {  	s18 =	sshll.u32 s24, $0x4;
	s20 =	sadd.s32 $0xF00, s5;
	[smem:$0x7D8] =	sst s25  }
0x3f: {  	s0 =	sadd.s32 s1, s23;
	s23 =	sshrl.u32 s22, $0x3;
	[smem:$0x7D9] =	sst s11  }
0x40: {  	s17 =	sadd.s32 s4, s8;
	[smem:$0x7DD] =	sst s19;
	s22 =	sadd.s32 $0xD00, s5  }
0x41: {  	[smem:$0x7DE] =	sst s21;
	s7 =	sshll.u32 s14, $0x4;
	s11 =	sadd.s32 s4, s9  }
0x42: {  	s19 =	sadd.s32 s4, s18;
	s21 =	sshrl.u32 s20, $0x3;
	[smem:$0x7CF] =	sst s0  }
0x43: {  	s9 =	sadd.s32 $0x1000, s5;
	s18 =	sadd.s32 $0x1100, s5;
	[smem:$0x7DC] =	sst s17  }
0x44: {  	s0 =	sadd.s32 s1, s15;
	s15 =	sshrl.u32 s14, $0x3;
	[smem:$0x7E2] =	sst s11  }
0x45: {  	s25 =	sadd.s32 s4, s7;
	s7 =	sadd.s32 s1, s26;
	[smem:$0x7E6] =	sst s19  }
0x46: {  	s8 =	sshll.u32 s22, $0x4;
	s14 =	sadd.s32 $0xE80, s5;
	[smem:$0x7D3] =	sst s0  }
0x47: {  	s11 =	sshrl.u32 s9, $0x3;
	s19 =	sshrl.u32 s18, $0x3;
	[smem:$0x7E0] =	sst s25  }
0x48: {  	s0 =	sadd.s32 s1, s23;
	s23 =	sshrl.u32 s22, $0x3;
	[smem:$0x7E1] =	sst s7  }
0x49: {  	s16 =	sshrl.u32 s14, $0x3;
	s7 =	sshll.u32 s12, $0x4;
	s22 =	sadd.s32 $0xF80, s5  }
0x4a: {  	s26 =	sshll.u32 s14, $0x4;
	s12 =	sadd.s32 $0x1080, s5;
	[smem:$0x7D7] =	sst s0  }
0x4b: {  	s0 =	sadd.s32 s1, s15;
	s15 =	sadd.s32 s4, s8;
	s17 =	sadd.s32 s1, s16  }
0x4c: {  	s24 =	sshrl.u32 s22, $0x3;
	s8 =	sshll.u32 s20, $0x4;
	[smem:$0x7DB] =	sst s0  }
0x4d: {  	s14 =	sshrl.u32 s12, $0x3;
	s16 =	sshll.u32 s22, $0x4;
	[smem:$0x7E4] =	sst s15  }
0x4e: {  	s20 =	sadd.s32 $0x1180, s5;
	s0 =	sadd.s32 s1, s23;
	[smem:$0x7E5] =	sst s17  }
0x4f: {  	s23 =	sadd.s32 s4, s7;
	s25 =	sadd.s32 s1, s24;
	[smem:$0x7DF] =	sst s0  }
0x50: {  	s7 =	sadd.s32 s4, s26;
	s15 =	sadd.s32 s1, s14;
	[smem:$0x7E8] =	sst s23  }
0x51: {  	s17 =	sadd.s32 s4, s16;
	s22 =	sshrl.u32 s20, $0x3;
	[smem:$0x7E9] =	sst s25  }
0x52: {  	s24 =	sshll.u32 s12, $0x4;
	s26 =	sadd.s32 $0x1200, s5;
	[smem:$0x7EA] =	sst s7  }
0x53: {  	s0 =	sadd.s32 s1, s13;
	s13 =	sadd.s32 s4, s8;
	[smem:$0x7ED] =	sst s15  }
0x54: {  	[smem:$0x7EE] =	sst s17;
	s7 =	sshll.u32 s9, $0x4;
	s23 =	sadd.s32 s1, s22  }
0x55: {  	s25 =	sadd.s32 s4, s24;
	s9 =	sshrl.u32 s26, $0x3;
	[smem:$0x7E3] =	sst s0  }
0x56: {  	s8 =	sshll.u32 s18, $0x4;
	s15 =	sshll.u32 s20, $0x4;
	[smem:$0x7EC] =	sst s13  }
0x57: {  	s17 =	sadd.s32 $0x1300, s5;
	s0 =	sadd.s32 s1, s21;
	[smem:$0x7F1] =	sst s23  }
0x58: {  	s21 =	sadd.s32 s4, s7;
	[smem:$0x7F2] =	sst s25;
	s12 =	sadd.s32 s4, s8  }
0x59: {  	s16 =	sadd.s32 s4, s15;
	s18 =	sshrl.u32 s17, $0x3;
	s7 =	sshll.u32 s26, $0x4  }
0x5a: {  	s25 =	sadd.s32 $0x1400, s5;
	s26 =	sshrl.u32 s6, $0x1;
	[smem:$0x7E7] =	sst s0  }
0x5b: {  	s8 =	sshll.u32 s17, $0x4;
	s17 =	sadd.s32 $0x1500, s5;
	[smem:$0x7F0] =	sst s21  }
0x5c: {  	s0 =	sadd.s32 s1, s11;
	s11 =	sadd.s32 $0x1280, s5;
	[smem:$0x7F4] =	sst s12  }
0x5d: {  	[smem:$0x7F6] =	sst s16;
	s20 =	sadd.s32 s4, s7;
	s12 =	sshrl.u32 s25, $0x3  }
0x5e: {  	s7 =	sshll.u32 s25, $0x4;
	[smem:$0x7EB] =	sst s0;
	s0 =	sadd.s32 s1, s19  }
0x5f: {  	s13 =	sshrl.u32 s11, $0x3;
	s19 =	sadd.s32 $0x1380, s5;
	[smem:$0x7F8] =	sst s20  }
0x60: {  	s23 =	sshll.u32 s11, $0x4;
	s11 =	sadd.s32 $0x1480, s5;
	s28 =	sadd.s32 s4, s7  }
0x61: {  	s7 =	simm.s32 $0x8180;
	[smem:$0x7EF] =	sst s0;
	s0 =	sadd.s32 s1, s9  }
0x62: {  	s14 =	sadd.s32 s1, s13;
	s21 =	sshrl.u32 s19, $0x3;
	s24 =	sadd.s32 s4, s23  }
0x63: {  	s13 =	sadd.s32 s4, s8;
	s9 =	ssub.s32 s6, s26;
	[smem:$0x7F3] =	sst s0  }
0x64: {  	s16 =	sshll.u32 s19, $0x4;
	s19 =	sadd.s32 $0x1580, s5;
	[smem:$0x7F5] =	sst s14  }
0x65: {  	s6 =	sshll.u32 s17, $0x4;
	s0 =	sadd.s32 s1, s18;
	[smem:$0x7FA] =	sst s24  }
0x66: {  	s22 =	sadd.s32 s1, s21;
	s14 =	sshrl.u32 s11, $0x3;
	[smem:$0x7FC] =	sst s13  }
0x67: {  	s31 =	sadd.s32 s4, s16;
	s18 =	sshrl.u32 s17, $0x3;
	s20 =	sshrl.u32 s19, $0x3  }
0x68: {  	s21 =	sshll.u32 s11, $0x4;
	s11 =	sadd.s32 $0x1680, s5;
	[smem:$0x7F7] =	sst s0  }
0x69: {  	s24 =	sadd.s32 s4, s6;
	s17 =	sadd.s32 $0x1780, s5;
	[smem:$0x7F9] =	sst s22  }
0x6a: {  	s0 =	sadd.s32 s1, s12;
	s15 =	sadd.s32 s1, s14;
	s30 =	sadd.s32 s1, s18  }
0x6b: {  	s22 =	sadd.s32 $0x1600, s5;
	s29 =	sadd.s32 s1, s20;
	s26 =	sadd.s32 s4, s21  }
0x6c: {  	s13 =	sshrl.u32 s11, $0x3;
	s14 =	sadd.s32 $0x1700, s5;
	s5 =	sshrl.u32 s17, $0x3  }
0x6d: {  	s20 =	sshll.u32 s17, $0x4;
	s17 =	simm.s32 $0x3;
	[smem:$0x7FB] =	sst s0  }
0x6e: {  	[smem:$0x7FD] =	sst s15;
	s8 =	sshrl.u32 s22, $0x3;
	s0 =	sshll.u32 s19, $0x4  }
0x6f: {  	s23 =	sadd.s32 s1, s13;
	s15 =	sshrl.u32 s14, $0x3;
	s16 =	sshll.u32 s22, $0x4  }
0x70: {  	s12 =	sadd.s32 s1, s5;
	s19 =	sshll.u32 s11, $0x4;
	s22 =	smax.u32 s9, $0x1  }
0x71: {  	s11 =	simm.s32 $0x4;
	s9 =	simm.s32 $0x5;
	s25 =	sadd.s32 s1, s8  }
0x72: {  	s18 =	sadd.s32 s4, s0;
	s21 =	sadd.s32 s1, s15;
	p1 =	sne.s32 s22, $0x1  }
.Ltmp0:
0x73: {  	s13 =	sadd.s32 s4, s16;
	s0 =	sshll.u32 s14, $0x4;
	(pc) =	sbr.rel @!p1 .LBB2_3-.Ltmp0, $4  }
0x74: {  	s6 =	sadd.s32 s4, s19;
	s15 =	simm.s32 $0x7;
	s16 =	simm.s32 $0x80  }
0x75: {  	s14 =	simm.s32 $0x180;
	s19 =	simm.s32 $0x100;
	s1 =	sadd.s32 $0xFFFFFFFF, s22  }
0x76: {  	s22 =	simm.s32 $0x1;
	s8 =	simm.s32 $0x6;
	s5 =	sadd.s32 s4, s0  }
0x77: {  	s4 =	sadd.s32 s4, s20;
	s20 =	simm.s32 $0x2;
	s0 =	rddreg [dreg:$0x3]  }
0x78: {  	[tilespmem:s2], [sflag:$0x7] =	stream.linear.gather [hbm4b:s0+s2], $0x80, $0x38;
	[tilespmem:$0xC180] =	vst v63  }
0x79: {  	_ =	swait.ge [sflag:s15], $0x80  }
0x7a: {  	[sflag:s15] =	ssyncset.done $0x0  }
0x7b: {  	[sflag:s15] =	ssyncadd.s32 $0xFFFFFF80  }
0x7c: {  	[tilespmem:s14], [sflag:$0x1] =	stream.indirect.gather [hbm4b:s3+s16], $0x80, s2, s16, $0xb8;
	[tilespmem:$0xC180] =	vst v63  }
0x7d: {  	s0 =	rddreg [dreg:$0x4]  }
0x7e: {  	[tilespmem:s16], [sflag:$0x7] =	stream.linear.gather [hbm4b:s0+s2], $0x80, $0x38;
	[tilespmem:$0xC180] =	vst v63  }
0x7f: {  	_ =	swait.ge [sflag:s15], $0x80  }
0x80: {  	[sflag:s15] =	ssyncset.done $0x0  }
0x81: {  	[sflag:s15] =	ssyncadd.s32 $0xFFFFFF80  }
0x82: {  	[tilespmem:s10], [sflag:$0x2] =	stream.indirect.gather [hbm4b:s3+s16], $0x80, s16, s16, $0xb8;
	[tilespmem:$0xC180] =	vst v63  }
0x83: {  	s0 =	rddreg [dreg:$0x5]  }
0x84: {  	[tilespmem:s19], [sflag:$0x7] =	stream.linear.gather [hbm4b:s0+s2], $0x80, $0x38;
	[tilespmem:$0xC180] =	vst v63  }
0x85: {  	_ =	swait.ge [sflag:s15], $0x80  }
0x86: {  	[sflag:s15] =	ssyncset.done $0x0  }
0x87: {  	[sflag:s15] =	ssyncadd.s32 $0xFFFFFF80  }
0x88: {  	[tilespmem:s7], [sflag:$0x3] =	stream.indirect.gather [hbm4b:s3+s16], $0x80, s19, s16, $0xb8;
	[tilespmem:$0xC180] =	vst v63  }
0x89: {  	_ =	swait.ge [sflag:s22], $0x4000  }
0x8a: {  	[sflag:s22] =	ssyncset.done $0x0  }
0x8b: {  	s0 =	rddreg [dreg:$0x6];
	[sflag:s22] =	ssyncadd.s32 $0xFFFFC000  }
0x8c: {  	[hbm4b:s0+s2] =	stream.linear.scatter [tilespmem:s14], [sflag:$0x4], $0x4000, $0x38;
	[tilespmem:$0xC180] =	vst v63  }
0x8d: {  	_ =	swait.ge [sflag:s11], $0x4000  }
0x8e: {  	[sflag:s11] =	ssyncset.done $0x0  }
0x8f: {  	s0 =	rddreg [dreg:$0x7];
	[sflag:s11] =	ssyncadd.s32 $0xFFFFC000  }
0x90: {  	[tilespmem:s2], [sflag:$0x7] =	stream.linear.gather [hbm4b:s0+s2], $0x80, $0x38;
	[tilespmem:$0xC180] =	vst v63  }
0x91: {  	_ =	swait.ge [sflag:s15], $0x80  }
0x92: {  	[sflag:s15] =	ssyncset.done $0x0  }
0x93: {  	[sflag:s15] =	ssyncadd.s32 $0xFFFFFF80  }
0x94: {  	[tilespmem:s14], [sflag:$0x1] =	stream.indirect.gather [hbm4b:s3+s16], $0x80, s2, s16, $0xb8;
	[tilespmem:$0xC180] =	vst v63  }
0x95: {  	_ =	swait.ge [sflag:s20], $0x4000  }
0x96: {  	[sflag:s20] =	ssyncset.done $0x0  }
0x97: {  	s0 =	rddreg [dreg:$0x8];
	[sflag:s20] =	ssyncadd.s32 $0xFFFFC000  }
0x98: {  	[hbm4b:s0+s2] =	stream.linear.scatter [tilespmem:s10], [sflag:$0x5], $0x4000, $0x38;
	[tilespmem:$0xC180] =	vst v63  }
0x99: {  	_ =	swait.ge [sflag:s9], $0x4000  }
0x9a: {  	[sflag:s9] =	ssyncset.done $0x0  }
0x9b: {  	s0 =	rddreg [dreg:$0x9];
	[sflag:s9] =	ssyncadd.s32 $0xFFFFC000  }
0x9c: {  	[tilespmem:s16], [sflag:$0x7] =	stream.linear.gather [hbm4b:s0+s2], $0x80, $0x38;
	[tilespmem:$0xC180] =	vst v63  }
0x9d: {  	_ =	swait.ge [sflag:s15], $0x80  }
0x9e: {  	[sflag:s15] =	ssyncset.done $0x0  }
0x9f: {  	[sflag:s15] =	ssyncadd.s32 $0xFFFFFF80  }
0xa0: {  	[tilespmem:s10], [sflag:$0x2] =	stream.indirect.gather [hbm4b:s3+s16], $0x80, s16, s16, $0xb8;
	[tilespmem:$0xC180] =	vst v63  }
0xa1: {  	_ =	swait.ge [sflag:s17], $0x4000  }
0xa2: {  	[sflag:s17] =	ssyncset.done $0x0  }
0xa3: {  	s0 =	rddreg [dreg:$0xa];
	[sflag:s17] =	ssyncadd.s32 $0xFFFFC000  }
0xa4: {  	[hbm4b:s0+s2] =	stream.linear.scatter [tilespmem:s7], [sflag:$0x6], $0x4000, $0x38;
	[tilespmem:$0xC180] =	vst v63  }
0xa5: {  	_ =	swait.ge [sflag:s8], $0x4000  }
0xa6: {  	[sflag:s8] =	ssyncset.done $0x0  }
0xa7: {  	s0 =	rddreg [dreg:$0xb];
	[sflag:s8] =	ssyncadd.s32 $0xFFFFC000  }
0xa8: {  	[tilespmem:s19], [sflag:$0x7] =	stream.linear.gather [hbm4b:s0+s2], $0x80, $0x38;
	[tilespmem:$0xC180] =	vst v63  }
0xa9: {  	_ =	swait.ge [sflag:s15], $0x80  }
0xaa: {  	[sflag:s15] =	ssyncset.done $0x0  }
0xab: {  	[sflag:s15] =	ssyncadd.s32 $0xFFFFFF80  }
0xac: {  	[tilespmem:s7], [sflag:$0x3] =	stream.indirect.gather [hbm4b:s3+s16], $0x80, s19, s16, $0xb8;
	[tilespmem:$0xC180] =	vst v63  }
0xad: {  	_ =	swait.ge [sflag:s22], $0x4000  }
0xae: {  	[sflag:s22] =	ssyncset.done $0x0  }
0xaf: {  	s0 =	rddreg [dreg:$0xc];
	[sflag:s22] =	ssyncadd.s32 $0xFFFFC000  }
0xb0: {  	[hbm4b:s0+s2] =	stream.linear.scatter [tilespmem:s14], [sflag:$0x4], $0x4000, $0x38;
	[tilespmem:$0xC180] =	vst v63  }
0xb1: {  	_ =	swait.ge [sflag:s11], $0x4000  }
0xb2: {  	[sflag:s11] =	ssyncset.done $0x0  }
0xb3: {  	s0 =	rddreg [dreg:$0xd];
	[sflag:s11] =	ssyncadd.s32 $0xFFFFC000  }
0xb4: {  	[tilespmem:s2], [sflag:$0x7] =	stream.linear.gather [hbm4b:s0+s2], $0x80, $0x38;
	[tilespmem:$0xC180] =	vst v63  }
0xb5: {  	_ =	swait.ge [sflag:s15], $0x80  }
0xb6: {  	[sflag:s15] =	ssyncset.done $0x0  }
0xb7: {  	[sflag:s15] =	ssyncadd.s32 $0xFFFFFF80  }
0xb8: {  	[tilespmem:s14], [sflag:$0x1] =	stream.indirect.gather [hbm4b:s3+s16], $0x80, s2, s16, $0xb8;
	[tilespmem:$0xC180] =	vst v63  }
0xb9: {  	_ =	swait.ge [sflag:s20], $0x4000  }
0xba: {  	[sflag:s20] =	ssyncset.done $0x0  }
0xbb: {  	s0 =	rddreg [dreg:$0xe];
	[sflag:s20] =	ssyncadd.s32 $0xFFFFC000  }
0xbc: {  	[hbm4b:s0+s2] =	stream.linear.scatter [tilespmem:s10], [sflag:$0x5], $0x4000, $0x38;
	[tilespmem:$0xC180] =	vst v63  }
0xbd: {  	_ =	swait.ge [sflag:s9], $0x4000  }
0xbe: {  	[sflag:s9] =	ssyncset.done $0x0  }
0xbf: {  	s0 =	rddreg [dreg:$0xf];
	[sflag:s9] =	ssyncadd.s32 $0xFFFFC000  }
0xc0: {  	[tilespmem:s16], [sflag:$0x7] =	stream.linear.gather [hbm4b:s0+s2], $0x80, $0x38;
	[tilespmem:$0xC180] =	vst v63  }
0xc1: {  	_ =	swait.ge [sflag:s15], $0x80  }
0xc2: {  	[sflag:s15] =	ssyncset.done $0x0  }
0xc3: {  	[sflag:s15] =	ssyncadd.s32 $0xFFFFFF80  }
0xc4: {  	[tilespmem:s10], [sflag:$0x2] =	stream.indirect.gather [hbm4b:s3+s16], $0x80, s16, s16, $0xb8;
	[tilespmem:$0xC180] =	vst v63  }
0xc5: {  	_ =	swait.ge [sflag:s17], $0x4000  }
0xc6: {  	[sflag:s17] =	ssyncset.done $0x0  }
0xc7: {  	s0 =	rddreg [dreg:$0x10];
	[sflag:s17] =	ssyncadd.s32 $0xFFFFC000  }
0xc8: {  	[hbm4b:s0+s2] =	stream.linear.scatter [tilespmem:s7], [sflag:$0x6], $0x4000, $0x38;
	[tilespmem:$0xC180] =	vst v63  }
0xc9: {  	_ =	swait.ge [sflag:s8], $0x4000  }
0xca: {  	[sflag:s8] =	ssyncset.done $0x0  }
0xcb: {  	s0 =	rddreg [dreg:$0x11];
	[sflag:s8] =	ssyncadd.s32 $0xFFFFC000  }
0xcc: {  	[tilespmem:s19], [sflag:$0x7] =	stream.linear.gather [hbm4b:s0+s2], $0x80, $0x38;
	[tilespmem:$0xC180] =	vst v63  }
0xcd: {  	_ =	swait.ge [sflag:s15], $0x80  }
0xce: {  	[sflag:s15] =	ssyncset.done $0x0  }
0xcf: {  	[sflag:s15] =	ssyncadd.s32 $0xFFFFFF80  }
0xd0: {  	[tilespmem:s7], [sflag:$0x3] =	stream.indirect.gather [hbm4b:s3+s16], $0x80, s19, s16, $0xb8;
	[tilespmem:$0xC180] =	vst v63  }
0xd1: {  	_ =	swait.ge [sflag:s22], $0x4000  }
0xd2: {  	[sflag:s22] =	ssyncset.done $0x0  }
0xd3: {  	s0 =	rddreg [dreg:$0x12];
	[sflag:s22] =	ssyncadd.s32 $0xFFFFC000  }
0xd4: {  	[hbm4b:s0+s2] =	stream.linear.scatter [tilespmem:s14], [sflag:$0x4], $0x4000, $0x38;
	[tilespmem:$0xC180] =	vst v63  }
0xd5: {  	_ =	swait.ge [sflag:s11], $0x4000  }
0xd6: {  	[sflag:s11] =	ssyncset.done $0x0  }
0xd7: {  	s0 =	rddreg [dreg:$0x13];
	[sflag:s11] =	ssyncadd.s32 $0xFFFFC000  }
0xd8: {  	[tilespmem:s2], [sflag:$0x7] =	stream.linear.gather [hbm4b:s0+s2], $0x80, $0x38;
	[tilespmem:$0xC180] =	vst v63  }
0xd9: {  	_ =	swait.ge [sflag:s15], $0x80  }
0xda: {  	[sflag:s15] =	ssyncset.done $0x0  }
0xdb: {  	[sflag:s15] =	ssyncadd.s32 $0xFFFFFF80  }
0xdc: {  	[tilespmem:s14], [sflag:$0x1] =	stream.indirect.gather [hbm4b:s3+s16], $0x80, s2, s16, $0xb8;
	[tilespmem:$0xC180] =	vst v63  }
0xdd: {  	_ =	swait.ge [sflag:s20], $0x4000  }
0xde: {  	[sflag:s20] =	ssyncset.done $0x0  }
0xdf: {  	s0 =	rddreg [dreg:$0x14];
	[sflag:s20] =	ssyncadd.s32 $0xFFFFC000  }
0xe0: {  	[hbm4b:s0+s2] =	stream.linear.scatter [tilespmem:s10], [sflag:$0x5], $0x4000, $0x38;
	[tilespmem:$0xC180] =	vst v63  }
0xe1: {  	_ =	swait.ge [sflag:s9], $0x4000  }
0xe2: {  	[sflag:s9] =	ssyncset.done $0x0  }
0xe3: {  	s0 =	rddreg [dreg:$0x15];
	[sflag:s9] =	ssyncadd.s32 $0xFFFFC000  }
0xe4: {  	[tilespmem:s16], [sflag:$0x7] =	stream.linear.gather [hbm4b:s0+s2], $0x80, $0x38;
	[tilespmem:$0xC180] =	vst v63  }
0xe5: {  	_ =	swait.ge [sflag:s15], $0x80  }
0xe6: {  	[sflag:s15] =	ssyncset.done $0x0  }
0xe7: {  	[sflag:s15] =	ssyncadd.s32 $0xFFFFFF80  }
0xe8: {  	[tilespmem:s10], [sflag:$0x2] =	stream.indirect.gather [hbm4b:s3+s16], $0x80, s16, s16, $0xb8;
	[tilespmem:$0xC180] =	vst v63  }
0xe9: {  	_ =	swait.ge [sflag:s17], $0x4000  }
0xea: {  	[sflag:s17] =	ssyncset.done $0x0  }
0xeb: {  	s0 =	rddreg [dreg:$0x16];
	[sflag:s17] =	ssyncadd.s32 $0xFFFFC000  }
0xec: {  	[hbm4b:s0+s2] =	stream.linear.scatter [tilespmem:s7], [sflag:$0x6], $0x4000, $0x38;
	[tilespmem:$0xC180] =	vst v63  }
0xed: {  	_ =	swait.ge [sflag:s8], $0x4000  }
0xee: {  	[sflag:s8] =	ssyncset.done $0x0  }
0xef: {  	s0 =	rddreg [dreg:$0x17];
	[sflag:s8] =	ssyncadd.s32 $0xFFFFC000  }
0xf0: {  	[tilespmem:s19], [sflag:$0x7] =	stream.linear.gather [hbm4b:s0+s2], $0x80, $0x38;
	[tilespmem:$0xC180] =	vst v63  }
0xf1: {  	_ =	swait.ge [sflag:s15], $0x80  }
0xf2: {  	[sflag:s15] =	ssyncset.done $0x0  }
0xf3: {  	[sflag:s15] =	ssyncadd.s32 $0xFFFFFF80  }
0xf4: {  	[tilespmem:s7], [sflag:$0x3] =	stream.indirect.gather [hbm4b:s3+s16], $0x80, s19, s16, $0xb8;
	[tilespmem:$0xC180] =	vst v63  }
0xf5: {  	_ =	swait.ge [sflag:s22], $0x4000  }
0xf6: {  	[sflag:s22] =	ssyncset.done $0x0  }
0xf7: {  	s0 =	rddreg [dreg:$0x18];
	[sflag:s22] =	ssyncadd.s32 $0xFFFFC000  }
0xf8: {  	[hbm4b:s0+s2] =	stream.linear.scatter [tilespmem:s14], [sflag:$0x4], $0x4000, $0x38;
	[tilespmem:$0xC180] =	vst v63  }
0xf9: {  	_ =	swait.ge [sflag:s11], $0x4000  }
0xfa: {  	[sflag:s11] =	ssyncset.done $0x0  }
0xfb: {  	s0 =	rddreg [dreg:$0x19];
	[sflag:s11] =	ssyncadd.s32 $0xFFFFC000  }
0xfc: {  	[tilespmem:s2], [sflag:$0x7] =	stream.linear.gather [hbm4b:s0+s2], $0x80, $0x38;
	[tilespmem:$0xC180] =	vst v63  }
0xfd: {  	_ =	swait.ge [sflag:s15], $0x80  }
0xfe: {  	[sflag:s15] =	ssyncset.done $0x0  }
0xff: {  	[sflag:s15] =	ssyncadd.s32 $0xFFFFFF80  }
0x100: {  	[tilespmem:s14], [sflag:$0x1] =	stream.indirect.gather [hbm4b:s3+s16], $0x80, s2, s16, $0xb8;
	[tilespmem:$0xC180] =	vst v63  }
0x101: {  	_ =	swait.ge [sflag:s20], $0x4000  }
0x102: {  	[sflag:s20] =	ssyncset.done $0x0  }
0x103: {  	s0 =	rddreg [dreg:$0x1a];
	[sflag:s20] =	ssyncadd.s32 $0xFFFFC000  }
0x104: {  	[hbm4b:s0+s2] =	stream.linear.scatter [tilespmem:s10], [sflag:$0x5], $0x4000, $0x38;
	[tilespmem:$0xC180] =	vst v63  }
0x105: {  	_ =	swait.ge [sflag:s9], $0x4000  }
0x106: {  	[sflag:s9] =	ssyncset.done $0x0  }
0x107: {  	s0 =	rddreg [dreg:$0x1b];
	[sflag:s9] =	ssyncadd.s32 $0xFFFFC000  }
0x108: {  	[tilespmem:s16], [sflag:$0x7] =	stream.linear.gather [hbm4b:s0+s2], $0x80, $0x38;
	[tilespmem:$0xC180] =	vst v63  }
0x109: {  	_ =	swait.ge [sflag:s15], $0x80  }
0x10a: {  	[sflag:s15] =	ssyncset.done $0x0  }
0x10b: {  	[sflag:s15] =	ssyncadd.s32 $0xFFFFFF80  }
0x10c: {  	[tilespmem:s10], [sflag:$0x2] =	stream.indirect.gather [hbm4b:s3+s16], $0x80, s16, s16, $0xb8;
	[tilespmem:$0xC180] =	vst v63  }
0x10d: {  	_ =	swait.ge [sflag:s17], $0x4000  }
0x10e: {  	[sflag:s17] =	ssyncset.done $0x0  }
0x10f: {  	s0 =	rddreg [dreg:$0x1c];
	[sflag:s17] =	ssyncadd.s32 $0xFFFFC000  }
0x110: {  	[hbm4b:s0+s2] =	stream.linear.scatter [tilespmem:s7], [sflag:$0x6], $0x4000, $0x38;
	[tilespmem:$0xC180] =	vst v63  }
0x111: {  	_ =	swait.ge [sflag:s8], $0x4000  }
0x112: {  	[sflag:s8] =	ssyncset.done $0x0  }
0x113: {  	s0 =	rddreg [dreg:$0x1d];
	[sflag:s8] =	ssyncadd.s32 $0xFFFFC000  }
0x114: {  	[tilespmem:s19], [sflag:$0x7] =	stream.linear.gather [hbm4b:s0+s2], $0x80, $0x38;
	[tilespmem:$0xC180] =	vst v63  }
0x115: {  	_ =	swait.ge [sflag:s15], $0x80  }
0x116: {  	[sflag:s15] =	ssyncset.done $0x0  }
0x117: {  	[sflag:s15] =	ssyncadd.s32 $0xFFFFFF80  }
0x118: {  	[tilespmem:s7], [sflag:$0x3] =	stream.indirect.gather [hbm4b:s3+s16], $0x80, s19, s16, $0xb8;
	[tilespmem:$0xC180] =	vst v63  }
0x119: {  	_ =	swait.ge [sflag:s22], $0x4000  }
0x11a: {  	[sflag:s22] =	ssyncset.done $0x0  }
0x11b: {  	s0 =	rddreg [dreg:$0x1e];
	[sflag:s22] =	ssyncadd.s32 $0xFFFFC000  }
0x11c: {  	[hbm4b:s0+s2] =	stream.linear.scatter [tilespmem:s14], [sflag:$0x4], $0x4000, $0x38;
	[tilespmem:$0xC180] =	vst v63  }
0x11d: {  	_ =	swait.ge [sflag:s11], $0x4000  }
0x11e: {  	[sflag:s11] =	ssyncset.done $0x0  }
0x11f: {  	s0 =	rddreg [dreg:$0x1f];
	[sflag:s11] =	ssyncadd.s32 $0xFFFFC000  }
0x120: {  	[tilespmem:s2], [sflag:$0x7] =	stream.linear.gather [hbm4b:s0+s2], $0x80, $0x38;
	[tilespmem:$0xC180] =	vst v63  }
0x121: {  	_ =	swait.ge [sflag:s15], $0x80  }
0x122: {  	[sflag:s15] =	ssyncset.done $0x0  }
0x123: {  	[sflag:s15] =	ssyncadd.s32 $0xFFFFFF80  }
0x124: {  	[tilespmem:s14], [sflag:$0x1] =	stream.indirect.gather [hbm4b:s3+s16], $0x80, s2, s16, $0xb8;
	[tilespmem:$0xC180] =	vst v63  }
0x125: {  	_ =	swait.ge [sflag:s20], $0x4000  }
0x126: {  	s0 =	sld [smem:$0x7CA]  }
0x127: {  	[sflag:s20] =	ssyncset.done $0x0  }
0x128: {  	[sflag:s20] =	ssyncadd.s32 $0xFFFFC000  }
0x129: {  	[hbm4b:s0+s2] =	stream.linear.scatter [tilespmem:s10], [sflag:$0x5], $0x4000, $0x38;
	[tilespmem:$0xC180] =	vst v63  }
0x12a: {  	_ =	swait.ge [sflag:s9], $0x4000  }
0x12b: {  	s0 =	sld [smem:$0x7CB]  }
0x12c: {  	[sflag:s9] =	ssyncset.done $0x0  }
0x12d: {  	[sflag:s9] =	ssyncadd.s32 $0xFFFFC000  }
0x12e: {  	[tilespmem:s16], [sflag:$0x7] =	stream.linear.gather [hbm4b:s0+s2], $0x80, $0x38;
	[tilespmem:$0xC180] =	vst v63  }
0x12f: {  	_ =	swait.ge [sflag:s15], $0x80  }
0x130: {  	[sflag:s15] =	ssyncset.done $0x0  }
0x131: {  	[sflag:s15] =	ssyncadd.s32 $0xFFFFFF80  }
0x132: {  	[tilespmem:s10], [sflag:$0x2] =	stream.indirect.gather [hbm4b:s3+s16], $0x80, s16, s16, $0xb8;
	[tilespmem:$0xC180] =	vst v63  }
0x133: {  	_ =	swait.ge [sflag:s17], $0x4000  }
0x134: {  	s0 =	sld [smem:$0x7CC]  }
0x135: {  	[sflag:s17] =	ssyncset.done $0x0  }
0x136: {  	[sflag:s17] =	ssyncadd.s32 $0xFFFFC000  }
0x137: {  	[hbm4b:s0+s2] =	stream.linear.scatter [tilespmem:s7], [sflag:$0x6], $0x4000, $0x38;
	[tilespmem:$0xC180] =	vst v63  }
0x138: {  	_ =	swait.ge [sflag:s8], $0x4000  }
0x139: {  	s0 =	sld [smem:$0x7CD]  }
0x13a: {  	[sflag:s8] =	ssyncset.done $0x0  }
0x13b: {  	[sflag:s8] =	ssyncadd.s32 $0xFFFFC000  }
0x13c: {  	[tilespmem:s19], [sflag:$0x7] =	stream.linear.gather [hbm4b:s0+s2], $0x80, $0x38;
	[tilespmem:$0xC180] =	vst v63  }
0x13d: {  	_ =	swait.ge [sflag:s15], $0x80  }
0x13e: {  	[sflag:s15] =	ssyncset.done $0x0  }
0x13f: {  	[sflag:s15] =	ssyncadd.s32 $0xFFFFFF80  }
0x140: {  	[tilespmem:s7], [sflag:$0x3] =	stream.indirect.gather [hbm4b:s3+s16], $0x80, s19, s16, $0xb8;
	[tilespmem:$0xC180] =	vst v63  }
0x141: {  	_ =	swait.ge [sflag:s22], $0x4000  }
0x142: {  	s0 =	sld [smem:$0x7CE]  }
0x143: {  	[sflag:s22] =	ssyncset.done $0x0  }
0x144: {  	[sflag:s22] =	ssyncadd.s32 $0xFFFFC000  }
0x145: {  	[hbm4b:s0+s2] =	stream.linear.scatter [tilespmem:s14], [sflag:$0x4], $0x4000, $0x38;
	[tilespmem:$0xC180] =	vst v63  }
0x146: {  	_ =	swait.ge [sflag:s11], $0x4000  }
0x147: {  	s0 =	sld [smem:$0x7CF]  }
0x148: {  	[sflag:s11] =	ssyncset.done $0x0  }
0x149: {  	[sflag:s11] =	ssyncadd.s32 $0xFFFFC000  }
0x14a: {  	[tilespmem:s2], [sflag:$0x7] =	stream.linear.gather [hbm4b:s0+s2], $0x80, $0x38;
	[tilespmem:$0xC180] =	vst v63  }
0x14b: {  	_ =	swait.ge [sflag:s15], $0x80  }
0x14c: {  	[sflag:s15] =	ssyncset.done $0x0  }
0x14d: {  	[sflag:s15] =	ssyncadd.s32 $0xFFFFFF80  }
0x14e: {  	[tilespmem:s14], [sflag:$0x1] =	stream.indirect.gather [hbm4b:s3+s16], $0x80, s2, s16, $0xb8;
	[tilespmem:$0xC180] =	vst v63  }
0x14f: {  	_ =	swait.ge [sflag:s20], $0x4000  }
0x150: {  	s0 =	sld [smem:$0x7D0]  }
0x151: {  	[sflag:s20] =	ssyncset.done $0x0  }
0x152: {  	[sflag:s20] =	ssyncadd.s32 $0xFFFFC000  }
0x153: {  	[hbm4b:s0+s2] =	stream.linear.scatter [tilespmem:s10], [sflag:$0x5], $0x4000, $0x38;
	[tilespmem:$0xC180] =	vst v63  }
0x154: {  	_ =	swait.ge [sflag:s9], $0x4000  }
0x155: {  	s0 =	sld [smem:$0x7D1]  }
0x156: {  	[sflag:s9] =	ssyncset.done $0x0  }
0x157: {  	[sflag:s9] =	ssyncadd.s32 $0xFFFFC000  }
0x158: {  	[tilespmem:s16], [sflag:$0x7] =	stream.linear.gather [hbm4b:s0+s2], $0x80, $0x38;
	[tilespmem:$0xC180] =	vst v63  }
0x159: {  	_ =	swait.ge [sflag:s15], $0x80  }
0x15a: {  	[sflag:s15] =	ssyncset.done $0x0  }
0x15b: {  	[sflag:s15] =	ssyncadd.s32 $0xFFFFFF80  }
0x15c: {  	[tilespmem:s10], [sflag:$0x2] =	stream.indirect.gather [hbm4b:s3+s16], $0x80, s16, s16, $0xb8;
	[tilespmem:$0xC180] =	vst v63  }
0x15d: {  	_ =	swait.ge [sflag:s17], $0x4000  }
0x15e: {  	s0 =	sld [smem:$0x7D2]  }
0x15f: {  	[sflag:s17] =	ssyncset.done $0x0  }
0x160: {  	[sflag:s17] =	ssyncadd.s32 $0xFFFFC000  }
0x161: {  	[hbm4b:s0+s2] =	stream.linear.scatter [tilespmem:s7], [sflag:$0x6], $0x4000, $0x38;
	[tilespmem:$0xC180] =	vst v63  }
0x162: {  	_ =	swait.ge [sflag:s8], $0x4000  }
0x163: {  	s0 =	sld [smem:$0x7D3]  }
0x164: {  	[sflag:s8] =	ssyncset.done $0x0  }
0x165: {  	[sflag:s8] =	ssyncadd.s32 $0xFFFFC000  }
0x166: {  	[tilespmem:s19], [sflag:$0x7] =	stream.linear.gather [hbm4b:s0+s2], $0x80, $0x38;
	[tilespmem:$0xC180] =	vst v63  }
0x167: {  	_ =	swait.ge [sflag:s15], $0x80  }
0x168: {  	[sflag:s15] =	ssyncset.done $0x0  }
0x169: {  	[sflag:s15] =	ssyncadd.s32 $0xFFFFFF80  }
0x16a: {  	[tilespmem:s7], [sflag:$0x3] =	stream.indirect.gather [hbm4b:s3+s16], $0x80, s19, s16, $0xb8;
	[tilespmem:$0xC180] =	vst v63  }
0x16b: {  	_ =	swait.ge [sflag:s22], $0x4000  }
0x16c: {  	s0 =	sld [smem:$0x7D4]  }
0x16d: {  	[sflag:s22] =	ssyncset.done $0x0  }
0x16e: {  	[sflag:s22] =	ssyncadd.s32 $0xFFFFC000  }
0x16f: {  	[hbm4b:s0+s2] =	stream.linear.scatter [tilespmem:s14], [sflag:$0x4], $0x4000, $0x38;
	[tilespmem:$0xC180] =	vst v63  }
0x170: {  	_ =	swait.ge [sflag:s11], $0x4000  }
0x171: {  	s0 =	sld [smem:$0x7D5]  }
0x172: {  	[sflag:s11] =	ssyncset.done $0x0  }
0x173: {  	[sflag:s11] =	ssyncadd.s32 $0xFFFFC000  }
0x174: {  	[tilespmem:s2], [sflag:$0x7] =	stream.linear.gather [hbm4b:s0+s2], $0x80, $0x38;
	[tilespmem:$0xC180] =	vst v63  }
0x175: {  	_ =	swait.ge [sflag:s15], $0x80  }
0x176: {  	[sflag:s15] =	ssyncset.done $0x0  }
0x177: {  	[sflag:s15] =	ssyncadd.s32 $0xFFFFFF80  }
0x178: {  	[tilespmem:s14], [sflag:$0x1] =	stream.indirect.gather [hbm4b:s3+s16], $0x80, s2, s16, $0xb8;
	[tilespmem:$0xC180] =	vst v63  }
0x179: {  	_ =	swait.ge [sflag:s20], $0x4000  }
0x17a: {  	s0 =	sld [smem:$0x7D6]  }
0x17b: {  	[sflag:s20] =	ssyncset.done $0x0  }
0x17c: {  	[sflag:s20] =	ssyncadd.s32 $0xFFFFC000  }
0x17d: {  	[hbm4b:s0+s2] =	stream.linear.scatter [tilespmem:s10], [sflag:$0x5], $0x4000, $0x38;
	[tilespmem:$0xC180] =	vst v63  }
0x17e: {  	_ =	swait.ge [sflag:s9], $0x4000  }
0x17f: {  	s0 =	sld [smem:$0x7D7]  }
0x180: {  	[sflag:s9] =	ssyncset.done $0x0  }
0x181: {  	[sflag:s9] =	ssyncadd.s32 $0xFFFFC000  }
0x182: {  	[tilespmem:s16], [sflag:$0x7] =	stream.linear.gather [hbm4b:s0+s2], $0x80, $0x38;
	[tilespmem:$0xC180] =	vst v63  }
0x183: {  	_ =	swait.ge [sflag:s15], $0x80  }
0x184: {  	[sflag:s15] =	ssyncset.done $0x0  }
0x185: {  	[sflag:s15] =	ssyncadd.s32 $0xFFFFFF80  }
0x186: {  	[tilespmem:s10], [sflag:$0x2] =	stream.indirect.gather [hbm4b:s3+s16], $0x80, s16, s16, $0xb8;
	[tilespmem:$0xC180] =	vst v63  }
0x187: {  	_ =	swait.ge [sflag:s17], $0x4000  }
0x188: {  	s0 =	sld [smem:$0x7D8]  }
0x189: {  	[sflag:s17] =	ssyncset.done $0x0  }
0x18a: {  	[sflag:s17] =	ssyncadd.s32 $0xFFFFC000  }
0x18b: {  	[hbm4b:s0+s2] =	stream.linear.scatter [tilespmem:s7], [sflag:$0x6], $0x4000, $0x38;
	[tilespmem:$0xC180] =	vst v63  }
0x18c: {  	_ =	swait.ge [sflag:s8], $0x4000  }
0x18d: {  	s0 =	sld [smem:$0x7D9]  }
0x18e: {  	[sflag:s8] =	ssyncset.done $0x0  }
0x18f: {  	[sflag:s8] =	ssyncadd.s32 $0xFFFFC000  }
0x190: {  	[tilespmem:s19], [sflag:$0x7] =	stream.linear.gather [hbm4b:s0+s2], $0x80, $0x38;
	[tilespmem:$0xC180] =	vst v63  }
0x191: {  	_ =	swait.ge [sflag:s15], $0x80  }
0x192: {  	[sflag:s15] =	ssyncset.done $0x0  }
0x193: {  	[sflag:s15] =	ssyncadd.s32 $0xFFFFFF80  }
0x194: {  	[tilespmem:s7], [sflag:$0x3] =	stream.indirect.gather [hbm4b:s3+s16], $0x80, s19, s16, $0xb8;
	[tilespmem:$0xC180] =	vst v63  }
0x195: {  	_ =	swait.ge [sflag:s22], $0x4000  }
0x196: {  	s0 =	sld [smem:$0x7DA]  }
0x197: {  	[sflag:s22] =	ssyncset.done $0x0  }
0x198: {  	[sflag:s22] =	ssyncadd.s32 $0xFFFFC000  }
0x199: {  	[hbm4b:s0+s2] =	stream.linear.scatter [tilespmem:s14], [sflag:$0x4], $0x4000, $0x38;
	[tilespmem:$0xC180] =	vst v63  }
0x19a: {  	_ =	swait.ge [sflag:s11], $0x4000  }
0x19b: {  	s0 =	sld [smem:$0x7DB]  }
0x19c: {  	[sflag:s11] =	ssyncset.done $0x0  }
0x19d: {  	[sflag:s11] =	ssyncadd.s32 $0xFFFFC000  }
0x19e: {  	[tilespmem:s2], [sflag:$0x7] =	stream.linear.gather [hbm4b:s0+s2], $0x80, $0x38;
	[tilespmem:$0xC180] =	vst v63  }
0x19f: {  	_ =	swait.ge [sflag:s15], $0x80  }
0x1a0: {  	[sflag:s15] =	ssyncset.done $0x0  }
0x1a1: {  	[sflag:s15] =	ssyncadd.s32 $0xFFFFFF80  }
0x1a2: {  	[tilespmem:s14], [sflag:$0x1] =	stream.indirect.gather [hbm4b:s3+s16], $0x80, s2, s16, $0xb8;
	[tilespmem:$0xC180] =	vst v63  }
0x1a3: {  	_ =	swait.ge [sflag:s20], $0x4000  }
0x1a4: {  	s0 =	sld [smem:$0x7DC]  }
0x1a5: {  	[sflag:s20] =	ssyncset.done $0x0  }
0x1a6: {  	[sflag:s20] =	ssyncadd.s32 $0xFFFFC000  }
0x1a7: {  	[hbm4b:s0+s2] =	stream.linear.scatter [tilespmem:s10], [sflag:$0x5], $0x4000, $0x38;
	[tilespmem:$0xC180] =	vst v63  }
0x1a8: {  	_ =	swait.ge [sflag:s9], $0x4000  }
0x1a9: {  	s0 =	sld [smem:$0x7DD]  }
0x1aa: {  	[sflag:s9] =	ssyncset.done $0x0  }
0x1ab: {  	[sflag:s9] =	ssyncadd.s32 $0xFFFFC000  }
0x1ac: {  	[tilespmem:s16], [sflag:$0x7] =	stream.linear.gather [hbm4b:s0+s2], $0x80, $0x38;
	[tilespmem:$0xC180] =	vst v63  }
0x1ad: {  	_ =	swait.ge [sflag:s15], $0x80  }
0x1ae: {  	[sflag:s15] =	ssyncset.done $0x0  }
0x1af: {  	[sflag:s15] =	ssyncadd.s32 $0xFFFFFF80  }
0x1b0: {  	[tilespmem:s10], [sflag:$0x2] =	stream.indirect.gather [hbm4b:s3+s16], $0x80, s16, s16, $0xb8;
	[tilespmem:$0xC180] =	vst v63  }
0x1b1: {  	_ =	swait.ge [sflag:s17], $0x4000  }
0x1b2: {  	s0 =	sld [smem:$0x7DE]  }
0x1b3: {  	[sflag:s17] =	ssyncset.done $0x0  }
0x1b4: {  	[sflag:s17] =	ssyncadd.s32 $0xFFFFC000  }
0x1b5: {  	[hbm4b:s0+s2] =	stream.linear.scatter [tilespmem:s7], [sflag:$0x6], $0x4000, $0x38;
	[tilespmem:$0xC180] =	vst v63  }
0x1b6: {  	_ =	swait.ge [sflag:s8], $0x4000  }
0x1b7: {  	s0 =	sld [smem:$0x7DF]  }
0x1b8: {  	[sflag:s8] =	ssyncset.done $0x0  }
0x1b9: {  	[sflag:s8] =	ssyncadd.s32 $0xFFFFC000  }
0x1ba: {  	[tilespmem:s19], [sflag:$0x7] =	stream.linear.gather [hbm4b:s0+s2], $0x80, $0x38;
	[tilespmem:$0xC180] =	vst v63  }
0x1bb: {  	_ =	swait.ge [sflag:s15], $0x80  }
0x1bc: {  	[sflag:s15] =	ssyncset.done $0x0  }
0x1bd: {  	[sflag:s15] =	ssyncadd.s32 $0xFFFFFF80  }
0x1be: {  	[tilespmem:s7], [sflag:$0x3] =	stream.indirect.gather [hbm4b:s3+s16], $0x80, s19, s16, $0xb8;
	[tilespmem:$0xC180] =	vst v63  }
0x1bf: {  	_ =	swait.ge [sflag:s22], $0x4000  }
0x1c0: {  	s0 =	sld [smem:$0x7E0]  }
0x1c1: {  	[sflag:s22] =	ssyncset.done $0x0  }
0x1c2: {  	[sflag:s22] =	ssyncadd.s32 $0xFFFFC000  }
0x1c3: {  	[hbm4b:s0+s2] =	stream.linear.scatter [tilespmem:s14], [sflag:$0x4], $0x4000, $0x38;
	[tilespmem:$0xC180] =	vst v63  }
0x1c4: {  	_ =	swait.ge [sflag:s11], $0x4000  }
0x1c5: {  	s0 =	sld [smem:$0x7E1]  }
0x1c6: {  	[sflag:s11] =	ssyncset.done $0x0  }
0x1c7: {  	[sflag:s11] =	ssyncadd.s32 $0xFFFFC000  }
0x1c8: {  	[tilespmem:s2], [sflag:$0x7] =	stream.linear.gather [hbm4b:s0+s2], $0x80, $0x38;
	[tilespmem:$0xC180] =	vst v63  }
0x1c9: {  	_ =	swait.ge [sflag:s15], $0x80  }
0x1ca: {  	[sflag:s15] =	ssyncset.done $0x0  }
0x1cb: {  	[sflag:s15] =	ssyncadd.s32 $0xFFFFFF80  }
0x1cc: {  	[tilespmem:s14], [sflag:$0x1] =	stream.indirect.gather [hbm4b:s3+s16], $0x80, s2, s16, $0xb8;
	[tilespmem:$0xC180] =	vst v63  }
0x1cd: {  	_ =	swait.ge [sflag:s20], $0x4000  }
0x1ce: {  	s0 =	sld [smem:$0x7E2]  }
0x1cf: {  	[sflag:s20] =	ssyncset.done $0x0  }
0x1d0: {  	[sflag:s20] =	ssyncadd.s32 $0xFFFFC000  }
0x1d1: {  	[hbm4b:s0+s2] =	stream.linear.scatter [tilespmem:s10], [sflag:$0x5], $0x4000, $0x38;
	[tilespmem:$0xC180] =	vst v63  }
0x1d2: {  	_ =	swait.ge [sflag:s9], $0x4000  }
0x1d3: {  	s0 =	sld [smem:$0x7E3]  }
0x1d4: {  	[sflag:s9] =	ssyncset.done $0x0  }
0x1d5: {  	[sflag:s9] =	ssyncadd.s32 $0xFFFFC000  }
0x1d6: {  	[tilespmem:s16], [sflag:$0x7] =	stream.linear.gather [hbm4b:s0+s2], $0x80, $0x38;
	[tilespmem:$0xC180] =	vst v63  }
0x1d7: {  	_ =	swait.ge [sflag:s15], $0x80  }
0x1d8: {  	[sflag:s15] =	ssyncset.done $0x0  }
0x1d9: {  	[sflag:s15] =	ssyncadd.s32 $0xFFFFFF80  }
0x1da: {  	[tilespmem:s10], [sflag:$0x2] =	stream.indirect.gather [hbm4b:s3+s16], $0x80, s16, s16, $0xb8;
	[tilespmem:$0xC180] =	vst v63  }
0x1db: {  	_ =	swait.ge [sflag:s17], $0x4000  }
0x1dc: {  	s0 =	sld [smem:$0x7E4]  }
0x1dd: {  	[sflag:s17] =	ssyncset.done $0x0  }
0x1de: {  	[sflag:s17] =	ssyncadd.s32 $0xFFFFC000  }
0x1df: {  	[hbm4b:s0+s2] =	stream.linear.scatter [tilespmem:s7], [sflag:$0x6], $0x4000, $0x38;
	[tilespmem:$0xC180] =	vst v63  }
0x1e0: {  	_ =	swait.ge [sflag:s8], $0x4000  }
0x1e1: {  	s0 =	sld [smem:$0x7E5]  }
0x1e2: {  	[sflag:s8] =	ssyncset.done $0x0  }
0x1e3: {  	[sflag:s8] =	ssyncadd.s32 $0xFFFFC000  }
0x1e4: {  	[tilespmem:s19], [sflag:$0x7] =	stream.linear.gather [hbm4b:s0+s2], $0x80, $0x38;
	[tilespmem:$0xC180] =	vst v63  }
0x1e5: {  	_ =	swait.ge [sflag:s15], $0x80  }
0x1e6: {  	[sflag:s15] =	ssyncset.done $0x0  }
0x1e7: {  	[sflag:s15] =	ssyncadd.s32 $0xFFFFFF80  }
0x1e8: {  	[tilespmem:s7], [sflag:$0x3] =	stream.indirect.gather [hbm4b:s3+s16], $0x80, s19, s16, $0xb8;
	[tilespmem:$0xC180] =	vst v63  }
0x1e9: {  	_ =	swait.ge [sflag:s22], $0x4000  }
0x1ea: {  	s0 =	sld [smem:$0x7E6]  }
0x1eb: {  	[sflag:s22] =	ssyncset.done $0x0  }
0x1ec: {  	[sflag:s22] =	ssyncadd.s32 $0xFFFFC000  }
0x1ed: {  	[hbm4b:s0+s2] =	stream.linear.scatter [tilespmem:s14], [sflag:$0x4], $0x4000, $0x38;
	[tilespmem:$0xC180] =	vst v63  }
0x1ee: {  	_ =	swait.ge [sflag:s11], $0x4000  }
0x1ef: {  	s0 =	sld [smem:$0x7E7]  }
0x1f0: {  	[sflag:s11] =	ssyncset.done $0x0  }
0x1f1: {  	[sflag:s11] =	ssyncadd.s32 $0xFFFFC000  }
0x1f2: {  	[tilespmem:s2], [sflag:$0x7] =	stream.linear.gather [hbm4b:s0+s2], $0x80, $0x38;
	[tilespmem:$0xC180] =	vst v63  }
0x1f3: {  	_ =	swait.ge [sflag:s15], $0x80  }
0x1f4: {  	[sflag:s15] =	ssyncset.done $0x0  }
0x1f5: {  	[sflag:s15] =	ssyncadd.s32 $0xFFFFFF80  }
0x1f6: {  	[tilespmem:s14], [sflag:$0x1] =	stream.indirect.gather [hbm4b:s3+s16], $0x80, s2, s16, $0xb8;
	[tilespmem:$0xC180] =	vst v63  }
0x1f7: {  	_ =	swait.ge [sflag:s20], $0x4000  }
0x1f8: {  	s0 =	sld [smem:$0x7E8]  }
0x1f9: {  	[sflag:s20] =	ssyncset.done $0x0  }
0x1fa: {  	[sflag:s20] =	ssyncadd.s32 $0xFFFFC000  }
0x1fb: {  	[hbm4b:s0+s2] =	stream.linear.scatter [tilespmem:s10], [sflag:$0x5], $0x4000, $0x38;
	[tilespmem:$0xC180] =	vst v63  }
0x1fc: {  	_ =	swait.ge [sflag:s9], $0x4000  }
0x1fd: {  	s0 =	sld [smem:$0x7E9]  }
0x1fe: {  	[sflag:s9] =	ssyncset.done $0x0  }
0x1ff: {  	[sflag:s9] =	ssyncadd.s32 $0xFFFFC000  }
0x200: {  	[tilespmem:s16], [sflag:$0x7] =	stream.linear.gather [hbm4b:s0+s2], $0x80, $0x38;
	[tilespmem:$0xC180] =	vst v63  }
0x201: {  	_ =	swait.ge [sflag:s15], $0x80  }
0x202: {  	[sflag:s15] =	ssyncset.done $0x0  }
0x203: {  	[sflag:s15] =	ssyncadd.s32 $0xFFFFFF80  }
0x204: {  	[tilespmem:s10], [sflag:$0x2] =	stream.indirect.gather [hbm4b:s3+s16], $0x80, s16, s16, $0xb8;
	[tilespmem:$0xC180] =	vst v63  }
0x205: {  	_ =	swait.ge [sflag:s17], $0x4000  }
0x206: {  	s0 =	sld [smem:$0x7EA]  }
0x207: {  	[sflag:s17] =	ssyncset.done $0x0  }
0x208: {  	[sflag:s17] =	ssyncadd.s32 $0xFFFFC000  }
0x209: {  	[hbm4b:s0+s2] =	stream.linear.scatter [tilespmem:s7], [sflag:$0x6], $0x4000, $0x38;
	[tilespmem:$0xC180] =	vst v63  }
0x20a: {  	_ =	swait.ge [sflag:s8], $0x4000  }
0x20b: {  	s0 =	sld [smem:$0x7EB]  }
0x20c: {  	[sflag:s8] =	ssyncset.done $0x0  }
0x20d: {  	[sflag:s8] =	ssyncadd.s32 $0xFFFFC000  }
0x20e: {  	[tilespmem:s19], [sflag:$0x7] =	stream.linear.gather [hbm4b:s0+s2], $0x80, $0x38;
	[tilespmem:$0xC180] =	vst v63  }
0x20f: {  	_ =	swait.ge [sflag:s15], $0x80  }
0x210: {  	[sflag:s15] =	ssyncset.done $0x0  }
0x211: {  	[sflag:s15] =	ssyncadd.s32 $0xFFFFFF80  }
0x212: {  	[tilespmem:s7], [sflag:$0x3] =	stream.indirect.gather [hbm4b:s3+s16], $0x80, s19, s16, $0xb8;
	[tilespmem:$0xC180] =	vst v63  }
0x213: {  	_ =	swait.ge [sflag:s22], $0x4000  }
0x214: {  	s0 =	sld [smem:$0x7EC]  }
0x215: {  	[sflag:s22] =	ssyncset.done $0x0  }
0x216: {  	[sflag:s22] =	ssyncadd.s32 $0xFFFFC000  }
0x217: {  	[hbm4b:s0+s2] =	stream.linear.scatter [tilespmem:s14], [sflag:$0x4], $0x4000, $0x38;
	[tilespmem:$0xC180] =	vst v63  }
0x218: {  	_ =	swait.ge [sflag:s11], $0x4000  }
0x219: {  	s0 =	sld [smem:$0x7ED]  }
0x21a: {  	[sflag:s11] =	ssyncset.done $0x0  }
0x21b: {  	[sflag:s11] =	ssyncadd.s32 $0xFFFFC000  }
0x21c: {  	[tilespmem:s2], [sflag:$0x7] =	stream.linear.gather [hbm4b:s0+s2], $0x80, $0x38;
	[tilespmem:$0xC180] =	vst v63  }
0x21d: {  	_ =	swait.ge [sflag:s15], $0x80  }
0x21e: {  	[sflag:s15] =	ssyncset.done $0x0  }
0x21f: {  	[sflag:s15] =	ssyncadd.s32 $0xFFFFFF80  }
0x220: {  	[tilespmem:s14], [sflag:$0x1] =	stream.indirect.gather [hbm4b:s3+s16], $0x80, s2, s16, $0xb8;
	[tilespmem:$0xC180] =	vst v63  }
0x221: {  	_ =	swait.ge [sflag:s20], $0x4000  }
0x222: {  	s0 =	sld [smem:$0x7EE]  }
0x223: {  	[sflag:s20] =	ssyncset.done $0x0  }
0x224: {  	[sflag:s20] =	ssyncadd.s32 $0xFFFFC000  }
0x225: {  	[hbm4b:s0+s2] =	stream.linear.scatter [tilespmem:s10], [sflag:$0x5], $0x4000, $0x38;
	[tilespmem:$0xC180] =	vst v63  }
0x226: {  	_ =	swait.ge [sflag:s9], $0x4000  }
0x227: {  	s0 =	sld [smem:$0x7EF]  }
0x228: {  	[sflag:s9] =	ssyncset.done $0x0  }
0x229: {  	[sflag:s9] =	ssyncadd.s32 $0xFFFFC000  }
0x22a: {  	[tilespmem:s16], [sflag:$0x7] =	stream.linear.gather [hbm4b:s0+s2], $0x80, $0x38;
	[tilespmem:$0xC180] =	vst v63  }
0x22b: {  	_ =	swait.ge [sflag:s15], $0x80  }
0x22c: {  	[sflag:s15] =	ssyncset.done $0x0  }
0x22d: {  	[sflag:s15] =	ssyncadd.s32 $0xFFFFFF80  }
0x22e: {  	[tilespmem:s10], [sflag:$0x2] =	stream.indirect.gather [hbm4b:s3+s16], $0x80, s16, s16, $0xb8;
	[tilespmem:$0xC180] =	vst v63  }
0x22f: {  	_ =	swait.ge [sflag:s17], $0x4000  }
0x230: {  	s0 =	sld [smem:$0x7F0]  }
0x231: {  	[sflag:s17] =	ssyncset.done $0x0  }
0x232: {  	[sflag:s17] =	ssyncadd.s32 $0xFFFFC000  }
0x233: {  	[hbm4b:s0+s2] =	stream.linear.scatter [tilespmem:s7], [sflag:$0x6], $0x4000, $0x38;
	[tilespmem:$0xC180] =	vst v63  }
0x234: {  	_ =	swait.ge [sflag:s8], $0x4000  }
0x235: {  	s0 =	sld [smem:$0x7F1]  }
0x236: {  	[sflag:s8] =	ssyncset.done $0x0  }
0x237: {  	[sflag:s8] =	ssyncadd.s32 $0xFFFFC000  }
0x238: {  	[tilespmem:s19], [sflag:$0x7] =	stream.linear.gather [hbm4b:s0+s2], $0x80, $0x38;
	[tilespmem:$0xC180] =	vst v63  }
0x239: {  	_ =	swait.ge [sflag:s15], $0x80  }
0x23a: {  	[sflag:s15] =	ssyncset.done $0x0  }
0x23b: {  	[sflag:s15] =	ssyncadd.s32 $0xFFFFFF80  }
0x23c: {  	[tilespmem:s7], [sflag:$0x3] =	stream.indirect.gather [hbm4b:s3+s16], $0x80, s19, s16, $0xb8;
	[tilespmem:$0xC180] =	vst v63  }
0x23d: {  	_ =	swait.ge [sflag:s22], $0x4000  }
0x23e: {  	s0 =	sld [smem:$0x7F2]  }
0x23f: {  	[sflag:s22] =	ssyncset.done $0x0  }
0x240: {  	[sflag:s22] =	ssyncadd.s32 $0xFFFFC000  }
0x241: {  	[hbm4b:s0+s2] =	stream.linear.scatter [tilespmem:s14], [sflag:$0x4], $0x4000, $0x38;
	[tilespmem:$0xC180] =	vst v63  }
0x242: {  	_ =	swait.ge [sflag:s11], $0x4000  }
0x243: {  	s0 =	sld [smem:$0x7F3]  }
0x244: {  	[sflag:s11] =	ssyncset.done $0x0  }
0x245: {  	[sflag:s11] =	ssyncadd.s32 $0xFFFFC000  }
0x246: {  	[tilespmem:s2], [sflag:$0x7] =	stream.linear.gather [hbm4b:s0+s2], $0x80, $0x38;
	[tilespmem:$0xC180] =	vst v63  }
0x247: {  	_ =	swait.ge [sflag:s15], $0x80  }
0x248: {  	[sflag:s15] =	ssyncset.done $0x0  }
0x249: {  	[sflag:s15] =	ssyncadd.s32 $0xFFFFFF80  }
0x24a: {  	[tilespmem:s14], [sflag:$0x1] =	stream.indirect.gather [hbm4b:s3+s16], $0x80, s2, s16, $0xb8;
	[tilespmem:$0xC180] =	vst v63  }
0x24b: {  	_ =	swait.ge [sflag:s20], $0x4000  }
0x24c: {  	s0 =	sld [smem:$0x7F4]  }
0x24d: {  	[sflag:s20] =	ssyncset.done $0x0  }
0x24e: {  	[sflag:s20] =	ssyncadd.s32 $0xFFFFC000  }
0x24f: {  	[hbm4b:s0+s2] =	stream.linear.scatter [tilespmem:s10], [sflag:$0x5], $0x4000, $0x38;
	[tilespmem:$0xC180] =	vst v63  }
0x250: {  	_ =	swait.ge [sflag:s9], $0x4000  }
0x251: {  	s0 =	sld [smem:$0x7F5]  }
0x252: {  	[sflag:s9] =	ssyncset.done $0x0  }
0x253: {  	[sflag:s9] =	ssyncadd.s32 $0xFFFFC000  }
0x254: {  	[tilespmem:s16], [sflag:$0x7] =	stream.linear.gather [hbm4b:s0+s2], $0x80, $0x38;
	[tilespmem:$0xC180] =	vst v63  }
0x255: {  	_ =	swait.ge [sflag:s15], $0x80  }
0x256: {  	[sflag:s15] =	ssyncset.done $0x0  }
0x257: {  	[sflag:s15] =	ssyncadd.s32 $0xFFFFFF80  }
0x258: {  	[tilespmem:s10], [sflag:$0x2] =	stream.indirect.gather [hbm4b:s3+s16], $0x80, s16, s16, $0xb8;
	[tilespmem:$0xC180] =	vst v63  }
0x259: {  	_ =	swait.ge [sflag:s17], $0x4000  }
0x25a: {  	s0 =	sld [smem:$0x7F6]  }
0x25b: {  	[sflag:s17] =	ssyncset.done $0x0  }
0x25c: {  	[sflag:s17] =	ssyncadd.s32 $0xFFFFC000  }
0x25d: {  	[hbm4b:s0+s2] =	stream.linear.scatter [tilespmem:s7], [sflag:$0x6], $0x4000, $0x38;
	[tilespmem:$0xC180] =	vst v63  }
0x25e: {  	_ =	swait.ge [sflag:s8], $0x4000  }
0x25f: {  	s0 =	sld [smem:$0x7F7]  }
0x260: {  	[sflag:s8] =	ssyncset.done $0x0  }
0x261: {  	[sflag:s8] =	ssyncadd.s32 $0xFFFFC000  }
0x262: {  	[tilespmem:s19], [sflag:$0x7] =	stream.linear.gather [hbm4b:s0+s2], $0x80, $0x38;
	[tilespmem:$0xC180] =	vst v63  }
0x263: {  	_ =	swait.ge [sflag:s15], $0x80  }
0x264: {  	[sflag:s15] =	ssyncset.done $0x0  }
0x265: {  	[sflag:s15] =	ssyncadd.s32 $0xFFFFFF80  }
0x266: {  	[tilespmem:s7], [sflag:$0x3] =	stream.indirect.gather [hbm4b:s3+s16], $0x80, s19, s16, $0xb8;
	[tilespmem:$0xC180] =	vst v63  }
0x267: {  	_ =	swait.ge [sflag:s22], $0x4000  }
0x268: {  	s0 =	sld [smem:$0x7F8]  }
0x269: {  	[sflag:s22] =	ssyncset.done $0x0  }
0x26a: {  	[sflag:s22] =	ssyncadd.s32 $0xFFFFC000  }
0x26b: {  	[hbm4b:s0+s2] =	stream.linear.scatter [tilespmem:s14], [sflag:$0x4], $0x4000, $0x38;
	[tilespmem:$0xC180] =	vst v63  }
0x26c: {  	_ =	swait.ge [sflag:s11], $0x4000  }
0x26d: {  	s0 =	sld [smem:$0x7F9]  }
0x26e: {  	[sflag:s11] =	ssyncset.done $0x0  }
0x26f: {  	[sflag:s11] =	ssyncadd.s32 $0xFFFFC000  }
0x270: {  	[tilespmem:s2], [sflag:$0x7] =	stream.linear.gather [hbm4b:s0+s2], $0x80, $0x38;
	[tilespmem:$0xC180] =	vst v63  }
0x271: {  	_ =	swait.ge [sflag:s15], $0x80  }
0x272: {  	[sflag:s15] =	ssyncset.done $0x0  }
0x273: {  	[sflag:s15] =	ssyncadd.s32 $0xFFFFFF80  }
0x274: {  	[tilespmem:s14], [sflag:$0x1] =	stream.indirect.gather [hbm4b:s3+s16], $0x80, s2, s16, $0xb8;
	[tilespmem:$0xC180] =	vst v63  }
0x275: {  	_ =	swait.ge [sflag:s20], $0x4000  }
0x276: {  	s0 =	sld [smem:$0x7FA]  }
0x277: {  	[sflag:s20] =	ssyncset.done $0x0  }
0x278: {  	[sflag:s20] =	ssyncadd.s32 $0xFFFFC000  }
0x279: {  	[hbm4b:s0+s2] =	stream.linear.scatter [tilespmem:s10], [sflag:$0x5], $0x4000, $0x38;
	[tilespmem:$0xC180] =	vst v63  }
0x27a: {  	_ =	swait.ge [sflag:s9], $0x4000  }
0x27b: {  	s0 =	sld [smem:$0x7FB]  }
0x27c: {  	[sflag:s9] =	ssyncset.done $0x0  }
0x27d: {  	[sflag:s9] =	ssyncadd.s32 $0xFFFFC000  }
0x27e: {  	[tilespmem:s16], [sflag:$0x7] =	stream.linear.gather [hbm4b:s0+s2], $0x80, $0x38;
	[tilespmem:$0xC180] =	vst v63  }
0x27f: {  	_ =	swait.ge [sflag:s15], $0x80  }
0x280: {  	[sflag:s15] =	ssyncset.done $0x0  }
0x281: {  	[sflag:s15] =	ssyncadd.s32 $0xFFFFFF80  }
0x282: {  	[tilespmem:s10], [sflag:$0x2] =	stream.indirect.gather [hbm4b:s3+s16], $0x80, s16, s16, $0xb8;
	[tilespmem:$0xC180] =	vst v63  }
0x283: {  	_ =	swait.ge [sflag:s17], $0x4000  }
0x284: {  	s0 =	sld [smem:$0x7FC]  }
0x285: {  	[sflag:s17] =	ssyncset.done $0x0  }
0x286: {  	[sflag:s17] =	ssyncadd.s32 $0xFFFFC000  }
0x287: {  	[hbm4b:s0+s2] =	stream.linear.scatter [tilespmem:s7], [sflag:$0x6], $0x4000, $0x38;
	[tilespmem:$0xC180] =	vst v63  }
0x288: {  	_ =	swait.ge [sflag:s8], $0x4000  }
0x289: {  	s0 =	sld [smem:$0x7FD]  }
0x28a: {  	[sflag:s8] =	ssyncset.done $0x0  }
0x28b: {  	[sflag:s8] =	ssyncadd.s32 $0xFFFFC000  }
0x28c: {  	[tilespmem:s19], [sflag:$0x7] =	stream.linear.gather [hbm4b:s0+s2], $0x80, $0x38;
	[tilespmem:$0xC180] =	vst v63  }
0x28d: {  	_ =	swait.ge [sflag:s15], $0x80  }
0x28e: {  	[sflag:s15] =	ssyncset.done $0x0  }
0x28f: {  	[sflag:s15] =	ssyncadd.s32 $0xFFFFFF80  }
0x290: {  	[tilespmem:s7], [sflag:$0x3] =	stream.indirect.gather [hbm4b:s3+s16], $0x80, s19, s16, $0xb8;
	[tilespmem:$0xC180] =	vst v63  }
0x291: {  	_ =	swait.ge [sflag:s22], $0x4000  }
0x292: {  	[sflag:s22] =	ssyncset.done $0x0  }
0x293: {  	[sflag:s22] =	ssyncadd.s32 $0xFFFFC000  }
0x294: {  	[hbm4b:s31+s2] =	stream.linear.scatter [tilespmem:s14], [sflag:$0x4], $0x4000, $0x38;
	[tilespmem:$0xC180] =	vst v63  }
0x295: {  	_ =	swait.ge [sflag:s11], $0x4000  }
0x296: {  	[sflag:s11] =	ssyncset.done $0x0  }
0x297: {  	[sflag:s11] =	ssyncadd.s32 $0xFFFFC000  }
0x298: {  	[tilespmem:s2], [sflag:$0x7] =	stream.linear.gather [hbm4b:s30+s2], $0x80, $0x38;
	[tilespmem:$0xC180] =	vst v63  }
0x299: {  	_ =	swait.ge [sflag:s15], $0x80  }
0x29a: {  	[sflag:s15] =	ssyncset.done $0x0  }
0x29b: {  	[sflag:s15] =	ssyncadd.s32 $0xFFFFFF80  }
0x29c: {  	[tilespmem:s14], [sflag:$0x1] =	stream.indirect.gather [hbm4b:s3+s16], $0x80, s2, s16, $0xb8;
	[tilespmem:$0xC180] =	vst v63  }
0x29d: {  	_ =	swait.ge [sflag:s20], $0x4000  }
0x29e: {  	[sflag:s20] =	ssyncset.done $0x0  }
0x29f: {  	[sflag:s20] =	ssyncadd.s32 $0xFFFFC000  }
0x2a0: {  	[hbm4b:s28+s2] =	stream.linear.scatter [tilespmem:s10], [sflag:$0x5], $0x4000, $0x38;
	[tilespmem:$0xC180] =	vst v63  }
0x2a1: {  	_ =	swait.ge [sflag:s9], $0x4000  }
0x2a2: {  	[sflag:s9] =	ssyncset.done $0x0  }
0x2a3: {  	[sflag:s9] =	ssyncadd.s32 $0xFFFFC000  }
0x2a4: {  	[tilespmem:s16], [sflag:$0x7] =	stream.linear.gather [hbm4b:s29+s2], $0x80, $0x38;
	[tilespmem:$0xC180] =	vst v63  }
0x2a5: {  	_ =	swait.ge [sflag:s15], $0x80  }
0x2a6: {  	[sflag:s15] =	ssyncset.done $0x0  }
0x2a7: {  	[sflag:s15] =	ssyncadd.s32 $0xFFFFFF80  }
0x2a8: {  	[tilespmem:s10], [sflag:$0x2] =	stream.indirect.gather [hbm4b:s3+s16], $0x80, s16, s16, $0xb8;
	[tilespmem:$0xC180] =	vst v63  }
0x2a9: {  	_ =	swait.ge [sflag:s17], $0x4000  }
0x2aa: {  	[sflag:s17] =	ssyncset.done $0x0  }
0x2ab: {  	[sflag:s17] =	ssyncadd.s32 $0xFFFFC000  }
0x2ac: {  	[hbm4b:s26+s2] =	stream.linear.scatter [tilespmem:s7], [sflag:$0x6], $0x4000, $0x38;
	[tilespmem:$0xC180] =	vst v63  }
0x2ad: {  	_ =	swait.ge [sflag:s8], $0x4000  }
0x2ae: {  	[sflag:s8] =	ssyncset.done $0x0  }
0x2af: {  	[sflag:s8] =	ssyncadd.s32 $0xFFFFC000  }
0x2b0: {  	[tilespmem:s19], [sflag:$0x7] =	stream.linear.gather [hbm4b:s25+s2], $0x80, $0x38;
	[tilespmem:$0xC180] =	vst v63  }
0x2b1: {  	_ =	swait.ge [sflag:s15], $0x80  }
0x2b2: {  	[sflag:s15] =	ssyncset.done $0x0  }
0x2b3: {  	[sflag:s15] =	ssyncadd.s32 $0xFFFFFF80  }
0x2b4: {  	[tilespmem:s7], [sflag:$0x3] =	stream.indirect.gather [hbm4b:s3+s16], $0x80, s19, s16, $0xb8;
	[tilespmem:$0xC180] =	vst v63  }
0x2b5: {  	_ =	swait.ge [sflag:s22], $0x4000  }
0x2b6: {  	[sflag:s22] =	ssyncset.done $0x0  }
0x2b7: {  	[sflag:s22] =	ssyncadd.s32 $0xFFFFC000  }
0x2b8: {  	[hbm4b:s24+s2] =	stream.linear.scatter [tilespmem:s14], [sflag:$0x4], $0x4000, $0x38;
	[tilespmem:$0xC180] =	vst v63  }
0x2b9: {  	_ =	swait.ge [sflag:s11], $0x4000  }
0x2ba: {  	[sflag:s11] =	ssyncset.done $0x0  }
0x2bb: {  	[sflag:s11] =	ssyncadd.s32 $0xFFFFC000  }
0x2bc: {  	[tilespmem:s2], [sflag:$0x7] =	stream.linear.gather [hbm4b:s23+s2], $0x80, $0x38;
	[tilespmem:$0xC180] =	vst v63  }
0x2bd: {  	_ =	swait.ge [sflag:s15], $0x80  }
0x2be: {  	[sflag:s15] =	ssyncset.done $0x0  }
0x2bf: {  	[sflag:s15] =	ssyncadd.s32 $0xFFFFFF80  }
0x2c0: {  	[tilespmem:s14], [sflag:$0x1] =	stream.indirect.gather [hbm4b:s3+s16], $0x80, s2, s16, $0xb8;
	[tilespmem:$0xC180] =	vst v63  }
0x2c1: {  	_ =	swait.ge [sflag:s20], $0x4000  }
0x2c2: {  	[sflag:s20] =	ssyncset.done $0x0  }
0x2c3: {  	[sflag:s20] =	ssyncadd.s32 $0xFFFFC000  }
0x2c4: {  	[hbm4b:s18+s2] =	stream.linear.scatter [tilespmem:s10], [sflag:$0x5], $0x4000, $0x38;
	[tilespmem:$0xC180] =	vst v63  }
0x2c5: {  	_ =	swait.ge [sflag:s9], $0x4000  }
0x2c6: {  	[sflag:s9] =	ssyncset.done $0x0  }
0x2c7: {  	[sflag:s9] =	ssyncadd.s32 $0xFFFFC000  }
0x2c8: {  	[tilespmem:s16], [sflag:$0x7] =	stream.linear.gather [hbm4b:s21+s2], $0x80, $0x38;
	[tilespmem:$0xC180] =	vst v63  }
0x2c9: {  	_ =	swait.ge [sflag:s15], $0x80  }
0x2ca: {  	[sflag:s15] =	ssyncset.done $0x0  }
0x2cb: {  	[sflag:s15] =	ssyncadd.s32 $0xFFFFFF80  }
0x2cc: {  	[tilespmem:s10], [sflag:$0x2] =	stream.indirect.gather [hbm4b:s3+s16], $0x80, s16, s16, $0xb8;
	[tilespmem:$0xC180] =	vst v63  }
0x2cd: {  	_ =	swait.ge [sflag:s17], $0x4000  }
0x2ce: {  	[sflag:s17] =	ssyncset.done $0x0  }
0x2cf: {  	[sflag:s17] =	ssyncadd.s32 $0xFFFFC000  }
0x2d0: {  	[hbm4b:s13+s2] =	stream.linear.scatter [tilespmem:s7], [sflag:$0x6], $0x4000, $0x38;
	[tilespmem:$0xC180] =	vst v63  }
0x2d1: {  	_ =	swait.ge [sflag:s8], $0x4000  }
0x2d2: {  	[sflag:s8] =	ssyncset.done $0x0  }
0x2d3: {  	[sflag:s8] =	ssyncadd.s32 $0xFFFFC000  }
0x2d4: {  	[tilespmem:s19], [sflag:$0x7] =	stream.linear.gather [hbm4b:s12+s2], $0x80, $0x38;
	[tilespmem:$0xC180] =	vst v63  }
0x2d5: {  	_ =	swait.ge [sflag:s15], $0x80  }
0x2d6: {  	[sflag:s15] =	ssyncset.done $0x0  }
0x2d7: {  	[sflag:s15] =	ssyncadd.s32 $0xFFFFFF80  }
0x2d8: {  	[tilespmem:s7], [sflag:$0x3] =	stream.indirect.gather [hbm4b:s3+s16], $0x80, s19, s16, $0xb8;
	[tilespmem:$0xC180] =	vst v63  }
0x2d9: {  	_ =	swait.ge [sflag:s22], $0x4000  }
0x2da: {  	[sflag:s22] =	ssyncset.done $0x0  }
0x2db: {  	[sflag:s22] =	ssyncadd.s32 $0xFFFFC000  }
0x2dc: {  	[hbm4b:s6+s2] =	stream.linear.scatter [tilespmem:s14], [sflag:$0x4], $0x4000, $0x38;
	[tilespmem:$0xC180] =	vst v63  }
0x2dd: {  	_ =	swait.ge [sflag:s20], $0x4000  }
0x2de: {  	[sflag:s20] =	ssyncset.done $0x0  }
0x2df: {  	[sflag:s20] =	ssyncadd.s32 $0xFFFFC000  }
0x2e0: {  	[hbm4b:s5+s2] =	stream.linear.scatter [tilespmem:s10], [sflag:$0x5], $0x4000, $0x38;
	[tilespmem:$0xC180] =	vst v63  }
0x2e1: {  	_ =	swait.ge [sflag:s17], $0x4000  }
0x2e2: {  	[sflag:s17] =	ssyncset.done $0x0  }
0x2e3: {  	[sflag:s17] =	ssyncadd.s32 $0xFFFFC000  }
0x2e4: {  	[hbm4b:s4+s2] =	stream.linear.scatter [tilespmem:s7], [sflag:$0x6], $0x4000, $0x38;
	[tilespmem:$0xC180] =	vst v63  }
0x2e5: {  	_ =	swait.ge [sflag:s11], $0x4000  }
0x2e6: {  	[sflag:s11] =	ssyncset.done $0x0  }
0x2e7: {  	p1 =	sne.s32 s1, $0x1;
	[sflag:s11] =	ssyncadd.s32 $0xFFFFC000  }
.Ltmp1:
0x2e8: {  	_ =	swait.ge [sflag:s9], $0x4000;
	(pc) =	sbr.rel @!p1 .LBB2_3-.Ltmp1, $4  }
0x2e9: {  	[sflag:s9] =	ssyncset.done $0x0  }
0x2ea: {  	[sflag:s9] =	ssyncadd.s32 $0xFFFFC000  }
0x2eb: {  	s1 =	sadd.s32 $0xFFFFFFFF, s1;
	_ =	swait.ge [sflag:s8], $0x4000  }
0x2ec: {  	p0 =	por $0x1, $0x1;
	s0 =	rddreg [dreg:$0x3];
	[sflag:s8] =	ssyncset.done $0x0  }
.LBB2_2:
0x2ed: {  	[sflag:s8] =	ssyncadd.s32 $0xFFFFC000  }
0x2ee: {  	[tilespmem:s2], [sflag:$0x7] =	stream.linear.gather [hbm4b:s0+s2], $0x80, $0x38;
	[tilespmem:$0xC180] =	vst v63  }
0x2ef: {  	_ =	swait.ge [sflag:s15], $0x80  }
0x2f0: {  	[sflag:s15] =	ssyncset.done $0x0  }
0x2f1: {  	[sflag:s15] =	ssyncadd.s32 $0xFFFFFF80  }
0x2f2: {  	[tilespmem:s14], [sflag:$0x1] =	stream.indirect.gather [hbm4b:s3+s16], $0x80, s2, s16, $0xb8;
	[tilespmem:$0xC180] =	vst v63  }
0x2f3: {  	s0 =	rddreg [dreg:$0x4]  }
0x2f4: {  	[tilespmem:s16], [sflag:$0x7] =	stream.linear.gather [hbm4b:s0+s2], $0x80, $0x38;
	[tilespmem:$0xC180] =	vst v63  }
0x2f5: {  	_ =	swait.ge [sflag:s15], $0x80  }
0x2f6: {  	[sflag:s15] =	ssyncset.done $0x0  }
0x2f7: {  	[sflag:s15] =	ssyncadd.s32 $0xFFFFFF80  }
0x2f8: {  	[tilespmem:s10], [sflag:$0x2] =	stream.indirect.gather [hbm4b:s3+s16], $0x80, s16, s16, $0xb8;
	[tilespmem:$0xC180] =	vst v63  }
0x2f9: {  	s0 =	rddreg [dreg:$0x5]  }
0x2fa: {  	[tilespmem:s19], [sflag:$0x7] =	stream.linear.gather [hbm4b:s0+s2], $0x80, $0x38;
	[tilespmem:$0xC180] =	vst v63  }
0x2fb: {  	_ =	swait.ge [sflag:s15], $0x80  }
0x2fc: {  	[sflag:s15] =	ssyncset.done $0x0  }
0x2fd: {  	[sflag:s15] =	ssyncadd.s32 $0xFFFFFF80  }
0x2fe: {  	[tilespmem:s7], [sflag:$0x3] =	stream.indirect.gather [hbm4b:s3+s16], $0x80, s19, s16, $0xb8;
	[tilespmem:$0xC180] =	vst v63  }
0x2ff: {  	_ =	swait.ge [sflag:s22], $0x4000  }
0x300: {  	[sflag:s22] =	ssyncset.done $0x0  }
0x301: {  	s0 =	rddreg [dreg:$0x6];
	[sflag:s22] =	ssyncadd.s32 $0xFFFFC000  }
0x302: {  	[hbm4b:s0+s2] =	stream.linear.scatter [tilespmem:s14], [sflag:$0x4], $0x4000, $0x38;
	[tilespmem:$0xC180] =	vst v63  }
0x303: {  	_ =	swait.ge [sflag:s11], $0x4000  }
0x304: {  	[sflag:s11] =	ssyncset.done $0x0  }
0x305: {  	s0 =	rddreg [dreg:$0x7];
	[sflag:s11] =	ssyncadd.s32 $0xFFFFC000  }
0x306: {  	[tilespmem:s2], [sflag:$0x7] =	stream.linear.gather [hbm4b:s0+s2], $0x80, $0x38;
	[tilespmem:$0xC180] =	vst v63  }
0x307: {  	_ =	swait.ge [sflag:s15], $0x80  }
0x308: {  	[sflag:s15] =	ssyncset.done $0x0  }
0x309: {  	[sflag:s15] =	ssyncadd.s32 $0xFFFFFF80  }
0x30a: {  	[tilespmem:s14], [sflag:$0x1] =	stream.indirect.gather [hbm4b:s3+s16], $0x80, s2, s16, $0xb8;
	[tilespmem:$0xC180] =	vst v63  }
0x30b: {  	_ =	swait.ge [sflag:s20], $0x4000  }
0x30c: {  	[sflag:s20] =	ssyncset.done $0x0  }
0x30d: {  	s0 =	rddreg [dreg:$0x8];
	[sflag:s20] =	ssyncadd.s32 $0xFFFFC000  }
0x30e: {  	[hbm4b:s0+s2] =	stream.linear.scatter [tilespmem:s10], [sflag:$0x5], $0x4000, $0x38;
	[tilespmem:$0xC180] =	vst v63  }
0x30f: {  	_ =	swait.ge [sflag:s9], $0x4000  }
0x310: {  	[sflag:s9] =	ssyncset.done $0x0  }
0x311: {  	s0 =	rddreg [dreg:$0x9];
	[sflag:s9] =	ssyncadd.s32 $0xFFFFC000  }
0x312: {  	[tilespmem:s16], [sflag:$0x7] =	stream.linear.gather [hbm4b:s0+s2], $0x80, $0x38;
	[tilespmem:$0xC180] =	vst v63  }
0x313: {  	_ =	swait.ge [sflag:s15], $0x80  }
0x314: {  	[sflag:s15] =	ssyncset.done $0x0  }
0x315: {  	[sflag:s15] =	ssyncadd.s32 $0xFFFFFF80  }
0x316: {  	[tilespmem:s10], [sflag:$0x2] =	stream.indirect.gather [hbm4b:s3+s16], $0x80, s16, s16, $0xb8;
	[tilespmem:$0xC180] =	vst v63  }
0x317: {  	_ =	swait.ge [sflag:s17], $0x4000  }
0x318: {  	[sflag:s17] =	ssyncset.done $0x0  }
0x319: {  	s0 =	rddreg [dreg:$0xa];
	[sflag:s17] =	ssyncadd.s32 $0xFFFFC000  }
0x31a: {  	[hbm4b:s0+s2] =	stream.linear.scatter [tilespmem:s7], [sflag:$0x6], $0x4000, $0x38;
	[tilespmem:$0xC180] =	vst v63  }
0x31b: {  	_ =	swait.ge [sflag:s8], $0x4000  }
0x31c: {  	[sflag:s8] =	ssyncset.done $0x0  }
0x31d: {  	s0 =	rddreg [dreg:$0xb];
	[sflag:s8] =	ssyncadd.s32 $0xFFFFC000  }
0x31e: {  	[tilespmem:s19], [sflag:$0x7] =	stream.linear.gather [hbm4b:s0+s2], $0x80, $0x38;
	[tilespmem:$0xC180] =	vst v63  }
0x31f: {  	_ =	swait.ge [sflag:s15], $0x80  }
0x320: {  	[sflag:s15] =	ssyncset.done $0x0  }
0x321: {  	[sflag:s15] =	ssyncadd.s32 $0xFFFFFF80  }
0x322: {  	[tilespmem:s7], [sflag:$0x3] =	stream.indirect.gather [hbm4b:s3+s16], $0x80, s19, s16, $0xb8;
	[tilespmem:$0xC180] =	vst v63  }
0x323: {  	_ =	swait.ge [sflag:s22], $0x4000  }
0x324: {  	[sflag:s22] =	ssyncset.done $0x0  }
0x325: {  	s0 =	rddreg [dreg:$0xc];
	[sflag:s22] =	ssyncadd.s32 $0xFFFFC000  }
0x326: {  	[hbm4b:s0+s2] =	stream.linear.scatter [tilespmem:s14], [sflag:$0x4], $0x4000, $0x38;
	[tilespmem:$0xC180] =	vst v63  }
0x327: {  	_ =	swait.ge [sflag:s11], $0x4000  }
0x328: {  	[sflag:s11] =	ssyncset.done $0x0  }
0x329: {  	s0 =	rddreg [dreg:$0xd];
	[sflag:s11] =	ssyncadd.s32 $0xFFFFC000  }
0x32a: {  	[tilespmem:s2], [sflag:$0x7] =	stream.linear.gather [hbm4b:s0+s2], $0x80, $0x38;
	[tilespmem:$0xC180] =	vst v63  }
0x32b: {  	_ =	swait.ge [sflag:s15], $0x80  }
0x32c: {  	[sflag:s15] =	ssyncset.done $0x0  }
0x32d: {  	[sflag:s15] =	ssyncadd.s32 $0xFFFFFF80  }
0x32e: {  	[tilespmem:s14], [sflag:$0x1] =	stream.indirect.gather [hbm4b:s3+s16], $0x80, s2, s16, $0xb8;
	[tilespmem:$0xC180] =	vst v63  }
0x32f: {  	_ =	swait.ge [sflag:s20], $0x4000  }
0x330: {  	[sflag:s20] =	ssyncset.done $0x0  }
0x331: {  	s0 =	rddreg [dreg:$0xe];
	[sflag:s20] =	ssyncadd.s32 $0xFFFFC000  }
0x332: {  	[hbm4b:s0+s2] =	stream.linear.scatter [tilespmem:s10], [sflag:$0x5], $0x4000, $0x38;
	[tilespmem:$0xC180] =	vst v63  }
0x333: {  	_ =	swait.ge [sflag:s9], $0x4000  }
0x334: {  	[sflag:s9] =	ssyncset.done $0x0  }
0x335: {  	s0 =	rddreg [dreg:$0xf];
	[sflag:s9] =	ssyncadd.s32 $0xFFFFC000  }
0x336: {  	[tilespmem:s16], [sflag:$0x7] =	stream.linear.gather [hbm4b:s0+s2], $0x80, $0x38;
	[tilespmem:$0xC180] =	vst v63  }
0x337: {  	_ =	swait.ge [sflag:s15], $0x80  }
0x338: {  	[sflag:s15] =	ssyncset.done $0x0  }
0x339: {  	[sflag:s15] =	ssyncadd.s32 $0xFFFFFF80  }
0x33a: {  	[tilespmem:s10], [sflag:$0x2] =	stream.indirect.gather [hbm4b:s3+s16], $0x80, s16, s16, $0xb8;
	[tilespmem:$0xC180] =	vst v63  }
0x33b: {  	_ =	swait.ge [sflag:s17], $0x4000  }
0x33c: {  	[sflag:s17] =	ssyncset.done $0x0  }
0x33d: {  	s0 =	rddreg [dreg:$0x10];
	[sflag:s17] =	ssyncadd.s32 $0xFFFFC000  }
0x33e: {  	[hbm4b:s0+s2] =	stream.linear.scatter [tilespmem:s7], [sflag:$0x6], $0x4000, $0x38;
	[tilespmem:$0xC180] =	vst v63  }
0x33f: {  	_ =	swait.ge [sflag:s8], $0x4000  }
0x340: {  	[sflag:s8] =	ssyncset.done $0x0  }
0x341: {  	s0 =	rddreg [dreg:$0x11];
	[sflag:s8] =	ssyncadd.s32 $0xFFFFC000  }
0x342: {  	[tilespmem:s19], [sflag:$0x7] =	stream.linear.gather [hbm4b:s0+s2], $0x80, $0x38;
	[tilespmem:$0xC180] =	vst v63  }
0x343: {  	_ =	swait.ge [sflag:s15], $0x80  }
0x344: {  	[sflag:s15] =	ssyncset.done $0x0  }
0x345: {  	[sflag:s15] =	ssyncadd.s32 $0xFFFFFF80  }
0x346: {  	[tilespmem:s7], [sflag:$0x3] =	stream.indirect.gather [hbm4b:s3+s16], $0x80, s19, s16, $0xb8;
	[tilespmem:$0xC180] =	vst v63  }
0x347: {  	_ =	swait.ge [sflag:s22], $0x4000  }
0x348: {  	[sflag:s22] =	ssyncset.done $0x0  }
0x349: {  	s0 =	rddreg [dreg:$0x12];
	[sflag:s22] =	ssyncadd.s32 $0xFFFFC000  }
0x34a: {  	[hbm4b:s0+s2] =	stream.linear.scatter [tilespmem:s14], [sflag:$0x4], $0x4000, $0x38;
	[tilespmem:$0xC180] =	vst v63  }
0x34b: {  	_ =	swait.ge [sflag:s11], $0x4000  }
0x34c: {  	[sflag:s11] =	ssyncset.done $0x0  }
0x34d: {  	s0 =	rddreg [dreg:$0x13];
	[sflag:s11] =	ssyncadd.s32 $0xFFFFC000  }
0x34e: {  	[tilespmem:s2], [sflag:$0x7] =	stream.linear.gather [hbm4b:s0+s2], $0x80, $0x38;
	[tilespmem:$0xC180] =	vst v63  }
0x34f: {  	_ =	swait.ge [sflag:s15], $0x80  }
0x350: {  	[sflag:s15] =	ssyncset.done $0x0  }
0x351: {  	[sflag:s15] =	ssyncadd.s32 $0xFFFFFF80  }
0x352: {  	[tilespmem:s14], [sflag:$0x1] =	stream.indirect.gather [hbm4b:s3+s16], $0x80, s2, s16, $0xb8;
	[tilespmem:$0xC180] =	vst v63  }
0x353: {  	_ =	swait.ge [sflag:s20], $0x4000  }
0x354: {  	[sflag:s20] =	ssyncset.done $0x0  }
0x355: {  	s0 =	rddreg [dreg:$0x14];
	[sflag:s20] =	ssyncadd.s32 $0xFFFFC000  }
0x356: {  	[hbm4b:s0+s2] =	stream.linear.scatter [tilespmem:s10], [sflag:$0x5], $0x4000, $0x38;
	[tilespmem:$0xC180] =	vst v63  }
0x357: {  	_ =	swait.ge [sflag:s9], $0x4000  }
0x358: {  	[sflag:s9] =	ssyncset.done $0x0  }
0x359: {  	s0 =	rddreg [dreg:$0x15];
	[sflag:s9] =	ssyncadd.s32 $0xFFFFC000  }
0x35a: {  	[tilespmem:s16], [sflag:$0x7] =	stream.linear.gather [hbm4b:s0+s2], $0x80, $0x38;
	[tilespmem:$0xC180] =	vst v63  }
0x35b: {  	_ =	swait.ge [sflag:s15], $0x80  }
0x35c: {  	[sflag:s15] =	ssyncset.done $0x0  }
0x35d: {  	[sflag:s15] =	ssyncadd.s32 $0xFFFFFF80  }
0x35e: {  	[tilespmem:s10], [sflag:$0x2] =	stream.indirect.gather [hbm4b:s3+s16], $0x80, s16, s16, $0xb8;
	[tilespmem:$0xC180] =	vst v63  }
0x35f: {  	_ =	swait.ge [sflag:s17], $0x4000  }
0x360: {  	[sflag:s17] =	ssyncset.done $0x0  }
0x361: {  	s0 =	rddreg [dreg:$0x16];
	[sflag:s17] =	ssyncadd.s32 $0xFFFFC000  }
0x362: {  	[hbm4b:s0+s2] =	stream.linear.scatter [tilespmem:s7], [sflag:$0x6], $0x4000, $0x38;
	[tilespmem:$0xC180] =	vst v63  }
0x363: {  	_ =	swait.ge [sflag:s8], $0x4000  }
0x364: {  	[sflag:s8] =	ssyncset.done $0x0  }
0x365: {  	s0 =	rddreg [dreg:$0x17];
	[sflag:s8] =	ssyncadd.s32 $0xFFFFC000  }
0x366: {  	[tilespmem:s19], [sflag:$0x7] =	stream.linear.gather [hbm4b:s0+s2], $0x80, $0x38;
	[tilespmem:$0xC180] =	vst v63  }
0x367: {  	_ =	swait.ge [sflag:s15], $0x80  }
0x368: {  	[sflag:s15] =	ssyncset.done $0x0  }
0x369: {  	[sflag:s15] =	ssyncadd.s32 $0xFFFFFF80  }
0x36a: {  	[tilespmem:s7], [sflag:$0x3] =	stream.indirect.gather [hbm4b:s3+s16], $0x80, s19, s16, $0xb8;
	[tilespmem:$0xC180] =	vst v63  }
0x36b: {  	_ =	swait.ge [sflag:s22], $0x4000  }
0x36c: {  	[sflag:s22] =	ssyncset.done $0x0  }
0x36d: {  	s0 =	rddreg [dreg:$0x18];
	[sflag:s22] =	ssyncadd.s32 $0xFFFFC000  }
0x36e: {  	[hbm4b:s0+s2] =	stream.linear.scatter [tilespmem:s14], [sflag:$0x4], $0x4000, $0x38;
	[tilespmem:$0xC180] =	vst v63  }
0x36f: {  	_ =	swait.ge [sflag:s11], $0x4000  }
0x370: {  	[sflag:s11] =	ssyncset.done $0x0  }
0x371: {  	s0 =	rddreg [dreg:$0x19];
	[sflag:s11] =	ssyncadd.s32 $0xFFFFC000  }
0x372: {  	[tilespmem:s2], [sflag:$0x7] =	stream.linear.gather [hbm4b:s0+s2], $0x80, $0x38;
	[tilespmem:$0xC180] =	vst v63  }
0x373: {  	_ =	swait.ge [sflag:s15], $0x80  }
0x374: {  	[sflag:s15] =	ssyncset.done $0x0  }
0x375: {  	[sflag:s15] =	ssyncadd.s32 $0xFFFFFF80  }
0x376: {  	[tilespmem:s14], [sflag:$0x1] =	stream.indirect.gather [hbm4b:s3+s16], $0x80, s2, s16, $0xb8;
	[tilespmem:$0xC180] =	vst v63  }
0x377: {  	_ =	swait.ge [sflag:s20], $0x4000  }
0x378: {  	[sflag:s20] =	ssyncset.done $0x0  }
0x379: {  	s0 =	rddreg [dreg:$0x1a];
	[sflag:s20] =	ssyncadd.s32 $0xFFFFC000  }
0x37a: {  	[hbm4b:s0+s2] =	stream.linear.scatter [tilespmem:s10], [sflag:$0x5], $0x4000, $0x38;
	[tilespmem:$0xC180] =	vst v63  }
0x37b: {  	_ =	swait.ge [sflag:s9], $0x4000  }
0x37c: {  	[sflag:s9] =	ssyncset.done $0x0  }
0x37d: {  	s0 =	rddreg [dreg:$0x1b];
	[sflag:s9] =	ssyncadd.s32 $0xFFFFC000  }
0x37e: {  	[tilespmem:s16], [sflag:$0x7] =	stream.linear.gather [hbm4b:s0+s2], $0x80, $0x38;
	[tilespmem:$0xC180] =	vst v63  }
0x37f: {  	_ =	swait.ge [sflag:s15], $0x80  }
0x380: {  	[sflag:s15] =	ssyncset.done $0x0  }
0x381: {  	[sflag:s15] =	ssyncadd.s32 $0xFFFFFF80  }
0x382: {  	[tilespmem:s10], [sflag:$0x2] =	stream.indirect.gather [hbm4b:s3+s16], $0x80, s16, s16, $0xb8;
	[tilespmem:$0xC180] =	vst v63  }
0x383: {  	_ =	swait.ge [sflag:s17], $0x4000  }
0x384: {  	[sflag:s17] =	ssyncset.done $0x0  }
0x385: {  	s0 =	rddreg [dreg:$0x1c];
	[sflag:s17] =	ssyncadd.s32 $0xFFFFC000  }
0x386: {  	[hbm4b:s0+s2] =	stream.linear.scatter [tilespmem:s7], [sflag:$0x6], $0x4000, $0x38;
	[tilespmem:$0xC180] =	vst v63  }
0x387: {  	_ =	swait.ge [sflag:s8], $0x4000  }
0x388: {  	[sflag:s8] =	ssyncset.done $0x0  }
0x389: {  	s0 =	rddreg [dreg:$0x1d];
	[sflag:s8] =	ssyncadd.s32 $0xFFFFC000  }
0x38a: {  	[tilespmem:s19], [sflag:$0x7] =	stream.linear.gather [hbm4b:s0+s2], $0x80, $0x38;
	[tilespmem:$0xC180] =	vst v63  }
0x38b: {  	_ =	swait.ge [sflag:s15], $0x80  }
0x38c: {  	[sflag:s15] =	ssyncset.done $0x0  }
0x38d: {  	[sflag:s15] =	ssyncadd.s32 $0xFFFFFF80  }
0x38e: {  	[tilespmem:s7], [sflag:$0x3] =	stream.indirect.gather [hbm4b:s3+s16], $0x80, s19, s16, $0xb8;
	[tilespmem:$0xC180] =	vst v63  }
0x38f: {  	_ =	swait.ge [sflag:s22], $0x4000  }
0x390: {  	[sflag:s22] =	ssyncset.done $0x0  }
0x391: {  	s0 =	rddreg [dreg:$0x1e];
	[sflag:s22] =	ssyncadd.s32 $0xFFFFC000  }
0x392: {  	[hbm4b:s0+s2] =	stream.linear.scatter [tilespmem:s14], [sflag:$0x4], $0x4000, $0x38;
	[tilespmem:$0xC180] =	vst v63  }
0x393: {  	_ =	swait.ge [sflag:s11], $0x4000  }
0x394: {  	[sflag:s11] =	ssyncset.done $0x0  }
0x395: {  	s0 =	rddreg [dreg:$0x1f];
	[sflag:s11] =	ssyncadd.s32 $0xFFFFC000  }
0x396: {  	[tilespmem:s2], [sflag:$0x7] =	stream.linear.gather [hbm4b:s0+s2], $0x80, $0x38;
	[tilespmem:$0xC180] =	vst v63  }
0x397: {  	_ =	swait.ge [sflag:s15], $0x80  }
0x398: {  	[sflag:s15] =	ssyncset.done $0x0  }
0x399: {  	[sflag:s15] =	ssyncadd.s32 $0xFFFFFF80  }
0x39a: {  	[tilespmem:s14], [sflag:$0x1] =	stream.indirect.gather [hbm4b:s3+s16], $0x80, s2, s16, $0xb8;
	[tilespmem:$0xC180] =	vst v63  }
0x39b: {  	_ =	swait.ge [sflag:s20], $0x4000  }
0x39c: {  	s0 =	sld [smem:$0x7CA]  }
0x39d: {  	[sflag:s20] =	ssyncset.done $0x0  }
0x39e: {  	[sflag:s20] =	ssyncadd.s32 $0xFFFFC000  }
0x39f: {  	[hbm4b:s0+s2] =	stream.linear.scatter [tilespmem:s10], [sflag:$0x5], $0x4000, $0x38;
	[tilespmem:$0xC180] =	vst v63  }
0x3a0: {  	_ =	swait.ge [sflag:s9], $0x4000  }
0x3a1: {  	s0 =	sld [smem:$0x7CB]  }
0x3a2: {  	[sflag:s9] =	ssyncset.done $0x0  }
0x3a3: {  	[sflag:s9] =	ssyncadd.s32 $0xFFFFC000  }
0x3a4: {  	[tilespmem:s16], [sflag:$0x7] =	stream.linear.gather [hbm4b:s0+s2], $0x80, $0x38;
	[tilespmem:$0xC180] =	vst v63  }
0x3a5: {  	_ =	swait.ge [sflag:s15], $0x80  }
0x3a6: {  	[sflag:s15] =	ssyncset.done $0x0  }
0x3a7: {  	[sflag:s15] =	ssyncadd.s32 $0xFFFFFF80  }
0x3a8: {  	[tilespmem:s10], [sflag:$0x2] =	stream.indirect.gather [hbm4b:s3+s16], $0x80, s16, s16, $0xb8;
	[tilespmem:$0xC180] =	vst v63  }
0x3a9: {  	_ =	swait.ge [sflag:s17], $0x4000  }
0x3aa: {  	s0 =	sld [smem:$0x7CC]  }
0x3ab: {  	[sflag:s17] =	ssyncset.done $0x0  }
0x3ac: {  	[sflag:s17] =	ssyncadd.s32 $0xFFFFC000  }
0x3ad: {  	[hbm4b:s0+s2] =	stream.linear.scatter [tilespmem:s7], [sflag:$0x6], $0x4000, $0x38;
	[tilespmem:$0xC180] =	vst v63  }
0x3ae: {  	_ =	swait.ge [sflag:s8], $0x4000  }
0x3af: {  	s0 =	sld [smem:$0x7CD]  }
0x3b0: {  	[sflag:s8] =	ssyncset.done $0x0  }
0x3b1: {  	[sflag:s8] =	ssyncadd.s32 $0xFFFFC000  }
0x3b2: {  	[tilespmem:s19], [sflag:$0x7] =	stream.linear.gather [hbm4b:s0+s2], $0x80, $0x38;
	[tilespmem:$0xC180] =	vst v63  }
0x3b3: {  	_ =	swait.ge [sflag:s15], $0x80  }
0x3b4: {  	[sflag:s15] =	ssyncset.done $0x0  }
0x3b5: {  	[sflag:s15] =	ssyncadd.s32 $0xFFFFFF80  }
0x3b6: {  	[tilespmem:s7], [sflag:$0x3] =	stream.indirect.gather [hbm4b:s3+s16], $0x80, s19, s16, $0xb8;
	[tilespmem:$0xC180] =	vst v63  }
0x3b7: {  	_ =	swait.ge [sflag:s22], $0x4000  }
0x3b8: {  	s0 =	sld [smem:$0x7CE]  }
0x3b9: {  	[sflag:s22] =	ssyncset.done $0x0  }
0x3ba: {  	[sflag:s22] =	ssyncadd.s32 $0xFFFFC000  }
0x3bb: {  	[hbm4b:s0+s2] =	stream.linear.scatter [tilespmem:s14], [sflag:$0x4], $0x4000, $0x38;
	[tilespmem:$0xC180] =	vst v63  }
0x3bc: {  	_ =	swait.ge [sflag:s11], $0x4000  }
0x3bd: {  	s0 =	sld [smem:$0x7CF]  }
0x3be: {  	[sflag:s11] =	ssyncset.done $0x0  }
0x3bf: {  	[sflag:s11] =	ssyncadd.s32 $0xFFFFC000  }
0x3c0: {  	[tilespmem:s2], [sflag:$0x7] =	stream.linear.gather [hbm4b:s0+s2], $0x80, $0x38;
	[tilespmem:$0xC180] =	vst v63  }
0x3c1: {  	_ =	swait.ge [sflag:s15], $0x80  }
0x3c2: {  	[sflag:s15] =	ssyncset.done $0x0  }
0x3c3: {  	[sflag:s15] =	ssyncadd.s32 $0xFFFFFF80  }
0x3c4: {  	[tilespmem:s14], [sflag:$0x1] =	stream.indirect.gather [hbm4b:s3+s16], $0x80, s2, s16, $0xb8;
	[tilespmem:$0xC180] =	vst v63  }
0x3c5: {  	_ =	swait.ge [sflag:s20], $0x4000  }
0x3c6: {  	s0 =	sld [smem:$0x7D0]  }
0x3c7: {  	[sflag:s20] =	ssyncset.done $0x0  }
0x3c8: {  	[sflag:s20] =	ssyncadd.s32 $0xFFFFC000  }
0x3c9: {  	[hbm4b:s0+s2] =	stream.linear.scatter [tilespmem:s10], [sflag:$0x5], $0x4000, $0x38;
	[tilespmem:$0xC180] =	vst v63  }
0x3ca: {  	_ =	swait.ge [sflag:s9], $0x4000  }
0x3cb: {  	s0 =	sld [smem:$0x7D1]  }
0x3cc: {  	[sflag:s9] =	ssyncset.done $0x0  }
0x3cd: {  	[sflag:s9] =	ssyncadd.s32 $0xFFFFC000  }
0x3ce: {  	[tilespmem:s16], [sflag:$0x7] =	stream.linear.gather [hbm4b:s0+s2], $0x80, $0x38;
	[tilespmem:$0xC180] =	vst v63  }
0x3cf: {  	_ =	swait.ge [sflag:s15], $0x80  }
0x3d0: {  	[sflag:s15] =	ssyncset.done $0x0  }
0x3d1: {  	[sflag:s15] =	ssyncadd.s32 $0xFFFFFF80  }
0x3d2: {  	[tilespmem:s10], [sflag:$0x2] =	stream.indirect.gather [hbm4b:s3+s16], $0x80, s16, s16, $0xb8;
	[tilespmem:$0xC180] =	vst v63  }
0x3d3: {  	_ =	swait.ge [sflag:s17], $0x4000  }
0x3d4: {  	s0 =	sld [smem:$0x7D2]  }
0x3d5: {  	[sflag:s17] =	ssyncset.done $0x0  }
0x3d6: {  	[sflag:s17] =	ssyncadd.s32 $0xFFFFC000  }
0x3d7: {  	[hbm4b:s0+s2] =	stream.linear.scatter [tilespmem:s7], [sflag:$0x6], $0x4000, $0x38;
	[tilespmem:$0xC180] =	vst v63  }
0x3d8: {  	_ =	swait.ge [sflag:s8], $0x4000  }
0x3d9: {  	s0 =	sld [smem:$0x7D3]  }
0x3da: {  	[sflag:s8] =	ssyncset.done $0x0  }
0x3db: {  	[sflag:s8] =	ssyncadd.s32 $0xFFFFC000  }
0x3dc: {  	[tilespmem:s19], [sflag:$0x7] =	stream.linear.gather [hbm4b:s0+s2], $0x80, $0x38;
	[tilespmem:$0xC180] =	vst v63  }
0x3dd: {  	_ =	swait.ge [sflag:s15], $0x80  }
0x3de: {  	[sflag:s15] =	ssyncset.done $0x0  }
0x3df: {  	[sflag:s15] =	ssyncadd.s32 $0xFFFFFF80  }
0x3e0: {  	[tilespmem:s7], [sflag:$0x3] =	stream.indirect.gather [hbm4b:s3+s16], $0x80, s19, s16, $0xb8;
	[tilespmem:$0xC180] =	vst v63  }
0x3e1: {  	_ =	swait.ge [sflag:s22], $0x4000  }
0x3e2: {  	s0 =	sld [smem:$0x7D4]  }
0x3e3: {  	[sflag:s22] =	ssyncset.done $0x0  }
0x3e4: {  	[sflag:s22] =	ssyncadd.s32 $0xFFFFC000  }
0x3e5: {  	[hbm4b:s0+s2] =	stream.linear.scatter [tilespmem:s14], [sflag:$0x4], $0x4000, $0x38;
	[tilespmem:$0xC180] =	vst v63  }
0x3e6: {  	_ =	swait.ge [sflag:s11], $0x4000  }
0x3e7: {  	s0 =	sld [smem:$0x7D5]  }
0x3e8: {  	[sflag:s11] =	ssyncset.done $0x0  }
0x3e9: {  	[sflag:s11] =	ssyncadd.s32 $0xFFFFC000  }
0x3ea: {  	[tilespmem:s2], [sflag:$0x7] =	stream.linear.gather [hbm4b:s0+s2], $0x80, $0x38;
	[tilespmem:$0xC180] =	vst v63  }
0x3eb: {  	_ =	swait.ge [sflag:s15], $0x80  }
0x3ec: {  	[sflag:s15] =	ssyncset.done $0x0  }
0x3ed: {  	[sflag:s15] =	ssyncadd.s32 $0xFFFFFF80  }
0x3ee: {  	[tilespmem:s14], [sflag:$0x1] =	stream.indirect.gather [hbm4b:s3+s16], $0x80, s2, s16, $0xb8;
	[tilespmem:$0xC180] =	vst v63  }
0x3ef: {  	_ =	swait.ge [sflag:s20], $0x4000  }
0x3f0: {  	s0 =	sld [smem:$0x7D6]  }
0x3f1: {  	[sflag:s20] =	ssyncset.done $0x0  }
0x3f2: {  	[sflag:s20] =	ssyncadd.s32 $0xFFFFC000  }
0x3f3: {  	[hbm4b:s0+s2] =	stream.linear.scatter [tilespmem:s10], [sflag:$0x5], $0x4000, $0x38;
	[tilespmem:$0xC180] =	vst v63  }
0x3f4: {  	_ =	swait.ge [sflag:s9], $0x4000  }
0x3f5: {  	s0 =	sld [smem:$0x7D7]  }
0x3f6: {  	[sflag:s9] =	ssyncset.done $0x0  }
0x3f7: {  	[sflag:s9] =	ssyncadd.s32 $0xFFFFC000  }
0x3f8: {  	[tilespmem:s16], [sflag:$0x7] =	stream.linear.gather [hbm4b:s0+s2], $0x80, $0x38;
	[tilespmem:$0xC180] =	vst v63  }
0x3f9: {  	_ =	swait.ge [sflag:s15], $0x80  }
0x3fa: {  	[sflag:s15] =	ssyncset.done $0x0  }
0x3fb: {  	[sflag:s15] =	ssyncadd.s32 $0xFFFFFF80  }
0x3fc: {  	[tilespmem:s10], [sflag:$0x2] =	stream.indirect.gather [hbm4b:s3+s16], $0x80, s16, s16, $0xb8;
	[tilespmem:$0xC180] =	vst v63  }
0x3fd: {  	_ =	swait.ge [sflag:s17], $0x4000  }
0x3fe: {  	s0 =	sld [smem:$0x7D8]  }
0x3ff: {  	[sflag:s17] =	ssyncset.done $0x0  }
0x400: {  	[sflag:s17] =	ssyncadd.s32 $0xFFFFC000  }
0x401: {  	[hbm4b:s0+s2] =	stream.linear.scatter [tilespmem:s7], [sflag:$0x6], $0x4000, $0x38;
	[tilespmem:$0xC180] =	vst v63  }
0x402: {  	_ =	swait.ge [sflag:s8], $0x4000  }
0x403: {  	s0 =	sld [smem:$0x7D9]  }
0x404: {  	[sflag:s8] =	ssyncset.done $0x0  }
0x405: {  	[sflag:s8] =	ssyncadd.s32 $0xFFFFC000  }
0x406: {  	[tilespmem:s19], [sflag:$0x7] =	stream.linear.gather [hbm4b:s0+s2], $0x80, $0x38;
	[tilespmem:$0xC180] =	vst v63  }
0x407: {  	_ =	swait.ge [sflag:s15], $0x80  }
0x408: {  	[sflag:s15] =	ssyncset.done $0x0  }
0x409: {  	[sflag:s15] =	ssyncadd.s32 $0xFFFFFF80  }
0x40a: {  	[tilespmem:s7], [sflag:$0x3] =	stream.indirect.gather [hbm4b:s3+s16], $0x80, s19, s16, $0xb8;
	[tilespmem:$0xC180] =	vst v63  }
0x40b: {  	_ =	swait.ge [sflag:s22], $0x4000  }
0x40c: {  	s0 =	sld [smem:$0x7DA]  }
0x40d: {  	[sflag:s22] =	ssyncset.done $0x0  }
0x40e: {  	[sflag:s22] =	ssyncadd.s32 $0xFFFFC000  }
0x40f: {  	[hbm4b:s0+s2] =	stream.linear.scatter [tilespmem:s14], [sflag:$0x4], $0x4000, $0x38;
	[tilespmem:$0xC180] =	vst v63  }
0x410: {  	_ =	swait.ge [sflag:s11], $0x4000  }
0x411: {  	s0 =	sld [smem:$0x7DB]  }
0x412: {  	[sflag:s11] =	ssyncset.done $0x0  }
0x413: {  	[sflag:s11] =	ssyncadd.s32 $0xFFFFC000  }
0x414: {  	[tilespmem:s2], [sflag:$0x7] =	stream.linear.gather [hbm4b:s0+s2], $0x80, $0x38;
	[tilespmem:$0xC180] =	vst v63  }
0x415: {  	_ =	swait.ge [sflag:s15], $0x80  }
0x416: {  	[sflag:s15] =	ssyncset.done $0x0  }
0x417: {  	[sflag:s15] =	ssyncadd.s32 $0xFFFFFF80  }
0x418: {  	[tilespmem:s14], [sflag:$0x1] =	stream.indirect.gather [hbm4b:s3+s16], $0x80, s2, s16, $0xb8;
	[tilespmem:$0xC180] =	vst v63  }
0x419: {  	_ =	swait.ge [sflag:s20], $0x4000  }
0x41a: {  	s0 =	sld [smem:$0x7DC]  }
0x41b: {  	[sflag:s20] =	ssyncset.done $0x0  }
0x41c: {  	[sflag:s20] =	ssyncadd.s32 $0xFFFFC000  }
0x41d: {  	[hbm4b:s0+s2] =	stream.linear.scatter [tilespmem:s10], [sflag:$0x5], $0x4000, $0x38;
	[tilespmem:$0xC180] =	vst v63  }
0x41e: {  	_ =	swait.ge [sflag:s9], $0x4000  }
0x41f: {  	s0 =	sld [smem:$0x7DD]  }
0x420: {  	[sflag:s9] =	ssyncset.done $0x0  }
0x421: {  	[sflag:s9] =	ssyncadd.s32 $0xFFFFC000  }
0x422: {  	[tilespmem:s16], [sflag:$0x7] =	stream.linear.gather [hbm4b:s0+s2], $0x80, $0x38;
	[tilespmem:$0xC180] =	vst v63  }
0x423: {  	_ =	swait.ge [sflag:s15], $0x80  }
0x424: {  	[sflag:s15] =	ssyncset.done $0x0  }
0x425: {  	[sflag:s15] =	ssyncadd.s32 $0xFFFFFF80  }
0x426: {  	[tilespmem:s10], [sflag:$0x2] =	stream.indirect.gather [hbm4b:s3+s16], $0x80, s16, s16, $0xb8;
	[tilespmem:$0xC180] =	vst v63  }
0x427: {  	_ =	swait.ge [sflag:s17], $0x4000  }
0x428: {  	s0 =	sld [smem:$0x7DE]  }
0x429: {  	[sflag:s17] =	ssyncset.done $0x0  }
0x42a: {  	[sflag:s17] =	ssyncadd.s32 $0xFFFFC000  }
0x42b: {  	[hbm4b:s0+s2] =	stream.linear.scatter [tilespmem:s7], [sflag:$0x6], $0x4000, $0x38;
	[tilespmem:$0xC180] =	vst v63  }
0x42c: {  	_ =	swait.ge [sflag:s8], $0x4000  }
0x42d: {  	s0 =	sld [smem:$0x7DF]  }
0x42e: {  	[sflag:s8] =	ssyncset.done $0x0  }
0x42f: {  	[sflag:s8] =	ssyncadd.s32 $0xFFFFC000  }
0x430: {  	[tilespmem:s19], [sflag:$0x7] =	stream.linear.gather [hbm4b:s0+s2], $0x80, $0x38;
	[tilespmem:$0xC180] =	vst v63  }
0x431: {  	_ =	swait.ge [sflag:s15], $0x80  }
0x432: {  	[sflag:s15] =	ssyncset.done $0x0  }
0x433: {  	[sflag:s15] =	ssyncadd.s32 $0xFFFFFF80  }
0x434: {  	[tilespmem:s7], [sflag:$0x3] =	stream.indirect.gather [hbm4b:s3+s16], $0x80, s19, s16, $0xb8;
	[tilespmem:$0xC180] =	vst v63  }
0x435: {  	_ =	swait.ge [sflag:s22], $0x4000  }
0x436: {  	s0 =	sld [smem:$0x7E0]  }
0x437: {  	[sflag:s22] =	ssyncset.done $0x0  }
0x438: {  	[sflag:s22] =	ssyncadd.s32 $0xFFFFC000  }
0x439: {  	[hbm4b:s0+s2] =	stream.linear.scatter [tilespmem:s14], [sflag:$0x4], $0x4000, $0x38;
	[tilespmem:$0xC180] =	vst v63  }
0x43a: {  	_ =	swait.ge [sflag:s11], $0x4000  }
0x43b: {  	s0 =	sld [smem:$0x7E1]  }
0x43c: {  	[sflag:s11] =	ssyncset.done $0x0  }
0x43d: {  	[sflag:s11] =	ssyncadd.s32 $0xFFFFC000  }
0x43e: {  	[tilespmem:s2], [sflag:$0x7] =	stream.linear.gather [hbm4b:s0+s2], $0x80, $0x38;
	[tilespmem:$0xC180] =	vst v63  }
0x43f: {  	_ =	swait.ge [sflag:s15], $0x80  }
0x440: {  	[sflag:s15] =	ssyncset.done $0x0  }
0x441: {  	[sflag:s15] =	ssyncadd.s32 $0xFFFFFF80  }
0x442: {  	[tilespmem:s14], [sflag:$0x1] =	stream.indirect.gather [hbm4b:s3+s16], $0x80, s2, s16, $0xb8;
	[tilespmem:$0xC180] =	vst v63  }
0x443: {  	_ =	swait.ge [sflag:s20], $0x4000  }
0x444: {  	s0 =	sld [smem:$0x7E2]  }
0x445: {  	[sflag:s20] =	ssyncset.done $0x0  }
0x446: {  	[sflag:s20] =	ssyncadd.s32 $0xFFFFC000  }
0x447: {  	[hbm4b:s0+s2] =	stream.linear.scatter [tilespmem:s10], [sflag:$0x5], $0x4000, $0x38;
	[tilespmem:$0xC180] =	vst v63  }
0x448: {  	_ =	swait.ge [sflag:s9], $0x4000  }
0x449: {  	s0 =	sld [smem:$0x7E3]  }
0x44a: {  	[sflag:s9] =	ssyncset.done $0x0  }
0x44b: {  	[sflag:s9] =	ssyncadd.s32 $0xFFFFC000  }
0x44c: {  	[tilespmem:s16], [sflag:$0x7] =	stream.linear.gather [hbm4b:s0+s2], $0x80, $0x38;
	[tilespmem:$0xC180] =	vst v63  }
0x44d: {  	_ =	swait.ge [sflag:s15], $0x80  }
0x44e: {  	[sflag:s15] =	ssyncset.done $0x0  }
0x44f: {  	[sflag:s15] =	ssyncadd.s32 $0xFFFFFF80  }
0x450: {  	[tilespmem:s10], [sflag:$0x2] =	stream.indirect.gather [hbm4b:s3+s16], $0x80, s16, s16, $0xb8;
	[tilespmem:$0xC180] =	vst v63  }
0x451: {  	_ =	swait.ge [sflag:s17], $0x4000  }
0x452: {  	s0 =	sld [smem:$0x7E4]  }
0x453: {  	[sflag:s17] =	ssyncset.done $0x0  }
0x454: {  	[sflag:s17] =	ssyncadd.s32 $0xFFFFC000  }
0x455: {  	[hbm4b:s0+s2] =	stream.linear.scatter [tilespmem:s7], [sflag:$0x6], $0x4000, $0x38;
	[tilespmem:$0xC180] =	vst v63  }
0x456: {  	_ =	swait.ge [sflag:s8], $0x4000  }
0x457: {  	s0 =	sld [smem:$0x7E5]  }
0x458: {  	[sflag:s8] =	ssyncset.done $0x0  }
0x459: {  	[sflag:s8] =	ssyncadd.s32 $0xFFFFC000  }
0x45a: {  	[tilespmem:s19], [sflag:$0x7] =	stream.linear.gather [hbm4b:s0+s2], $0x80, $0x38;
	[tilespmem:$0xC180] =	vst v63  }
0x45b: {  	_ =	swait.ge [sflag:s15], $0x80  }
0x45c: {  	[sflag:s15] =	ssyncset.done $0x0  }
0x45d: {  	[sflag:s15] =	ssyncadd.s32 $0xFFFFFF80  }
0x45e: {  	[tilespmem:s7], [sflag:$0x3] =	stream.indirect.gather [hbm4b:s3+s16], $0x80, s19, s16, $0xb8;
	[tilespmem:$0xC180] =	vst v63  }
0x45f: {  	_ =	swait.ge [sflag:s22], $0x4000  }
0x460: {  	s0 =	sld [smem:$0x7E6]  }
0x461: {  	[sflag:s22] =	ssyncset.done $0x0  }
0x462: {  	[sflag:s22] =	ssyncadd.s32 $0xFFFFC000  }
0x463: {  	[hbm4b:s0+s2] =	stream.linear.scatter [tilespmem:s14], [sflag:$0x4], $0x4000, $0x38;
	[tilespmem:$0xC180] =	vst v63  }
0x464: {  	_ =	swait.ge [sflag:s11], $0x4000  }
0x465: {  	s0 =	sld [smem:$0x7E7]  }
0x466: {  	[sflag:s11] =	ssyncset.done $0x0  }
0x467: {  	[sflag:s11] =	ssyncadd.s32 $0xFFFFC000  }
0x468: {  	[tilespmem:s2], [sflag:$0x7] =	stream.linear.gather [hbm4b:s0+s2], $0x80, $0x38;
	[tilespmem:$0xC180] =	vst v63  }
0x469: {  	_ =	swait.ge [sflag:s15], $0x80  }
0x46a: {  	[sflag:s15] =	ssyncset.done $0x0  }
0x46b: {  	[sflag:s15] =	ssyncadd.s32 $0xFFFFFF80  }
0x46c: {  	[tilespmem:s14], [sflag:$0x1] =	stream.indirect.gather [hbm4b:s3+s16], $0x80, s2, s16, $0xb8;
	[tilespmem:$0xC180] =	vst v63  }
0x46d: {  	_ =	swait.ge [sflag:s20], $0x4000  }
0x46e: {  	s0 =	sld [smem:$0x7E8]  }
0x46f: {  	[sflag:s20] =	ssyncset.done $0x0  }
0x470: {  	[sflag:s20] =	ssyncadd.s32 $0xFFFFC000  }
0x471: {  	[hbm4b:s0+s2] =	stream.linear.scatter [tilespmem:s10], [sflag:$0x5], $0x4000, $0x38;
	[tilespmem:$0xC180] =	vst v63  }
0x472: {  	_ =	swait.ge [sflag:s9], $0x4000  }
0x473: {  	s0 =	sld [smem:$0x7E9]  }
0x474: {  	[sflag:s9] =	ssyncset.done $0x0  }
0x475: {  	[sflag:s9] =	ssyncadd.s32 $0xFFFFC000  }
0x476: {  	[tilespmem:s16], [sflag:$0x7] =	stream.linear.gather [hbm4b:s0+s2], $0x80, $0x38;
	[tilespmem:$0xC180] =	vst v63  }
0x477: {  	_ =	swait.ge [sflag:s15], $0x80  }
0x478: {  	[sflag:s15] =	ssyncset.done $0x0  }
0x479: {  	[sflag:s15] =	ssyncadd.s32 $0xFFFFFF80  }
0x47a: {  	[tilespmem:s10], [sflag:$0x2] =	stream.indirect.gather [hbm4b:s3+s16], $0x80, s16, s16, $0xb8;
	[tilespmem:$0xC180] =	vst v63  }
0x47b: {  	_ =	swait.ge [sflag:s17], $0x4000  }
0x47c: {  	s0 =	sld [smem:$0x7EA]  }
0x47d: {  	[sflag:s17] =	ssyncset.done $0x0  }
0x47e: {  	[sflag:s17] =	ssyncadd.s32 $0xFFFFC000  }
0x47f: {  	[hbm4b:s0+s2] =	stream.linear.scatter [tilespmem:s7], [sflag:$0x6], $0x4000, $0x38;
	[tilespmem:$0xC180] =	vst v63  }
0x480: {  	_ =	swait.ge [sflag:s8], $0x4000  }
0x481: {  	s0 =	sld [smem:$0x7EB]  }
0x482: {  	[sflag:s8] =	ssyncset.done $0x0  }
0x483: {  	[sflag:s8] =	ssyncadd.s32 $0xFFFFC000  }
0x484: {  	[tilespmem:s19], [sflag:$0x7] =	stream.linear.gather [hbm4b:s0+s2], $0x80, $0x38;
	[tilespmem:$0xC180] =	vst v63  }
0x485: {  	_ =	swait.ge [sflag:s15], $0x80  }
0x486: {  	[sflag:s15] =	ssyncset.done $0x0  }
0x487: {  	[sflag:s15] =	ssyncadd.s32 $0xFFFFFF80  }
0x488: {  	[tilespmem:s7], [sflag:$0x3] =	stream.indirect.gather [hbm4b:s3+s16], $0x80, s19, s16, $0xb8;
	[tilespmem:$0xC180] =	vst v63  }
0x489: {  	_ =	swait.ge [sflag:s22], $0x4000  }
0x48a: {  	s0 =	sld [smem:$0x7EC]  }
0x48b: {  	[sflag:s22] =	ssyncset.done $0x0  }
0x48c: {  	[sflag:s22] =	ssyncadd.s32 $0xFFFFC000  }
0x48d: {  	[hbm4b:s0+s2] =	stream.linear.scatter [tilespmem:s14], [sflag:$0x4], $0x4000, $0x38;
	[tilespmem:$0xC180] =	vst v63  }
0x48e: {  	_ =	swait.ge [sflag:s11], $0x4000  }
0x48f: {  	s0 =	sld [smem:$0x7ED]  }
0x490: {  	[sflag:s11] =	ssyncset.done $0x0  }
0x491: {  	[sflag:s11] =	ssyncadd.s32 $0xFFFFC000  }
0x492: {  	[tilespmem:s2], [sflag:$0x7] =	stream.linear.gather [hbm4b:s0+s2], $0x80, $0x38;
	[tilespmem:$0xC180] =	vst v63  }
0x493: {  	_ =	swait.ge [sflag:s15], $0x80  }
0x494: {  	[sflag:s15] =	ssyncset.done $0x0  }
0x495: {  	[sflag:s15] =	ssyncadd.s32 $0xFFFFFF80  }
0x496: {  	[tilespmem:s14], [sflag:$0x1] =	stream.indirect.gather [hbm4b:s3+s16], $0x80, s2, s16, $0xb8;
	[tilespmem:$0xC180] =	vst v63  }
0x497: {  	_ =	swait.ge [sflag:s20], $0x4000  }
0x498: {  	s0 =	sld [smem:$0x7EE]  }
0x499: {  	[sflag:s20] =	ssyncset.done $0x0  }
0x49a: {  	[sflag:s20] =	ssyncadd.s32 $0xFFFFC000  }
0x49b: {  	[hbm4b:s0+s2] =	stream.linear.scatter [tilespmem:s10], [sflag:$0x5], $0x4000, $0x38;
	[tilespmem:$0xC180] =	vst v63  }
0x49c: {  	_ =	swait.ge [sflag:s9], $0x4000  }
0x49d: {  	s0 =	sld [smem:$0x7EF]  }
0x49e: {  	[sflag:s9] =	ssyncset.done $0x0  }
0x49f: {  	[sflag:s9] =	ssyncadd.s32 $0xFFFFC000  }
0x4a0: {  	[tilespmem:s16], [sflag:$0x7] =	stream.linear.gather [hbm4b:s0+s2], $0x80, $0x38;
	[tilespmem:$0xC180] =	vst v63  }
0x4a1: {  	_ =	swait.ge [sflag:s15], $0x80  }
0x4a2: {  	[sflag:s15] =	ssyncset.done $0x0  }
0x4a3: {  	[sflag:s15] =	ssyncadd.s32 $0xFFFFFF80  }
0x4a4: {  	[tilespmem:s10], [sflag:$0x2] =	stream.indirect.gather [hbm4b:s3+s16], $0x80, s16, s16, $0xb8;
	[tilespmem:$0xC180] =	vst v63  }
0x4a5: {  	_ =	swait.ge [sflag:s17], $0x4000  }
0x4a6: {  	s0 =	sld [smem:$0x7F0]  }
0x4a7: {  	[sflag:s17] =	ssyncset.done $0x0  }
0x4a8: {  	[sflag:s17] =	ssyncadd.s32 $0xFFFFC000  }
0x4a9: {  	[hbm4b:s0+s2] =	stream.linear.scatter [tilespmem:s7], [sflag:$0x6], $0x4000, $0x38;
	[tilespmem:$0xC180] =	vst v63  }
0x4aa: {  	_ =	swait.ge [sflag:s8], $0x4000  }
0x4ab: {  	s0 =	sld [smem:$0x7F1]  }
0x4ac: {  	[sflag:s8] =	ssyncset.done $0x0  }
0x4ad: {  	[sflag:s8] =	ssyncadd.s32 $0xFFFFC000  }
0x4ae: {  	[tilespmem:s19], [sflag:$0x7] =	stream.linear.gather [hbm4b:s0+s2], $0x80, $0x38;
	[tilespmem:$0xC180] =	vst v63  }
0x4af: {  	_ =	swait.ge [sflag:s15], $0x80  }
0x4b0: {  	[sflag:s15] =	ssyncset.done $0x0  }
0x4b1: {  	[sflag:s15] =	ssyncadd.s32 $0xFFFFFF80  }
0x4b2: {  	[tilespmem:s7], [sflag:$0x3] =	stream.indirect.gather [hbm4b:s3+s16], $0x80, s19, s16, $0xb8;
	[tilespmem:$0xC180] =	vst v63  }
0x4b3: {  	_ =	swait.ge [sflag:s22], $0x4000  }
0x4b4: {  	s0 =	sld [smem:$0x7F2]  }
0x4b5: {  	[sflag:s22] =	ssyncset.done $0x0  }
0x4b6: {  	[sflag:s22] =	ssyncadd.s32 $0xFFFFC000  }
0x4b7: {  	[hbm4b:s0+s2] =	stream.linear.scatter [tilespmem:s14], [sflag:$0x4], $0x4000, $0x38;
	[tilespmem:$0xC180] =	vst v63  }
0x4b8: {  	_ =	swait.ge [sflag:s11], $0x4000  }
0x4b9: {  	s0 =	sld [smem:$0x7F3]  }
0x4ba: {  	[sflag:s11] =	ssyncset.done $0x0  }
0x4bb: {  	[sflag:s11] =	ssyncadd.s32 $0xFFFFC000  }
0x4bc: {  	[tilespmem:s2], [sflag:$0x7] =	stream.linear.gather [hbm4b:s0+s2], $0x80, $0x38;
	[tilespmem:$0xC180] =	vst v63  }
0x4bd: {  	_ =	swait.ge [sflag:s15], $0x80  }
0x4be: {  	[sflag:s15] =	ssyncset.done $0x0  }
0x4bf: {  	[sflag:s15] =	ssyncadd.s32 $0xFFFFFF80  }
0x4c0: {  	[tilespmem:s14], [sflag:$0x1] =	stream.indirect.gather [hbm4b:s3+s16], $0x80, s2, s16, $0xb8;
	[tilespmem:$0xC180] =	vst v63  }
0x4c1: {  	_ =	swait.ge [sflag:s20], $0x4000  }
0x4c2: {  	s0 =	sld [smem:$0x7F4]  }
0x4c3: {  	[sflag:s20] =	ssyncset.done $0x0  }
0x4c4: {  	[sflag:s20] =	ssyncadd.s32 $0xFFFFC000  }
0x4c5: {  	[hbm4b:s0+s2] =	stream.linear.scatter [tilespmem:s10], [sflag:$0x5], $0x4000, $0x38;
	[tilespmem:$0xC180] =	vst v63  }
0x4c6: {  	_ =	swait.ge [sflag:s9], $0x4000  }
0x4c7: {  	s0 =	sld [smem:$0x7F5]  }
0x4c8: {  	[sflag:s9] =	ssyncset.done $0x0  }
0x4c9: {  	[sflag:s9] =	ssyncadd.s32 $0xFFFFC000  }
0x4ca: {  	[tilespmem:s16], [sflag:$0x7] =	stream.linear.gather [hbm4b:s0+s2], $0x80, $0x38;
	[tilespmem:$0xC180] =	vst v63  }
0x4cb: {  	_ =	swait.ge [sflag:s15], $0x80  }
0x4cc: {  	[sflag:s15] =	ssyncset.done $0x0  }
0x4cd: {  	[sflag:s15] =	ssyncadd.s32 $0xFFFFFF80  }
0x4ce: {  	[tilespmem:s10], [sflag:$0x2] =	stream.indirect.gather [hbm4b:s3+s16], $0x80, s16, s16, $0xb8;
	[tilespmem:$0xC180] =	vst v63  }
0x4cf: {  	_ =	swait.ge [sflag:s17], $0x4000  }
0x4d0: {  	s0 =	sld [smem:$0x7F6]  }
0x4d1: {  	[sflag:s17] =	ssyncset.done $0x0  }
0x4d2: {  	[sflag:s17] =	ssyncadd.s32 $0xFFFFC000  }
0x4d3: {  	[hbm4b:s0+s2] =	stream.linear.scatter [tilespmem:s7], [sflag:$0x6], $0x4000, $0x38;
	[tilespmem:$0xC180] =	vst v63  }
0x4d4: {  	_ =	swait.ge [sflag:s8], $0x4000  }
0x4d5: {  	s0 =	sld [smem:$0x7F7]  }
0x4d6: {  	[sflag:s8] =	ssyncset.done $0x0  }
0x4d7: {  	[sflag:s8] =	ssyncadd.s32 $0xFFFFC000  }
0x4d8: {  	[tilespmem:s19], [sflag:$0x7] =	stream.linear.gather [hbm4b:s0+s2], $0x80, $0x38;
	[tilespmem:$0xC180] =	vst v63  }
0x4d9: {  	_ =	swait.ge [sflag:s15], $0x80  }
0x4da: {  	[sflag:s15] =	ssyncset.done $0x0  }
0x4db: {  	[sflag:s15] =	ssyncadd.s32 $0xFFFFFF80  }
0x4dc: {  	[tilespmem:s7], [sflag:$0x3] =	stream.indirect.gather [hbm4b:s3+s16], $0x80, s19, s16, $0xb8;
	[tilespmem:$0xC180] =	vst v63  }
0x4dd: {  	_ =	swait.ge [sflag:s22], $0x4000  }
0x4de: {  	s0 =	sld [smem:$0x7F8]  }
0x4df: {  	[sflag:s22] =	ssyncset.done $0x0  }
0x4e0: {  	[sflag:s22] =	ssyncadd.s32 $0xFFFFC000  }
0x4e1: {  	[hbm4b:s0+s2] =	stream.linear.scatter [tilespmem:s14], [sflag:$0x4], $0x4000, $0x38;
	[tilespmem:$0xC180] =	vst v63  }
0x4e2: {  	_ =	swait.ge [sflag:s11], $0x4000  }
0x4e3: {  	s0 =	sld [smem:$0x7F9]  }
0x4e4: {  	[sflag:s11] =	ssyncset.done $0x0  }
0x4e5: {  	[sflag:s11] =	ssyncadd.s32 $0xFFFFC000  }
0x4e6: {  	[tilespmem:s2], [sflag:$0x7] =	stream.linear.gather [hbm4b:s0+s2], $0x80, $0x38;
	[tilespmem:$0xC180] =	vst v63  }
0x4e7: {  	_ =	swait.ge [sflag:s15], $0x80  }
0x4e8: {  	[sflag:s15] =	ssyncset.done $0x0  }
0x4e9: {  	[sflag:s15] =	ssyncadd.s32 $0xFFFFFF80  }
0x4ea: {  	[tilespmem:s14], [sflag:$0x1] =	stream.indirect.gather [hbm4b:s3+s16], $0x80, s2, s16, $0xb8;
	[tilespmem:$0xC180] =	vst v63  }
0x4eb: {  	_ =	swait.ge [sflag:s20], $0x4000  }
0x4ec: {  	s0 =	sld [smem:$0x7FA]  }
0x4ed: {  	[sflag:s20] =	ssyncset.done $0x0  }
0x4ee: {  	[sflag:s20] =	ssyncadd.s32 $0xFFFFC000  }
0x4ef: {  	[hbm4b:s0+s2] =	stream.linear.scatter [tilespmem:s10], [sflag:$0x5], $0x4000, $0x38;
	[tilespmem:$0xC180] =	vst v63  }
0x4f0: {  	_ =	swait.ge [sflag:s9], $0x4000  }
0x4f1: {  	s0 =	sld [smem:$0x7FB]  }
0x4f2: {  	[sflag:s9] =	ssyncset.done $0x0  }
0x4f3: {  	[sflag:s9] =	ssyncadd.s32 $0xFFFFC000  }
0x4f4: {  	[tilespmem:s16], [sflag:$0x7] =	stream.linear.gather [hbm4b:s0+s2], $0x80, $0x38;
	[tilespmem:$0xC180] =	vst v63  }
0x4f5: {  	_ =	swait.ge [sflag:s15], $0x80  }
0x4f6: {  	[sflag:s15] =	ssyncset.done $0x0  }
0x4f7: {  	[sflag:s15] =	ssyncadd.s32 $0xFFFFFF80  }
0x4f8: {  	[tilespmem:s10], [sflag:$0x2] =	stream.indirect.gather [hbm4b:s3+s16], $0x80, s16, s16, $0xb8;
	[tilespmem:$0xC180] =	vst v63  }
0x4f9: {  	_ =	swait.ge [sflag:s17], $0x4000  }
0x4fa: {  	s0 =	sld [smem:$0x7FC]  }
0x4fb: {  	[sflag:s17] =	ssyncset.done $0x0  }
0x4fc: {  	[sflag:s17] =	ssyncadd.s32 $0xFFFFC000  }
0x4fd: {  	[hbm4b:s0+s2] =	stream.linear.scatter [tilespmem:s7], [sflag:$0x6], $0x4000, $0x38;
	[tilespmem:$0xC180] =	vst v63  }
0x4fe: {  	_ =	swait.ge [sflag:s8], $0x4000  }
0x4ff: {  	s0 =	sld [smem:$0x7FD]  }
0x500: {  	[sflag:s8] =	ssyncset.done $0x0  }
0x501: {  	[sflag:s8] =	ssyncadd.s32 $0xFFFFC000  }
0x502: {  	[tilespmem:s19], [sflag:$0x7] =	stream.linear.gather [hbm4b:s0+s2], $0x80, $0x38;
	[tilespmem:$0xC180] =	vst v63  }
0x503: {  	_ =	swait.ge [sflag:s15], $0x80  }
0x504: {  	[sflag:s15] =	ssyncset.done $0x0  }
0x505: {  	[sflag:s15] =	ssyncadd.s32 $0xFFFFFF80  }
0x506: {  	[tilespmem:s7], [sflag:$0x3] =	stream.indirect.gather [hbm4b:s3+s16], $0x80, s19, s16, $0xb8;
	[tilespmem:$0xC180] =	vst v63  }
0x507: {  	_ =	swait.ge [sflag:s22], $0x4000  }
0x508: {  	[sflag:s22] =	ssyncset.done $0x0  }
0x509: {  	[sflag:s22] =	ssyncadd.s32 $0xFFFFC000  }
0x50a: {  	[hbm4b:s31+s2] =	stream.linear.scatter [tilespmem:s14], [sflag:$0x4], $0x4000, $0x38;
	[tilespmem:$0xC180] =	vst v63  }
0x50b: {  	_ =	swait.ge [sflag:s11], $0x4000  }
0x50c: {  	[sflag:s11] =	ssyncset.done $0x0  }
0x50d: {  	[sflag:s11] =	ssyncadd.s32 $0xFFFFC000  }
0x50e: {  	[tilespmem:s2], [sflag:$0x7] =	stream.linear.gather [hbm4b:s30+s2], $0x80, $0x38;
	[tilespmem:$0xC180] =	vst v63  }
0x50f: {  	_ =	swait.ge [sflag:s15], $0x80  }
0x510: {  	[sflag:s15] =	ssyncset.done $0x0  }
0x511: {  	[sflag:s15] =	ssyncadd.s32 $0xFFFFFF80  }
0x512: {  	[tilespmem:s14], [sflag:$0x1] =	stream.indirect.gather [hbm4b:s3+s16], $0x80, s2, s16, $0xb8;
	[tilespmem:$0xC180] =	vst v63  }
0x513: {  	_ =	swait.ge [sflag:s20], $0x4000  }
0x514: {  	[sflag:s20] =	ssyncset.done $0x0  }
0x515: {  	[sflag:s20] =	ssyncadd.s32 $0xFFFFC000  }
0x516: {  	[hbm4b:s28+s2] =	stream.linear.scatter [tilespmem:s10], [sflag:$0x5], $0x4000, $0x38;
	[tilespmem:$0xC180] =	vst v63  }
0x517: {  	_ =	swait.ge [sflag:s9], $0x4000  }
0x518: {  	[sflag:s9] =	ssyncset.done $0x0  }
0x519: {  	[sflag:s9] =	ssyncadd.s32 $0xFFFFC000  }
0x51a: {  	[tilespmem:s16], [sflag:$0x7] =	stream.linear.gather [hbm4b:s29+s2], $0x80, $0x38;
	[tilespmem:$0xC180] =	vst v63  }
0x51b: {  	_ =	swait.ge [sflag:s15], $0x80  }
0x51c: {  	[sflag:s15] =	ssyncset.done $0x0  }
0x51d: {  	[sflag:s15] =	ssyncadd.s32 $0xFFFFFF80  }
0x51e: {  	[tilespmem:s10], [sflag:$0x2] =	stream.indirect.gather [hbm4b:s3+s16], $0x80, s16, s16, $0xb8;
	[tilespmem:$0xC180] =	vst v63  }
0x51f: {  	_ =	swait.ge [sflag:s17], $0x4000  }
0x520: {  	[sflag:s17] =	ssyncset.done $0x0  }
0x521: {  	[sflag:s17] =	ssyncadd.s32 $0xFFFFC000  }
0x522: {  	[hbm4b:s26+s2] =	stream.linear.scatter [tilespmem:s7], [sflag:$0x6], $0x4000, $0x38;
	[tilespmem:$0xC180] =	vst v63  }
0x523: {  	_ =	swait.ge [sflag:s8], $0x4000  }
0x524: {  	[sflag:s8] =	ssyncset.done $0x0  }
0x525: {  	[sflag:s8] =	ssyncadd.s32 $0xFFFFC000  }
0x526: {  	[tilespmem:s19], [sflag:$0x7] =	stream.linear.gather [hbm4b:s25+s2], $0x80, $0x38;
	[tilespmem:$0xC180] =	vst v63  }
0x527: {  	_ =	swait.ge [sflag:s15], $0x80  }
0x528: {  	[sflag:s15] =	ssyncset.done $0x0  }
0x529: {  	[sflag:s15] =	ssyncadd.s32 $0xFFFFFF80  }
0x52a: {  	[tilespmem:s7], [sflag:$0x3] =	stream.indirect.gather [hbm4b:s3+s16], $0x80, s19, s16, $0xb8;
	[tilespmem:$0xC180] =	vst v63  }
0x52b: {  	_ =	swait.ge [sflag:s22], $0x4000  }
0x52c: {  	[sflag:s22] =	ssyncset.done $0x0  }
0x52d: {  	[sflag:s22] =	ssyncadd.s32 $0xFFFFC000  }
0x52e: {  	[hbm4b:s24+s2] =	stream.linear.scatter [tilespmem:s14], [sflag:$0x4], $0x4000, $0x38;
	[tilespmem:$0xC180] =	vst v63  }
0x52f: {  	_ =	swait.ge [sflag:s11], $0x4000  }
0x530: {  	[sflag:s11] =	ssyncset.done $0x0  }
0x531: {  	[sflag:s11] =	ssyncadd.s32 $0xFFFFC000  }
0x532: {  	[tilespmem:s2], [sflag:$0x7] =	stream.linear.gather [hbm4b:s23+s2], $0x80, $0x38;
	[tilespmem:$0xC180] =	vst v63  }
0x533: {  	_ =	swait.ge [sflag:s15], $0x80  }
0x534: {  	[sflag:s15] =	ssyncset.done $0x0  }
0x535: {  	[sflag:s15] =	ssyncadd.s32 $0xFFFFFF80  }
0x536: {  	[tilespmem:s14], [sflag:$0x1] =	stream.indirect.gather [hbm4b:s3+s16], $0x80, s2, s16, $0xb8;
	[tilespmem:$0xC180] =	vst v63  }
0x537: {  	_ =	swait.ge [sflag:s20], $0x4000  }
0x538: {  	[sflag:s20] =	ssyncset.done $0x0  }
0x539: {  	[sflag:s20] =	ssyncadd.s32 $0xFFFFC000  }
0x53a: {  	[hbm4b:s18+s2] =	stream.linear.scatter [tilespmem:s10], [sflag:$0x5], $0x4000, $0x38;
	[tilespmem:$0xC180] =	vst v63  }
0x53b: {  	_ =	swait.ge [sflag:s9], $0x4000  }
0x53c: {  	[sflag:s9] =	ssyncset.done $0x0  }
0x53d: {  	[sflag:s9] =	ssyncadd.s32 $0xFFFFC000  }
0x53e: {  	[tilespmem:s16], [sflag:$0x7] =	stream.linear.gather [hbm4b:s21+s2], $0x80, $0x38;
	[tilespmem:$0xC180] =	vst v63  }
0x53f: {  	_ =	swait.ge [sflag:s15], $0x80  }
0x540: {  	[sflag:s15] =	ssyncset.done $0x0  }
0x541: {  	[sflag:s15] =	ssyncadd.s32 $0xFFFFFF80  }
0x542: {  	[tilespmem:s10], [sflag:$0x2] =	stream.indirect.gather [hbm4b:s3+s16], $0x80, s16, s16, $0xb8;
	[tilespmem:$0xC180] =	vst v63  }
0x543: {  	_ =	swait.ge [sflag:s17], $0x4000  }
0x544: {  	[sflag:s17] =	ssyncset.done $0x0  }
0x545: {  	[sflag:s17] =	ssyncadd.s32 $0xFFFFC000  }
0x546: {  	[hbm4b:s13+s2] =	stream.linear.scatter [tilespmem:s7], [sflag:$0x6], $0x4000, $0x38;
	[tilespmem:$0xC180] =	vst v63  }
0x547: {  	_ =	swait.ge [sflag:s8], $0x4000  }
0x548: {  	[sflag:s8] =	ssyncset.done $0x0  }
0x549: {  	[sflag:s8] =	ssyncadd.s32 $0xFFFFC000  }
0x54a: {  	[tilespmem:s19], [sflag:$0x7] =	stream.linear.gather [hbm4b:s12+s2], $0x80, $0x38;
	[tilespmem:$0xC180] =	vst v63  }
0x54b: {  	_ =	swait.ge [sflag:s15], $0x80  }
0x54c: {  	[sflag:s15] =	ssyncset.done $0x0  }
0x54d: {  	[sflag:s15] =	ssyncadd.s32 $0xFFFFFF80  }
0x54e: {  	[tilespmem:s7], [sflag:$0x3] =	stream.indirect.gather [hbm4b:s3+s16], $0x80, s19, s16, $0xb8;
	[tilespmem:$0xC180] =	vst v63  }
0x54f: {  	_ =	swait.ge [sflag:s22], $0x4000  }
0x550: {  	[sflag:s22] =	ssyncset.done $0x0  }
0x551: {  	[sflag:s22] =	ssyncadd.s32 $0xFFFFC000  }
0x552: {  	[hbm4b:s6+s2] =	stream.linear.scatter [tilespmem:s14], [sflag:$0x4], $0x4000, $0x38;
	[tilespmem:$0xC180] =	vst v63  }
0x553: {  	_ =	swait.ge [sflag:s20], $0x4000  }
0x554: {  	[sflag:s20] =	ssyncset.done $0x0  }
0x555: {  	[sflag:s20] =	ssyncadd.s32 $0xFFFFC000  }
0x556: {  	[hbm4b:s5+s2] =	stream.linear.scatter [tilespmem:s10], [sflag:$0x5], $0x4000, $0x38;
	[tilespmem:$0xC180] =	vst v63  }
0x557: {  	_ =	swait.ge [sflag:s17], $0x4000  }
0x558: {  	[sflag:s17] =	ssyncset.done $0x0  }
0x559: {  	[sflag:s17] =	ssyncadd.s32 $0xFFFFC000  }
0x55a: {  	[hbm4b:s4+s2] =	stream.linear.scatter [tilespmem:s7], [sflag:$0x6], $0x4000, $0x38;
	[tilespmem:$0xC180] =	vst v63  }
0x55b: {  	_ =	swait.ge [sflag:s11], $0x4000  }
0x55c: {  	[sflag:s11] =	ssyncset.done $0x0  }
0x55d: {  	p1 =	sne.s32 s1, $0x1;
	[sflag:s11] =	ssyncadd.s32 $0xFFFFC000  }
.Ltmp2:
0x55e: {  	_ =	swait.ge [sflag:s9], $0x4000;
	(pc) =	sbr.rel @p1 .LBB2_2-.Ltmp2, $4  }
0x55f: {  	[sflag:s9] =	ssyncset.done $0x0  }
0x560: {  	[sflag:s9] =	ssyncadd.s32 $0xFFFFC000  }
0x561: {  	_ =	swait.ge [sflag:s8], $0x4000  }
0x562: {  	s1 =	sadd.s32 $0xFFFFFFFF, s1;
	s0 =	rddreg [dreg:$0x3];
	[sflag:s8] =	ssyncset.done $0x0  }
.LBB2_3:
0x563: {  	[sflag:s8] =	ssyncadd.s32 @p0 $0xFFFFC000  }
0x564: {  	[tilespmem:s2], [sflag:$0x7] =	stream.linear.gather [hbm4b:s0+s2], $0x80, $0x38;
	[tilespmem:$0xC180] =	vst v63  }
0x565: {  	_ =	swait.ge [sflag:s15], $0x80  }
0x566: {  	[sflag:s15] =	ssyncset.done $0x0  }
0x567: {  	[sflag:s15] =	ssyncadd.s32 $0xFFFFFF80  }
0x568: {  	[tilespmem:s14], [sflag:$0x1] =	stream.indirect.gather [hbm4b:s3+s16], $0x80, s2, s16, $0xb8;
	[tilespmem:$0xC180] =	vst v63  }
0x569: {  	s1 =	rddreg [dreg:$0x4]  }
0x56a: {  	[tilespmem:s16], [sflag:$0x7] =	stream.linear.gather [hbm4b:s1+s2], $0x80, $0x38;
	[tilespmem:$0xC180] =	vst v63  }
0x56b: {  	_ =	swait.ge [sflag:s15], $0x80  }
0x56c: {  	[sflag:s15] =	ssyncset.done $0x0  }
0x56d: {  	[sflag:s15] =	ssyncadd.s32 $0xFFFFFF80  }
0x56e: {  	[tilespmem:s10], [sflag:$0x2] =	stream.indirect.gather [hbm4b:s3+s16], $0x80, s16, s16, $0xb8;
	[tilespmem:$0xC180] =	vst v63  }
0x56f: {  	s1 =	rddreg [dreg:$0x5]  }
0x570: {  	[tilespmem:s19], [sflag:$0x7] =	stream.linear.gather [hbm4b:s1+s2], $0x80, $0x38;
	[tilespmem:$0xC180] =	vst v63  }
0x571: {  	_ =	swait.ge [sflag:s15], $0x80  }
0x572: {  	[sflag:s15] =	ssyncset.done $0x0  }
0x573: {  	[sflag:s15] =	ssyncadd.s32 $0xFFFFFF80  }
0x574: {  	[tilespmem:s7], [sflag:$0x3] =	stream.indirect.gather [hbm4b:s3+s16], $0x80, s19, s16, $0xb8;
	[tilespmem:$0xC180] =	vst v63  }
0x575: {  	_ =	swait.ge [sflag:s22], $0x4000  }
0x576: {  	s1 =	rddreg [dreg:$0x6];
	[sflag:s22] =	ssyncset.done $0x0  }
0x577: {  	[sflag:s22] =	ssyncadd.s32 $0xFFFFC000  }
0x578: {  	[hbm4b:s1+s2] =	stream.linear.scatter [tilespmem:s14], [sflag:$0x4], $0x4000, $0x38;
	[tilespmem:$0xC180] =	vst v63  }
0x579: {  	_ =	swait.ge [sflag:s11], $0x4000  }
0x57a: {  	[sflag:s11] =	ssyncset.done $0x0  }
0x57b: {  	s1 =	rddreg [dreg:$0x7];
	[sflag:s11] =	ssyncadd.s32 $0xFFFFC000  }
0x57c: {  	[tilespmem:s2], [sflag:$0x7] =	stream.linear.gather [hbm4b:s1+s2], $0x80, $0x38;
	[tilespmem:$0xC180] =	vst v63  }
0x57d: {  	_ =	swait.ge [sflag:s15], $0x80  }
0x57e: {  	[sflag:s15] =	ssyncset.done $0x0  }
0x57f: {  	[sflag:s15] =	ssyncadd.s32 $0xFFFFFF80  }
0x580: {  	[tilespmem:s14], [sflag:$0x1] =	stream.indirect.gather [hbm4b:s3+s16], $0x80, s2, s16, $0xb8;
	[tilespmem:$0xC180] =	vst v63  }
0x581: {  	_ =	swait.ge [sflag:s20], $0x4000  }
0x582: {  	[sflag:s20] =	ssyncset.done $0x0  }
0x583: {  	s1 =	rddreg [dreg:$0x8];
	[sflag:s20] =	ssyncadd.s32 $0xFFFFC000  }
0x584: {  	[hbm4b:s1+s2] =	stream.linear.scatter [tilespmem:s10], [sflag:$0x5], $0x4000, $0x38;
	[tilespmem:$0xC180] =	vst v63  }
0x585: {  	_ =	swait.ge [sflag:s9], $0x4000  }
0x586: {  	[sflag:s9] =	ssyncset.done $0x0  }
0x587: {  	s1 =	rddreg [dreg:$0x9];
	[sflag:s9] =	ssyncadd.s32 $0xFFFFC000  }
0x588: {  	[tilespmem:s16], [sflag:$0x7] =	stream.linear.gather [hbm4b:s1+s2], $0x80, $0x38;
	[tilespmem:$0xC180] =	vst v63  }
0x589: {  	_ =	swait.ge [sflag:s15], $0x80  }
0x58a: {  	[sflag:s15] =	ssyncset.done $0x0  }
0x58b: {  	[sflag:s15] =	ssyncadd.s32 $0xFFFFFF80  }
0x58c: {  	[tilespmem:s10], [sflag:$0x2] =	stream.indirect.gather [hbm4b:s3+s16], $0x80, s16, s16, $0xb8;
	[tilespmem:$0xC180] =	vst v63  }
0x58d: {  	_ =	swait.ge [sflag:s17], $0x4000  }
0x58e: {  	[sflag:s17] =	ssyncset.done $0x0  }
0x58f: {  	s1 =	rddreg [dreg:$0xa];
	[sflag:s17] =	ssyncadd.s32 $0xFFFFC000  }
0x590: {  	[hbm4b:s1+s2] =	stream.linear.scatter [tilespmem:s7], [sflag:$0x6], $0x4000, $0x38;
	[tilespmem:$0xC180] =	vst v63  }
0x591: {  	_ =	swait.ge [sflag:s8], $0x4000  }
0x592: {  	[sflag:s8] =	ssyncset.done $0x0  }
0x593: {  	s1 =	rddreg [dreg:$0xb];
	[sflag:s8] =	ssyncadd.s32 $0xFFFFC000  }
0x594: {  	[tilespmem:s19], [sflag:$0x7] =	stream.linear.gather [hbm4b:s1+s2], $0x80, $0x38;
	[tilespmem:$0xC180] =	vst v63  }
0x595: {  	_ =	swait.ge [sflag:s15], $0x80  }
0x596: {  	[sflag:s15] =	ssyncset.done $0x0  }
0x597: {  	[sflag:s15] =	ssyncadd.s32 $0xFFFFFF80  }
0x598: {  	[tilespmem:s7], [sflag:$0x3] =	stream.indirect.gather [hbm4b:s3+s16], $0x80, s19, s16, $0xb8;
	[tilespmem:$0xC180] =	vst v63  }
0x599: {  	_ =	swait.ge [sflag:s22], $0x4000  }
0x59a: {  	[sflag:s22] =	ssyncset.done $0x0  }
0x59b: {  	s1 =	rddreg [dreg:$0xc];
	[sflag:s22] =	ssyncadd.s32 $0xFFFFC000  }
0x59c: {  	[hbm4b:s1+s2] =	stream.linear.scatter [tilespmem:s14], [sflag:$0x4], $0x4000, $0x38;
	[tilespmem:$0xC180] =	vst v63  }
0x59d: {  	_ =	swait.ge [sflag:s11], $0x4000  }
0x59e: {  	[sflag:s11] =	ssyncset.done $0x0  }
0x59f: {  	s1 =	rddreg [dreg:$0xd];
	[sflag:s11] =	ssyncadd.s32 $0xFFFFC000  }
0x5a0: {  	[tilespmem:s2], [sflag:$0x7] =	stream.linear.gather [hbm4b:s1+s2], $0x80, $0x38;
	[tilespmem:$0xC180] =	vst v63  }
0x5a1: {  	_ =	swait.ge [sflag:s15], $0x80  }
0x5a2: {  	[sflag:s15] =	ssyncset.done $0x0  }
0x5a3: {  	[sflag:s15] =	ssyncadd.s32 $0xFFFFFF80  }
0x5a4: {  	[tilespmem:s14], [sflag:$0x1] =	stream.indirect.gather [hbm4b:s3+s16], $0x80, s2, s16, $0xb8;
	[tilespmem:$0xC180] =	vst v63  }
0x5a5: {  	_ =	swait.ge [sflag:s20], $0x4000  }
0x5a6: {  	[sflag:s20] =	ssyncset.done $0x0  }
0x5a7: {  	s1 =	rddreg [dreg:$0xe];
	[sflag:s20] =	ssyncadd.s32 $0xFFFFC000  }
0x5a8: {  	[hbm4b:s1+s2] =	stream.linear.scatter [tilespmem:s10], [sflag:$0x5], $0x4000, $0x38;
	[tilespmem:$0xC180] =	vst v63  }
0x5a9: {  	_ =	swait.ge [sflag:s9], $0x4000  }
0x5aa: {  	[sflag:s9] =	ssyncset.done $0x0  }
0x5ab: {  	s1 =	rddreg [dreg:$0xf];
	[sflag:s9] =	ssyncadd.s32 $0xFFFFC000  }
0x5ac: {  	[tilespmem:s16], [sflag:$0x7] =	stream.linear.gather [hbm4b:s1+s2], $0x80, $0x38;
	[tilespmem:$0xC180] =	vst v63  }
0x5ad: {  	_ =	swait.ge [sflag:s15], $0x80  }
0x5ae: {  	[sflag:s15] =	ssyncset.done $0x0  }
0x5af: {  	[sflag:s15] =	ssyncadd.s32 $0xFFFFFF80  }
0x5b0: {  	[tilespmem:s10], [sflag:$0x2] =	stream.indirect.gather [hbm4b:s3+s16], $0x80, s16, s16, $0xb8;
	[tilespmem:$0xC180] =	vst v63  }
0x5b1: {  	_ =	swait.ge [sflag:s17], $0x4000  }
0x5b2: {  	[sflag:s17] =	ssyncset.done $0x0  }
0x5b3: {  	s1 =	rddreg [dreg:$0x10];
	[sflag:s17] =	ssyncadd.s32 $0xFFFFC000  }
0x5b4: {  	[hbm4b:s1+s2] =	stream.linear.scatter [tilespmem:s7], [sflag:$0x6], $0x4000, $0x38;
	[tilespmem:$0xC180] =	vst v63  }
0x5b5: {  	_ =	swait.ge [sflag:s8], $0x4000  }
0x5b6: {  	[sflag:s8] =	ssyncset.done $0x0  }
0x5b7: {  	s1 =	rddreg [dreg:$0x11];
	[sflag:s8] =	ssyncadd.s32 $0xFFFFC000  }
0x5b8: {  	[tilespmem:s19], [sflag:$0x7] =	stream.linear.gather [hbm4b:s1+s2], $0x80, $0x38;
	[tilespmem:$0xC180] =	vst v63  }
0x5b9: {  	_ =	swait.ge [sflag:s15], $0x80  }
0x5ba: {  	[sflag:s15] =	ssyncset.done $0x0  }
0x5bb: {  	[sflag:s15] =	ssyncadd.s32 $0xFFFFFF80  }
0x5bc: {  	[tilespmem:s7], [sflag:$0x3] =	stream.indirect.gather [hbm4b:s3+s16], $0x80, s19, s16, $0xb8;
	[tilespmem:$0xC180] =	vst v63  }
0x5bd: {  	_ =	swait.ge [sflag:s22], $0x4000  }
0x5be: {  	[sflag:s22] =	ssyncset.done $0x0  }
0x5bf: {  	s1 =	rddreg [dreg:$0x12];
	[sflag:s22] =	ssyncadd.s32 $0xFFFFC000  }
0x5c0: {  	[hbm4b:s1+s2] =	stream.linear.scatter [tilespmem:s14], [sflag:$0x4], $0x4000, $0x38;
	[tilespmem:$0xC180] =	vst v63  }
0x5c1: {  	_ =	swait.ge [sflag:s11], $0x4000  }
0x5c2: {  	[sflag:s11] =	ssyncset.done $0x0  }
0x5c3: {  	s1 =	rddreg [dreg:$0x13];
	[sflag:s11] =	ssyncadd.s32 $0xFFFFC000  }
0x5c4: {  	[tilespmem:s2], [sflag:$0x7] =	stream.linear.gather [hbm4b:s1+s2], $0x80, $0x38;
	[tilespmem:$0xC180] =	vst v63  }
0x5c5: {  	_ =	swait.ge [sflag:s15], $0x80  }
0x5c6: {  	[sflag:s15] =	ssyncset.done $0x0  }
0x5c7: {  	[sflag:s15] =	ssyncadd.s32 $0xFFFFFF80  }
0x5c8: {  	[tilespmem:s14], [sflag:$0x1] =	stream.indirect.gather [hbm4b:s3+s16], $0x80, s2, s16, $0xb8;
	[tilespmem:$0xC180] =	vst v63  }
0x5c9: {  	_ =	swait.ge [sflag:s20], $0x4000  }
0x5ca: {  	[sflag:s20] =	ssyncset.done $0x0  }
0x5cb: {  	s1 =	rddreg [dreg:$0x14];
	[sflag:s20] =	ssyncadd.s32 $0xFFFFC000  }
0x5cc: {  	[hbm4b:s1+s2] =	stream.linear.scatter [tilespmem:s10], [sflag:$0x5], $0x4000, $0x38;
	[tilespmem:$0xC180] =	vst v63  }
0x5cd: {  	_ =	swait.ge [sflag:s9], $0x4000  }
0x5ce: {  	[sflag:s9] =	ssyncset.done $0x0  }
0x5cf: {  	s1 =	rddreg [dreg:$0x15];
	[sflag:s9] =	ssyncadd.s32 $0xFFFFC000  }
0x5d0: {  	[tilespmem:s16], [sflag:$0x7] =	stream.linear.gather [hbm4b:s1+s2], $0x80, $0x38;
	[tilespmem:$0xC180] =	vst v63  }
0x5d1: {  	_ =	swait.ge [sflag:s15], $0x80  }
0x5d2: {  	[sflag:s15] =	ssyncset.done $0x0  }
0x5d3: {  	[sflag:s15] =	ssyncadd.s32 $0xFFFFFF80  }
0x5d4: {  	[tilespmem:s10], [sflag:$0x2] =	stream.indirect.gather [hbm4b:s3+s16], $0x80, s16, s16, $0xb8;
	[tilespmem:$0xC180] =	vst v63  }
0x5d5: {  	_ =	swait.ge [sflag:s17], $0x4000  }
0x5d6: {  	[sflag:s17] =	ssyncset.done $0x0  }
0x5d7: {  	s1 =	rddreg [dreg:$0x16];
	[sflag:s17] =	ssyncadd.s32 $0xFFFFC000  }
0x5d8: {  	[hbm4b:s1+s2] =	stream.linear.scatter [tilespmem:s7], [sflag:$0x6], $0x4000, $0x38;
	[tilespmem:$0xC180] =	vst v63  }
0x5d9: {  	_ =	swait.ge [sflag:s8], $0x4000  }
0x5da: {  	[sflag:s8] =	ssyncset.done $0x0  }
0x5db: {  	s1 =	rddreg [dreg:$0x17];
	[sflag:s8] =	ssyncadd.s32 $0xFFFFC000  }
0x5dc: {  	[tilespmem:s19], [sflag:$0x7] =	stream.linear.gather [hbm4b:s1+s2], $0x80, $0x38;
	[tilespmem:$0xC180] =	vst v63  }
0x5dd: {  	_ =	swait.ge [sflag:s15], $0x80  }
0x5de: {  	[sflag:s15] =	ssyncset.done $0x0  }
0x5df: {  	[sflag:s15] =	ssyncadd.s32 $0xFFFFFF80  }
0x5e0: {  	[tilespmem:s7], [sflag:$0x3] =	stream.indirect.gather [hbm4b:s3+s16], $0x80, s19, s16, $0xb8;
	[tilespmem:$0xC180] =	vst v63  }
0x5e1: {  	_ =	swait.ge [sflag:s22], $0x4000  }
0x5e2: {  	[sflag:s22] =	ssyncset.done $0x0  }
0x5e3: {  	s1 =	rddreg [dreg:$0x18];
	[sflag:s22] =	ssyncadd.s32 $0xFFFFC000  }
0x5e4: {  	[hbm4b:s1+s2] =	stream.linear.scatter [tilespmem:s14], [sflag:$0x4], $0x4000, $0x38;
	[tilespmem:$0xC180] =	vst v63  }
0x5e5: {  	_ =	swait.ge [sflag:s11], $0x4000  }
0x5e6: {  	[sflag:s11] =	ssyncset.done $0x0  }
0x5e7: {  	s1 =	rddreg [dreg:$0x19];
	[sflag:s11] =	ssyncadd.s32 $0xFFFFC000  }
0x5e8: {  	[tilespmem:s2], [sflag:$0x7] =	stream.linear.gather [hbm4b:s1+s2], $0x80, $0x38;
	[tilespmem:$0xC180] =	vst v63  }
0x5e9: {  	_ =	swait.ge [sflag:s15], $0x80  }
0x5ea: {  	[sflag:s15] =	ssyncset.done $0x0  }
0x5eb: {  	[sflag:s15] =	ssyncadd.s32 $0xFFFFFF80  }
0x5ec: {  	[tilespmem:s14], [sflag:$0x1] =	stream.indirect.gather [hbm4b:s3+s16], $0x80, s2, s16, $0xb8;
	[tilespmem:$0xC180] =	vst v63  }
0x5ed: {  	_ =	swait.ge [sflag:s20], $0x4000  }
0x5ee: {  	[sflag:s20] =	ssyncset.done $0x0  }
0x5ef: {  	s1 =	rddreg [dreg:$0x1a];
	[sflag:s20] =	ssyncadd.s32 $0xFFFFC000  }
0x5f0: {  	[hbm4b:s1+s2] =	stream.linear.scatter [tilespmem:s10], [sflag:$0x5], $0x4000, $0x38;
	[tilespmem:$0xC180] =	vst v63  }
0x5f1: {  	_ =	swait.ge [sflag:s9], $0x4000  }
0x5f2: {  	[sflag:s9] =	ssyncset.done $0x0  }
0x5f3: {  	s1 =	rddreg [dreg:$0x1b];
	[sflag:s9] =	ssyncadd.s32 $0xFFFFC000  }
0x5f4: {  	[tilespmem:s16], [sflag:$0x7] =	stream.linear.gather [hbm4b:s1+s2], $0x80, $0x38;
	[tilespmem:$0xC180] =	vst v63  }
0x5f5: {  	_ =	swait.ge [sflag:s15], $0x80  }
0x5f6: {  	[sflag:s15] =	ssyncset.done $0x0  }
0x5f7: {  	[sflag:s15] =	ssyncadd.s32 $0xFFFFFF80  }
0x5f8: {  	[tilespmem:s10], [sflag:$0x2] =	stream.indirect.gather [hbm4b:s3+s16], $0x80, s16, s16, $0xb8;
	[tilespmem:$0xC180] =	vst v63  }
0x5f9: {  	_ =	swait.ge [sflag:s17], $0x4000  }
0x5fa: {  	[sflag:s17] =	ssyncset.done $0x0  }
0x5fb: {  	s1 =	rddreg [dreg:$0x1c];
	[sflag:s17] =	ssyncadd.s32 $0xFFFFC000  }
0x5fc: {  	[hbm4b:s1+s2] =	stream.linear.scatter [tilespmem:s7], [sflag:$0x6], $0x4000, $0x38;
	[tilespmem:$0xC180] =	vst v63  }
0x5fd: {  	_ =	swait.ge [sflag:s8], $0x4000  }
0x5fe: {  	[sflag:s8] =	ssyncset.done $0x0  }
0x5ff: {  	s1 =	rddreg [dreg:$0x1d];
	[sflag:s8] =	ssyncadd.s32 $0xFFFFC000  }
0x600: {  	[tilespmem:s19], [sflag:$0x7] =	stream.linear.gather [hbm4b:s1+s2], $0x80, $0x38;
	[tilespmem:$0xC180] =	vst v63  }
0x601: {  	_ =	swait.ge [sflag:s15], $0x80  }
0x602: {  	[sflag:s15] =	ssyncset.done $0x0  }
0x603: {  	[sflag:s15] =	ssyncadd.s32 $0xFFFFFF80  }
0x604: {  	[tilespmem:s7], [sflag:$0x3] =	stream.indirect.gather [hbm4b:s3+s16], $0x80, s19, s16, $0xb8;
	[tilespmem:$0xC180] =	vst v63  }
0x605: {  	_ =	swait.ge [sflag:s22], $0x4000  }
0x606: {  	[sflag:s22] =	ssyncset.done $0x0  }
0x607: {  	s1 =	rddreg [dreg:$0x1e];
	[sflag:s22] =	ssyncadd.s32 $0xFFFFC000  }
0x608: {  	[hbm4b:s1+s2] =	stream.linear.scatter [tilespmem:s14], [sflag:$0x4], $0x4000, $0x38;
	[tilespmem:$0xC180] =	vst v63  }
0x609: {  	_ =	swait.ge [sflag:s11], $0x4000  }
0x60a: {  	[sflag:s11] =	ssyncset.done $0x0  }
0x60b: {  	s1 =	rddreg [dreg:$0x1f];
	[sflag:s11] =	ssyncadd.s32 $0xFFFFC000  }
0x60c: {  	[tilespmem:s2], [sflag:$0x7] =	stream.linear.gather [hbm4b:s1+s2], $0x80, $0x38;
	[tilespmem:$0xC180] =	vst v63  }
0x60d: {  	_ =	swait.ge [sflag:s15], $0x80  }
0x60e: {  	[sflag:s15] =	ssyncset.done $0x0  }
0x60f: {  	[sflag:s15] =	ssyncadd.s32 $0xFFFFFF80  }
0x610: {  	[tilespmem:s14], [sflag:$0x1] =	stream.indirect.gather [hbm4b:s3+s16], $0x80, s2, s16, $0xb8;
	[tilespmem:$0xC180] =	vst v63  }
0x611: {  	_ =	swait.ge [sflag:s20], $0x4000  }
0x612: {  	s1 =	sld [smem:$0x7CA]  }
0x613: {  	[sflag:s20] =	ssyncset.done $0x0  }
0x614: {  	[sflag:s20] =	ssyncadd.s32 $0xFFFFC000  }
0x615: {  	[hbm4b:s1+s2] =	stream.linear.scatter [tilespmem:s10], [sflag:$0x5], $0x4000, $0x38;
	[tilespmem:$0xC180] =	vst v63  }
0x616: {  	_ =	swait.ge [sflag:s9], $0x4000  }
0x617: {  	s1 =	sld [smem:$0x7CB]  }
0x618: {  	[sflag:s9] =	ssyncset.done $0x0  }
0x619: {  	[sflag:s9] =	ssyncadd.s32 $0xFFFFC000  }
0x61a: {  	[tilespmem:s16], [sflag:$0x7] =	stream.linear.gather [hbm4b:s1+s2], $0x80, $0x38;
	[tilespmem:$0xC180] =	vst v63  }
0x61b: {  	_ =	swait.ge [sflag:s15], $0x80  }
0x61c: {  	[sflag:s15] =	ssyncset.done $0x0  }
0x61d: {  	[sflag:s15] =	ssyncadd.s32 $0xFFFFFF80  }
0x61e: {  	[tilespmem:s10], [sflag:$0x2] =	stream.indirect.gather [hbm4b:s3+s16], $0x80, s16, s16, $0xb8;
	[tilespmem:$0xC180] =	vst v63  }
0x61f: {  	_ =	swait.ge [sflag:s17], $0x4000  }
0x620: {  	s1 =	sld [smem:$0x7CC]  }
0x621: {  	[sflag:s17] =	ssyncset.done $0x0  }
0x622: {  	[sflag:s17] =	ssyncadd.s32 $0xFFFFC000  }
0x623: {  	[hbm4b:s1+s2] =	stream.linear.scatter [tilespmem:s7], [sflag:$0x6], $0x4000, $0x38;
	[tilespmem:$0xC180] =	vst v63  }
0x624: {  	_ =	swait.ge [sflag:s8], $0x4000  }
0x625: {  	s1 =	sld [smem:$0x7CD]  }
0x626: {  	[sflag:s8] =	ssyncset.done $0x0  }
0x627: {  	[sflag:s8] =	ssyncadd.s32 $0xFFFFC000  }
0x628: {  	[tilespmem:s19], [sflag:$0x7] =	stream.linear.gather [hbm4b:s1+s2], $0x80, $0x38;
	[tilespmem:$0xC180] =	vst v63  }
0x629: {  	_ =	swait.ge [sflag:s15], $0x80  }
0x62a: {  	[sflag:s15] =	ssyncset.done $0x0  }
0x62b: {  	[sflag:s15] =	ssyncadd.s32 $0xFFFFFF80  }
0x62c: {  	[tilespmem:s7], [sflag:$0x3] =	stream.indirect.gather [hbm4b:s3+s16], $0x80, s19, s16, $0xb8;
	[tilespmem:$0xC180] =	vst v63  }
0x62d: {  	_ =	swait.ge [sflag:s22], $0x4000  }
0x62e: {  	s1 =	sld [smem:$0x7CE]  }
0x62f: {  	[sflag:s22] =	ssyncset.done $0x0  }
0x630: {  	[sflag:s22] =	ssyncadd.s32 $0xFFFFC000  }
0x631: {  	[hbm4b:s1+s2] =	stream.linear.scatter [tilespmem:s14], [sflag:$0x4], $0x4000, $0x38;
	[tilespmem:$0xC180] =	vst v63  }
0x632: {  	_ =	swait.ge [sflag:s11], $0x4000  }
0x633: {  	s1 =	sld [smem:$0x7CF]  }
0x634: {  	[sflag:s11] =	ssyncset.done $0x0  }
0x635: {  	[sflag:s11] =	ssyncadd.s32 $0xFFFFC000  }
0x636: {  	[tilespmem:s2], [sflag:$0x7] =	stream.linear.gather [hbm4b:s1+s2], $0x80, $0x38;
	[tilespmem:$0xC180] =	vst v63  }
0x637: {  	_ =	swait.ge [sflag:s15], $0x80  }
0x638: {  	[sflag:s15] =	ssyncset.done $0x0  }
0x639: {  	[sflag:s15] =	ssyncadd.s32 $0xFFFFFF80  }
0x63a: {  	[tilespmem:s14], [sflag:$0x1] =	stream.indirect.gather [hbm4b:s3+s16], $0x80, s2, s16, $0xb8;
	[tilespmem:$0xC180] =	vst v63  }
0x63b: {  	_ =	swait.ge [sflag:s20], $0x4000  }
0x63c: {  	s1 =	sld [smem:$0x7D0]  }
0x63d: {  	[sflag:s20] =	ssyncset.done $0x0  }
0x63e: {  	[sflag:s20] =	ssyncadd.s32 $0xFFFFC000  }
0x63f: {  	[hbm4b:s1+s2] =	stream.linear.scatter [tilespmem:s10], [sflag:$0x5], $0x4000, $0x38;
	[tilespmem:$0xC180] =	vst v63  }
0x640: {  	_ =	swait.ge [sflag:s9], $0x4000  }
0x641: {  	s1 =	sld [smem:$0x7D1]  }
0x642: {  	[sflag:s9] =	ssyncset.done $0x0  }
0x643: {  	[sflag:s9] =	ssyncadd.s32 $0xFFFFC000  }
0x644: {  	[tilespmem:s16], [sflag:$0x7] =	stream.linear.gather [hbm4b:s1+s2], $0x80, $0x38;
	[tilespmem:$0xC180] =	vst v63  }
0x645: {  	_ =	swait.ge [sflag:s15], $0x80  }
0x646: {  	[sflag:s15] =	ssyncset.done $0x0  }
0x647: {  	[sflag:s15] =	ssyncadd.s32 $0xFFFFFF80  }
0x648: {  	[tilespmem:s10], [sflag:$0x2] =	stream.indirect.gather [hbm4b:s3+s16], $0x80, s16, s16, $0xb8;
	[tilespmem:$0xC180] =	vst v63  }
0x649: {  	_ =	swait.ge [sflag:s17], $0x4000  }
0x64a: {  	s1 =	sld [smem:$0x7D2]  }
0x64b: {  	[sflag:s17] =	ssyncset.done $0x0  }
0x64c: {  	[sflag:s17] =	ssyncadd.s32 $0xFFFFC000  }
0x64d: {  	[hbm4b:s1+s2] =	stream.linear.scatter [tilespmem:s7], [sflag:$0x6], $0x4000, $0x38;
	[tilespmem:$0xC180] =	vst v63  }
0x64e: {  	_ =	swait.ge [sflag:s8], $0x4000  }
0x64f: {  	s1 =	sld [smem:$0x7D3]  }
0x650: {  	[sflag:s8] =	ssyncset.done $0x0  }
0x651: {  	[sflag:s8] =	ssyncadd.s32 $0xFFFFC000  }
0x652: {  	[tilespmem:s19], [sflag:$0x7] =	stream.linear.gather [hbm4b:s1+s2], $0x80, $0x38;
	[tilespmem:$0xC180] =	vst v63  }
0x653: {  	_ =	swait.ge [sflag:s15], $0x80  }
0x654: {  	[sflag:s15] =	ssyncset.done $0x0  }
0x655: {  	[sflag:s15] =	ssyncadd.s32 $0xFFFFFF80  }
0x656: {  	[tilespmem:s7], [sflag:$0x3] =	stream.indirect.gather [hbm4b:s3+s16], $0x80, s19, s16, $0xb8;
	[tilespmem:$0xC180] =	vst v63  }
0x657: {  	_ =	swait.ge [sflag:s22], $0x4000  }
0x658: {  	s1 =	sld [smem:$0x7D4]  }
0x659: {  	[sflag:s22] =	ssyncset.done $0x0  }
0x65a: {  	[sflag:s22] =	ssyncadd.s32 $0xFFFFC000  }
0x65b: {  	[hbm4b:s1+s2] =	stream.linear.scatter [tilespmem:s14], [sflag:$0x4], $0x4000, $0x38;
	[tilespmem:$0xC180] =	vst v63  }
0x65c: {  	_ =	swait.ge [sflag:s11], $0x4000  }
0x65d: {  	s1 =	sld [smem:$0x7D5]  }
0x65e: {  	[sflag:s11] =	ssyncset.done $0x0  }
0x65f: {  	[sflag:s11] =	ssyncadd.s32 $0xFFFFC000  }
0x660: {  	[tilespmem:s2], [sflag:$0x7] =	stream.linear.gather [hbm4b:s1+s2], $0x80, $0x38;
	[tilespmem:$0xC180] =	vst v63  }
0x661: {  	_ =	swait.ge [sflag:s15], $0x80  }
0x662: {  	[sflag:s15] =	ssyncset.done $0x0  }
0x663: {  	[sflag:s15] =	ssyncadd.s32 $0xFFFFFF80  }
0x664: {  	[tilespmem:s14], [sflag:$0x1] =	stream.indirect.gather [hbm4b:s3+s16], $0x80, s2, s16, $0xb8;
	[tilespmem:$0xC180] =	vst v63  }
0x665: {  	_ =	swait.ge [sflag:s20], $0x4000  }
0x666: {  	s1 =	sld [smem:$0x7D6]  }
0x667: {  	[sflag:s20] =	ssyncset.done $0x0  }
0x668: {  	[sflag:s20] =	ssyncadd.s32 $0xFFFFC000  }
0x669: {  	[hbm4b:s1+s2] =	stream.linear.scatter [tilespmem:s10], [sflag:$0x5], $0x4000, $0x38;
	[tilespmem:$0xC180] =	vst v63  }
0x66a: {  	_ =	swait.ge [sflag:s9], $0x4000  }
0x66b: {  	s1 =	sld [smem:$0x7D7]  }
0x66c: {  	[sflag:s9] =	ssyncset.done $0x0  }
0x66d: {  	[sflag:s9] =	ssyncadd.s32 $0xFFFFC000  }
0x66e: {  	[tilespmem:s16], [sflag:$0x7] =	stream.linear.gather [hbm4b:s1+s2], $0x80, $0x38;
	[tilespmem:$0xC180] =	vst v63  }
0x66f: {  	_ =	swait.ge [sflag:s15], $0x80  }
0x670: {  	[sflag:s15] =	ssyncset.done $0x0  }
0x671: {  	[sflag:s15] =	ssyncadd.s32 $0xFFFFFF80  }
0x672: {  	[tilespmem:s10], [sflag:$0x2] =	stream.indirect.gather [hbm4b:s3+s16], $0x80, s16, s16, $0xb8;
	[tilespmem:$0xC180] =	vst v63  }
0x673: {  	_ =	swait.ge [sflag:s17], $0x4000  }
0x674: {  	s1 =	sld [smem:$0x7D8]  }
0x675: {  	[sflag:s17] =	ssyncset.done $0x0  }
0x676: {  	[sflag:s17] =	ssyncadd.s32 $0xFFFFC000  }
0x677: {  	[hbm4b:s1+s2] =	stream.linear.scatter [tilespmem:s7], [sflag:$0x6], $0x4000, $0x38;
	[tilespmem:$0xC180] =	vst v63  }
0x678: {  	_ =	swait.ge [sflag:s8], $0x4000  }
0x679: {  	s1 =	sld [smem:$0x7D9]  }
0x67a: {  	[sflag:s8] =	ssyncset.done $0x0  }
0x67b: {  	[sflag:s8] =	ssyncadd.s32 $0xFFFFC000  }
0x67c: {  	[tilespmem:s19], [sflag:$0x7] =	stream.linear.gather [hbm4b:s1+s2], $0x80, $0x38;
	[tilespmem:$0xC180] =	vst v63  }
0x67d: {  	_ =	swait.ge [sflag:s15], $0x80  }
0x67e: {  	[sflag:s15] =	ssyncset.done $0x0  }
0x67f: {  	[sflag:s15] =	ssyncadd.s32 $0xFFFFFF80  }
0x680: {  	[tilespmem:s7], [sflag:$0x3] =	stream.indirect.gather [hbm4b:s3+s16], $0x80, s19, s16, $0xb8;
	[tilespmem:$0xC180] =	vst v63  }
0x681: {  	_ =	swait.ge [sflag:s22], $0x4000  }
0x682: {  	s1 =	sld [smem:$0x7DA]  }
0x683: {  	[sflag:s22] =	ssyncset.done $0x0  }
0x684: {  	[sflag:s22] =	ssyncadd.s32 $0xFFFFC000  }
0x685: {  	[hbm4b:s1+s2] =	stream.linear.scatter [tilespmem:s14], [sflag:$0x4], $0x4000, $0x38;
	[tilespmem:$0xC180] =	vst v63  }
0x686: {  	_ =	swait.ge [sflag:s11], $0x4000  }
0x687: {  	s1 =	sld [smem:$0x7DB]  }
0x688: {  	[sflag:s11] =	ssyncset.done $0x0  }
0x689: {  	[sflag:s11] =	ssyncadd.s32 $0xFFFFC000  }
0x68a: {  	[tilespmem:s2], [sflag:$0x7] =	stream.linear.gather [hbm4b:s1+s2], $0x80, $0x38;
	[tilespmem:$0xC180] =	vst v63  }
0x68b: {  	_ =	swait.ge [sflag:s15], $0x80  }
0x68c: {  	[sflag:s15] =	ssyncset.done $0x0  }
0x68d: {  	[sflag:s15] =	ssyncadd.s32 $0xFFFFFF80  }
0x68e: {  	[tilespmem:s14], [sflag:$0x1] =	stream.indirect.gather [hbm4b:s3+s16], $0x80, s2, s16, $0xb8;
	[tilespmem:$0xC180] =	vst v63  }
0x68f: {  	_ =	swait.ge [sflag:s20], $0x4000  }
0x690: {  	s1 =	sld [smem:$0x7DC]  }
0x691: {  	[sflag:s20] =	ssyncset.done $0x0  }
0x692: {  	[sflag:s20] =	ssyncadd.s32 $0xFFFFC000  }
0x693: {  	[hbm4b:s1+s2] =	stream.linear.scatter [tilespmem:s10], [sflag:$0x5], $0x4000, $0x38;
	[tilespmem:$0xC180] =	vst v63  }
0x694: {  	_ =	swait.ge [sflag:s9], $0x4000  }
0x695: {  	s1 =	sld [smem:$0x7DD]  }
0x696: {  	[sflag:s9] =	ssyncset.done $0x0  }
0x697: {  	[sflag:s9] =	ssyncadd.s32 $0xFFFFC000  }
0x698: {  	[tilespmem:s16], [sflag:$0x7] =	stream.linear.gather [hbm4b:s1+s2], $0x80, $0x38;
	[tilespmem:$0xC180] =	vst v63  }
0x699: {  	_ =	swait.ge [sflag:s15], $0x80  }
0x69a: {  	[sflag:s15] =	ssyncset.done $0x0  }
0x69b: {  	[sflag:s15] =	ssyncadd.s32 $0xFFFFFF80  }
0x69c: {  	[tilespmem:s10], [sflag:$0x2] =	stream.indirect.gather [hbm4b:s3+s16], $0x80, s16, s16, $0xb8;
	[tilespmem:$0xC180] =	vst v63  }
0x69d: {  	_ =	swait.ge [sflag:s17], $0x4000  }
0x69e: {  	s1 =	sld [smem:$0x7DE]  }
0x69f: {  	[sflag:s17] =	ssyncset.done $0x0  }
0x6a0: {  	[sflag:s17] =	ssyncadd.s32 $0xFFFFC000  }
0x6a1: {  	[hbm4b:s1+s2] =	stream.linear.scatter [tilespmem:s7], [sflag:$0x6], $0x4000, $0x38;
	[tilespmem:$0xC180] =	vst v63  }
0x6a2: {  	_ =	swait.ge [sflag:s8], $0x4000  }
0x6a3: {  	s1 =	sld [smem:$0x7DF]  }
0x6a4: {  	[sflag:s8] =	ssyncset.done $0x0  }
0x6a5: {  	[sflag:s8] =	ssyncadd.s32 $0xFFFFC000  }
0x6a6: {  	[tilespmem:s19], [sflag:$0x7] =	stream.linear.gather [hbm4b:s1+s2], $0x80, $0x38;
	[tilespmem:$0xC180] =	vst v63  }
0x6a7: {  	_ =	swait.ge [sflag:s15], $0x80  }
0x6a8: {  	[sflag:s15] =	ssyncset.done $0x0  }
0x6a9: {  	[sflag:s15] =	ssyncadd.s32 $0xFFFFFF80  }
0x6aa: {  	[tilespmem:s7], [sflag:$0x3] =	stream.indirect.gather [hbm4b:s3+s16], $0x80, s19, s16, $0xb8;
	[tilespmem:$0xC180] =	vst v63  }
0x6ab: {  	_ =	swait.ge [sflag:s22], $0x4000  }
0x6ac: {  	s1 =	sld [smem:$0x7E0]  }
0x6ad: {  	[sflag:s22] =	ssyncset.done $0x0  }
0x6ae: {  	[sflag:s22] =	ssyncadd.s32 $0xFFFFC000  }
0x6af: {  	[hbm4b:s1+s2] =	stream.linear.scatter [tilespmem:s14], [sflag:$0x4], $0x4000, $0x38;
	[tilespmem:$0xC180] =	vst v63  }
0x6b0: {  	_ =	swait.ge [sflag:s11], $0x4000  }
0x6b1: {  	s1 =	sld [smem:$0x7E1]  }
0x6b2: {  	[sflag:s11] =	ssyncset.done $0x0  }
0x6b3: {  	[sflag:s11] =	ssyncadd.s32 $0xFFFFC000  }
0x6b4: {  	[tilespmem:s2], [sflag:$0x7] =	stream.linear.gather [hbm4b:s1+s2], $0x80, $0x38;
	[tilespmem:$0xC180] =	vst v63  }
0x6b5: {  	_ =	swait.ge [sflag:s15], $0x80  }
0x6b6: {  	[sflag:s15] =	ssyncset.done $0x0  }
0x6b7: {  	[sflag:s15] =	ssyncadd.s32 $0xFFFFFF80  }
0x6b8: {  	[tilespmem:s14], [sflag:$0x1] =	stream.indirect.gather [hbm4b:s3+s16], $0x80, s2, s16, $0xb8;
	[tilespmem:$0xC180] =	vst v63  }
0x6b9: {  	_ =	swait.ge [sflag:s20], $0x4000  }
0x6ba: {  	s1 =	sld [smem:$0x7E2]  }
0x6bb: {  	[sflag:s20] =	ssyncset.done $0x0  }
0x6bc: {  	[sflag:s20] =	ssyncadd.s32 $0xFFFFC000  }
0x6bd: {  	[hbm4b:s1+s2] =	stream.linear.scatter [tilespmem:s10], [sflag:$0x5], $0x4000, $0x38;
	[tilespmem:$0xC180] =	vst v63  }
0x6be: {  	_ =	swait.ge [sflag:s9], $0x4000  }
0x6bf: {  	s1 =	sld [smem:$0x7E3]  }
0x6c0: {  	[sflag:s9] =	ssyncset.done $0x0  }
0x6c1: {  	[sflag:s9] =	ssyncadd.s32 $0xFFFFC000  }
0x6c2: {  	[tilespmem:s16], [sflag:$0x7] =	stream.linear.gather [hbm4b:s1+s2], $0x80, $0x38;
	[tilespmem:$0xC180] =	vst v63  }
0x6c3: {  	_ =	swait.ge [sflag:s15], $0x80  }
0x6c4: {  	[sflag:s15] =	ssyncset.done $0x0  }
0x6c5: {  	[sflag:s15] =	ssyncadd.s32 $0xFFFFFF80  }
0x6c6: {  	[tilespmem:s10], [sflag:$0x2] =	stream.indirect.gather [hbm4b:s3+s16], $0x80, s16, s16, $0xb8;
	[tilespmem:$0xC180] =	vst v63  }
0x6c7: {  	_ =	swait.ge [sflag:s17], $0x4000  }
0x6c8: {  	s1 =	sld [smem:$0x7E4]  }
0x6c9: {  	[sflag:s17] =	ssyncset.done $0x0  }
0x6ca: {  	[sflag:s17] =	ssyncadd.s32 $0xFFFFC000  }
0x6cb: {  	[hbm4b:s1+s2] =	stream.linear.scatter [tilespmem:s7], [sflag:$0x6], $0x4000, $0x38;
	[tilespmem:$0xC180] =	vst v63  }
0x6cc: {  	_ =	swait.ge [sflag:s8], $0x4000  }
0x6cd: {  	s1 =	sld [smem:$0x7E5]  }
0x6ce: {  	[sflag:s8] =	ssyncset.done $0x0  }
0x6cf: {  	[sflag:s8] =	ssyncadd.s32 $0xFFFFC000  }
0x6d0: {  	[tilespmem:s19], [sflag:$0x7] =	stream.linear.gather [hbm4b:s1+s2], $0x80, $0x38;
	[tilespmem:$0xC180] =	vst v63  }
0x6d1: {  	_ =	swait.ge [sflag:s15], $0x80  }
0x6d2: {  	[sflag:s15] =	ssyncset.done $0x0  }
0x6d3: {  	[sflag:s15] =	ssyncadd.s32 $0xFFFFFF80  }
0x6d4: {  	[tilespmem:s7], [sflag:$0x3] =	stream.indirect.gather [hbm4b:s3+s16], $0x80, s19, s16, $0xb8;
	[tilespmem:$0xC180] =	vst v63  }
0x6d5: {  	_ =	swait.ge [sflag:s22], $0x4000  }
0x6d6: {  	s1 =	sld [smem:$0x7E6]  }
0x6d7: {  	[sflag:s22] =	ssyncset.done $0x0  }
0x6d8: {  	[sflag:s22] =	ssyncadd.s32 $0xFFFFC000  }
0x6d9: {  	[hbm4b:s1+s2] =	stream.linear.scatter [tilespmem:s14], [sflag:$0x4], $0x4000, $0x38;
	[tilespmem:$0xC180] =	vst v63  }
0x6da: {  	_ =	swait.ge [sflag:s11], $0x4000  }
0x6db: {  	s1 =	sld [smem:$0x7E7]  }
0x6dc: {  	[sflag:s11] =	ssyncset.done $0x0  }
0x6dd: {  	[sflag:s11] =	ssyncadd.s32 $0xFFFFC000  }
0x6de: {  	[tilespmem:s2], [sflag:$0x7] =	stream.linear.gather [hbm4b:s1+s2], $0x80, $0x38;
	[tilespmem:$0xC180] =	vst v63  }
0x6df: {  	_ =	swait.ge [sflag:s15], $0x80  }
0x6e0: {  	[sflag:s15] =	ssyncset.done $0x0  }
0x6e1: {  	[sflag:s15] =	ssyncadd.s32 $0xFFFFFF80  }
0x6e2: {  	[tilespmem:s14], [sflag:$0x1] =	stream.indirect.gather [hbm4b:s3+s16], $0x80, s2, s16, $0xb8;
	[tilespmem:$0xC180] =	vst v63  }
0x6e3: {  	_ =	swait.ge [sflag:s20], $0x4000  }
0x6e4: {  	s1 =	sld [smem:$0x7E8]  }
0x6e5: {  	[sflag:s20] =	ssyncset.done $0x0  }
0x6e6: {  	[sflag:s20] =	ssyncadd.s32 $0xFFFFC000  }
0x6e7: {  	[hbm4b:s1+s2] =	stream.linear.scatter [tilespmem:s10], [sflag:$0x5], $0x4000, $0x38;
	[tilespmem:$0xC180] =	vst v63  }
0x6e8: {  	_ =	swait.ge [sflag:s9], $0x4000  }
0x6e9: {  	s1 =	sld [smem:$0x7E9]  }
0x6ea: {  	[sflag:s9] =	ssyncset.done $0x0  }
0x6eb: {  	[sflag:s9] =	ssyncadd.s32 $0xFFFFC000  }
0x6ec: {  	[tilespmem:s16], [sflag:$0x7] =	stream.linear.gather [hbm4b:s1+s2], $0x80, $0x38;
	[tilespmem:$0xC180] =	vst v63  }
0x6ed: {  	_ =	swait.ge [sflag:s15], $0x80  }
0x6ee: {  	[sflag:s15] =	ssyncset.done $0x0  }
0x6ef: {  	[sflag:s15] =	ssyncadd.s32 $0xFFFFFF80  }
0x6f0: {  	[tilespmem:s10], [sflag:$0x2] =	stream.indirect.gather [hbm4b:s3+s16], $0x80, s16, s16, $0xb8;
	[tilespmem:$0xC180] =	vst v63  }
0x6f1: {  	_ =	swait.ge [sflag:s17], $0x4000  }
0x6f2: {  	s1 =	sld [smem:$0x7EA]  }
0x6f3: {  	[sflag:s17] =	ssyncset.done $0x0  }
0x6f4: {  	[sflag:s17] =	ssyncadd.s32 $0xFFFFC000  }
0x6f5: {  	[hbm4b:s1+s2] =	stream.linear.scatter [tilespmem:s7], [sflag:$0x6], $0x4000, $0x38;
	[tilespmem:$0xC180] =	vst v63  }
0x6f6: {  	_ =	swait.ge [sflag:s8], $0x4000  }
0x6f7: {  	s1 =	sld [smem:$0x7EB]  }
0x6f8: {  	[sflag:s8] =	ssyncset.done $0x0  }
0x6f9: {  	[sflag:s8] =	ssyncadd.s32 $0xFFFFC000  }
0x6fa: {  	[tilespmem:s19], [sflag:$0x7] =	stream.linear.gather [hbm4b:s1+s2], $0x80, $0x38;
	[tilespmem:$0xC180] =	vst v63  }
0x6fb: {  	_ =	swait.ge [sflag:s15], $0x80  }
0x6fc: {  	[sflag:s15] =	ssyncset.done $0x0  }
0x6fd: {  	[sflag:s15] =	ssyncadd.s32 $0xFFFFFF80  }
0x6fe: {  	[tilespmem:s7], [sflag:$0x3] =	stream.indirect.gather [hbm4b:s3+s16], $0x80, s19, s16, $0xb8;
	[tilespmem:$0xC180] =	vst v63  }
0x6ff: {  	_ =	swait.ge [sflag:s22], $0x4000  }
0x700: {  	s1 =	sld [smem:$0x7EC]  }
0x701: {  	[sflag:s22] =	ssyncset.done $0x0  }
0x702: {  	[sflag:s22] =	ssyncadd.s32 $0xFFFFC000  }
0x703: {  	[hbm4b:s1+s2] =	stream.linear.scatter [tilespmem:s14], [sflag:$0x4], $0x4000, $0x38;
	[tilespmem:$0xC180] =	vst v63  }
0x704: {  	_ =	swait.ge [sflag:s11], $0x4000  }
0x705: {  	s1 =	sld [smem:$0x7ED]  }
0x706: {  	[sflag:s11] =	ssyncset.done $0x0  }
0x707: {  	[sflag:s11] =	ssyncadd.s32 $0xFFFFC000  }
0x708: {  	[tilespmem:s2], [sflag:$0x7] =	stream.linear.gather [hbm4b:s1+s2], $0x80, $0x38;
	[tilespmem:$0xC180] =	vst v63  }
0x709: {  	_ =	swait.ge [sflag:s15], $0x80  }
0x70a: {  	[sflag:s15] =	ssyncset.done $0x0  }
0x70b: {  	[sflag:s15] =	ssyncadd.s32 $0xFFFFFF80  }
0x70c: {  	[tilespmem:s14], [sflag:$0x1] =	stream.indirect.gather [hbm4b:s3+s16], $0x80, s2, s16, $0xb8;
	[tilespmem:$0xC180] =	vst v63  }
0x70d: {  	_ =	swait.ge [sflag:s20], $0x4000  }
0x70e: {  	s1 =	sld [smem:$0x7EE]  }
0x70f: {  	[sflag:s20] =	ssyncset.done $0x0  }
0x710: {  	[sflag:s20] =	ssyncadd.s32 $0xFFFFC000  }
0x711: {  	[hbm4b:s1+s2] =	stream.linear.scatter [tilespmem:s10], [sflag:$0x5], $0x4000, $0x38;
	[tilespmem:$0xC180] =	vst v63  }
0x712: {  	_ =	swait.ge [sflag:s9], $0x4000  }
0x713: {  	s1 =	sld [smem:$0x7EF]  }
0x714: {  	[sflag:s9] =	ssyncset.done $0x0  }
0x715: {  	[sflag:s9] =	ssyncadd.s32 $0xFFFFC000  }
0x716: {  	[tilespmem:s16], [sflag:$0x7] =	stream.linear.gather [hbm4b:s1+s2], $0x80, $0x38;
	[tilespmem:$0xC180] =	vst v63  }
0x717: {  	_ =	swait.ge [sflag:s15], $0x80  }
0x718: {  	[sflag:s15] =	ssyncset.done $0x0  }
0x719: {  	[sflag:s15] =	ssyncadd.s32 $0xFFFFFF80  }
0x71a: {  	[tilespmem:s10], [sflag:$0x2] =	stream.indirect.gather [hbm4b:s3+s16], $0x80, s16, s16, $0xb8;
	[tilespmem:$0xC180] =	vst v63  }
0x71b: {  	_ =	swait.ge [sflag:s17], $0x4000  }
0x71c: {  	s1 =	sld [smem:$0x7F0]  }
0x71d: {  	[sflag:s17] =	ssyncset.done $0x0  }
0x71e: {  	[sflag:s17] =	ssyncadd.s32 $0xFFFFC000  }
0x71f: {  	[hbm4b:s1+s2] =	stream.linear.scatter [tilespmem:s7], [sflag:$0x6], $0x4000, $0x38;
	[tilespmem:$0xC180] =	vst v63  }
0x720: {  	_ =	swait.ge [sflag:s8], $0x4000  }
0x721: {  	s1 =	sld [smem:$0x7F1]  }
0x722: {  	[sflag:s8] =	ssyncset.done $0x0  }
0x723: {  	[sflag:s8] =	ssyncadd.s32 $0xFFFFC000  }
0x724: {  	[tilespmem:s19], [sflag:$0x7] =	stream.linear.gather [hbm4b:s1+s2], $0x80, $0x38;
	[tilespmem:$0xC180] =	vst v63  }
0x725: {  	_ =	swait.ge [sflag:s15], $0x80  }
0x726: {  	[sflag:s15] =	ssyncset.done $0x0  }
0x727: {  	[sflag:s15] =	ssyncadd.s32 $0xFFFFFF80  }
0x728: {  	[tilespmem:s7], [sflag:$0x3] =	stream.indirect.gather [hbm4b:s3+s16], $0x80, s19, s16, $0xb8;
	[tilespmem:$0xC180] =	vst v63  }
0x729: {  	_ =	swait.ge [sflag:s22], $0x4000  }
0x72a: {  	s1 =	sld [smem:$0x7F2]  }
0x72b: {  	[sflag:s22] =	ssyncset.done $0x0  }
0x72c: {  	[sflag:s22] =	ssyncadd.s32 $0xFFFFC000  }
0x72d: {  	[hbm4b:s1+s2] =	stream.linear.scatter [tilespmem:s14], [sflag:$0x4], $0x4000, $0x38;
	[tilespmem:$0xC180] =	vst v63  }
0x72e: {  	_ =	swait.ge [sflag:s11], $0x4000  }
0x72f: {  	s1 =	sld [smem:$0x7F3]  }
0x730: {  	[sflag:s11] =	ssyncset.done $0x0  }
0x731: {  	[sflag:s11] =	ssyncadd.s32 $0xFFFFC000  }
0x732: {  	[tilespmem:s2], [sflag:$0x7] =	stream.linear.gather [hbm4b:s1+s2], $0x80, $0x38;
	[tilespmem:$0xC180] =	vst v63  }
0x733: {  	_ =	swait.ge [sflag:s15], $0x80  }
0x734: {  	[sflag:s15] =	ssyncset.done $0x0  }
0x735: {  	[sflag:s15] =	ssyncadd.s32 $0xFFFFFF80  }
0x736: {  	[tilespmem:s14], [sflag:$0x1] =	stream.indirect.gather [hbm4b:s3+s16], $0x80, s2, s16, $0xb8;
	[tilespmem:$0xC180] =	vst v63  }
0x737: {  	_ =	swait.ge [sflag:s20], $0x4000  }
0x738: {  	s1 =	sld [smem:$0x7F4]  }
0x739: {  	[sflag:s20] =	ssyncset.done $0x0  }
0x73a: {  	[sflag:s20] =	ssyncadd.s32 $0xFFFFC000  }
0x73b: {  	[hbm4b:s1+s2] =	stream.linear.scatter [tilespmem:s10], [sflag:$0x5], $0x4000, $0x38;
	[tilespmem:$0xC180] =	vst v63  }
0x73c: {  	_ =	swait.ge [sflag:s9], $0x4000  }
0x73d: {  	s1 =	sld [smem:$0x7F5]  }
0x73e: {  	[sflag:s9] =	ssyncset.done $0x0  }
0x73f: {  	[sflag:s9] =	ssyncadd.s32 $0xFFFFC000  }
0x740: {  	[tilespmem:s16], [sflag:$0x7] =	stream.linear.gather [hbm4b:s1+s2], $0x80, $0x38;
	[tilespmem:$0xC180] =	vst v63  }
0x741: {  	_ =	swait.ge [sflag:s15], $0x80  }
0x742: {  	[sflag:s15] =	ssyncset.done $0x0  }
0x743: {  	[sflag:s15] =	ssyncadd.s32 $0xFFFFFF80  }
0x744: {  	[tilespmem:s10], [sflag:$0x2] =	stream.indirect.gather [hbm4b:s3+s16], $0x80, s16, s16, $0xb8;
	[tilespmem:$0xC180] =	vst v63  }
0x745: {  	_ =	swait.ge [sflag:s17], $0x4000  }
0x746: {  	s1 =	sld [smem:$0x7F6]  }
0x747: {  	[sflag:s17] =	ssyncset.done $0x0  }
0x748: {  	[sflag:s17] =	ssyncadd.s32 $0xFFFFC000  }
0x749: {  	[hbm4b:s1+s2] =	stream.linear.scatter [tilespmem:s7], [sflag:$0x6], $0x4000, $0x38;
	[tilespmem:$0xC180] =	vst v63  }
0x74a: {  	_ =	swait.ge [sflag:s8], $0x4000  }
0x74b: {  	s1 =	sld [smem:$0x7F7]  }
0x74c: {  	[sflag:s8] =	ssyncset.done $0x0  }
0x74d: {  	[sflag:s8] =	ssyncadd.s32 $0xFFFFC000  }
0x74e: {  	[tilespmem:s19], [sflag:$0x7] =	stream.linear.gather [hbm4b:s1+s2], $0x80, $0x38;
	[tilespmem:$0xC180] =	vst v63  }
0x74f: {  	_ =	swait.ge [sflag:s15], $0x80  }
0x750: {  	[sflag:s15] =	ssyncset.done $0x0  }
0x751: {  	[sflag:s15] =	ssyncadd.s32 $0xFFFFFF80  }
0x752: {  	[tilespmem:s7], [sflag:$0x3] =	stream.indirect.gather [hbm4b:s3+s16], $0x80, s19, s16, $0xb8;
	[tilespmem:$0xC180] =	vst v63  }
0x753: {  	_ =	swait.ge [sflag:s22], $0x4000  }
0x754: {  	s1 =	sld [smem:$0x7F8]  }
0x755: {  	[sflag:s22] =	ssyncset.done $0x0  }
0x756: {  	[sflag:s22] =	ssyncadd.s32 $0xFFFFC000  }
0x757: {  	[hbm4b:s1+s2] =	stream.linear.scatter [tilespmem:s14], [sflag:$0x4], $0x4000, $0x38;
	[tilespmem:$0xC180] =	vst v63  }
0x758: {  	_ =	swait.ge [sflag:s11], $0x4000  }
0x759: {  	s1 =	sld [smem:$0x7F9]  }
0x75a: {  	[sflag:s11] =	ssyncset.done $0x0  }
0x75b: {  	[sflag:s11] =	ssyncadd.s32 $0xFFFFC000  }
0x75c: {  	[tilespmem:s2], [sflag:$0x7] =	stream.linear.gather [hbm4b:s1+s2], $0x80, $0x38;
	[tilespmem:$0xC180] =	vst v63  }
0x75d: {  	_ =	swait.ge [sflag:s15], $0x80  }
0x75e: {  	[sflag:s15] =	ssyncset.done $0x0  }
0x75f: {  	[sflag:s15] =	ssyncadd.s32 $0xFFFFFF80  }
0x760: {  	[tilespmem:s14], [sflag:$0x1] =	stream.indirect.gather [hbm4b:s3+s16], $0x80, s2, s16, $0xb8;
	[tilespmem:$0xC180] =	vst v63  }
0x761: {  	_ =	swait.ge [sflag:s20], $0x4000  }
0x762: {  	s1 =	sld [smem:$0x7FA]  }
0x763: {  	[sflag:s20] =	ssyncset.done $0x0  }
0x764: {  	[sflag:s20] =	ssyncadd.s32 $0xFFFFC000  }
0x765: {  	[hbm4b:s1+s2] =	stream.linear.scatter [tilespmem:s10], [sflag:$0x5], $0x4000, $0x38;
	[tilespmem:$0xC180] =	vst v63  }
0x766: {  	_ =	swait.ge [sflag:s9], $0x4000  }
0x767: {  	s1 =	sld [smem:$0x7FB]  }
0x768: {  	[sflag:s9] =	ssyncset.done $0x0  }
0x769: {  	[sflag:s9] =	ssyncadd.s32 $0xFFFFC000  }
0x76a: {  	[tilespmem:s16], [sflag:$0x7] =	stream.linear.gather [hbm4b:s1+s2], $0x80, $0x38;
	[tilespmem:$0xC180] =	vst v63  }
0x76b: {  	_ =	swait.ge [sflag:s15], $0x80  }
0x76c: {  	[sflag:s15] =	ssyncset.done $0x0  }
0x76d: {  	[sflag:s15] =	ssyncadd.s32 $0xFFFFFF80  }
0x76e: {  	[tilespmem:s10], [sflag:$0x2] =	stream.indirect.gather [hbm4b:s3+s16], $0x80, s16, s16, $0xb8;
	[tilespmem:$0xC180] =	vst v63  }
0x76f: {  	_ =	swait.ge [sflag:s17], $0x4000  }
0x770: {  	s1 =	sld [smem:$0x7FC]  }
0x771: {  	[sflag:s17] =	ssyncset.done $0x0  }
0x772: {  	[sflag:s17] =	ssyncadd.s32 $0xFFFFC000  }
0x773: {  	[hbm4b:s1+s2] =	stream.linear.scatter [tilespmem:s7], [sflag:$0x6], $0x4000, $0x38;
	[tilespmem:$0xC180] =	vst v63  }
0x774: {  	_ =	swait.ge [sflag:s8], $0x4000  }
0x775: {  	s1 =	sld [smem:$0x7FD]  }
0x776: {  	[sflag:s8] =	ssyncset.done $0x0  }
0x777: {  	[sflag:s8] =	ssyncadd.s32 $0xFFFFC000  }
0x778: {  	[tilespmem:s19], [sflag:$0x7] =	stream.linear.gather [hbm4b:s1+s2], $0x80, $0x38;
	[tilespmem:$0xC180] =	vst v63  }
0x779: {  	_ =	swait.ge [sflag:s15], $0x80  }
0x77a: {  	[sflag:s15] =	ssyncset.done $0x0  }
0x77b: {  	[sflag:s15] =	ssyncadd.s32 $0xFFFFFF80  }
0x77c: {  	[tilespmem:s7], [sflag:$0x3] =	stream.indirect.gather [hbm4b:s3+s16], $0x80, s19, s16, $0xb8;
	[tilespmem:$0xC180] =	vst v63  }
0x77d: {  	_ =	swait.ge [sflag:s22], $0x4000  }
0x77e: {  	[sflag:s22] =	ssyncset.done $0x0  }
0x77f: {  	[sflag:s22] =	ssyncadd.s32 $0xFFFFC000  }
0x780: {  	[hbm4b:s31+s2] =	stream.linear.scatter [tilespmem:s14], [sflag:$0x4], $0x4000, $0x38;
	[tilespmem:$0xC180] =	vst v63  }
0x781: {  	_ =	swait.ge [sflag:s11], $0x4000  }
0x782: {  	[sflag:s11] =	ssyncset.done $0x0  }
0x783: {  	[sflag:s11] =	ssyncadd.s32 $0xFFFFC000  }
0x784: {  	[tilespmem:s2], [sflag:$0x7] =	stream.linear.gather [hbm4b:s30+s2], $0x80, $0x38;
	[tilespmem:$0xC180] =	vst v63  }
0x785: {  	_ =	swait.ge [sflag:s15], $0x80  }
0x786: {  	[sflag:s15] =	ssyncset.done $0x0  }
0x787: {  	[sflag:s15] =	ssyncadd.s32 $0xFFFFFF80  }
0x788: {  	[tilespmem:s14], [sflag:$0x1] =	stream.indirect.gather [hbm4b:s3+s16], $0x80, s2, s16, $0xb8;
	[tilespmem:$0xC180] =	vst v63  }
0x789: {  	_ =	swait.ge [sflag:s20], $0x4000  }
0x78a: {  	[sflag:s20] =	ssyncset.done $0x0  }
0x78b: {  	[sflag:s20] =	ssyncadd.s32 $0xFFFFC000  }
0x78c: {  	[hbm4b:s28+s2] =	stream.linear.scatter [tilespmem:s10], [sflag:$0x5], $0x4000, $0x38;
	[tilespmem:$0xC180] =	vst v63  }
0x78d: {  	_ =	swait.ge [sflag:s9], $0x4000  }
0x78e: {  	[sflag:s9] =	ssyncset.done $0x0  }
0x78f: {  	[sflag:s9] =	ssyncadd.s32 $0xFFFFC000  }
0x790: {  	[tilespmem:s16], [sflag:$0x7] =	stream.linear.gather [hbm4b:s29+s2], $0x80, $0x38;
	[tilespmem:$0xC180] =	vst v63  }
0x791: {  	_ =	swait.ge [sflag:s15], $0x80  }
0x792: {  	[sflag:s15] =	ssyncset.done $0x0  }
0x793: {  	[sflag:s15] =	ssyncadd.s32 $0xFFFFFF80  }
0x794: {  	[tilespmem:s10], [sflag:$0x2] =	stream.indirect.gather [hbm4b:s3+s16], $0x80, s16, s16, $0xb8;
	[tilespmem:$0xC180] =	vst v63  }
0x795: {  	_ =	swait.ge [sflag:s17], $0x4000  }
0x796: {  	[sflag:s17] =	ssyncset.done $0x0  }
0x797: {  	[sflag:s17] =	ssyncadd.s32 $0xFFFFC000  }
0x798: {  	[hbm4b:s26+s2] =	stream.linear.scatter [tilespmem:s7], [sflag:$0x6], $0x4000, $0x38;
	[tilespmem:$0xC180] =	vst v63  }
0x799: {  	_ =	swait.ge [sflag:s8], $0x4000  }
0x79a: {  	[sflag:s8] =	ssyncset.done $0x0  }
0x79b: {  	[sflag:s8] =	ssyncadd.s32 $0xFFFFC000  }
0x79c: {  	[tilespmem:s19], [sflag:$0x7] =	stream.linear.gather [hbm4b:s25+s2], $0x80, $0x38;
	[tilespmem:$0xC180] =	vst v63  }
0x79d: {  	_ =	swait.ge [sflag:s15], $0x80  }
0x79e: {  	[sflag:s15] =	ssyncset.done $0x0  }
0x79f: {  	[sflag:s15] =	ssyncadd.s32 $0xFFFFFF80  }
0x7a0: {  	[tilespmem:s7], [sflag:$0x3] =	stream.indirect.gather [hbm4b:s3+s16], $0x80, s19, s16, $0xb8;
	[tilespmem:$0xC180] =	vst v63  }
0x7a1: {  	_ =	swait.ge [sflag:s22], $0x4000  }
0x7a2: {  	[sflag:s22] =	ssyncset.done $0x0  }
0x7a3: {  	[sflag:s22] =	ssyncadd.s32 $0xFFFFC000  }
0x7a4: {  	[hbm4b:s24+s2] =	stream.linear.scatter [tilespmem:s14], [sflag:$0x4], $0x4000, $0x38;
	[tilespmem:$0xC180] =	vst v63  }
0x7a5: {  	_ =	swait.ge [sflag:s11], $0x4000  }
0x7a6: {  	[sflag:s11] =	ssyncset.done $0x0  }
0x7a7: {  	[sflag:s11] =	ssyncadd.s32 $0xFFFFC000  }
0x7a8: {  	[tilespmem:s2], [sflag:$0x7] =	stream.linear.gather [hbm4b:s23+s2], $0x80, $0x38;
	[tilespmem:$0xC180] =	vst v63  }
0x7a9: {  	_ =	swait.ge [sflag:s15], $0x80  }
0x7aa: {  	[sflag:s15] =	ssyncset.done $0x0  }
0x7ab: {  	[sflag:s15] =	ssyncadd.s32 $0xFFFFFF80  }
0x7ac: {  	[tilespmem:s14], [sflag:$0x1] =	stream.indirect.gather [hbm4b:s3+s16], $0x80, s2, s16, $0xb8;
	[tilespmem:$0xC180] =	vst v63  }
0x7ad: {  	_ =	swait.ge [sflag:s20], $0x4000  }
0x7ae: {  	[sflag:s20] =	ssyncset.done $0x0  }
0x7af: {  	[sflag:s20] =	ssyncadd.s32 $0xFFFFC000  }
0x7b0: {  	[hbm4b:s18+s2] =	stream.linear.scatter [tilespmem:s10], [sflag:$0x5], $0x4000, $0x38;
	[tilespmem:$0xC180] =	vst v63  }
0x7b1: {  	_ =	swait.ge [sflag:s9], $0x4000  }
0x7b2: {  	[sflag:s9] =	ssyncset.done $0x0  }
0x7b3: {  	[sflag:s9] =	ssyncadd.s32 $0xFFFFC000  }
0x7b4: {  	[tilespmem:s16], [sflag:$0x7] =	stream.linear.gather [hbm4b:s21+s2], $0x80, $0x38;
	[tilespmem:$0xC180] =	vst v63  }
0x7b5: {  	_ =	swait.ge [sflag:s15], $0x80  }
0x7b6: {  	[sflag:s15] =	ssyncset.done $0x0  }
0x7b7: {  	[sflag:s15] =	ssyncadd.s32 $0xFFFFFF80  }
0x7b8: {  	[tilespmem:s10], [sflag:$0x2] =	stream.indirect.gather [hbm4b:s3+s16], $0x80, s16, s16, $0xb8;
	[tilespmem:$0xC180] =	vst v63  }
0x7b9: {  	_ =	swait.ge [sflag:s17], $0x4000  }
0x7ba: {  	[sflag:s17] =	ssyncset.done $0x0  }
0x7bb: {  	[sflag:s17] =	ssyncadd.s32 $0xFFFFC000  }
0x7bc: {  	[hbm4b:s13+s2] =	stream.linear.scatter [tilespmem:s7], [sflag:$0x6], $0x4000, $0x38;
	[tilespmem:$0xC180] =	vst v63  }
0x7bd: {  	_ =	swait.ge [sflag:s8], $0x4000  }
0x7be: {  	[sflag:s8] =	ssyncset.done $0x0  }
0x7bf: {  	[sflag:s8] =	ssyncadd.s32 $0xFFFFC000  }
0x7c0: {  	[tilespmem:s19], [sflag:$0x7] =	stream.linear.gather [hbm4b:s12+s2], $0x80, $0x38;
	[tilespmem:$0xC180] =	vst v63  }
0x7c1: {  	_ =	swait.ge [sflag:s15], $0x80  }
0x7c2: {  	[sflag:s15] =	ssyncset.done $0x0  }
0x7c3: {  	[sflag:s15] =	ssyncadd.s32 $0xFFFFFF80  }
0x7c4: {  	[tilespmem:s7], [sflag:$0x3] =	stream.indirect.gather [hbm4b:s3+s16], $0x80, s19, s16, $0xb8;
	[tilespmem:$0xC180] =	vst v63  }
0x7c5: {  	_ =	swait.ge [sflag:s22], $0x4000  }
0x7c6: {  	[sflag:s22] =	ssyncset.done $0x0  }
0x7c7: {  	[sflag:s22] =	ssyncadd.s32 $0xFFFFC000  }
0x7c8: {  	[hbm4b:s6+s2] =	stream.linear.scatter [tilespmem:s14], [sflag:$0x4], $0x4000, $0x38;
	[tilespmem:$0xC180] =	vst v63  }
0x7c9: {  	_ =	swait.ge [sflag:s20], $0x4000  }
0x7ca: {  	[sflag:s20] =	ssyncset.done $0x0  }
0x7cb: {  	[sflag:s20] =	ssyncadd.s32 $0xFFFFC000  }
0x7cc: {  	[hbm4b:s5+s2] =	stream.linear.scatter [tilespmem:s10], [sflag:$0x5], $0x4000, $0x38;
	[tilespmem:$0xC180] =	vst v63  }
0x7cd: {  	_ =	swait.ge [sflag:s17], $0x4000  }
0x7ce: {  	[sflag:s17] =	ssyncset.done $0x0  }
0x7cf: {  	[sflag:s17] =	ssyncadd.s32 $0xFFFFC000  }
0x7d0: {  	[hbm4b:s4+s2] =	stream.linear.scatter [tilespmem:s7], [sflag:$0x6], $0x4000, $0x38;
	[tilespmem:$0xC180] =	vst v63  }
0x7d1: {  	_ =	swait.ge [sflag:s11], $0x4000  }
0x7d2: {  	[sflag:s11] =	ssyncset.done $0x0  }
0x7d3: {  	[sflag:s11] =	ssyncadd.s32 $0xFFFFC000  }
0x7d4: {  	_ =	swait.ge [sflag:s9], $0x4000  }
0x7d5: {  	[sflag:s9] =	ssyncset.done $0x0  }
0x7d6: {  	[sflag:s9] =	ssyncadd.s32 $0xFFFFC000  }
0x7d7: {  	_ =	swait.ge [sflag:s8], $0x4000  }
0x7d8: {  	[sflag:s8] =	ssyncset.done $0x0  }
0x7d9: {  	[sflag:s8] =	ssyncadd.s32 $0xFFFFC000  }
0x7da: {  	_ =	sfence.sel $0x180000  }
0x7db: {  	[bflag:$0x0] =	sbarrier.arrive $0xFFFF  }
0x7dc: {  	_ =	strace $0x9000004A  }
0x7dd: {  	s31 =	stileid.u32;
	[bflag:$0x2] =	sbarrier.arrive $0xFFFF  }
0x7de: {  	p0 =	sne.s32 s31, $0x0;
	s0 =	rddreg [dreg:$0x2]  }
0x7df: {  	s0 =	sadd.s32 @!p0 $0x100000, s0  }
0x7e0: {  	[sflag:s0] =	ssyncadd.tile.s32 @!p0 $0x1;
	_ =	shalt  }
.Lfunc_end2:
_tile_overlayer_lowered:
.L_overlay_start_2:
0x7e1: {  	(tag) =	ssettag $0x2  }
0x7e2: {  	s0 =	rddreg [dreg:$0x0];
	s2 =	stileid.u32  }
0x7e3: {  	s1 =	rddreg [dreg:$0x1];
	p0 =	sne.s32 s2, $0x0  }
0x7e4: {  	s3 =	rddreg [dreg:$0x2];
	[bflag:$0x3] =	sbarrier.arrive $0xFFFF;
	s2 =	simm.s32 @!p0 $0x1C07  }
0x7e5: {  	[timem:s3], [sflag:s2] =	dma.local @!p0 [hbm:s0], s1  }
0x7e6: {  	s0 =	simm.s32 @!p0 $0x7  }
0x7e7: {  	_ =	swait.ge @!p0 [sflag:s0], s1  }
0x7e8: {  	s1 =	ssub.s32 @!p0 $0x0, s1;
	[sflag:s0] =	ssyncset.done @!p0 $0x0  }
0x7e9: {  	[sflag:s0] =	ssyncadd.s32 @!p0 s1  }
0x7ea: {  	[bflag:$0x3] =	sbarrier.arrive $0xFFFF  }
0x7eb: {  	_ =	shalt  }

</sc_bundles>
